<compile_context>
chip_gen: v7x
topology: tpu7x:2x2x1
jax: 0.10.2.dev20260603
libtpu: 0.0.44.dev20260713+nightly
codegen_flags: <defaults>
</compile_context>

<pallas_src>
import functools

import jax
import jax.numpy as jnp
from jax import lax
from jax.experimental import pallas as pl
from jax.experimental.pallas import tpu as pltpu
from jax.experimental.pallas import tpu_sc as plsc

_G = 128
_TOTAL = _G * _G * _G
_HALF = _TOTAL // 2
_TRASH = 1024
_NSUB = 16
_SLICE = _HALF // _NSUB

_CLS_VALUES = (0, 2, 3, 4, 5)
_CLS_CH = (8192, 8192, 8192, 8192, 8192)
_CLS_CHUNKS = (12, 1, 1, 1, 1)
_CLS_PAD = tuple(ch * c * _NSUB for ch, c in zip(_CLS_CH, _CLS_CHUNKS))
_CLS_VOFF = (0, 8192, 16384, 24576, 32768)


def _sc_scatter(cell_i, walls_i, inlets_i, outlets_i, empties_i, ones_hbm,
                vals_hbm):
    mesh = plsc.VectorSubcoreMesh(core_axis_name="c", subcore_axis_name="s")

    @functools.partial(
        pl.kernel,
        mesh=mesh,
        out_type=jax.ShapeDtypeStruct((_TOTAL,), jnp.int32),
        scratch_types=[
            pltpu.VMEM((64, 128), jnp.int32),
            pltpu.VMEM((64, 128), jnp.int32),
            pltpu.VMEM((8192,), jnp.int32),
            pltpu.VMEM((8192,), jnp.int32),
            pltpu.VMEM((8192,), jnp.int32),
            pltpu.VMEM((8192,), jnp.int32),
            pltpu.VMEM_SHARED((_HALF + _TRASH,), jnp.int32),
            pltpu.SemaphoreType.DMA,
            pltpu.SemaphoreType.DMA,
            pltpu.SemaphoreType.DMA,
            pltpu.SemaphoreType.DMA,
        ],
    )
    def body(cell_h, walls_h, inlets_h, outlets_h, empties_h, ones_h, vals_h,
             out_h, r0, r1, i0, i1, vA, vB, spmem,
             ls0, ls1, ss0, ss1):
        c = lax.axis_index("c")
        s = lax.axis_index("s")
        sc_base = c * _HALF

        lane = lax.iota(jnp.int32, 16)
        trash_g = [_HALF + s * 64 + (g % 4) * 16 + lane for g in range(8)]

        def route(raw_b, idx_b, chr_):
            def row_body(r, _):
                for g in range(8):
                    v = raw_b[r, pl.ds(g * 16, 16)]
                    local = v - sc_base
                    valid = (local >= 0) & (local < _HALF)
                    idx_b[pl.ds(r * 128 + g * 16, 16)] = jnp.where(
                        valid, local, trash_g[g])
                return 0

            lax.fori_loop(0, chr_, row_body, 0)

        n_cell = _CLS_CHUNKS[0]
        chr_a = _CLS_CH[0] // 128
        rbufs, ibufs = (r0, r1), (i0, i1)
        lsems, ssems = (ls0, ls1), (ss0, ss1)

        def cell_load(j):
            return pltpu.async_copy(
                cell_h.at[pl.ds((s * n_cell + j) * chr_a, chr_a)],
                rbufs[j % 2], lsems[j % 2])

        load0 = cell_load(0)
        pltpu.sync_copy(vals_h.at[pl.ds(_CLS_VOFF[0], _CLS_CH[0])], vA)
        pltpu.sync_copy(ones_h, spmem.at[pl.ds(s * _SLICE, _SLICE)])
        plsc.subcore_barrier()

        loads = [load0]
        scats = []
        for j in range(n_cell):
            loads[j].wait()
            if j + 1 < n_cell:
                loads.append(cell_load(j + 1))
            route(rbufs[j % 2], ibufs[j % 2], chr_a)
            if j >= 1:
                scats[j - 1].wait()
            scats.append(pltpu.async_copy(vA, spmem.at[ibufs[j % 2]],
                                          ssems[j % 2]))
        scats[-1].wait()

        pltpu.async_copy(walls_h.at[pl.ds(s * 64, 64)], r0, ls0).wait()
        route(r0, i0, 64)
        pltpu.sync_copy(vals_h.at[pl.ds(_CLS_VOFF[1], 8192)], vA)
        pltpu.async_copy(inlets_h.at[pl.ds(s * 64, 64)], r1, ls1).wait()
        route(r1, i1, 64)
        pltpu.sync_copy(vals_h.at[pl.ds(_CLS_VOFF[2], 8192)], vB)

        plsc.subcore_barrier()
        pltpu.sync_copy(vA, spmem.at[i0])
        plsc.subcore_barrier()
        pltpu.async_copy(outlets_h.at[pl.ds(s * 64, 64)], r0, ls0).wait()
        route(r0, i0, 64)
        pltpu.sync_copy(vals_h.at[pl.ds(_CLS_VOFF[3], 8192)], vA)
        pltpu.sync_copy(vB, spmem.at[i1])
        plsc.subcore_barrier()
        pltpu.async_copy(empties_h.at[pl.ds(s * 64, 64)], r1, ls1).wait()
        route(r1, i1, 64)
        pltpu.sync_copy(vals_h.at[pl.ds(_CLS_VOFF[4], 8192)], vB)
        pltpu.sync_copy(vA, spmem.at[i0])
        plsc.subcore_barrier()
        pltpu.sync_copy(vB, spmem.at[i1])
        plsc.subcore_barrier()

        pltpu.sync_copy(spmem.at[pl.ds(s * _SLICE, _SLICE)],
                        out_h.at[pl.ds(sc_base + s * _SLICE, _SLICE)])

    return body(cell_i, walls_i, inlets_i, outlets_i, empties_i, ones_hbm,
                vals_hbm)


_BLK = 65536
_NBLK = _TOTAL // _BLK


_BROWS = _BLK // 128


def _expand_body(ct_ref, emb_ref, out_ref):
    t = ct_ref[...].reshape(1, _BROWS, 128)
    tb = jnp.broadcast_to(t, (16, _BROWS, 128))
    acc = jnp.broadcast_to(emb_ref[:, 5].reshape(16, 1, 1),
                           (16, _BROWS, 128))
    for k in (4, 3, 2, 1, 0):
        acc = jnp.where(tb == k,
                        jnp.broadcast_to(emb_ref[:, k].reshape(16, 1, 1),
                                         (16, _BROWS, 128)),
                        acc)
    out_ref[...] = acc


def _tc_expand(ct, emb_t8):
    ct2 = ct.reshape(_TOTAL // 128, 128)
    out = pl.pallas_call(
        _expand_body,
        grid=(_NBLK,),
        in_specs=[
            pl.BlockSpec((_BROWS, 128), lambda i: (i, 0)),
            pl.BlockSpec((16, 8), lambda i: (0, 0)),
        ],
        out_specs=pl.BlockSpec((16, _BROWS, 128), lambda i: (0, i, 0)),
        out_shape=jax.ShapeDtypeStruct((16, _TOTAL // 128, 128), jnp.float32),
    )(ct2, emb_t8)
    return out.reshape(16, _G, _G, _G)


def _pad2d(idx, padded):
    n = idx.shape[0]
    return jnp.concatenate(
        [idx.astype(jnp.int32),
         jnp.full((padded - n,), _TOTAL, jnp.int32)]).reshape(padded // 128,
                                                             128)


def kernel(cell_idx, walls_idx, inlets_idx, outlets_idx, empties_idx,
           embedding):
    arrs = (cell_idx, walls_idx, inlets_idx, outlets_idx, empties_idx)
    padded = [_pad2d(a, p) for a, p in zip(arrs, _CLS_PAD)]
    ones = jnp.ones((_SLICE,), jnp.int32)
    vals = jnp.concatenate([
        jnp.full((8192,), 0, jnp.int32),
        jnp.full((8192,), 2, jnp.int32),
        jnp.full((8192,), 3, jnp.int32),
        jnp.full((8192,), 4, jnp.int32),
        jnp.full((8192,), 5, jnp.int32),
    ])
    ct = _sc_scatter(*padded, ones, vals)
    emb_t8 = jnp.zeros((16, 8), jnp.float32).at[:, :6].set(embedding.T)
    return _tc_expand(ct, emb_t8)

# --- scband reference (transcript-rebuilt; emitter-appended) ---
"""Pipeline reference for scband-cell-type-embedding-78297253806092 (READ-ONLY COPY).

The authoritative reference and input builder live on the scoring server;
editing this copy changes nothing except your own understanding.
"""

import jax, jax.numpy as jnp
import numpy as np

GRID = (128, 128, 128)
TOTAL = GRID[0] * GRID[1] * GRID[2]
N_TYPES = 6
DIM = 16


def setup_inputs(seed: int = 0) -> dict:
    key = jax.random.key(seed)
    k1, k2, k3, k4, k5, k6 = jax.random.split(key, 6)
    cell_idx = jax.random.randint(k1, (1500000,), 0, TOTAL, dtype=jnp.int64 if jax.config.jax_enable_x64 else jnp.int32)
    walls_idx = jax.random.randint(k2, (100000,), 0, TOTAL, dtype=cell_idx.dtype)
    inlets_idx = jax.random.randint(k3, (20000,), 0, TOTAL, dtype=cell_idx.dtype)
    outlets_idx = jax.random.randint(k4, (20000,), 0, TOTAL, dtype=cell_idx.dtype)
    empties_idx = jax.random.randint(k5, (50000,), 0, TOTAL, dtype=cell_idx.dtype)
    embedding = jax.random.normal(k6, (N_TYPES, DIM), dtype=jnp.float32)
    return {
        'cell_idx': cell_idx,
        'walls_idx': walls_idx,
        'inlets_idx': inlets_idx,
        'outlets_idx': outlets_idx,
        'empties_idx': empties_idx,
        'embedding': embedding,
    }


def reference(cell_idx, walls_idx, inlets_idx, outlets_idx, empties_idx, embedding):
    # boundary_types: inside=0, outside=1, walls=2, inlets=3, outlets=4, empties=5
    cell_type = jnp.full((TOTAL,), 1, dtype=jnp.int32)  # default: outside
    cell_type = cell_type.at[cell_idx].set(0)           # inside
    cell_type = cell_type.at[walls_idx].set(2)
    cell_type = cell_type.at[inlets_idx].set(3)
    cell_type = cell_type.at[outlets_idx].set(4)
    cell_type = cell_type.at[empties_idx].set(5)
    cell_type = cell_type.reshape(GRID)
    emb = jnp.take(embedding, cell_type, axis=0)        # [X, Y, Z, DIM]
    return jnp.moveaxis(emb, -1, 0)                     # [DIM, X, Y, Z]

if __name__ == "__main__":
    import jax
    _d = setup_inputs()
    print(jax.jit(kernel)(*tuple(_d.values())))

</pallas_src>

<mosaic_0001>
#map = affine_map<(d0, d1) -> (0, 0)>
#map1 = affine_map<(d0, d1) -> (0)>
module attributes {stable_mosaic.version = 14 : i64} {
  func.func @body(%arg0: i32, %arg1: i32, %arg2: memref<12288x128xi32, #tpu.memory_space<hbm>>, %arg3: memref<1024x128xi32, #tpu.memory_space<hbm>>, %arg4: memref<1024x128xi32, #tpu.memory_space<hbm>>, %arg5: memref<1024x128xi32, #tpu.memory_space<hbm>>, %arg6: memref<1024x128xi32, #tpu.memory_space<hbm>>, %arg7: memref<65536xi32, #tpu.memory_space<hbm>>, %arg8: memref<40960xi32, #tpu.memory_space<hbm>>, %arg9: memref<2097152xi32, #tpu.memory_space<hbm>>, %arg10: memref<64x128xi32, #tpu.memory_space<vmem>>, %arg11: memref<64x128xi32, #tpu.memory_space<vmem>>, %arg12: memref<8192xi32, #tpu.memory_space<vmem>>, %arg13: memref<8192xi32, #tpu.memory_space<vmem>>, %arg14: memref<8192xi32, #tpu.memory_space<vmem>>, %arg15: memref<8192xi32, #tpu.memory_space<vmem>>, %arg16: memref<1049600xi32, #tpu.memory_space<vmem_shared>>, %arg17: memref<!tpu.dma_semaphore, #tpu.memory_space<semaphore_mem>>, %arg18: memref<!tpu.dma_semaphore, #tpu.memory_space<semaphore_mem>>, %arg19: memref<!tpu.dma_semaphore, #tpu.memory_space<semaphore_mem>>, %arg20: memref<!tpu.dma_semaphore, #tpu.memory_space<semaphore_mem>>) attributes {dimension_semantics = [#tpu.dimension_semantics<core_parallel>, #tpu.dimension_semantics<subcore_parallel>], iteration_bounds = array<i64: 2, 16>, scalar_prefetch = 0 : i64, scratch_operands = 11 : i64, tpu.core_type = #tpu.core_type<sc_vector_subcore>, window_params = [{transform_indices = #map}, {transform_indices = #map}, {transform_indices = #map}, {transform_indices = #map}, {transform_indices = #map}, {transform_indices = #map1}, {transform_indices = #map1}, {transform_indices = #map1}]} {
    %mul3A = arith.constant 1048576 : i32
    %mul3A_0 = arith.muli %arg0, %mul3A : i32
    %iota3A = tpu.iota {dimensions = array<i32: 0>} : vector<16xi32>
    %mul3A_1 = arith.constant 64 : i32
    %mul3A_2 = arith.muli %arg1, %mul3A_1 : i32
    %add3A = arith.constant 1048576 : i32
    %add3A_3 = arith.addi %add3A, %mul3A_2 : i32
    %add3A_4 = arith.constant 0 : i32
    %add3A_5 = arith.addi %add3A_3, %add3A_4 : i32
    %add3A_6 = vector.broadcast %add3A_5 : i32 to vector<16xi32>
    %add3A_7 = arith.addi %add3A_6, %iota3A : vector<16xi32>
    %mul3A_8 = arith.constant 64 : i32
    %mul3A_9 = arith.muli %arg1, %mul3A_8 : i32
    %add3A_10 = arith.constant 1048576 : i32
    %add3A_11 = arith.addi %add3A_10, %mul3A_9 : i32
    %add3A_12 = arith.constant 16 : i32
    %add3A_13 = arith.addi %add3A_11, %add3A_12 : i32
    %add3A_14 = vector.broadcast %add3A_13 : i32 to vector<16xi32>
    %add3A_15 = arith.addi %add3A_14, %iota3A : vector<16xi32>
    %mul3A_16 = arith.constant 64 : i32
    %mul3A_17 = arith.muli %arg1, %mul3A_16 : i32
    %add3A_18 = arith.constant 1048576 : i32
    %add3A_19 = arith.addi %add3A_18, %mul3A_17 : i32
    %add3A_20 = arith.constant 32 : i32
    %add3A_21 = arith.addi %add3A_19, %add3A_20 : i32
    %add3A_22 = vector.broadcast %add3A_21 : i32 to vector<16xi32>
    %add3A_23 = arith.addi %add3A_22, %iota3A : vector<16xi32>
    %mul3A_24 = arith.constant 64 : i32
    %mul3A_25 = arith.muli %arg1, %mul3A_24 : i32
    %add3A_26 = arith.constant 1048576 : i32
    %add3A_27 = arith.addi %add3A_26, %mul3A_25 : i32
    %add3A_28 = arith.constant 48 : i32
    %add3A_29 = arith.addi %add3A_27, %add3A_28 : i32
    %add3A_30 = vector.broadcast %add3A_29 : i32 to vector<16xi32>
    %add3A_31 = arith.addi %add3A_30, %iota3A : vector<16xi32>
    %mul3A_32 = arith.constant 64 : i32
    %mul3A_33 = arith.muli %arg1, %mul3A_32 : i32
    %add3A_34 = arith.constant 1048576 : i32
    %add3A_35 = arith.addi %add3A_34, %mul3A_33 : i32
    %add3A_36 = arith.constant 0 : i32
    %add3A_37 = arith.addi %add3A_35, %add3A_36 : i32
    %add3A_38 = vector.broadcast %add3A_37 : i32 to vector<16xi32>
    %add3A_39 = arith.addi %add3A_38, %iota3A : vector<16xi32>
    %mul3A_40 = arith.constant 64 : i32
    %mul3A_41 = arith.muli %arg1, %mul3A_40 : i32
    %add3A_42 = arith.constant 1048576 : i32
    %add3A_43 = arith.addi %add3A_42, %mul3A_41 : i32
    %add3A_44 = arith.constant 16 : i32
    %add3A_45 = arith.addi %add3A_43, %add3A_44 : i32
    %add3A_46 = vector.broadcast %add3A_45 : i32 to vector<16xi32>
    %add3A_47 = arith.addi %add3A_46, %iota3A : vector<16xi32>
    %mul3A_48 = arith.constant 64 : i32
    %mul3A_49 = arith.muli %arg1, %mul3A_48 : i32
    %add3A_50 = arith.constant 1048576 : i32
    %add3A_51 = arith.addi %add3A_50, %mul3A_49 : i32
    %add3A_52 = arith.constant 32 : i32
    %add3A_53 = arith.addi %add3A_51, %add3A_52 : i32
    %add3A_54 = vector.broadcast %add3A_53 : i32 to vector<16xi32>
    %add3A_55 = arith.addi %add3A_54, %iota3A : vector<16xi32>
    %mul3A_56 = arith.constant 64 : i32
    %mul3A_57 = arith.muli %arg1, %mul3A_56 : i32
    %add3A_58 = arith.constant 1048576 : i32
    %add3A_59 = arith.addi %add3A_58, %mul3A_57 : i32
    %add3A_60 = arith.constant 48 : i32
    %add3A_61 = arith.addi %add3A_59, %add3A_60 : i32
    %add3A_62 = vector.broadcast %add3A_61 : i32 to vector<16xi32>
    %add3A_63 = arith.addi %add3A_62, %iota3A : vector<16xi32>
    %mul3A_64 = arith.constant 12 : i32
    %mul3A_65 = arith.muli %arg1, %mul3A_64 : i32
    %add3A_66 = arith.constant 0 : i32
    %add3A_67 = arith.addi %mul3A_65, %add3A_66 : i32
    %mul3A_68 = arith.constant 64 : i32
    %mul3A_69 = arith.muli %add3A_67, %mul3A_68 : i32
    %dma_start3A = arith.constant 0 : i32
    %dma_start3A_70 = tpu.memref_slice %arg2[%mul3A_69, %dma_start3A] : memref<12288x128xi32, #tpu.memory_space<hbm>> -> memref<64x128xi32, #tpu.memory_space<hbm>>
    %dma_start3A_71 = arith.constant 0 : i32
    %dma_start3A_72 = tpu.memref_slice %arg2[%mul3A_69, %dma_start3A_71] : memref<12288x128xi32, #tpu.memory_space<hbm>> -> memref<64x128xi32, #tpu.memory_space<hbm>>
    tpu.enqueue_dma source(%dma_start3A_72 : memref<64x128xi32, #tpu.memory_space<hbm>>) target(%arg10 : memref<64x128xi32, #tpu.memory_space<vmem>>) target_semaphore(%arg17 : memref<!tpu.dma_semaphore, #tpu.memory_space<semaphore_mem>>)
    "tpu.region"() ({
      %run_scoped3A = tpu.sem_alloc : memref<!tpu.dma_semaphore, #tpu.memory_space<semaphore_mem>>
      %dma_start3A_441 = arith.constant 0 : i32
      %dma_start3A_442 = tpu.memref_slice %arg8[%dma_start3A_441] : memref<40960xi32, #tpu.memory_space<hbm>> -> memref<8192xi32, #tpu.memory_space<hbm>>
      %dma_start3A_443 = arith.constant 0 : i32
      %dma_start3A_444 = tpu.memref_slice %arg8[%dma_start3A_443] : memref<40960xi32, #tpu.memory_space<hbm>> -> memref<8192xi32, #tpu.memory_space<hbm>>
      tpu.enqueue_dma source(%dma_start3A_444 : memref<8192xi32, #tpu.memory_space<hbm>>) target(%arg14 : memref<8192xi32, #tpu.memory_space<vmem>>) target_semaphore(%run_scoped3A : memref<!tpu.dma_semaphore, #tpu.memory_space<semaphore_mem>>)
      %dma_wait3A_445 = arith.constant 0 : i32
      %dma_wait3A_446 = tpu.memref_slice %arg8[%dma_wait3A_445] : memref<40960xi32, #tpu.memory_space<hbm>> -> memref<8192xi32, #tpu.memory_space<hbm>>
      %dma_wait3A_447 = arith.constant 0 : i32
      %dma_wait3A_448 = tpu.memref_slice %arg8[%dma_wait3A_447] : memref<40960xi32, #tpu.memory_space<hbm>> -> memref<8192xi32, #tpu.memory_space<hbm>>
      tpu.wait_dma2 semaphore(%run_scoped3A : memref<!tpu.dma_semaphore, #tpu.memory_space<semaphore_mem>>) src(%dma_wait3A_448 : memref<8192xi32, #tpu.memory_space<hbm>>) dst(%arg14 : memref<8192xi32, #tpu.memory_space<vmem>>)
      tpu.yield
    }) : () -> ()
    %mul3A_73 = arith.constant 65536 : i32
    %mul3A_74 = arith.muli %arg1, %mul3A_73 : i32
    "tpu.region"() ({
      %run_scoped3A = tpu.sem_alloc : memref<!tpu.dma_semaphore, #tpu.memory_space<semaphore_mem>>
      %dma_start3A_441 = tpu.memref_slice %arg16[%mul3A_74] : memref<1049600xi32, #tpu.memory_space<vmem_shared>> -> memref<65536xi32, #tpu.memory_space<vmem_shared>>
      tpu.enqueue_dma source(%arg7 : memref<65536xi32, #tpu.memory_space<hbm>>) target(%dma_start3A_441 : memref<65536xi32, #tpu.memory_space<vmem_shared>>) target_semaphore(%run_scoped3A : memref<!tpu.dma_semaphore, #tpu.memory_space<semaphore_mem>>)
      %dma_wait3A_442 = tpu.memref_slice %arg16[%mul3A_74] : memref<1049600xi32, #tpu.memory_space<vmem_shared>> -> memref<65536xi32, #tpu.memory_space<vmem_shared>>
      tpu.wait_dma2 semaphore(%run_scoped3A : memref<!tpu.dma_semaphore, #tpu.memory_space<semaphore_mem>>) src(%arg7 : memref<65536xi32, #tpu.memory_space<hbm>>) dst(%dma_wait3A_442 : memref<65536xi32, #tpu.memory_space<vmem_shared>>)
      tpu.yield
    }) : () -> ()
    %barrier3A = arith.constant 0 : index
    tpu.barrier barrier_id(%barrier3A)
    %dma_wait3A = arith.constant 0 : i32
    %dma_wait3A_75 = tpu.memref_slice %arg2[%mul3A_69, %dma_wait3A] : memref<12288x128xi32, #tpu.memory_space<hbm>> -> memref<64x128xi32, #tpu.memory_space<hbm>>
    %dma_wait3A_76 = arith.constant 0 : i32
    %dma_wait3A_77 = tpu.memref_slice %arg2[%mul3A_69, %dma_wait3A_76] : memref<12288x128xi32, #tpu.memory_space<hbm>> -> memref<64x128xi32, #tpu.memory_space<hbm>>
    tpu.wait_dma2 semaphore(%arg17 : memref<!tpu.dma_semaphore, #tpu.memory_space<semaphore_mem>>) src(%dma_wait3A_77 : memref<64x128xi32, #tpu.memory_space<hbm>>) dst(%arg10 : memref<64x128xi32, #tpu.memory_space<vmem>>)
    %mul3A_78 = arith.constant 12 : i32
    %mul3A_79 = arith.muli %arg1, %mul3A_78 : i32
    %add3A_80 = arith.constant 1 : i32
    %add3A_81 = arith.addi %mul3A_79, %add3A_80 : i32
    %mul3A_82 = arith.constant 64 : i32
    %mul3A_83 = arith.muli %add3A_81, %mul3A_82 : i32
    %dma_start3A_84 = arith.constant 0 : i32
    %dma_start3A_85 = tpu.memref_slice %arg2[%mul3A_83, %dma_start3A_84] : memref<12288x128xi32, #tpu.memory_space<hbm>> -> memref<64x128xi32, #tpu.memory_space<hbm>>
    %dma_start3A_86 = arith.constant 0 : i32
    %dma_start3A_87 = tpu.memref_slice %arg2[%mul3A_83, %dma_start3A_86] : memref<12288x128xi32, #tpu.memory_space<hbm>> -> memref<64x128xi32, #tpu.memory_space<hbm>>
    tpu.enqueue_dma source(%dma_start3A_87 : memref<64x128xi32, #tpu.memory_space<hbm>>) target(%arg11 : memref<64x128xi32, #tpu.memory_space<vmem>>) target_semaphore(%arg18 : memref<!tpu.dma_semaphore, #tpu.memory_space<semaphore_mem>>)
    %scan3A = arith.constant 0 : i32
    %scan3A_88 = arith.constant 0 : i32
    %scan3A_89 = arith.constant 64 : i32
    %scan3A_90 = arith.addi %scan3A_88, %scan3A_89 : i32
    %scan3A_91 = arith.constant 1 : i32
    %scan3A_92 = scf.for %scan3A_441 = %scan3A_88 to %scan3A_90 step %scan3A_91 iter_args(%scan3A_442 = %scan3A) -> (i32)  : i32 {
      %get3A = arith.index_cast %scan3A_441 : i32 to index
      %get3A_443 = arith.constant 0 : index
      %get3A_444 = tpu.vector_load %arg10[%get3A, %get3A_443] {strides = array<i32>} : memref<64x128xi32, #tpu.memory_space<vmem>>, vector<1x16xi32>,
      %get3A_445 = vector.shape_cast %get3A_444 : vector<1x16xi32> to vector<16xi32>
      %sub3A = vector.broadcast %mul3A_0 : i32 to vector<16xi32>
      %sub3A_446 = arith.subi %get3A_445, %sub3A : vector<16xi32>
      %ge3A = arith.constant 0 : i32
      %ge3A_447 = vector.broadcast %ge3A : i32 to vector<16xi32>
      %ge3A_448 = arith.cmpi sge, %sub3A_446, %ge3A_447 : vector<16xi32>
      %lt3A = arith.constant 1048576 : i32
      %lt3A_449 = vector.broadcast %lt3A : i32 to vector<16xi32>
      %lt3A_450 = arith.cmpi slt, %sub3A_446, %lt3A_449 : vector<16xi32>
      %and3A = arith.andi %ge3A_448, %lt3A_450 : vector<16xi1>
      %select_n3A = arith.select %and3A, %sub3A_446, %add3A_7 : vector<16xi1>, vector<16xi32>
      %mul3A_451 = arith.constant 128 : i32
      %mul3A_452 = arith.muli %scan3A_441, %mul3A_451 : i32
      %add3A_453 = arith.constant 0 : i32
      %add3A_454 = arith.addi %mul3A_452, %add3A_453 : i32
      %swap3A = arith.index_cast %add3A_454 : i32 to index
      %swap3A_455 = tpu.vector_load %arg12[%swap3A] {strides = array<i32>} : memref<8192xi32, #tpu.memory_space<vmem>>, vector<16xi32>,
      %swap3A_456 = vector.shape_cast %swap3A_455 : vector<16xi32> to vector<16xi32>
      %swap3A_457 = vector.shape_cast %select_n3A : vector<16xi32> to vector<16xi32>
      tpu.vector_store %arg12[%swap3A], %swap3A_457 {strides = array<i32>} : memref<8192xi32, #tpu.memory_space<vmem>>, vector<16xi32>,
      %get3A_458 = arith.index_cast %scan3A_441 : i32 to index
      %get3A_459 = arith.constant 16 : index
      %get3A_460 = tpu.vector_load %arg10[%get3A_458, %get3A_459] {strides = array<i32>} : memref<64x128xi32, #tpu.memory_space<vmem>>, vector<1x16xi32>,
      %get3A_461 = vector.shape_cast %get3A_460 : vector<1x16xi32> to vector<16xi32>
      %sub3A_462 = vector.broadcast %mul3A_0 : i32 to vector<16xi32>
      %sub3A_463 = arith.subi %get3A_461, %sub3A_462 : vector<16xi32>
      %ge3A_464 = arith.constant 0 : i32
      %ge3A_465 = vector.broadcast %ge3A_464 : i32 to vector<16xi32>
      %ge3A_466 = arith.cmpi sge, %sub3A_463, %ge3A_465 : vector<16xi32>
      %lt3A_467 = arith.constant 1048576 : i32
      %lt3A_468 = vector.broadcast %lt3A_467 : i32 to vector<16xi32>
      %lt3A_469 = arith.cmpi slt, %sub3A_463, %lt3A_468 : vector<16xi32>
      %and3A_470 = arith.andi %ge3A_466, %lt3A_469 : vector<16xi1>
      %select_n3A_471 = arith.select %and3A_470, %sub3A_463, %add3A_15 : vector<16xi1>, vector<16xi32>
      %mul3A_472 = arith.constant 128 : i32
      %mul3A_473 = arith.muli %scan3A_441, %mul3A_472 : i32
      %add3A_474 = arith.constant 16 : i32
      %add3A_475 = arith.addi %mul3A_473, %add3A_474 : i32
      %swap3A_476 = arith.index_cast %add3A_475 : i32 to index
      %swap3A_477 = tpu.vector_load %arg12[%swap3A_476] {strides = array<i32>} : memref<8192xi32, #tpu.memory_space<vmem>>, vector<16xi32>,
      %swap3A_478 = vector.shape_cast %swap3A_477 : vector<16xi32> to vector<16xi32>
      %swap3A_479 = vector.shape_cast %select_n3A_471 : vector<16xi32> to vector<16xi32>
      tpu.vector_store %arg12[%swap3A_476], %swap3A_479 {strides = array<i32>} : memref<8192xi32, #tpu.memory_space<vmem>>, vector<16xi32>,
      %get3A_480 = arith.index_cast %scan3A_441 : i32 to index
      %get3A_481 = arith.constant 32 : index
      %get3A_482 = tpu.vector_load %arg10[%get3A_480, %get3A_481] {strides = array<i32>} : memref<64x128xi32, #tpu.memory_space<vmem>>, vector<1x16xi32>,
      %get3A_483 = vector.shape_cast %get3A_482 : vector<1x16xi32> to vector<16xi32>
      %sub3A_484 = vector.broadcast %mul3A_0 : i32 to vector<16xi32>
      %sub3A_485 = arith.subi %get3A_483, %sub3A_484 : vector<16xi32>
      %ge3A_486 = arith.constant 0 : i32
      %ge3A_487 = vector.broadcast %ge3A_486 : i32 to vector<16xi32>
      %ge3A_488 = arith.cmpi sge, %sub3A_485, %ge3A_487 : vector<16xi32>
      %lt3A_489 = arith.constant 1048576 : i32
      %lt3A_490 = vector.broadcast %lt3A_489 : i32 to vector<16xi32>
      %lt3A_491 = arith.cmpi slt, %sub3A_485, %lt3A_490 : vector<16xi32>
      %and3A_492 = arith.andi %ge3A_488, %lt3A_491 : vector<16xi1>
      %select_n3A_493 = arith.select %and3A_492, %sub3A_485, %add3A_23 : vector<16xi1>, vector<16xi32>
      %mul3A_494 = arith.constant 128 : i32
      %mul3A_495 = arith.muli %scan3A_441, %mul3A_494 : i32
      %add3A_496 = arith.constant 32 : i32
      %add3A_497 = arith.addi %mul3A_495, %add3A_496 : i32
      %swap3A_498 = arith.index_cast %add3A_497 : i32 to index
      %swap3A_499 = tpu.vector_load %arg12[%swap3A_498] {strides = array<i32>} : memref<8192xi32, #tpu.memory_space<vmem>>, vector<16xi32>,
      %swap3A_500 = vector.shape_cast %swap3A_499 : vector<16xi32> to vector<16xi32>
      %swap3A_501 = vector.shape_cast %select_n3A_493 : vector<16xi32> to vector<16xi32>
      tpu.vector_store %arg12[%swap3A_498], %swap3A_501 {strides = array<i32>} : memref<8192xi32, #tpu.memory_space<vmem>>, vector<16xi32>,
      %get3A_502 = arith.index_cast %scan3A_441 : i32 to index
      %get3A_503 = arith.constant 48 : index
      %get3A_504 = tpu.vector_load %arg10[%get3A_502, %get3A_503] {strides = array<i32>} : memref<64x128xi32, #tpu.memory_space<vmem>>, vector<1x16xi32>,
      %get3A_505 = vector.shape_cast %get3A_504 : vector<1x16xi32> to vector<16xi32>
      %sub3A_506 = vector.broadcast %mul3A_0 : i32 to vector<16xi32>
      %sub3A_507 = arith.subi %get3A_505, %sub3A_506 : vector<16xi32>
      %ge3A_508 = arith.constant 0 : i32
      %ge3A_509 = vector.broadcast %ge3A_508 : i32 to vector<16xi32>
      %ge3A_510 = arith.cmpi sge, %sub3A_507, %ge3A_509 : vector<16xi32>
      %lt3A_511 = arith.constant 1048576 : i32
      %lt3A_512 = vector.broadcast %lt3A_511 : i32 to vector<16xi32>
      %lt3A_513 = arith.cmpi slt, %sub3A_507, %lt3A_512 : vector<16xi32>
      %and3A_514 = arith.andi %ge3A_510, %lt3A_513 : vector<16xi1>
      %select_n3A_515 = arith.select %and3A_514, %sub3A_507, %add3A_31 : vector<16xi1>, vector<16xi32>
      %mul3A_516 = arith.constant 128 : i32
      %mul3A_517 = arith.muli %scan3A_441, %mul3A_516 : i32
      %add3A_518 = arith.constant 48 : i32
      %add3A_519 = arith.addi %mul3A_517, %add3A_518 : i32
      %swap3A_520 = arith.index_cast %add3A_519 : i32 to index
      %swap3A_521 = tpu.vector_load %arg12[%swap3A_520] {strides = array<i32>} : memref<8192xi32, #tpu.memory_space<vmem>>, vector<16xi32>,
      %swap3A_522 = vector.shape_cast %swap3A_521 : vector<16xi32> to vector<16xi32>
      %swap3A_523 = vector.shape_cast %select_n3A_515 : vector<16xi32> to vector<16xi32>
      tpu.vector_store %arg12[%swap3A_520], %swap3A_523 {strides = array<i32>} : memref<8192xi32, #tpu.memory_space<vmem>>, vector<16xi32>,
      %get3A_524 = arith.index_cast %scan3A_441 : i32 to index
      %get3A_525 = arith.constant 64 : index
      %get3A_526 = tpu.vector_load %arg10[%get3A_524, %get3A_525] {strides = array<i32>} : memref<64x128xi32, #tpu.memory_space<vmem>>, vector<1x16xi32>,
      %get3A_527 = vector.shape_cast %get3A_526 : vector<1x16xi32> to vector<16xi32>
      %sub3A_528 = vector.broadcast %mul3A_0 : i32 to vector<16xi32>
      %sub3A_529 = arith.subi %get3A_527, %sub3A_528 : vector<16xi32>
      %ge3A_530 = arith.constant 0 : i32
      %ge3A_531 = vector.broadcast %ge3A_530 : i32 to vector<16xi32>
      %ge3A_532 = arith.cmpi sge, %sub3A_529, %ge3A_531 : vector<16xi32>
      %lt3A_533 = arith.constant 1048576 : i32
      %lt3A_534 = vector.broadcast %lt3A_533 : i32 to vector<16xi32>
      %lt3A_535 = arith.cmpi slt, %sub3A_529, %lt3A_534 : vector<16xi32>
      %and3A_536 = arith.andi %ge3A_532, %lt3A_535 : vector<16xi1>
      %select_n3A_537 = arith.select %and3A_536, %sub3A_529, %add3A_39 : vector<16xi1>, vector<16xi32>
      %mul3A_538 = arith.constant 128 : i32
      %mul3A_539 = arith.muli %scan3A_441, %mul3A_538 : i32
      %add3A_540 = arith.constant 64 : i32
      %add3A_541 = arith.addi %mul3A_539, %add3A_540 : i32
      %swap3A_542 = arith.index_cast %add3A_541 : i32 to index
      %swap3A_543 = tpu.vector_load %arg12[%swap3A_542] {strides = array<i32>} : memref<8192xi32, #tpu.memory_space<vmem>>, vector<16xi32>,
      %swap3A_544 = vector.shape_cast %swap3A_543 : vector<16xi32> to vector<16xi32>
      %swap3A_545 = vector.shape_cast %select_n3A_537 : vector<16xi32> to vector<16xi32>
      tpu.vector_store %arg12[%swap3A_542], %swap3A_545 {strides = array<i32>} : memref<8192xi32, #tpu.memory_space<vmem>>, vector<16xi32>,
      %get3A_546 = arith.index_cast %scan3A_441 : i32 to index
      %get3A_547 = arith.constant 80 : index
      %get3A_548 = tpu.vector_load %arg10[%get3A_546, %get3A_547] {strides = array<i32>} : memref<64x128xi32, #tpu.memory_space<vmem>>, vector<1x16xi32>,
      %get3A_549 = vector.shape_cast %get3A_548 : vector<1x16xi32> to vector<16xi32>
      %sub3A_550 = vector.broadcast %mul3A_0 : i32 to vector<16xi32>
      %sub3A_551 = arith.subi %get3A_549, %sub3A_550 : vector<16xi32>
      %ge3A_552 = arith.constant 0 : i32
      %ge3A_553 = vector.broadcast %ge3A_552 : i32 to vector<16xi32>
      %ge3A_554 = arith.cmpi sge, %sub3A_551, %ge3A_553 : vector<16xi32>
      %lt3A_555 = arith.constant 1048576 : i32
      %lt3A_556 = vector.broadcast %lt3A_555 : i32 to vector<16xi32>
      %lt3A_557 = arith.cmpi slt, %sub3A_551, %lt3A_556 : vector<16xi32>
      %and3A_558 = arith.andi %ge3A_554, %lt3A_557 : vector<16xi1>
      %select_n3A_559 = arith.select %and3A_558, %sub3A_551, %add3A_47 : vector<16xi1>, vector<16xi32>
      %mul3A_560 = arith.constant 128 : i32
      %mul3A_561 = arith.muli %scan3A_441, %mul3A_560 : i32
      %add3A_562 = arith.constant 80 : i32
      %add3A_563 = arith.addi %mul3A_561, %add3A_562 : i32
      %swap3A_564 = arith.index_cast %add3A_563 : i32 to index
      %swap3A_565 = tpu.vector_load %arg12[%swap3A_564] {strides = array<i32>} : memref<8192xi32, #tpu.memory_space<vmem>>, vector<16xi32>,
      %swap3A_566 = vector.shape_cast %swap3A_565 : vector<16xi32> to vector<16xi32>
      %swap3A_567 = vector.shape_cast %select_n3A_559 : vector<16xi32> to vector<16xi32>
      tpu.vector_store %arg12[%swap3A_564], %swap3A_567 {strides = array<i32>} : memref<8192xi32, #tpu.memory_space<vmem>>, vector<16xi32>,
      %get3A_568 = arith.index_cast %scan3A_441 : i32 to index
      %get3A_569 = arith.constant 96 : index
      %get3A_570 = tpu.vector_load %arg10[%get3A_568, %get3A_569] {strides = array<i32>} : memref<64x128xi32, #tpu.memory_space<vmem>>, vector<1x16xi32>,
      %get3A_571 = vector.shape_cast %get3A_570 : vector<1x16xi32> to vector<16xi32>
      %sub3A_572 = vector.broadcast %mul3A_0 : i32 to vector<16xi32>
      %sub3A_573 = arith.subi %get3A_571, %sub3A_572 : vector<16xi32>
      %ge3A_574 = arith.constant 0 : i32
      %ge3A_575 = vector.broadcast %ge3A_574 : i32 to vector<16xi32>
      %ge3A_576 = arith.cmpi sge, %sub3A_573, %ge3A_575 : vector<16xi32>
      %lt3A_577 = arith.constant 1048576 : i32
      %lt3A_578 = vector.broadcast %lt3A_577 : i32 to vector<16xi32>
      %lt3A_579 = arith.cmpi slt, %sub3A_573, %lt3A_578 : vector<16xi32>
      %and3A_580 = arith.andi %ge3A_576, %lt3A_579 : vector<16xi1>
      %select_n3A_581 = arith.select %and3A_580, %sub3A_573, %add3A_55 : vector<16xi1>, vector<16xi32>
      %mul3A_582 = arith.constant 128 : i32
      %mul3A_583 = arith.muli %scan3A_441, %mul3A_582 : i32
      %add3A_584 = arith.constant 96 : i32
      %add3A_585 = arith.addi %mul3A_583, %add3A_584 : i32
      %swap3A_586 = arith.index_cast %add3A_585 : i32 to index
      %swap3A_587 = tpu.vector_load %arg12[%swap3A_586] {strides = array<i32>} : memref<8192xi32, #tpu.memory_space<vmem>>, vector<16xi32>,
      %swap3A_588 = vector.shape_cast %swap3A_587 : vector<16xi32> to vector<16xi32>
      %swap3A_589 = vector.shape_cast %select_n3A_581 : vector<16xi32> to vector<16xi32>
      tpu.vector_store %arg12[%swap3A_586], %swap3A_589 {strides = array<i32>} : memref<8192xi32, #tpu.memory_space<vmem>>, vector<16xi32>,
      %get3A_590 = arith.index_cast %scan3A_441 : i32 to index
      %get3A_591 = arith.constant 112 : index
      %get3A_592 = tpu.vector_load %arg10[%get3A_590, %get3A_591] {strides = array<i32>} : memref<64x128xi32, #tpu.memory_space<vmem>>, vector<1x16xi32>,
      %get3A_593 = vector.shape_cast %get3A_592 : vector<1x16xi32> to vector<16xi32>
      %sub3A_594 = vector.broadcast %mul3A_0 : i32 to vector<16xi32>
      %sub3A_595 = arith.subi %get3A_593, %sub3A_594 : vector<16xi32>
      %ge3A_596 = arith.constant 0 : i32
      %ge3A_597 = vector.broadcast %ge3A_596 : i32 to vector<16xi32>
      %ge3A_598 = arith.cmpi sge, %sub3A_595, %ge3A_597 : vector<16xi32>
      %lt3A_599 = arith.constant 1048576 : i32
      %lt3A_600 = vector.broadcast %lt3A_599 : i32 to vector<16xi32>
      %lt3A_601 = arith.cmpi slt, %sub3A_595, %lt3A_600 : vector<16xi32>
      %and3A_602 = arith.andi %ge3A_598, %lt3A_601 : vector<16xi1>
      %select_n3A_603 = arith.select %and3A_602, %sub3A_595, %add3A_63 : vector<16xi1>, vector<16xi32>
      %mul3A_604 = arith.constant 128 : i32
      %mul3A_605 = arith.muli %scan3A_441, %mul3A_604 : i32
      %add3A_606 = arith.constant 112 : i32
      %add3A_607 = arith.addi %mul3A_605, %add3A_606 : i32
      %swap3A_608 = arith.index_cast %add3A_607 : i32 to index
      %swap3A_609 = tpu.vector_load %arg12[%swap3A_608] {strides = array<i32>} : memref<8192xi32, #tpu.memory_space<vmem>>, vector<16xi32>,
      %swap3A_610 = vector.shape_cast %swap3A_609 : vector<16xi32> to vector<16xi32>
      %swap3A_611 = vector.shape_cast %select_n3A_603 : vector<16xi32> to vector<16xi32>
      tpu.vector_store %arg12[%swap3A_608], %swap3A_611 {strides = array<i32>} : memref<8192xi32, #tpu.memory_space<vmem>>, vector<16xi32>,
      %scan3A_612 = arith.constant 0 : i32
      scf.yield %scan3A_612 : i32
    }
    %scan3A_93 = arith.constant 64 : i32
    %dma_start3A_94 = arith.constant 0 : i32
    %dma_start3A_95 = tpu.memref_slice %arg16[%dma_start3A_94] : memref<1049600xi32, #tpu.memory_space<vmem_shared>> -> memref<1049600xi32, #tpu.memory_space<vmem_shared>>
    tpu.enqueue_indirect_dma source(%arg14 : memref<8192xi32, #tpu.memory_space<vmem>>) target(%dma_start3A_95 : memref<1049600xi32, #tpu.memory_space<vmem_shared>>) offsets(%arg12 : memref<8192xi32, #tpu.memory_space<vmem>>) semaphore(%arg19 : memref<!tpu.dma_semaphore, #tpu.memory_space<semaphore_mem>>)
    %dma_wait3A_96 = arith.constant 0 : i32
    %dma_wait3A_97 = tpu.memref_slice %arg2[%mul3A_83, %dma_wait3A_96] : memref<12288x128xi32, #tpu.memory_space<hbm>> -> memref<64x128xi32, #tpu.memory_space<hbm>>
    %dma_wait3A_98 = arith.constant 0 : i32
    %dma_wait3A_99 = tpu.memref_slice %arg2[%mul3A_83, %dma_wait3A_98] : memref<12288x128xi32, #tpu.memory_space<hbm>> -> memref<64x128xi32, #tpu.memory_space<hbm>>
    tpu.wait_dma2 semaphore(%arg18 : memref<!tpu.dma_semaphore, #tpu.memory_space<semaphore_mem>>) src(%dma_wait3A_99 : memref<64x128xi32, #tpu.memory_space<hbm>>) dst(%arg11 : memref<64x128xi32, #tpu.memory_space<vmem>>)
    %mul3A_100 = arith.constant 12 : i32
    %mul3A_101 = arith.muli %arg1, %mul3A_100 : i32
    %add3A_102 = arith.constant 2 : i32
    %add3A_103 = arith.addi %mul3A_101, %add3A_102 : i32
    %mul3A_104 = arith.constant 64 : i32
    %mul3A_105 = arith.muli %add3A_103, %mul3A_104 : i32
    %dma_start3A_106 = arith.constant 0 : i32
    %dma_start3A_107 = tpu.memref_slice %arg2[%mul3A_105, %dma_start3A_106] : memref<12288x128xi32, #tpu.memory_space<hbm>> -> memref<64x128xi32, #tpu.memory_space<hbm>>
    %dma_start3A_108 = arith.constant 0 : i32
    %dma_start3A_109 = tpu.memref_slice %arg2[%mul3A_105, %dma_start3A_108] : memref<12288x128xi32, #tpu.memory_space<hbm>> -> memref<64x128xi32, #tpu.memory_space<hbm>>
    tpu.enqueue_dma source(%dma_start3A_109 : memref<64x128xi32, #tpu.memory_space<hbm>>) target(%arg10 : memref<64x128xi32, #tpu.memory_space<vmem>>) target_semaphore(%arg17 : memref<!tpu.dma_semaphore, #tpu.memory_space<semaphore_mem>>)
    %scan3A_110 = arith.constant 0 : i32
    %scan3A_111 = arith.constant 0 : i32
    %scan3A_112 = arith.constant 64 : i32
    %scan3A_113 = arith.addi %scan3A_111, %scan3A_112 : i32
    %scan3A_114 = arith.constant 1 : i32
    %scan3A_115 = scf.for %scan3A_441 = %scan3A_111 to %scan3A_113 step %scan3A_114 iter_args(%scan3A_442 = %scan3A_110) -> (i32)  : i32 {
      %get3A = arith.index_cast %scan3A_441 : i32 to index
      %get3A_443 = arith.constant 0 : index
      %get3A_444 = tpu.vector_load %arg11[%get3A, %get3A_443] {strides = array<i32>} : memref<64x128xi32, #tpu.memory_space<vmem>>, vector<1x16xi32>,
      %get3A_445 = vector.shape_cast %get3A_444 : vector<1x16xi32> to vector<16xi32>
      %sub3A = vector.broadcast %mul3A_0 : i32 to vector<16xi32>
      %sub3A_446 = arith.subi %get3A_445, %sub3A : vector<16xi32>
      %ge3A = arith.constant 0 : i32
      %ge3A_447 = vector.broadcast %ge3A : i32 to vector<16xi32>
      %ge3A_448 = arith.cmpi sge, %sub3A_446, %ge3A_447 : vector<16xi32>
      %lt3A = arith.constant 1048576 : i32
      %lt3A_449 = vector.broadcast %lt3A : i32 to vector<16xi32>
      %lt3A_450 = arith.cmpi slt, %sub3A_446, %lt3A_449 : vector<16xi32>
      %and3A = arith.andi %ge3A_448, %lt3A_450 : vector<16xi1>
      %select_n3A = arith.select %and3A, %sub3A_446, %add3A_7 : vector<16xi1>, vector<16xi32>
      %mul3A_451 = arith.constant 128 : i32
      %mul3A_452 = arith.muli %scan3A_441, %mul3A_451 : i32
      %add3A_453 = arith.constant 0 : i32
      %add3A_454 = arith.addi %mul3A_452, %add3A_453 : i32
      %swap3A = arith.index_cast %add3A_454 : i32 to index
      %swap3A_455 = tpu.vector_load %arg13[%swap3A] {strides = array<i32>} : memref<8192xi32, #tpu.memory_space<vmem>>, vector<16xi32>,
      %swap3A_456 = vector.shape_cast %swap3A_455 : vector<16xi32> to vector<16xi32>
      %swap3A_457 = vector.shape_cast %select_n3A : vector<16xi32> to vector<16xi32>
      tpu.vector_store %arg13[%swap3A], %swap3A_457 {strides = array<i32>} : memref<8192xi32, #tpu.memory_space<vmem>>, vector<16xi32>,
      %get3A_458 = arith.index_cast %scan3A_441 : i32 to index
      %get3A_459 = arith.constant 16 : index
      %get3A_460 = tpu.vector_load %arg11[%get3A_458, %get3A_459] {strides = array<i32>} : memref<64x128xi32, #tpu.memory_space<vmem>>, vector<1x16xi32>,
      %get3A_461 = vector.shape_cast %get3A_460 : vector<1x16xi32> to vector<16xi32>
      %sub3A_462 = vector.broadcast %mul3A_0 : i32 to vector<16xi32>
      %sub3A_463 = arith.subi %get3A_461, %sub3A_462 : vector<16xi32>
      %ge3A_464 = arith.constant 0 : i32
      %ge3A_465 = vector.broadcast %ge3A_464 : i32 to vector<16xi32>
      %ge3A_466 = arith.cmpi sge, %sub3A_463, %ge3A_465 : vector<16xi32>
      %lt3A_467 = arith.constant 1048576 : i32
      %lt3A_468 = vector.broadcast %lt3A_467 : i32 to vector<16xi32>
      %lt3A_469 = arith.cmpi slt, %sub3A_463, %lt3A_468 : vector<16xi32>
      %and3A_470 = arith.andi %ge3A_466, %lt3A_469 : vector<16xi1>
      %select_n3A_471 = arith.select %and3A_470, %sub3A_463, %add3A_15 : vector<16xi1>, vector<16xi32>
      %mul3A_472 = arith.constant 128 : i32
      %mul3A_473 = arith.muli %scan3A_441, %mul3A_472 : i32
      %add3A_474 = arith.constant 16 : i32
      %add3A_475 = arith.addi %mul3A_473, %add3A_474 : i32
      %swap3A_476 = arith.index_cast %add3A_475 : i32 to index
      %swap3A_477 = tpu.vector_load %arg13[%swap3A_476] {strides = array<i32>} : memref<8192xi32, #tpu.memory_space<vmem>>, vector<16xi32>,
      %swap3A_478 = vector.shape_cast %swap3A_477 : vector<16xi32> to vector<16xi32>
      %swap3A_479 = vector.shape_cast %select_n3A_471 : vector<16xi32> to vector<16xi32>
      tpu.vector_store %arg13[%swap3A_476], %swap3A_479 {strides = array<i32>} : memref<8192xi32, #tpu.memory_space<vmem>>, vector<16xi32>,
      %get3A_480 = arith.index_cast %scan3A_441 : i32 to index
      %get3A_481 = arith.constant 32 : index
      %get3A_482 = tpu.vector_load %arg11[%get3A_480, %get3A_481] {strides = array<i32>} : memref<64x128xi32, #tpu.memory_space<vmem>>, vector<1x16xi32>,
      %get3A_483 = vector.shape_cast %get3A_482 : vector<1x16xi32> to vector<16xi32>
      %sub3A_484 = vector.broadcast %mul3A_0 : i32 to vector<16xi32>
      %sub3A_485 = arith.subi %get3A_483, %sub3A_484 : vector<16xi32>
      %ge3A_486 = arith.constant 0 : i32
      %ge3A_487 = vector.broadcast %ge3A_486 : i32 to vector<16xi32>
      %ge3A_488 = arith.cmpi sge, %sub3A_485, %ge3A_487 : vector<16xi32>
      %lt3A_489 = arith.constant 1048576 : i32
      %lt3A_490 = vector.broadcast %lt3A_489 : i32 to vector<16xi32>
      %lt3A_491 = arith.cmpi slt, %sub3A_485, %lt3A_490 : vector<16xi32>
      %and3A_492 = arith.andi %ge3A_488, %lt3A_491 : vector<16xi1>
      %select_n3A_493 = arith.select %and3A_492, %sub3A_485, %add3A_23 : vector<16xi1>, vector<16xi32>
      %mul3A_494 = arith.constant 128 : i32
      %mul3A_495 = arith.muli %scan3A_441, %mul3A_494 : i32
      %add3A_496 = arith.constant 32 : i32
      %add3A_497 = arith.addi %mul3A_495, %add3A_496 : i32
      %swap3A_498 = arith.index_cast %add3A_497 : i32 to index
      %swap3A_499 = tpu.vector_load %arg13[%swap3A_498] {strides = array<i32>} : memref<8192xi32, #tpu.memory_space<vmem>>, vector<16xi32>,
      %swap3A_500 = vector.shape_cast %swap3A_499 : vector<16xi32> to vector<16xi32>
      %swap3A_501 = vector.shape_cast %select_n3A_493 : vector<16xi32> to vector<16xi32>
      tpu.vector_store %arg13[%swap3A_498], %swap3A_501 {strides = array<i32>} : memref<8192xi32, #tpu.memory_space<vmem>>, vector<16xi32>,
      %get3A_502 = arith.index_cast %scan3A_441 : i32 to index
      %get3A_503 = arith.constant 48 : index
      %get3A_504 = tpu.vector_load %arg11[%get3A_502, %get3A_503] {strides = array<i32>} : memref<64x128xi32, #tpu.memory_space<vmem>>, vector<1x16xi32>,
      %get3A_505 = vector.shape_cast %get3A_504 : vector<1x16xi32> to vector<16xi32>
      %sub3A_506 = vector.broadcast %mul3A_0 : i32 to vector<16xi32>
      %sub3A_507 = arith.subi %get3A_505, %sub3A_506 : vector<16xi32>
      %ge3A_508 = arith.constant 0 : i32
      %ge3A_509 = vector.broadcast %ge3A_508 : i32 to vector<16xi32>
      %ge3A_510 = arith.cmpi sge, %sub3A_507, %ge3A_509 : vector<16xi32>
      %lt3A_511 = arith.constant 1048576 : i32
      %lt3A_512 = vector.broadcast %lt3A_511 : i32 to vector<16xi32>
      %lt3A_513 = arith.cmpi slt, %sub3A_507, %lt3A_512 : vector<16xi32>
      %and3A_514 = arith.andi %ge3A_510, %lt3A_513 : vector<16xi1>
      %select_n3A_515 = arith.select %and3A_514, %sub3A_507, %add3A_31 : vector<16xi1>, vector<16xi32>
      %mul3A_516 = arith.constant 128 : i32
      %mul3A_517 = arith.muli %scan3A_441, %mul3A_516 : i32
      %add3A_518 = arith.constant 48 : i32
      %add3A_519 = arith.addi %mul3A_517, %add3A_518 : i32
      %swap3A_520 = arith.index_cast %add3A_519 : i32 to index
      %swap3A_521 = tpu.vector_load %arg13[%swap3A_520] {strides = array<i32>} : memref<8192xi32, #tpu.memory_space<vmem>>, vector<16xi32>,
      %swap3A_522 = vector.shape_cast %swap3A_521 : vector<16xi32> to vector<16xi32>
      %swap3A_523 = vector.shape_cast %select_n3A_515 : vector<16xi32> to vector<16xi32>
      tpu.vector_store %arg13[%swap3A_520], %swap3A_523 {strides = array<i32>} : memref<8192xi32, #tpu.memory_space<vmem>>, vector<16xi32>,
      %get3A_524 = arith.index_cast %scan3A_441 : i32 to index
      %get3A_525 = arith.constant 64 : index
      %get3A_526 = tpu.vector_load %arg11[%get3A_524, %get3A_525] {strides = array<i32>} : memref<64x128xi32, #tpu.memory_space<vmem>>, vector<1x16xi32>,
      %get3A_527 = vector.shape_cast %get3A_526 : vector<1x16xi32> to vector<16xi32>
      %sub3A_528 = vector.broadcast %mul3A_0 : i32 to vector<16xi32>
      %sub3A_529 = arith.subi %get3A_527, %sub3A_528 : vector<16xi32>
      %ge3A_530 = arith.constant 0 : i32
      %ge3A_531 = vector.broadcast %ge3A_530 : i32 to vector<16xi32>
      %ge3A_532 = arith.cmpi sge, %sub3A_529, %ge3A_531 : vector<16xi32>
      %lt3A_533 = arith.constant 1048576 : i32
      %lt3A_534 = vector.broadcast %lt3A_533 : i32 to vector<16xi32>
      %lt3A_535 = arith.cmpi slt, %sub3A_529, %lt3A_534 : vector<16xi32>
      %and3A_536 = arith.andi %ge3A_532, %lt3A_535 : vector<16xi1>
      %select_n3A_537 = arith.select %and3A_536, %sub3A_529, %add3A_39 : vector<16xi1>, vector<16xi32>
      %mul3A_538 = arith.constant 128 : i32
      %mul3A_539 = arith.muli %scan3A_441, %mul3A_538 : i32
      %add3A_540 = arith.constant 64 : i32
      %add3A_541 = arith.addi %mul3A_539, %add3A_540 : i32
      %swap3A_542 = arith.index_cast %add3A_541 : i32 to index
      %swap3A_543 = tpu.vector_load %arg13[%swap3A_542] {strides = array<i32>} : memref<8192xi32, #tpu.memory_space<vmem>>, vector<16xi32>,
      %swap3A_544 = vector.shape_cast %swap3A_543 : vector<16xi32> to vector<16xi32>
      %swap3A_545 = vector.shape_cast %select_n3A_537 : vector<16xi32> to vector<16xi32>
      tpu.vector_store %arg13[%swap3A_542], %swap3A_545 {strides = array<i32>} : memref<8192xi32, #tpu.memory_space<vmem>>, vector<16xi32>,
      %get3A_546 = arith.index_cast %scan3A_441 : i32 to index
      %get3A_547 = arith.constant 80 : index
      %get3A_548 = tpu.vector_load %arg11[%get3A_546, %get3A_547] {strides = array<i32>} : memref<64x128xi32, #tpu.memory_space<vmem>>, vector<1x16xi32>,
      %get3A_549 = vector.shape_cast %get3A_548 : vector<1x16xi32> to vector<16xi32>
      %sub3A_550 = vector.broadcast %mul3A_0 : i32 to vector<16xi32>
      %sub3A_551 = arith.subi %get3A_549, %sub3A_550 : vector<16xi32>
      %ge3A_552 = arith.constant 0 : i32
      %ge3A_553 = vector.broadcast %ge3A_552 : i32 to vector<16xi32>
      %ge3A_554 = arith.cmpi sge, %sub3A_551, %ge3A_553 : vector<16xi32>
      %lt3A_555 = arith.constant 1048576 : i32
      %lt3A_556 = vector.broadcast %lt3A_555 : i32 to vector<16xi32>
      %lt3A_557 = arith.cmpi slt, %sub3A_551, %lt3A_556 : vector<16xi32>
      %and3A_558 = arith.andi %ge3A_554, %lt3A_557 : vector<16xi1>
      %select_n3A_559 = arith.select %and3A_558, %sub3A_551, %add3A_47 : vector<16xi1>, vector<16xi32>
      %mul3A_560 = arith.constant 128 : i32
      %mul3A_561 = arith.muli %scan3A_441, %mul3A_560 : i32
      %add3A_562 = arith.constant 80 : i32
      %add3A_563 = arith.addi %mul3A_561, %add3A_562 : i32
      %swap3A_564 = arith.index_cast %add3A_563 : i32 to index
      %swap3A_565 = tpu.vector_load %arg13[%swap3A_564] {strides = array<i32>} : memref<8192xi32, #tpu.memory_space<vmem>>, vector<16xi32>,
      %swap3A_566 = vector.shape_cast %swap3A_565 : vector<16xi32> to vector<16xi32>
      %swap3A_567 = vector.shape_cast %select_n3A_559 : vector<16xi32> to vector<16xi32>
      tpu.vector_store %arg13[%swap3A_564], %swap3A_567 {strides = array<i32>} : memref<8192xi32, #tpu.memory_space<vmem>>, vector<16xi32>,
      %get3A_568 = arith.index_cast %scan3A_441 : i32 to index
      %get3A_569 = arith.constant 96 : index
      %get3A_570 = tpu.vector_load %arg11[%get3A_568, %get3A_569] {strides = array<i32>} : memref<64x128xi32, #tpu.memory_space<vmem>>, vector<1x16xi32>,
      %get3A_571 = vector.shape_cast %get3A_570 : vector<1x16xi32> to vector<16xi32>
      %sub3A_572 = vector.broadcast %mul3A_0 : i32 to vector<16xi32>
      %sub3A_573 = arith.subi %get3A_571, %sub3A_572 : vector<16xi32>
      %ge3A_574 = arith.constant 0 : i32
      %ge3A_575 = vector.broadcast %ge3A_574 : i32 to vector<16xi32>
      %ge3A_576 = arith.cmpi sge, %sub3A_573, %ge3A_575 : vector<16xi32>
      %lt3A_577 = arith.constant 1048576 : i32
      %lt3A_578 = vector.broadcast %lt3A_577 : i32 to vector<16xi32>
      %lt3A_579 = arith.cmpi slt, %sub3A_573, %lt3A_578 : vector<16xi32>
      %and3A_580 = arith.andi %ge3A_576, %lt3A_579 : vector<16xi1>
      %select_n3A_581 = arith.select %and3A_580, %sub3A_573, %add3A_55 : vector<16xi1>, vector<16xi32>
      %mul3A_582 = arith.constant 128 : i32
      %mul3A_583 = arith.muli %scan3A_441, %mul3A_582 : i32
      %add3A_584 = arith.constant 96 : i32
      %add3A_585 = arith.addi %mul3A_583, %add3A_584 : i32
      %swap3A_586 = arith.index_cast %add3A_585 : i32 to index
      %swap3A_587 = tpu.vector_load %arg13[%swap3A_586] {strides = array<i32>} : memref<8192xi32, #tpu.memory_space<vmem>>, vector<16xi32>,
      %swap3A_588 = vector.shape_cast %swap3A_587 : vector<16xi32> to vector<16xi32>
      %swap3A_589 = vector.shape_cast %select_n3A_581 : vector<16xi32> to vector<16xi32>
      tpu.vector_store %arg13[%swap3A_586], %swap3A_589 {strides = array<i32>} : memref<8192xi32, #tpu.memory_space<vmem>>, vector<16xi32>,
      %get3A_590 = arith.index_cast %scan3A_441 : i32 to index
      %get3A_591 = arith.constant 112 : index
      %get3A_592 = tpu.vector_load %arg11[%get3A_590, %get3A_591] {strides = array<i32>} : memref<64x128xi32, #tpu.memory_space<vmem>>, vector<1x16xi32>,
      %get3A_593 = vector.shape_cast %get3A_592 : vector<1x16xi32> to vector<16xi32>
      %sub3A_594 = vector.broadcast %mul3A_0 : i32 to vector<16xi32>
      %sub3A_595 = arith.subi %get3A_593, %sub3A_594 : vector<16xi32>
      %ge3A_596 = arith.constant 0 : i32
      %ge3A_597 = vector.broadcast %ge3A_596 : i32 to vector<16xi32>
      %ge3A_598 = arith.cmpi sge, %sub3A_595, %ge3A_597 : vector<16xi32>
      %lt3A_599 = arith.constant 1048576 : i32
      %lt3A_600 = vector.broadcast %lt3A_599 : i32 to vector<16xi32>
      %lt3A_601 = arith.cmpi slt, %sub3A_595, %lt3A_600 : vector<16xi32>
      %and3A_602 = arith.andi %ge3A_598, %lt3A_601 : vector<16xi1>
      %select_n3A_603 = arith.select %and3A_602, %sub3A_595, %add3A_63 : vector<16xi1>, vector<16xi32>
      %mul3A_604 = arith.constant 128 : i32
      %mul3A_605 = arith.muli %scan3A_441, %mul3A_604 : i32
      %add3A_606 = arith.constant 112 : i32
      %add3A_607 = arith.addi %mul3A_605, %add3A_606 : i32
      %swap3A_608 = arith.index_cast %add3A_607 : i32 to index
      %swap3A_609 = tpu.vector_load %arg13[%swap3A_608] {strides = array<i32>} : memref<8192xi32, #tpu.memory_space<vmem>>, vector<16xi32>,
      %swap3A_610 = vector.shape_cast %swap3A_609 : vector<16xi32> to vector<16xi32>
      %swap3A_611 = vector.shape_cast %select_n3A_603 : vector<16xi32> to vector<16xi32>
      tpu.vector_store %arg13[%swap3A_608], %swap3A_611 {strides = array<i32>} : memref<8192xi32, #tpu.memory_space<vmem>>, vector<16xi32>,
      %scan3A_612 = arith.constant 0 : i32
      scf.yield %scan3A_612 : i32
    }
    %scan3A_116 = arith.constant 64 : i32
    %dma_wait3A_117 = arith.constant 0 : i32
    %dma_wait3A_118 = tpu.memref_slice %arg16[%dma_wait3A_117] : memref<1049600xi32, #tpu.memory_space<vmem_shared>> -> memref<1049600xi32, #tpu.memory_space<vmem_shared>>
    tpu.wait_indirect_dma semaphore(%arg19 : memref<!tpu.dma_semaphore, #tpu.memory_space<semaphore_mem>>) src(%arg14 : memref<8192xi32, #tpu.memory_space<vmem>>) dst(%dma_wait3A_118 : memref<1049600xi32, #tpu.memory_space<vmem_shared>>)
    %dma_start3A_119 = arith.constant 0 : i32
    %dma_start3A_120 = tpu.memref_slice %arg16[%dma_start3A_119] : memref<1049600xi32, #tpu.memory_space<vmem_shared>> -> memref<1049600xi32, #tpu.memory_space<vmem_shared>>
    tpu.enqueue_indirect_dma source(%arg14 : memref<8192xi32, #tpu.memory_space<vmem>>) target(%dma_start3A_120 : memref<1049600xi32, #tpu.memory_space<vmem_shared>>) offsets(%arg13 : memref<8192xi32, #tpu.memory_space<vmem>>) semaphore(%arg20 : memref<!tpu.dma_semaphore, #tpu.memory_space<semaphore_mem>>)
    %dma_wait3A_121 = arith.constant 0 : i32
    %dma_wait3A_122 = tpu.memref_slice %arg2[%mul3A_105, %dma_wait3A_121] : memref<12288x128xi32, #tpu.memory_space<hbm>> -> memref<64x128xi32, #tpu.memory_space<hbm>>
    %dma_wait3A_123 = arith.constant 0 : i32
    %dma_wait3A_124 = tpu.memref_slice %arg2[%mul3A_105, %dma_wait3A_123] : memref<12288x128xi32, #tpu.memory_space<hbm>> -> memref<64x128xi32, #tpu.memory_space<hbm>>
    tpu.wait_dma2 semaphore(%arg17 : memref<!tpu.dma_semaphore, #tpu.memory_space<semaphore_mem>>) src(%dma_wait3A_124 : memref<64x128xi32, #tpu.memory_space<hbm>>) dst(%arg10 : memref<64x128xi32, #tpu.memory_space<vmem>>)
    %mul3A_125 = arith.constant 12 : i32
    %mul3A_126 = arith.muli %arg1, %mul3A_125 : i32
    %add3A_127 = arith.constant 3 : i32
    %add3A_128 = arith.addi %mul3A_126, %add3A_127 : i32
    %mul3A_129 = arith.constant 64 : i32
    %mul3A_130 = arith.muli %add3A_128, %mul3A_129 : i32
    %dma_start3A_131 = arith.constant 0 : i32
    %dma_start3A_132 = tpu.memref_slice %arg2[%mul3A_130, %dma_start3A_131] : memref<12288x128xi32, #tpu.memory_space<hbm>> -> memref<64x128xi32, #tpu.memory_space<hbm>>
    %dma_start3A_133 = arith.constant 0 : i32
    %dma_start3A_134 = tpu.memref_slice %arg2[%mul3A_130, %dma_start3A_133] : memref<12288x128xi32, #tpu.memory_space<hbm>> -> memref<64x128xi32, #tpu.memory_space<hbm>>
    tpu.enqueue_dma source(%dma_start3A_134 : memref<64x128xi32, #tpu.memory_space<hbm>>) target(%arg11 : memref<64x128xi32, #tpu.memory_space<vmem>>) target_semaphore(%arg18 : memref<!tpu.dma_semaphore, #tpu.memory_space<semaphore_mem>>)
    %scan3A_135 = arith.constant 0 : i32
    %scan3A_136 = arith.constant 0 : i32
    %scan3A_137 = arith.constant 64 : i32
    %scan3A_138 = arith.addi %scan3A_136, %scan3A_137 : i32
    %scan3A_139 = arith.constant 1 : i32
    %scan3A_140 = scf.for %scan3A_441 = %scan3A_136 to %scan3A_138 step %scan3A_139 iter_args(%scan3A_442 = %scan3A_135) -> (i32)  : i32 {
      %get3A = arith.index_cast %scan3A_441 : i32 to index
      %get3A_443 = arith.constant 0 : index
      %get3A_444 = tpu.vector_load %arg10[%get3A, %get3A_443] {strides = array<i32>} : memref<64x128xi32, #tpu.memory_space<vmem>>, vector<1x16xi32>,
      %get3A_445 = vector.shape_cast %get3A_444 : vector<1x16xi32> to vector<16xi32>
      %sub3A = vector.broadcast %mul3A_0 : i32 to vector<16xi32>
      %sub3A_446 = arith.subi %get3A_445, %sub3A : vector<16xi32>
      %ge3A = arith.constant 0 : i32
      %ge3A_447 = vector.broadcast %ge3A : i32 to vector<16xi32>
      %ge3A_448 = arith.cmpi sge, %sub3A_446, %ge3A_447 : vector<16xi32>
      %lt3A = arith.constant 1048576 : i32
      %lt3A_449 = vector.broadcast %lt3A : i32 to vector<16xi32>
      %lt3A_450 = arith.cmpi slt, %sub3A_446, %lt3A_449 : vector<16xi32>
      %and3A = arith.andi %ge3A_448, %lt3A_450 : vector<16xi1>
      %select_n3A = arith.select %and3A, %sub3A_446, %add3A_7 : vector<16xi1>, vector<16xi32>
      %mul3A_451 = arith.constant 128 : i32
      %mul3A_452 = arith.muli %scan3A_441, %mul3A_451 : i32
      %add3A_453 = arith.constant 0 : i32
      %add3A_454 = arith.addi %mul3A_452, %add3A_453 : i32
      %swap3A = arith.index_cast %add3A_454 : i32 to index
      %swap3A_455 = tpu.vector_load %arg12[%swap3A] {strides = array<i32>} : memref<8192xi32, #tpu.memory_space<vmem>>, vector<16xi32>,
      %swap3A_456 = vector.shape_cast %swap3A_455 : vector<16xi32> to vector<16xi32>
      %swap3A_457 = vector.shape_cast %select_n3A : vector<16xi32> to vector<16xi32>
      tpu.vector_store %arg12[%swap3A], %swap3A_457 {strides = array<i32>} : memref<8192xi32, #tpu.memory_space<vmem>>, vector<16xi32>,
      %get3A_458 = arith.index_cast %scan3A_441 : i32 to index
      %get3A_459 = arith.constant 16 : index
      %get3A_460 = tpu.vector_load %arg10[%get3A_458, %get3A_459] {strides = array<i32>} : memref<64x128xi32, #tpu.memory_space<vmem>>, vector<1x16xi32>,
      %get3A_461 = vector.shape_cast %get3A_460 : vector<1x16xi32> to vector<16xi32>
      %sub3A_462 = vector.broadcast %mul3A_0 : i32 to vector<16xi32>
      %sub3A_463 = arith.subi %get3A_461, %sub3A_462 : vector<16xi32>
      %ge3A_464 = arith.constant 0 : i32
      %ge3A_465 = vector.broadcast %ge3A_464 : i32 to vector<16xi32>
      %ge3A_466 = arith.cmpi sge, %sub3A_463, %ge3A_465 : vector<16xi32>
      %lt3A_467 = arith.constant 1048576 : i32
      %lt3A_468 = vector.broadcast %lt3A_467 : i32 to vector<16xi32>
      %lt3A_469 = arith.cmpi slt, %sub3A_463, %lt3A_468 : vector<16xi32>
      %and3A_470 = arith.andi %ge3A_466, %lt3A_469 : vector<16xi1>
      %select_n3A_471 = arith.select %and3A_470, %sub3A_463, %add3A_15 : vector<16xi1>, vector<16xi32>
      %mul3A_472 = arith.constant 128 : i32
      %mul3A_473 = arith.muli %scan3A_441, %mul3A_472 : i32
      %add3A_474 = arith.constant 16 : i32
      %add3A_475 = arith.addi %mul3A_473, %add3A_474 : i32
      %swap3A_476 = arith.index_cast %add3A_475 : i32 to index
      %swap3A_477 = tpu.vector_load %arg12[%swap3A_476] {strides = array<i32>} : memref<8192xi32, #tpu.memory_space<vmem>>, vector<16xi32>,
      %swap3A_478 = vector.shape_cast %swap3A_477 : vector<16xi32> to vector<16xi32>
      %swap3A_479 = vector.shape_cast %select_n3A_471 : vector<16xi32> to vector<16xi32>
      tpu.vector_store %arg12[%swap3A_476], %swap3A_479 {strides = array<i32>} : memref<8192xi32, #tpu.memory_space<vmem>>, vector<16xi32>,
      %get3A_480 = arith.index_cast %scan3A_441 : i32 to index
      %get3A_481 = arith.constant 32 : index
      %get3A_482 = tpu.vector_load %arg10[%get3A_480, %get3A_481] {strides = array<i32>} : memref<64x128xi32, #tpu.memory_space<vmem>>, vector<1x16xi32>,
      %get3A_483 = vector.shape_cast %get3A_482 : vector<1x16xi32> to vector<16xi32>
      %sub3A_484 = vector.broadcast %mul3A_0 : i32 to vector<16xi32>
      %sub3A_485 = arith.subi %get3A_483, %sub3A_484 : vector<16xi32>
      %ge3A_486 = arith.constant 0 : i32
      %ge3A_487 = vector.broadcast %ge3A_486 : i32 to vector<16xi32>
      %ge3A_488 = arith.cmpi sge, %sub3A_485, %ge3A_487 : vector<16xi32>
      %lt3A_489 = arith.constant 1048576 : i32
      %lt3A_490 = vector.broadcast %lt3A_489 : i32 to vector<16xi32>
      %lt3A_491 = arith.cmpi slt, %sub3A_485, %lt3A_490 : vector<16xi32>
      %and3A_492 = arith.andi %ge3A_488, %lt3A_491 : vector<16xi1>
      %select_n3A_493 = arith.select %and3A_492, %sub3A_485, %add3A_23 : vector<16xi1>, vector<16xi32>
      %mul3A_494 = arith.constant 128 : i32
      %mul3A_495 = arith.muli %scan3A_441, %mul3A_494 : i32
      %add3A_496 = arith.constant 32 : i32
      %add3A_497 = arith.addi %mul3A_495, %add3A_496 : i32
      %swap3A_498 = arith.index_cast %add3A_497 : i32 to index
      %swap3A_499 = tpu.vector_load %arg12[%swap3A_498] {strides = array<i32>} : memref<8192xi32, #tpu.memory_space<vmem>>, vector<16xi32>,
      %swap3A_500 = vector.shape_cast %swap3A_499 : vector<16xi32> to vector<16xi32>
      %swap3A_501 = vector.shape_cast %select_n3A_493 : vector<16xi32> to vector<16xi32>
      tpu.vector_store %arg12[%swap3A_498], %swap3A_501 {strides = array<i32>} : memref<8192xi32, #tpu.memory_space<vmem>>, vector<16xi32>,
      %get3A_502 = arith.index_cast %scan3A_441 : i32 to index
      %get3A_503 = arith.constant 48 : index
      %get3A_504 = tpu.vector_load %arg10[%get3A_502, %get3A_503] {strides = array<i32>} : memref<64x128xi32, #tpu.memory_space<vmem>>, vector<1x16xi32>,
      %get3A_505 = vector.shape_cast %get3A_504 : vector<1x16xi32> to vector<16xi32>
      %sub3A_506 = vector.broadcast %mul3A_0 : i32 to vector<16xi32>
      %sub3A_507 = arith.subi %get3A_505, %sub3A_506 : vector<16xi32>
      %ge3A_508 = arith.constant 0 : i32
      %ge3A_509 = vector.broadcast %ge3A_508 : i32 to vector<16xi32>
      %ge3A_510 = arith.cmpi sge, %sub3A_507, %ge3A_509 : vector<16xi32>
      %lt3A_511 = arith.constant 1048576 : i32
      %lt3A_512 = vector.broadcast %lt3A_511 : i32 to vector<16xi32>
      %lt3A_513 = arith.cmpi slt, %sub3A_507, %lt3A_512 : vector<16xi32>
      %and3A_514 = arith.andi %ge3A_510, %lt3A_513 : vector<16xi1>
      %select_n3A_515 = arith.select %and3A_514, %sub3A_507, %add3A_31 : vector<16xi1>, vector<16xi32>
      %mul3A_516 = arith.constant 128 : i32
      %mul3A_517 = arith.muli %scan3A_441, %mul3A_516 : i32
      %add3A_518 = arith.constant 48 : i32
      %add3A_519 = arith.addi %mul3A_517, %add3A_518 : i32
      %swap3A_520 = arith.index_cast %add3A_519 : i32 to index
      %swap3A_521 = tpu.vector_load %arg12[%swap3A_520] {strides = array<i32>} : memref<8192xi32, #tpu.memory_space<vmem>>, vector<16xi32>,
      %swap3A_522 = vector.shape_cast %swap3A_521 : vector<16xi32> to vector<16xi32>
      %swap3A_523 = vector.shape_cast %select_n3A_515 : vector<16xi32> to vector<16xi32>
      tpu.vector_store %arg12[%swap3A_520], %swap3A_523 {strides = array<i32>} : memref<8192xi32, #tpu.memory_space<vmem>>, vector<16xi32>,
      %get3A_524 = arith.index_cast %scan3A_441 : i32 to index
      %get3A_525 = arith.constant 64 : index
      %get3A_526 = tpu.vector_load %arg10[%get3A_524, %get3A_525] {strides = array<i32>} : memref<64x128xi32, #tpu.memory_space<vmem>>, vector<1x16xi32>,
      %get3A_527 = vector.shape_cast %get3A_526 : vector<1x16xi32> to vector<16xi32>
      %sub3A_528 = vector.broadcast %mul3A_0 : i32 to vector<16xi32>
      %sub3A_529 = arith.subi %get3A_527, %sub3A_528 : vector<16xi32>
      %ge3A_530 = arith.constant 0 : i32
      %ge3A_531 = vector.broadcast %ge3A_530 : i32 to vector<16xi32>
      %ge3A_532 = arith.cmpi sge, %sub3A_529, %ge3A_531 : vector<16xi32>
      %lt3A_533 = arith.constant 1048576 : i32
      %lt3A_534 = vector.broadcast %lt3A_533 : i32 to vector<16xi32>
      %lt3A_535 = arith.cmpi slt, %sub3A_529, %lt3A_534 : vector<16xi32>
      %and3A_536 = arith.andi %ge3A_532, %lt3A_535 : vector<16xi1>
      %select_n3A_537 = arith.select %and3A_536, %sub3A_529, %add3A_39 : vector<16xi1>, vector<16xi32>
      %mul3A_538 = arith.constant 128 : i32
      %mul3A_539 = arith.muli %scan3A_441, %mul3A_538 : i32
      %add3A_540 = arith.constant 64 : i32
      %add3A_541 = arith.addi %mul3A_539, %add3A_540 : i32
      %swap3A_542 = arith.index_cast %add3A_541 : i32 to index
      %swap3A_543 = tpu.vector_load %arg12[%swap3A_542] {strides = array<i32>} : memref<8192xi32, #tpu.memory_space<vmem>>, vector<16xi32>,
      %swap3A_544 = vector.shape_cast %swap3A_543 : vector<16xi32> to vector<16xi32>
      %swap3A_545 = vector.shape_cast %select_n3A_537 : vector<16xi32> to vector<16xi32>
      tpu.vector_store %arg12[%swap3A_542], %swap3A_545 {strides = array<i32>} : memref<8192xi32, #tpu.memory_space<vmem>>, vector<16xi32>,
      %get3A_546 = arith.index_cast %scan3A_441 : i32 to index
      %get3A_547 = arith.constant 80 : index
      %get3A_548 = tpu.vector_load %arg10[%get3A_546, %get3A_547] {strides = array<i32>} : memref<64x128xi32, #tpu.memory_space<vmem>>, vector<1x16xi32>,
      %get3A_549 = vector.shape_cast %get3A_548 : vector<1x16xi32> to vector<16xi32>
      %sub3A_550 = vector.broadcast %mul3A_0 : i32 to vector<16xi32>
      %sub3A_551 = arith.subi %get3A_549, %sub3A_550 : vector<16xi32>
      %ge3A_552 = arith.constant 0 : i32
      %ge3A_553 = vector.broadcast %ge3A_552 : i32 to vector<16xi32>
      %ge3A_554 = arith.cmpi sge, %sub3A_551, %ge3A_553 : vector<16xi32>
      %lt3A_555 = arith.constant 1048576 : i32
      %lt3A_556 = vector.broadcast %lt3A_555 : i32 to vector<16xi32>
      %lt3A_557 = arith.cmpi slt, %sub3A_551, %lt3A_556 : vector<16xi32>
      %and3A_558 = arith.andi %ge3A_554, %lt3A_557 : vector<16xi1>
      %select_n3A_559 = arith.select %and3A_558, %sub3A_551, %add3A_47 : vector<16xi1>, vector<16xi32>
      %mul3A_560 = arith.constant 128 : i32
      %mul3A_561 = arith.muli %scan3A_441, %mul3A_560 : i32
      %add3A_562 = arith.constant 80 : i32
      %add3A_563 = arith.addi %mul3A_561, %add3A_562 : i32
      %swap3A_564 = arith.index_cast %add3A_563 : i32 to index
      %swap3A_565 = tpu.vector_load %arg12[%swap3A_564] {strides = array<i32>} : memref<8192xi32, #tpu.memory_space<vmem>>, vector<16xi32>,
      %swap3A_566 = vector.shape_cast %swap3A_565 : vector<16xi32> to vector<16xi32>
      %swap3A_567 = vector.shape_cast %select_n3A_559 : vector<16xi32> to vector<16xi32>
      tpu.vector_store %arg12[%swap3A_564], %swap3A_567 {strides = array<i32>} : memref<8192xi32, #tpu.memory_space<vmem>>, vector<16xi32>,
      %get3A_568 = arith.index_cast %scan3A_441 : i32 to index
      %get3A_569 = arith.constant 96 : index
      %get3A_570 = tpu.vector_load %arg10[%get3A_568, %get3A_569] {strides = array<i32>} : memref<64x128xi32, #tpu.memory_space<vmem>>, vector<1x16xi32>,
      %get3A_571 = vector.shape_cast %get3A_570 : vector<1x16xi32> to vector<16xi32>
      %sub3A_572 = vector.broadcast %mul3A_0 : i32 to vector<16xi32>
      %sub3A_573 = arith.subi %get3A_571, %sub3A_572 : vector<16xi32>
      %ge3A_574 = arith.constant 0 : i32
      %ge3A_575 = vector.broadcast %ge3A_574 : i32 to vector<16xi32>
      %ge3A_576 = arith.cmpi sge, %sub3A_573, %ge3A_575 : vector<16xi32>
      %lt3A_577 = arith.constant 1048576 : i32
      %lt3A_578 = vector.broadcast %lt3A_577 : i32 to vector<16xi32>
      %lt3A_579 = arith.cmpi slt, %sub3A_573, %lt3A_578 : vector<16xi32>
      %and3A_580 = arith.andi %ge3A_576, %lt3A_579 : vector<16xi1>
      %select_n3A_581 = arith.select %and3A_580, %sub3A_573, %add3A_55 : vector<16xi1>, vector<16xi32>
      %mul3A_582 = arith.constant 128 : i32
      %mul3A_583 = arith.muli %scan3A_441, %mul3A_582 : i32
      %add3A_584 = arith.constant 96 : i32
      %add3A_585 = arith.addi %mul3A_583, %add3A_584 : i32
      %swap3A_586 = arith.index_cast %add3A_585 : i32 to index
      %swap3A_587 = tpu.vector_load %arg12[%swap3A_586] {strides = array<i32>} : memref<8192xi32, #tpu.memory_space<vmem>>, vector<16xi32>,
      %swap3A_588 = vector.shape_cast %swap3A_587 : vector<16xi32> to vector<16xi32>
      %swap3A_589 = vector.shape_cast %select_n3A_581 : vector<16xi32> to vector<16xi32>
      tpu.vector_store %arg12[%swap3A_586], %swap3A_589 {strides = array<i32>} : memref<8192xi32, #tpu.memory_space<vmem>>, vector<16xi32>,
      %get3A_590 = arith.index_cast %scan3A_441 : i32 to index
      %get3A_591 = arith.constant 112 : index
      %get3A_592 = tpu.vector_load %arg10[%get3A_590, %get3A_591] {strides = array<i32>} : memref<64x128xi32, #tpu.memory_space<vmem>>, vector<1x16xi32>,
      %get3A_593 = vector.shape_cast %get3A_592 : vector<1x16xi32> to vector<16xi32>
      %sub3A_594 = vector.broadcast %mul3A_0 : i32 to vector<16xi32>
      %sub3A_595 = arith.subi %get3A_593, %sub3A_594 : vector<16xi32>
      %ge3A_596 = arith.constant 0 : i32
      %ge3A_597 = vector.broadcast %ge3A_596 : i32 to vector<16xi32>
      %ge3A_598 = arith.cmpi sge, %sub3A_595, %ge3A_597 : vector<16xi32>
      %lt3A_599 = arith.constant 1048576 : i32
      %lt3A_600 = vector.broadcast %lt3A_599 : i32 to vector<16xi32>
      %lt3A_601 = arith.cmpi slt, %sub3A_595, %lt3A_600 : vector<16xi32>
      %and3A_602 = arith.andi %ge3A_598, %lt3A_601 : vector<16xi1>
      %select_n3A_603 = arith.select %and3A_602, %sub3A_595, %add3A_63 : vector<16xi1>, vector<16xi32>
      %mul3A_604 = arith.constant 128 : i32
      %mul3A_605 = arith.muli %scan3A_441, %mul3A_604 : i32
      %add3A_606 = arith.constant 112 : i32
      %add3A_607 = arith.addi %mul3A_605, %add3A_606 : i32
      %swap3A_608 = arith.index_cast %add3A_607 : i32 to index
      %swap3A_609 = tpu.vector_load %arg12[%swap3A_608] {strides = array<i32>} : memref<8192xi32, #tpu.memory_space<vmem>>, vector<16xi32>,
      %swap3A_610 = vector.shape_cast %swap3A_609 : vector<16xi32> to vector<16xi32>
      %swap3A_611 = vector.shape_cast %select_n3A_603 : vector<16xi32> to vector<16xi32>
      tpu.vector_store %arg12[%swap3A_608], %swap3A_611 {strides = array<i32>} : memref<8192xi32, #tpu.memory_space<vmem>>, vector<16xi32>,
      %scan3A_612 = arith.constant 0 : i32
      scf.yield %scan3A_612 : i32
    }
    %scan3A_141 = arith.constant 64 : i32
    %dma_wait3A_142 = arith.constant 0 : i32
    %dma_wait3A_143 = tpu.memref_slice %arg16[%dma_wait3A_142] : memref<1049600xi32, #tpu.memory_space<vmem_shared>> -> memref<1049600xi32, #tpu.memory_space<vmem_shared>>
    tpu.wait_indirect_dma semaphore(%arg20 : memref<!tpu.dma_semaphore, #tpu.memory_space<semaphore_mem>>) src(%arg14 : memref<8192xi32, #tpu.memory_space<vmem>>) dst(%dma_wait3A_143 : memref<1049600xi32, #tpu.memory_space<vmem_shared>>)
    %dma_start3A_144 = arith.constant 0 : i32
    %dma_start3A_145 = tpu.memref_slice %arg16[%dma_start3A_144] : memref<1049600xi32, #tpu.memory_space<vmem_shared>> -> memref<1049600xi32, #tpu.memory_space<vmem_shared>>
    tpu.enqueue_indirect_dma source(%arg14 : memref<8192xi32, #tpu.memory_space<vmem>>) target(%dma_start3A_145 : memref<1049600xi32, #tpu.memory_space<vmem_shared>>) offsets(%arg12 : memref<8192xi32, #tpu.memory_space<vmem>>) semaphore(%arg19 : memref<!tpu.dma_semaphore, #tpu.memory_space<semaphore_mem>>)
    %dma_wait3A_146 = arith.constant 0 : i32
    %dma_wait3A_147 = tpu.memref_slice %arg2[%mul3A_130, %dma_wait3A_146] : memref<12288x128xi32, #tpu.memory_space<hbm>> -> memref<64x128xi32, #tpu.memory_space<hbm>>
    %dma_wait3A_148 = arith.constant 0 : i32
    %dma_wait3A_149 = tpu.memref_slice %arg2[%mul3A_130, %dma_wait3A_148] : memref<12288x128xi32, #tpu.memory_space<hbm>> -> memref<64x128xi32, #tpu.memory_space<hbm>>
    tpu.wait_dma2 semaphore(%arg18 : memref<!tpu.dma_semaphore, #tpu.memory_space<semaphore_mem>>) src(%dma_wait3A_149 : memref<64x128xi32, #tpu.memory_space<hbm>>) dst(%arg11 : memref<64x128xi32, #tpu.memory_space<vmem>>)
    %mul3A_150 = arith.constant 12 : i32
    %mul3A_151 = arith.muli %arg1, %mul3A_150 : i32
    %add3A_152 = arith.constant 4 : i32
    %add3A_153 = arith.addi %mul3A_151, %add3A_152 : i32
    %mul3A_154 = arith.constant 64 : i32
    %mul3A_155 = arith.muli %add3A_153, %mul3A_154 : i32
    %dma_start3A_156 = arith.constant 0 : i32
    %dma_start3A_157 = tpu.memref_slice %arg2[%mul3A_155, %dma_start3A_156] : memref<12288x128xi32, #tpu.memory_space<hbm>> -> memref<64x128xi32, #tpu.memory_space<hbm>>
    %dma_start3A_158 = arith.constant 0 : i32
    %dma_start3A_159 = tpu.memref_slice %arg2[%mul3A_155, %dma_start3A_158] : memref<12288x128xi32, #tpu.memory_space<hbm>> -> memref<64x128xi32, #tpu.memory_space<hbm>>
    tpu.enqueue_dma source(%dma_start3A_159 : memref<64x128xi32, #tpu.memory_space<hbm>>) target(%arg10 : memref<64x128xi32, #tpu.memory_space<vmem>>) target_semaphore(%arg17 : memref<!tpu.dma_semaphore, #tpu.memory_space<semaphore_mem>>)
    %scan3A_160 = arith.constant 0 : i32
    %scan3A_161 = arith.constant 0 : i32
    %scan3A_162 = arith.constant 64 : i32
    %scan3A_163 = arith.addi %scan3A_161, %scan3A_162 : i32
    %scan3A_164 = arith.constant 1 : i32
    %scan3A_165 = scf.for %scan3A_441 = %scan3A_161 to %scan3A_163 step %scan3A_164 iter_args(%scan3A_442 = %scan3A_160) -> (i32)  : i32 {
      %get3A = arith.index_cast %scan3A_441 : i32 to index
      %get3A_443 = arith.constant 0 : index
      %get3A_444 = tpu.vector_load %arg11[%get3A, %get3A_443] {strides = array<i32>} : memref<64x128xi32, #tpu.memory_space<vmem>>, vector<1x16xi32>,
      %get3A_445 = vector.shape_cast %get3A_444 : vector<1x16xi32> to vector<16xi32>
      %sub3A = vector.broadcast %mul3A_0 : i32 to vector<16xi32>
      %sub3A_446 = arith.subi %get3A_445, %sub3A : vector<16xi32>
      %ge3A = arith.constant 0 : i32
      %ge3A_447 = vector.broadcast %ge3A : i32 to vector<16xi32>
      %ge3A_448 = arith.cmpi sge, %sub3A_446, %ge3A_447 : vector<16xi32>
      %lt3A = arith.constant 1048576 : i32
      %lt3A_449 = vector.broadcast %lt3A : i32 to vector<16xi32>
      %lt3A_450 = arith.cmpi slt, %sub3A_446, %lt3A_449 : vector<16xi32>
      %and3A = arith.andi %ge3A_448, %lt3A_450 : vector<16xi1>
      %select_n3A = arith.select %and3A, %sub3A_446, %add3A_7 : vector<16xi1>, vector<16xi32>
      %mul3A_451 = arith.constant 128 : i32
      %mul3A_452 = arith.muli %scan3A_441, %mul3A_451 : i32
      %add3A_453 = arith.constant 0 : i32
      %add3A_454 = arith.addi %mul3A_452, %add3A_453 : i32
      %swap3A = arith.index_cast %add3A_454 : i32 to index
      %swap3A_455 = tpu.vector_load %arg13[%swap3A] {strides = array<i32>} : memref<8192xi32, #tpu.memory_space<vmem>>, vector<16xi32>,
      %swap3A_456 = vector.shape_cast %swap3A_455 : vector<16xi32> to vector<16xi32>
      %swap3A_457 = vector.shape_cast %select_n3A : vector<16xi32> to vector<16xi32>
      tpu.vector_store %arg13[%swap3A], %swap3A_457 {strides = array<i32>} : memref<8192xi32, #tpu.memory_space<vmem>>, vector<16xi32>,
      %get3A_458 = arith.index_cast %scan3A_441 : i32 to index
      %get3A_459 = arith.constant 16 : index
      %get3A_460 = tpu.vector_load %arg11[%get3A_458, %get3A_459] {strides = array<i32>} : memref<64x128xi32, #tpu.memory_space<vmem>>, vector<1x16xi32>,
      %get3A_461 = vector.shape_cast %get3A_460 : vector<1x16xi32> to vector<16xi32>
      %sub3A_462 = vector.broadcast %mul3A_0 : i32 to vector<16xi32>
      %sub3A_463 = arith.subi %get3A_461, %sub3A_462 : vector<16xi32>
      %ge3A_464 = arith.constant 0 : i32
      %ge3A_465 = vector.broadcast %ge3A_464 : i32 to vector<16xi32>
      %ge3A_466 = arith.cmpi sge, %sub3A_463, %ge3A_465 : vector<16xi32>
      %lt3A_467 = arith.constant 1048576 : i32
      %lt3A_468 = vector.broadcast %lt3A_467 : i32 to vector<16xi32>
      %lt3A_469 = arith.cmpi slt, %sub3A_463, %lt3A_468 : vector<16xi32>
      %and3A_470 = arith.andi %ge3A_466, %lt3A_469 : vector<16xi1>
      %select_n3A_471 = arith.select %and3A_470, %sub3A_463, %add3A_15 : vector<16xi1>, vector<16xi32>
      %mul3A_472 = arith.constant 128 : i32
      %mul3A_473 = arith.muli %scan3A_441, %mul3A_472 : i32
      %add3A_474 = arith.constant 16 : i32
      %add3A_475 = arith.addi %mul3A_473, %add3A_474 : i32
      %swap3A_476 = arith.index_cast %add3A_475 : i32 to index
      %swap3A_477 = tpu.vector_load %arg13[%swap3A_476] {strides = array<i32>} : memref<8192xi32, #tpu.memory_space<vmem>>, vector<16xi32>,
      %swap3A_478 = vector.shape_cast %swap3A_477 : vector<16xi32> to vector<16xi32>
      %swap3A_479 = vector.shape_cast %select_n3A_471 : vector<16xi32> to vector<16xi32>
      tpu.vector_store %arg13[%swap3A_476], %swap3A_479 {strides = array<i32>} : memref<8192xi32, #tpu.memory_space<vmem>>, vector<16xi32>,
      %get3A_480 = arith.index_cast %scan3A_441 : i32 to index
      %get3A_481 = arith.constant 32 : index
      %get3A_482 = tpu.vector_load %arg11[%get3A_480, %get3A_481] {strides = array<i32>} : memref<64x128xi32, #tpu.memory_space<vmem>>, vector<1x16xi32>,
      %get3A_483 = vector.shape_cast %get3A_482 : vector<1x16xi32> to vector<16xi32>
      %sub3A_484 = vector.broadcast %mul3A_0 : i32 to vector<16xi32>
      %sub3A_485 = arith.subi %get3A_483, %sub3A_484 : vector<16xi32>
      %ge3A_486 = arith.constant 0 : i32
      %ge3A_487 = vector.broadcast %ge3A_486 : i32 to vector<16xi32>
      %ge3A_488 = arith.cmpi sge, %sub3A_485, %ge3A_487 : vector<16xi32>
      %lt3A_489 = arith.constant 1048576 : i32
      %lt3A_490 = vector.broadcast %lt3A_489 : i32 to vector<16xi32>
      %lt3A_491 = arith.cmpi slt, %sub3A_485, %lt3A_490 : vector<16xi32>
      %and3A_492 = arith.andi %ge3A_488, %lt3A_491 : vector<16xi1>
      %select_n3A_493 = arith.select %and3A_492, %sub3A_485, %add3A_23 : vector<16xi1>, vector<16xi32>
      %mul3A_494 = arith.constant 128 : i32
      %mul3A_495 = arith.muli %scan3A_441, %mul3A_494 : i32
      %add3A_496 = arith.constant 32 : i32
      %add3A_497 = arith.addi %mul3A_495, %add3A_496 : i32
      %swap3A_498 = arith.index_cast %add3A_497 : i32 to index
      %swap3A_499 = tpu.vector_load %arg13[%swap3A_498] {strides = array<i32>} : memref<8192xi32, #tpu.memory_space<vmem>>, vector<16xi32>,
      %swap3A_500 = vector.shape_cast %swap3A_499 : vector<16xi32> to vector<16xi32>
      %swap3A_501 = vector.shape_cast %select_n3A_493 : vector<16xi32> to vector<16xi32>
      tpu.vector_store %arg13[%swap3A_498], %swap3A_501 {strides = array<i32>} : memref<8192xi32, #tpu.memory_space<vmem>>, vector<16xi32>,
      %get3A_502 = arith.index_cast %scan3A_441 : i32 to index
      %get3A_503 = arith.constant 48 : index
      %get3A_504 = tpu.vector_load %arg11[%get3A_502, %get3A_503] {strides = array<i32>} : memref<64x128xi32, #tpu.memory_space<vmem>>, vector<1x16xi32>,
      %get3A_505 = vector.shape_cast %get3A_504 : vector<1x16xi32> to vector<16xi32>
      %sub3A_506 = vector.broadcast %mul3A_0 : i32 to vector<16xi32>
      %sub3A_507 = arith.subi %get3A_505, %sub3A_506 : vector<16xi32>
      %ge3A_508 = arith.constant 0 : i32
      %ge3A_509 = vector.broadcast %ge3A_508 : i32 to vector<16xi32>
      %ge3A_510 = arith.cmpi sge, %sub3A_507, %ge3A_509 : vector<16xi32>
      %lt3A_511 = arith.constant 1048576 : i32
      %lt3A_512 = vector.broadcast %lt3A_511 : i32 to vector<16xi32>
      %lt3A_513 = arith.cmpi slt, %sub3A_507, %lt3A_512 : vector<16xi32>
      %and3A_514 = arith.andi %ge3A_510, %lt3A_513 : vector<16xi1>
      %select_n3A_515 = arith.select %and3A_514, %sub3A_507, %add3A_31 : vector<16xi1>, vector<16xi32>
      %mul3A_516 = arith.constant 128 : i32
      %mul3A_517 = arith.muli %scan3A_441, %mul3A_516 : i32
      %add3A_518 = arith.constant 48 : i32
      %add3A_519 = arith.addi %mul3A_517, %add3A_518 : i32
      %swap3A_520 = arith.index_cast %add3A_519 : i32 to index
      %swap3A_521 = tpu.vector_load %arg13[%swap3A_520] {strides = array<i32>} : memref<8192xi32, #tpu.memory_space<vmem>>, vector<16xi32>,
      %swap3A_522 = vector.shape_cast %swap3A_521 : vector<16xi32> to vector<16xi32>
      %swap3A_523 = vector.shape_cast %select_n3A_515 : vector<16xi32> to vector<16xi32>
      tpu.vector_store %arg13[%swap3A_520], %swap3A_523 {strides = array<i32>} : memref<8192xi32, #tpu.memory_space<vmem>>, vector<16xi32>,
      %get3A_524 = arith.index_cast %scan3A_441 : i32 to index
      %get3A_525 = arith.constant 64 : index
      %get3A_526 = tpu.vector_load %arg11[%get3A_524, %get3A_525] {strides = array<i32>} : memref<64x128xi32, #tpu.memory_space<vmem>>, vector<1x16xi32>,
      %get3A_527 = vector.shape_cast %get3A_526 : vector<1x16xi32> to vector<16xi32>
      %sub3A_528 = vector.broadcast %mul3A_0 : i32 to vector<16xi32>
      %sub3A_529 = arith.subi %get3A_527, %sub3A_528 : vector<16xi32>
      %ge3A_530 = arith.constant 0 : i32
      %ge3A_531 = vector.broadcast %ge3A_530 : i32 to vector<16xi32>
      %ge3A_532 = arith.cmpi sge, %sub3A_529, %ge3A_531 : vector<16xi32>
      %lt3A_533 = arith.constant 1048576 : i32
      %lt3A_534 = vector.broadcast %lt3A_533 : i32 to vector<16xi32>
      %lt3A_535 = arith.cmpi slt, %sub3A_529, %lt3A_534 : vector<16xi32>
      %and3A_536 = arith.andi %ge3A_532, %lt3A_535 : vector<16xi1>
      %select_n3A_537 = arith.select %and3A_536, %sub3A_529, %add3A_39 : vector<16xi1>, vector<16xi32>
      %mul3A_538 = arith.constant 128 : i32
      %mul3A_539 = arith.muli %scan3A_441, %mul3A_538 : i32
      %add3A_540 = arith.constant 64 : i32
      %add3A_541 = arith.addi %mul3A_539, %add3A_540 : i32
      %swap3A_542 = arith.index_cast %add3A_541 : i32 to index
      %swap3A_543 = tpu.vector_load %arg13[%swap3A_542] {strides = array<i32>} : memref<8192xi32, #tpu.memory_space<vmem>>, vector<16xi32>,
      %swap3A_544 = vector.shape_cast %swap3A_543 : vector<16xi32> to vector<16xi32>
      %swap3A_545 = vector.shape_cast %select_n3A_537 : vector<16xi32> to vector<16xi32>
      tpu.vector_store %arg13[%swap3A_542], %swap3A_545 {strides = array<i32>} : memref<8192xi32, #tpu.memory_space<vmem>>, vector<16xi32>,
      %get3A_546 = arith.index_cast %scan3A_441 : i32 to index
      %get3A_547 = arith.constant 80 : index
      %get3A_548 = tpu.vector_load %arg11[%get3A_546, %get3A_547] {strides = array<i32>} : memref<64x128xi32, #tpu.memory_space<vmem>>, vector<1x16xi32>,
      %get3A_549 = vector.shape_cast %get3A_548 : vector<1x16xi32> to vector<16xi32>
      %sub3A_550 = vector.broadcast %mul3A_0 : i32 to vector<16xi32>
      %sub3A_551 = arith.subi %get3A_549, %sub3A_550 : vector<16xi32>
      %ge3A_552 = arith.constant 0 : i32
      %ge3A_553 = vector.broadcast %ge3A_552 : i32 to vector<16xi32>
      %ge3A_554 = arith.cmpi sge, %sub3A_551, %ge3A_553 : vector<16xi32>
      %lt3A_555 = arith.constant 1048576 : i32
      %lt3A_556 = vector.broadcast %lt3A_555 : i32 to vector<16xi32>
      %lt3A_557 = arith.cmpi slt, %sub3A_551, %lt3A_556 : vector<16xi32>
      %and3A_558 = arith.andi %ge3A_554, %lt3A_557 : vector<16xi1>
      %select_n3A_559 = arith.select %and3A_558, %sub3A_551, %add3A_47 : vector<16xi1>, vector<16xi32>
      %mul3A_560 = arith.constant 128 : i32
      %mul3A_561 = arith.muli %scan3A_441, %mul3A_560 : i32
      %add3A_562 = arith.constant 80 : i32
      %add3A_563 = arith.addi %mul3A_561, %add3A_562 : i32
      %swap3A_564 = arith.index_cast %add3A_563 : i32 to index
      %swap3A_565 = tpu.vector_load %arg13[%swap3A_564] {strides = array<i32>} : memref<8192xi32, #tpu.memory_space<vmem>>, vector<16xi32>,
      %swap3A_566 = vector.shape_cast %swap3A_565 : vector<16xi32> to vector<16xi32>
      %swap3A_567 = vector.shape_cast %select_n3A_559 : vector<16xi32> to vector<16xi32>
      tpu.vector_store %arg13[%swap3A_564], %swap3A_567 {strides = array<i32>} : memref<8192xi32, #tpu.memory_space<vmem>>, vector<16xi32>,
      %get3A_568 = arith.index_cast %scan3A_441 : i32 to index
      %get3A_569 = arith.constant 96 : index
      %get3A_570 = tpu.vector_load %arg11[%get3A_568, %get3A_569] {strides = array<i32>} : memref<64x128xi32, #tpu.memory_space<vmem>>, vector<1x16xi32>,
      %get3A_571 = vector.shape_cast %get3A_570 : vector<1x16xi32> to vector<16xi32>
      %sub3A_572 = vector.broadcast %mul3A_0 : i32 to vector<16xi32>
      %sub3A_573 = arith.subi %get3A_571, %sub3A_572 : vector<16xi32>
      %ge3A_574 = arith.constant 0 : i32
      %ge3A_575 = vector.broadcast %ge3A_574 : i32 to vector<16xi32>
      %ge3A_576 = arith.cmpi sge, %sub3A_573, %ge3A_575 : vector<16xi32>
      %lt3A_577 = arith.constant 1048576 : i32
      %lt3A_578 = vector.broadcast %lt3A_577 : i32 to vector<16xi32>
      %lt3A_579 = arith.cmpi slt, %sub3A_573, %lt3A_578 : vector<16xi32>
      %and3A_580 = arith.andi %ge3A_576, %lt3A_579 : vector<16xi1>
      %select_n3A_581 = arith.select %and3A_580, %sub3A_573, %add3A_55 : vector<16xi1>, vector<16xi32>
      %mul3A_582 = arith.constant 128 : i32
      %mul3A_583 = arith.muli %scan3A_441, %mul3A_582 : i32
      %add3A_584 = arith.constant 96 : i32
      %add3A_585 = arith.addi %mul3A_583, %add3A_584 : i32
      %swap3A_586 = arith.index_cast %add3A_585 : i32 to index
      %swap3A_587 = tpu.vector_load %arg13[%swap3A_586] {strides = array<i32>} : memref<8192xi32, #tpu.memory_space<vmem>>, vector<16xi32>,
      %swap3A_588 = vector.shape_cast %swap3A_587 : vector<16xi32> to vector<16xi32>
      %swap3A_589 = vector.shape_cast %select_n3A_581 : vector<16xi32> to vector<16xi32>
      tpu.vector_store %arg13[%swap3A_586], %swap3A_589 {strides = array<i32>} : memref<8192xi32, #tpu.memory_space<vmem>>, vector<16xi32>,
      %get3A_590 = arith.index_cast %scan3A_441 : i32 to index
      %get3A_591 = arith.constant 112 : index
      %get3A_592 = tpu.vector_load %arg11[%get3A_590, %get3A_591] {strides = array<i32>} : memref<64x128xi32, #tpu.memory_space<vmem>>, vector<1x16xi32>,
      %get3A_593 = vector.shape_cast %get3A_592 : vector<1x16xi32> to vector<16xi32>
      %sub3A_594 = vector.broadcast %mul3A_0 : i32 to vector<16xi32>
      %sub3A_595 = arith.subi %get3A_593, %sub3A_594 : vector<16xi32>
      %ge3A_596 = arith.constant 0 : i32
      %ge3A_597 = vector.broadcast %ge3A_596 : i32 to vector<16xi32>
      %ge3A_598 = arith.cmpi sge, %sub3A_595, %ge3A_597 : vector<16xi32>
      %lt3A_599 = arith.constant 1048576 : i32
      %lt3A_600 = vector.broadcast %lt3A_599 : i32 to vector<16xi32>
      %lt3A_601 = arith.cmpi slt, %sub3A_595, %lt3A_600 : vector<16xi32>
      %and3A_602 = arith.andi %ge3A_598, %lt3A_601 : vector<16xi1>
      %select_n3A_603 = arith.select %and3A_602, %sub3A_595, %add3A_63 : vector<16xi1>, vector<16xi32>
      %mul3A_604 = arith.constant 128 : i32
      %mul3A_605 = arith.muli %scan3A_441, %mul3A_604 : i32
      %add3A_606 = arith.constant 112 : i32
      %add3A_607 = arith.addi %mul3A_605, %add3A_606 : i32
      %swap3A_608 = arith.index_cast %add3A_607 : i32 to index
      %swap3A_609 = tpu.vector_load %arg13[%swap3A_608] {strides = array<i32>} : memref<8192xi32, #tpu.memory_space<vmem>>, vector<16xi32>,
      %swap3A_610 = vector.shape_cast %swap3A_609 : vector<16xi32> to vector<16xi32>
      %swap3A_611 = vector.shape_cast %select_n3A_603 : vector<16xi32> to vector<16xi32>
      tpu.vector_store %arg13[%swap3A_608], %swap3A_611 {strides = array<i32>} : memref<8192xi32, #tpu.memory_space<vmem>>, vector<16xi32>,
      %scan3A_612 = arith.constant 0 : i32
      scf.yield %scan3A_612 : i32
    }
    %scan3A_166 = arith.constant 64 : i32
    %dma_wait3A_167 = arith.constant 0 : i32
    %dma_wait3A_168 = tpu.memref_slice %arg16[%dma_wait3A_167] : memref<1049600xi32, #tpu.memory_space<vmem_shared>> -> memref<1049600xi32, #tpu.memory_space<vmem_shared>>
    tpu.wait_indirect_dma semaphore(%arg19 : memref<!tpu.dma_semaphore, #tpu.memory_space<semaphore_mem>>) src(%arg14 : memref<8192xi32, #tpu.memory_space<vmem>>) dst(%dma_wait3A_168 : memref<1049600xi32, #tpu.memory_space<vmem_shared>>)
    %dma_start3A_169 = arith.constant 0 : i32
    %dma_start3A_170 = tpu.memref_slice %arg16[%dma_start3A_169] : memref<1049600xi32, #tpu.memory_space<vmem_shared>> -> memref<1049600xi32, #tpu.memory_space<vmem_shared>>
    tpu.enqueue_indirect_dma source(%arg14 : memref<8192xi32, #tpu.memory_space<vmem>>) target(%dma_start3A_170 : memref<1049600xi32, #tpu.memory_space<vmem_shared>>) offsets(%arg13 : memref<8192xi32, #tpu.memory_space<vmem>>) semaphore(%arg20 : memref<!tpu.dma_semaphore, #tpu.memory_space<semaphore_mem>>)
    %dma_wait3A_171 = arith.constant 0 : i32
    %dma_wait3A_172 = tpu.memref_slice %arg2[%mul3A_155, %dma_wait3A_171] : memref<12288x128xi32, #tpu.memory_space<hbm>> -> memref<64x128xi32, #tpu.memory_space<hbm>>
    %dma_wait3A_173 = arith.constant 0 : i32
    %dma_wait3A_174 = tpu.memref_slice %arg2[%mul3A_155, %dma_wait3A_173] : memref<12288x128xi32, #tpu.memory_space<hbm>> -> memref<64x128xi32, #tpu.memory_space<hbm>>
    tpu.wait_dma2 semaphore(%arg17 : memref<!tpu.dma_semaphore, #tpu.memory_space<semaphore_mem>>) src(%dma_wait3A_174 : memref<64x128xi32, #tpu.memory_space<hbm>>) dst(%arg10 : memref<64x128xi32, #tpu.memory_space<vmem>>)
    %mul3A_175 = arith.constant 12 : i32
    %mul3A_176 = arith.muli %arg1, %mul3A_175 : i32
    %add3A_177 = arith.constant 5 : i32
    %add3A_178 = arith.addi %mul3A_176, %add3A_177 : i32
    %mul3A_179 = arith.constant 64 : i32
    %mul3A_180 = arith.muli %add3A_178, %mul3A_179 : i32
    %dma_start3A_181 = arith.constant 0 : i32
    %dma_start3A_182 = tpu.memref_slice %arg2[%mul3A_180, %dma_start3A_181] : memref<12288x128xi32, #tpu.memory_space<hbm>> -> memref<64x128xi32, #tpu.memory_space<hbm>>
    %dma_start3A_183 = arith.constant 0 : i32
    %dma_start3A_184 = tpu.memref_slice %arg2[%mul3A_180, %dma_start3A_183] : memref<12288x128xi32, #tpu.memory_space<hbm>> -> memref<64x128xi32, #tpu.memory_space<hbm>>
    tpu.enqueue_dma source(%dma_start3A_184 : memref<64x128xi32, #tpu.memory_space<hbm>>) target(%arg11 : memref<64x128xi32, #tpu.memory_space<vmem>>) target_semaphore(%arg18 : memref<!tpu.dma_semaphore, #tpu.memory_space<semaphore_mem>>)
    %scan3A_185 = arith.constant 0 : i32
    %scan3A_186 = arith.constant 0 : i32
    %scan3A_187 = arith.constant 64 : i32
    %scan3A_188 = arith.addi %scan3A_186, %scan3A_187 : i32
    %scan3A_189 = arith.constant 1 : i32
    %scan3A_190 = scf.for %scan3A_441 = %scan3A_186 to %scan3A_188 step %scan3A_189 iter_args(%scan3A_442 = %scan3A_185) -> (i32)  : i32 {
      %get3A = arith.index_cast %scan3A_441 : i32 to index
      %get3A_443 = arith.constant 0 : index
      %get3A_444 = tpu.vector_load %arg10[%get3A, %get3A_443] {strides = array<i32>} : memref<64x128xi32, #tpu.memory_space<vmem>>, vector<1x16xi32>,
      %get3A_445 = vector.shape_cast %get3A_444 : vector<1x16xi32> to vector<16xi32>
      %sub3A = vector.broadcast %mul3A_0 : i32 to vector<16xi32>
      %sub3A_446 = arith.subi %get3A_445, %sub3A : vector<16xi32>
      %ge3A = arith.constant 0 : i32
      %ge3A_447 = vector.broadcast %ge3A : i32 to vector<16xi32>
      %ge3A_448 = arith.cmpi sge, %sub3A_446, %ge3A_447 : vector<16xi32>
      %lt3A = arith.constant 1048576 : i32
      %lt3A_449 = vector.broadcast %lt3A : i32 to vector<16xi32>
      %lt3A_450 = arith.cmpi slt, %sub3A_446, %lt3A_449 : vector<16xi32>
      %and3A = arith.andi %ge3A_448, %lt3A_450 : vector<16xi1>
      %select_n3A = arith.select %and3A, %sub3A_446, %add3A_7 : vector<16xi1>, vector<16xi32>
      %mul3A_451 = arith.constant 128 : i32
      %mul3A_452 = arith.muli %scan3A_441, %mul3A_451 : i32
      %add3A_453 = arith.constant 0 : i32
      %add3A_454 = arith.addi %mul3A_452, %add3A_453 : i32
      %swap3A = arith.index_cast %add3A_454 : i32 to index
      %swap3A_455 = tpu.vector_load %arg12[%swap3A] {strides = array<i32>} : memref<8192xi32, #tpu.memory_space<vmem>>, vector<16xi32>,
      %swap3A_456 = vector.shape_cast %swap3A_455 : vector<16xi32> to vector<16xi32>
      %swap3A_457 = vector.shape_cast %select_n3A : vector<16xi32> to vector<16xi32>
      tpu.vector_store %arg12[%swap3A], %swap3A_457 {strides = array<i32>} : memref<8192xi32, #tpu.memory_space<vmem>>, vector<16xi32>,
      %get3A_458 = arith.index_cast %scan3A_441 : i32 to index
      %get3A_459 = arith.constant 16 : index
      %get3A_460 = tpu.vector_load %arg10[%get3A_458, %get3A_459] {strides = array<i32>} : memref<64x128xi32, #tpu.memory_space<vmem>>, vector<1x16xi32>,
      %get3A_461 = vector.shape_cast %get3A_460 : vector<1x16xi32> to vector<16xi32>
      %sub3A_462 = vector.broadcast %mul3A_0 : i32 to vector<16xi32>
      %sub3A_463 = arith.subi %get3A_461, %sub3A_462 : vector<16xi32>
      %ge3A_464 = arith.constant 0 : i32
      %ge3A_465 = vector.broadcast %ge3A_464 : i32 to vector<16xi32>
      %ge3A_466 = arith.cmpi sge, %sub3A_463, %ge3A_465 : vector<16xi32>
      %lt3A_467 = arith.constant 1048576 : i32
      %lt3A_468 = vector.broadcast %lt3A_467 : i32 to vector<16xi32>
      %lt3A_469 = arith.cmpi slt, %sub3A_463, %lt3A_468 : vector<16xi32>
      %and3A_470 = arith.andi %ge3A_466, %lt3A_469 : vector<16xi1>
      %select_n3A_471 = arith.select %and3A_470, %sub3A_463, %add3A_15 : vector<16xi1>, vector<16xi32>
      %mul3A_472 = arith.constant 128 : i32
      %mul3A_473 = arith.muli %scan3A_441, %mul3A_472 : i32
      %add3A_474 = arith.constant 16 : i32
      %add3A_475 = arith.addi %mul3A_473, %add3A_474 : i32
      %swap3A_476 = arith.index_cast %add3A_475 : i32 to index
      %swap3A_477 = tpu.vector_load %arg12[%swap3A_476] {strides = array<i32>} : memref<8192xi32, #tpu.memory_space<vmem>>, vector<16xi32>,
      %swap3A_478 = vector.shape_cast %swap3A_477 : vector<16xi32> to vector<16xi32>
      %swap3A_479 = vector.shape_cast %select_n3A_471 : vector<16xi32> to vector<16xi32>
      tpu.vector_store %arg12[%swap3A_476], %swap3A_479 {strides = array<i32>} : memref<8192xi32, #tpu.memory_space<vmem>>, vector<16xi32>,
      %get3A_480 = arith.index_cast %scan3A_441 : i32 to index
      %get3A_481 = arith.constant 32 : index
      %get3A_482 = tpu.vector_load %arg10[%get3A_480, %get3A_481] {strides = array<i32>} : memref<64x128xi32, #tpu.memory_space<vmem>>, vector<1x16xi32>,
      %get3A_483 = vector.shape_cast %get3A_482 : vector<1x16xi32> to vector<16xi32>
      %sub3A_484 = vector.broadcast %mul3A_0 : i32 to vector<16xi32>
      %sub3A_485 = arith.subi %get3A_483, %sub3A_484 : vector<16xi32>
      %ge3A_486 = arith.constant 0 : i32
      %ge3A_487 = vector.broadcast %ge3A_486 : i32 to vector<16xi32>
      %ge3A_488 = arith.cmpi sge, %sub3A_485, %ge3A_487 : vector<16xi32>
      %lt3A_489 = arith.constant 1048576 : i32
      %lt3A_490 = vector.broadcast %lt3A_489 : i32 to vector<16xi32>
      %lt3A_491 = arith.cmpi slt, %sub3A_485, %lt3A_490 : vector<16xi32>
      %and3A_492 = arith.andi %ge3A_488, %lt3A_491 : vector<16xi1>
      %select_n3A_493 = arith.select %and3A_492, %sub3A_485, %add3A_23 : vector<16xi1>, vector<16xi32>
      %mul3A_494 = arith.constant 128 : i32
      %mul3A_495 = arith.muli %scan3A_441, %mul3A_494 : i32
      %add3A_496 = arith.constant 32 : i32
      %add3A_497 = arith.addi %mul3A_495, %add3A_496 : i32
      %swap3A_498 = arith.index_cast %add3A_497 : i32 to index
      %swap3A_499 = tpu.vector_load %arg12[%swap3A_498] {strides = array<i32>} : memref<8192xi32, #tpu.memory_space<vmem>>, vector<16xi32>,
      %swap3A_500 = vector.shape_cast %swap3A_499 : vector<16xi32> to vector<16xi32>
      %swap3A_501 = vector.shape_cast %select_n3A_493 : vector<16xi32> to vector<16xi32>
      tpu.vector_store %arg12[%swap3A_498], %swap3A_501 {strides = array<i32>} : memref<8192xi32, #tpu.memory_space<vmem>>, vector<16xi32>,
      %get3A_502 = arith.index_cast %scan3A_441 : i32 to index
      %get3A_503 = arith.constant 48 : index
      %get3A_504 = tpu.vector_load %arg10[%get3A_502, %get3A_503] {strides = array<i32>} : memref<64x128xi32, #tpu.memory_space<vmem>>, vector<1x16xi32>,
      %get3A_505 = vector.shape_cast %get3A_504 : vector<1x16xi32> to vector<16xi32>
      %sub3A_506 = vector.broadcast %mul3A_0 : i32 to vector<16xi32>
      %sub3A_507 = arith.subi %get3A_505, %sub3A_506 : vector<16xi32>
      %ge3A_508 = arith.constant 0 : i32
      %ge3A_509 = vector.broadcast %ge3A_508 : i32 to vector<16xi32>
      %ge3A_510 = arith.cmpi sge, %sub3A_507, %ge3A_509 : vector<16xi32>
      %lt3A_511 = arith.constant 1048576 : i32
      %lt3A_512 = vector.broadcast %lt3A_511 : i32 to vector<16xi32>
      %lt3A_513 = arith.cmpi slt, %sub3A_507, %lt3A_512 : vector<16xi32>
      %and3A_514 = arith.andi %ge3A_510, %lt3A_513 : vector<16xi1>
      %select_n3A_515 = arith.select %and3A_514, %sub3A_507, %add3A_31 : vector<16xi1>, vector<16xi32>
      %mul3A_516 = arith.constant 128 : i32
      %mul3A_517 = arith.muli %scan3A_441, %mul3A_516 : i32
      %add3A_518 = arith.constant 48 : i32
      %add3A_519 = arith.addi %mul3A_517, %add3A_518 : i32
      %swap3A_520 = arith.index_cast %add3A_519 : i32 to index
      %swap3A_521 = tpu.vector_load %arg12[%swap3A_520] {strides = array<i32>} : memref<8192xi32, #tpu.memory_space<vmem>>, vector<16xi32>,
      %swap3A_522 = vector.shape_cast %swap3A_521 : vector<16xi32> to vector<16xi32>
      %swap3A_523 = vector.shape_cast %select_n3A_515 : vector<16xi32> to vector<16xi32>
      tpu.vector_store %arg12[%swap3A_520], %swap3A_523 {strides = array<i32>} : memref<8192xi32, #tpu.memory_space<vmem>>, vector<16xi32>,
      %get3A_524 = arith.index_cast %scan3A_441 : i32 to index
      %get3A_525 = arith.constant 64 : index
      %get3A_526 = tpu.vector_load %arg10[%get3A_524, %get3A_525] {strides = array<i32>} : memref<64x128xi32, #tpu.memory_space<vmem>>, vector<1x16xi32>,
      %get3A_527 = vector.shape_cast %get3A_526 : vector<1x16xi32> to vector<16xi32>
      %sub3A_528 = vector.broadcast %mul3A_0 : i32 to vector<16xi32>
      %sub3A_529 = arith.subi %get3A_527, %sub3A_528 : vector<16xi32>
      %ge3A_530 = arith.constant 0 : i32
      %ge3A_531 = vector.broadcast %ge3A_530 : i32 to vector<16xi32>
      %ge3A_532 = arith.cmpi sge, %sub3A_529, %ge3A_531 : vector<16xi32>
      %lt3A_533 = arith.constant 1048576 : i32
      %lt3A_534 = vector.broadcast %lt3A_533 : i32 to vector<16xi32>
      %lt3A_535 = arith.cmpi slt, %sub3A_529, %lt3A_534 : vector<16xi32>
      %and3A_536 = arith.andi %ge3A_532, %lt3A_535 : vector<16xi1>
      %select_n3A_537 = arith.select %and3A_536, %sub3A_529, %add3A_39 : vector<16xi1>, vector<16xi32>
      %mul3A_538 = arith.constant 128 : i32
      %mul3A_539 = arith.muli %scan3A_441, %mul3A_538 : i32
      %add3A_540 = arith.constant 64 : i32
      %add3A_541 = arith.addi %mul3A_539, %add3A_540 : i32
      %swap3A_542 = arith.index_cast %add3A_541 : i32 to index
      %swap3A_543 = tpu.vector_load %arg12[%swap3A_542] {strides = array<i32>} : memref<8192xi32, #tpu.memory_space<vmem>>, vector<16xi32>,
      %swap3A_544 = vector.shape_cast %swap3A_543 : vector<16xi32> to vector<16xi32>
      %swap3A_545 = vector.shape_cast %select_n3A_537 : vector<16xi32> to vector<16xi32>
      tpu.vector_store %arg12[%swap3A_542], %swap3A_545 {strides = array<i32>} : memref<8192xi32, #tpu.memory_space<vmem>>, vector<16xi32>,
      %get3A_546 = arith.index_cast %scan3A_441 : i32 to index
      %get3A_547 = arith.constant 80 : index
      %get3A_548 = tpu.vector_load %arg10[%get3A_546, %get3A_547] {strides = array<i32>} : memref<64x128xi32, #tpu.memory_space<vmem>>, vector<1x16xi32>,
      %get3A_549 = vector.shape_cast %get3A_548 : vector<1x16xi32> to vector<16xi32>
      %sub3A_550 = vector.broadcast %mul3A_0 : i32 to vector<16xi32>
      %sub3A_551 = arith.subi %get3A_549, %sub3A_550 : vector<16xi32>
      %ge3A_552 = arith.constant 0 : i32
      %ge3A_553 = vector.broadcast %ge3A_552 : i32 to vector<16xi32>
      %ge3A_554 = arith.cmpi sge, %sub3A_551, %ge3A_553 : vector<16xi32>
      %lt3A_555 = arith.constant 1048576 : i32
      %lt3A_556 = vector.broadcast %lt3A_555 : i32 to vector<16xi32>
      %lt3A_557 = arith.cmpi slt, %sub3A_551, %lt3A_556 : vector<16xi32>
      %and3A_558 = arith.andi %ge3A_554, %lt3A_557 : vector<16xi1>
      %select_n3A_559 = arith.select %and3A_558, %sub3A_551, %add3A_47 : vector<16xi1>, vector<16xi32>
      %mul3A_560 = arith.constant 128 : i32
      %mul3A_561 = arith.muli %scan3A_441, %mul3A_560 : i32
      %add3A_562 = arith.constant 80 : i32
      %add3A_563 = arith.addi %mul3A_561, %add3A_562 : i32
      %swap3A_564 = arith.index_cast %add3A_563 : i32 to index
      %swap3A_565 = tpu.vector_load %arg12[%swap3A_564] {strides = array<i32>} : memref<8192xi32, #tpu.memory_space<vmem>>, vector<16xi32>,
      %swap3A_566 = vector.shape_cast %swap3A_565 : vector<16xi32> to vector<16xi32>
      %swap3A_567 = vector.shape_cast %select_n3A_559 : vector<16xi32> to vector<16xi32>
      tpu.vector_store %arg12[%swap3A_564], %swap3A_567 {strides = array<i32>} : memref<8192xi32, #tpu.memory_space<vmem>>, vector<16xi32>,
      %get3A_568 = arith.index_cast %scan3A_441 : i32 to index
      %get3A_569 = arith.constant 96 : index
      %get3A_570 = tpu.vector_load %arg10[%get3A_568, %get3A_569] {strides = array<i32>} : memref<64x128xi32, #tpu.memory_space<vmem>>, vector<1x16xi32>,
      %get3A_571 = vector.shape_cast %get3A_570 : vector<1x16xi32> to vector<16xi32>
      %sub3A_572 = vector.broadcast %mul3A_0 : i32 to vector<16xi32>
      %sub3A_573 = arith.subi %get3A_571, %sub3A_572 : vector<16xi32>
      %ge3A_574 = arith.constant 0 : i32
      %ge3A_575 = vector.broadcast %ge3A_574 : i32 to vector<16xi32>
      %ge3A_576 = arith.cmpi sge, %sub3A_573, %ge3A_575 : vector<16xi32>
      %lt3A_577 = arith.constant 1048576 : i32
      %lt3A_578 = vector.broadcast %lt3A_577 : i32 to vector<16xi32>
      %lt3A_579 = arith.cmpi slt, %sub3A_573, %lt3A_578 : vector<16xi32>
      %and3A_580 = arith.andi %ge3A_576, %lt3A_579 : vector<16xi1>
      %select_n3A_581 = arith.select %and3A_580, %sub3A_573, %add3A_55 : vector<16xi1>, vector<16xi32>
      %mul3A_582 = arith.constant 128 : i32
      %mul3A_583 = arith.muli %scan3A_441, %mul3A_582 : i32
      %add3A_584 = arith.constant 96 : i32
      %add3A_585 = arith.addi %mul3A_583, %add3A_584 : i32
      %swap3A_586 = arith.index_cast %add3A_585 : i32 to index
      %swap3A_587 = tpu.vector_load %arg12[%swap3A_586] {strides = array<i32>} : memref<8192xi32, #tpu.memory_space<vmem>>, vector<16xi32>,
      %swap3A_588 = vector.shape_cast %swap3A_587 : vector<16xi32> to vector<16xi32>
      %swap3A_589 = vector.shape_cast %select_n3A_581 : vector<16xi32> to vector<16xi32>
      tpu.vector_store %arg12[%swap3A_586], %swap3A_589 {strides = array<i32>} : memref<8192xi32, #tpu.memory_space<vmem>>, vector<16xi32>,
      %get3A_590 = arith.index_cast %scan3A_441 : i32 to index
      %get3A_591 = arith.constant 112 : index
      %get3A_592 = tpu.vector_load %arg10[%get3A_590, %get3A_591] {strides = array<i32>} : memref<64x128xi32, #tpu.memory_space<vmem>>, vector<1x16xi32>,
      %get3A_593 = vector.shape_cast %get3A_592 : vector<1x16xi32> to vector<16xi32>
      %sub3A_594 = vector.broadcast %mul3A_0 : i32 to vector<16xi32>
      %sub3A_595 = arith.subi %get3A_593, %sub3A_594 : vector<16xi32>
      %ge3A_596 = arith.constant 0 : i32
      %ge3A_597 = vector.broadcast %ge3A_596 : i32 to vector<16xi32>
      %ge3A_598 = arith.cmpi sge, %sub3A_595, %ge3A_597 : vector<16xi32>
      %lt3A_599 = arith.constant 1048576 : i32
      %lt3A_600 = vector.broadcast %lt3A_599 : i32 to vector<16xi32>
      %lt3A_601 = arith.cmpi slt, %sub3A_595, %lt3A_600 : vector<16xi32>
      %and3A_602 = arith.andi %ge3A_598, %lt3A_601 : vector<16xi1>
      %select_n3A_603 = arith.select %and3A_602, %sub3A_595, %add3A_63 : vector<16xi1>, vector<16xi32>
      %mul3A_604 = arith.constant 128 : i32
      %mul3A_605 = arith.muli %scan3A_441, %mul3A_604 : i32
      %add3A_606 = arith.constant 112 : i32
      %add3A_607 = arith.addi %mul3A_605, %add3A_606 : i32
      %swap3A_608 = arith.index_cast %add3A_607 : i32 to index
      %swap3A_609 = tpu.vector_load %arg12[%swap3A_608] {strides = array<i32>} : memref<8192xi32, #tpu.memory_space<vmem>>, vector<16xi32>,
      %swap3A_610 = vector.shape_cast %swap3A_609 : vector<16xi32> to vector<16xi32>
      %swap3A_611 = vector.shape_cast %select_n3A_603 : vector<16xi32> to vector<16xi32>
      tpu.vector_store %arg12[%swap3A_608], %swap3A_611 {strides = array<i32>} : memref<8192xi32, #tpu.memory_space<vmem>>, vector<16xi32>,
      %scan3A_612 = arith.constant 0 : i32
      scf.yield %scan3A_612 : i32
    }
    %scan3A_191 = arith.constant 64 : i32
    %dma_wait3A_192 = arith.constant 0 : i32
    %dma_wait3A_193 = tpu.memref_slice %arg16[%dma_wait3A_192] : memref<1049600xi32, #tpu.memory_space<vmem_shared>> -> memref<1049600xi32, #tpu.memory_space<vmem_shared>>
    tpu.wait_indirect_dma semaphore(%arg20 : memref<!tpu.dma_semaphore, #tpu.memory_space<semaphore_mem>>) src(%arg14 : memref<8192xi32, #tpu.memory_space<vmem>>) dst(%dma_wait3A_193 : memref<1049600xi32, #tpu.memory_space<vmem_shared>>)
    %dma_start3A_194 = arith.constant 0 : i32
    %dma_start3A_195 = tpu.memref_slice %arg16[%dma_start3A_194] : memref<1049600xi32, #tpu.memory_space<vmem_shared>> -> memref<1049600xi32, #tpu.memory_space<vmem_shared>>
    tpu.enqueue_indirect_dma source(%arg14 : memref<8192xi32, #tpu.memory_space<vmem>>) target(%dma_start3A_195 : memref<1049600xi32, #tpu.memory_space<vmem_shared>>) offsets(%arg12 : memref<8192xi32, #tpu.memory_space<vmem>>) semaphore(%arg19 : memref<!tpu.dma_semaphore, #tpu.memory_space<semaphore_mem>>)
    %dma_wait3A_196 = arith.constant 0 : i32
    %dma_wait3A_197 = tpu.memref_slice %arg2[%mul3A_180, %dma_wait3A_196] : memref<12288x128xi32, #tpu.memory_space<hbm>> -> memref<64x128xi32, #tpu.memory_space<hbm>>
    %dma_wait3A_198 = arith.constant 0 : i32
    %dma_wait3A_199 = tpu.memref_slice %arg2[%mul3A_180, %dma_wait3A_198] : memref<12288x128xi32, #tpu.memory_space<hbm>> -> memref<64x128xi32, #tpu.memory_space<hbm>>
    tpu.wait_dma2 semaphore(%arg18 : memref<!tpu.dma_semaphore, #tpu.memory_space<semaphore_mem>>) src(%dma_wait3A_199 : memref<64x128xi32, #tpu.memory_space<hbm>>) dst(%arg11 : memref<64x128xi32, #tpu.memory_space<vmem>>)
    %mul3A_200 = arith.constant 12 : i32
    %mul3A_201 = arith.muli %arg1, %mul3A_200 : i32
    %add3A_202 = arith.constant 6 : i32
    %add3A_203 = arith.addi %mul3A_201, %add3A_202 : i32
    %mul3A_204 = arith.constant 64 : i32
    %mul3A_205 = arith.muli %add3A_203, %mul3A_204 : i32
    %dma_start3A_206 = arith.constant 0 : i32
    %dma_start3A_207 = tpu.memref_slice %arg2[%mul3A_205, %dma_start3A_206] : memref<12288x128xi32, #tpu.memory_space<hbm>> -> memref<64x128xi32, #tpu.memory_space<hbm>>
    %dma_start3A_208 = arith.constant 0 : i32
    %dma_start3A_209 = tpu.memref_slice %arg2[%mul3A_205, %dma_start3A_208] : memref<12288x128xi32, #tpu.memory_space<hbm>> -> memref<64x128xi32, #tpu.memory_space<hbm>>
    tpu.enqueue_dma source(%dma_start3A_209 : memref<64x128xi32, #tpu.memory_space<hbm>>) target(%arg10 : memref<64x128xi32, #tpu.memory_space<vmem>>) target_semaphore(%arg17 : memref<!tpu.dma_semaphore, #tpu.memory_space<semaphore_mem>>)
    %scan3A_210 = arith.constant 0 : i32
    %scan3A_211 = arith.constant 0 : i32
    %scan3A_212 = arith.constant 64 : i32
    %scan3A_213 = arith.addi %scan3A_211, %scan3A_212 : i32
    %scan3A_214 = arith.constant 1 : i32
    %scan3A_215 = scf.for %scan3A_441 = %scan3A_211 to %scan3A_213 step %scan3A_214 iter_args(%scan3A_442 = %scan3A_210) -> (i32)  : i32 {
      %get3A = arith.index_cast %scan3A_441 : i32 to index
      %get3A_443 = arith.constant 0 : index
      %get3A_444 = tpu.vector_load %arg11[%get3A, %get3A_443] {strides = array<i32>} : memref<64x128xi32, #tpu.memory_space<vmem>>, vector<1x16xi32>,
      %get3A_445 = vector.shape_cast %get3A_444 : vector<1x16xi32> to vector<16xi32>
      %sub3A = vector.broadcast %mul3A_0 : i32 to vector<16xi32>
      %sub3A_446 = arith.subi %get3A_445, %sub3A : vector<16xi32>
      %ge3A = arith.constant 0 : i32
      %ge3A_447 = vector.broadcast %ge3A : i32 to vector<16xi32>
      %ge3A_448 = arith.cmpi sge, %sub3A_446, %ge3A_447 : vector<16xi32>
      %lt3A = arith.constant 1048576 : i32
      %lt3A_449 = vector.broadcast %lt3A : i32 to vector<16xi32>
      %lt3A_450 = arith.cmpi slt, %sub3A_446, %lt3A_449 : vector<16xi32>
      %and3A = arith.andi %ge3A_448, %lt3A_450 : vector<16xi1>
      %select_n3A = arith.select %and3A, %sub3A_446, %add3A_7 : vector<16xi1>, vector<16xi32>
      %mul3A_451 = arith.constant 128 : i32
      %mul3A_452 = arith.muli %scan3A_441, %mul3A_451 : i32
      %add3A_453 = arith.constant 0 : i32
      %add3A_454 = arith.addi %mul3A_452, %add3A_453 : i32
      %swap3A = arith.index_cast %add3A_454 : i32 to index
      %swap3A_455 = tpu.vector_load %arg13[%swap3A] {strides = array<i32>} : memref<8192xi32, #tpu.memory_space<vmem>>, vector<16xi32>,
      %swap3A_456 = vector.shape_cast %swap3A_455 : vector<16xi32> to vector<16xi32>
      %swap3A_457 = vector.shape_cast %select_n3A : vector<16xi32> to vector<16xi32>
      tpu.vector_store %arg13[%swap3A], %swap3A_457 {strides = array<i32>} : memref<8192xi32, #tpu.memory_space<vmem>>, vector<16xi32>,
      %get3A_458 = arith.index_cast %scan3A_441 : i32 to index
      %get3A_459 = arith.constant 16 : index
      %get3A_460 = tpu.vector_load %arg11[%get3A_458, %get3A_459] {strides = array<i32>} : memref<64x128xi32, #tpu.memory_space<vmem>>, vector<1x16xi32>,
      %get3A_461 = vector.shape_cast %get3A_460 : vector<1x16xi32> to vector<16xi32>
      %sub3A_462 = vector.broadcast %mul3A_0 : i32 to vector<16xi32>
      %sub3A_463 = arith.subi %get3A_461, %sub3A_462 : vector<16xi32>
      %ge3A_464 = arith.constant 0 : i32
      %ge3A_465 = vector.broadcast %ge3A_464 : i32 to vector<16xi32>
      %ge3A_466 = arith.cmpi sge, %sub3A_463, %ge3A_465 : vector<16xi32>
      %lt3A_467 = arith.constant 1048576 : i32
      %lt3A_468 = vector.broadcast %lt3A_467 : i32 to vector<16xi32>
      %lt3A_469 = arith.cmpi slt, %sub3A_463, %lt3A_468 : vector<16xi32>
      %and3A_470 = arith.andi %ge3A_466, %lt3A_469 : vector<16xi1>
      %select_n3A_471 = arith.select %and3A_470, %sub3A_463, %add3A_15 : vector<16xi1>, vector<16xi32>
      %mul3A_472 = arith.constant 128 : i32
      %mul3A_473 = arith.muli %scan3A_441, %mul3A_472 : i32
      %add3A_474 = arith.constant 16 : i32
      %add3A_475 = arith.addi %mul3A_473, %add3A_474 : i32
      %swap3A_476 = arith.index_cast %add3A_475 : i32 to index
      %swap3A_477 = tpu.vector_load %arg13[%swap3A_476] {strides = array<i32>} : memref<8192xi32, #tpu.memory_space<vmem>>, vector<16xi32>,
      %swap3A_478 = vector.shape_cast %swap3A_477 : vector<16xi32> to vector<16xi32>
      %swap3A_479 = vector.shape_cast %select_n3A_471 : vector<16xi32> to vector<16xi32>
      tpu.vector_store %arg13[%swap3A_476], %swap3A_479 {strides = array<i32>} : memref<8192xi32, #tpu.memory_space<vmem>>, vector<16xi32>,
      %get3A_480 = arith.index_cast %scan3A_441 : i32 to index
      %get3A_481 = arith.constant 32 : index
      %get3A_482 = tpu.vector_load %arg11[%get3A_480, %get3A_481] {strides = array<i32>} : memref<64x128xi32, #tpu.memory_space<vmem>>, vector<1x16xi32>,
      %get3A_483 = vector.shape_cast %get3A_482 : vector<1x16xi32> to vector<16xi32>
      %sub3A_484 = vector.broadcast %mul3A_0 : i32 to vector<16xi32>
      %sub3A_485 = arith.subi %get3A_483, %sub3A_484 : vector<16xi32>
      %ge3A_486 = arith.constant 0 : i32
      %ge3A_487 = vector.broadcast %ge3A_486 : i32 to vector<16xi32>
      %ge3A_488 = arith.cmpi sge, %sub3A_485, %ge3A_487 : vector<16xi32>
      %lt3A_489 = arith.constant 1048576 : i32
      %lt3A_490 = vector.broadcast %lt3A_489 : i32 to vector<16xi32>
      %lt3A_491 = arith.cmpi slt, %sub3A_485, %lt3A_490 : vector<16xi32>
      %and3A_492 = arith.andi %ge3A_488, %lt3A_491 : vector<16xi1>
      %select_n3A_493 = arith.select %and3A_492, %sub3A_485, %add3A_23 : vector<16xi1>, vector<16xi32>
      %mul3A_494 = arith.constant 128 : i32
      %mul3A_495 = arith.muli %scan3A_441, %mul3A_494 : i32
      %add3A_496 = arith.constant 32 : i32
      %add3A_497 = arith.addi %mul3A_495, %add3A_496 : i32
      %swap3A_498 = arith.index_cast %add3A_497 : i32 to index
      %swap3A_499 = tpu.vector_load %arg13[%swap3A_498] {strides = array<i32>} : memref<8192xi32, #tpu.memory_space<vmem>>, vector<16xi32>,
      %swap3A_500 = vector.shape_cast %swap3A_499 : vector<16xi32> to vector<16xi32>
      %swap3A_501 = vector.shape_cast %select_n3A_493 : vector<16xi32> to vector<16xi32>
      tpu.vector_store %arg13[%swap3A_498], %swap3A_501 {strides = array<i32>} : memref<8192xi32, #tpu.memory_space<vmem>>, vector<16xi32>,
      %get3A_502 = arith.index_cast %scan3A_441 : i32 to index
      %get3A_503 = arith.constant 48 : index
      %get3A_504 = tpu.vector_load %arg11[%get3A_502, %get3A_503] {strides = array<i32>} : memref<64x128xi32, #tpu.memory_space<vmem>>, vector<1x16xi32>,
      %get3A_505 = vector.shape_cast %get3A_504 : vector<1x16xi32> to vector<16xi32>
      %sub3A_506 = vector.broadcast %mul3A_0 : i32 to vector<16xi32>
      %sub3A_507 = arith.subi %get3A_505, %sub3A_506 : vector<16xi32>
      %ge3A_508 = arith.constant 0 : i32
      %ge3A_509 = vector.broadcast %ge3A_508 : i32 to vector<16xi32>
      %ge3A_510 = arith.cmpi sge, %sub3A_507, %ge3A_509 : vector<16xi32>
      %lt3A_511 = arith.constant 1048576 : i32
      %lt3A_512 = vector.broadcast %lt3A_511 : i32 to vector<16xi32>
      %lt3A_513 = arith.cmpi slt, %sub3A_507, %lt3A_512 : vector<16xi32>
      %and3A_514 = arith.andi %ge3A_510, %lt3A_513 : vector<16xi1>
      %select_n3A_515 = arith.select %and3A_514, %sub3A_507, %add3A_31 : vector<16xi1>, vector<16xi32>
      %mul3A_516 = arith.constant 128 : i32
      %mul3A_517 = arith.muli %scan3A_441, %mul3A_516 : i32
      %add3A_518 = arith.constant 48 : i32
      %add3A_519 = arith.addi %mul3A_517, %add3A_518 : i32
      %swap3A_520 = arith.index_cast %add3A_519 : i32 to index
      %swap3A_521 = tpu.vector_load %arg13[%swap3A_520] {strides = array<i32>} : memref<8192xi32, #tpu.memory_space<vmem>>, vector<16xi32>,
      %swap3A_522 = vector.shape_cast %swap3A_521 : vector<16xi32> to vector<16xi32>
      %swap3A_523 = vector.shape_cast %select_n3A_515 : vector<16xi32> to vector<16xi32>
      tpu.vector_store %arg13[%swap3A_520], %swap3A_523 {strides = array<i32>} : memref<8192xi32, #tpu.memory_space<vmem>>, vector<16xi32>,
      %get3A_524 = arith.index_cast %scan3A_441 : i32 to index
      %get3A_525 = arith.constant 64 : index
      %get3A_526 = tpu.vector_load %arg11[%get3A_524, %get3A_525] {strides = array<i32>} : memref<64x128xi32, #tpu.memory_space<vmem>>, vector<1x16xi32>,
      %get3A_527 = vector.shape_cast %get3A_526 : vector<1x16xi32> to vector<16xi32>
      %sub3A_528 = vector.broadcast %mul3A_0 : i32 to vector<16xi32>
      %sub3A_529 = arith.subi %get3A_527, %sub3A_528 : vector<16xi32>
      %ge3A_530 = arith.constant 0 : i32
      %ge3A_531 = vector.broadcast %ge3A_530 : i32 to vector<16xi32>
      %ge3A_532 = arith.cmpi sge, %sub3A_529, %ge3A_531 : vector<16xi32>
      %lt3A_533 = arith.constant 1048576 : i32
      %lt3A_534 = vector.broadcast %lt3A_533 : i32 to vector<16xi32>
      %lt3A_535 = arith.cmpi slt, %sub3A_529, %lt3A_534 : vector<16xi32>
      %and3A_536 = arith.andi %ge3A_532, %lt3A_535 : vector<16xi1>
      %select_n3A_537 = arith.select %and3A_536, %sub3A_529, %add3A_39 : vector<16xi1>, vector<16xi32>
      %mul3A_538 = arith.constant 128 : i32
      %mul3A_539 = arith.muli %scan3A_441, %mul3A_538 : i32
      %add3A_540 = arith.constant 64 : i32
      %add3A_541 = arith.addi %mul3A_539, %add3A_540 : i32
      %swap3A_542 = arith.index_cast %add3A_541 : i32 to index
      %swap3A_543 = tpu.vector_load %arg13[%swap3A_542] {strides = array<i32>} : memref<8192xi32, #tpu.memory_space<vmem>>, vector<16xi32>,
      %swap3A_544 = vector.shape_cast %swap3A_543 : vector<16xi32> to vector<16xi32>
      %swap3A_545 = vector.shape_cast %select_n3A_537 : vector<16xi32> to vector<16xi32>
      tpu.vector_store %arg13[%swap3A_542], %swap3A_545 {strides = array<i32>} : memref<8192xi32, #tpu.memory_space<vmem>>, vector<16xi32>,
      %get3A_546 = arith.index_cast %scan3A_441 : i32 to index
      %get3A_547 = arith.constant 80 : index
      %get3A_548 = tpu.vector_load %arg11[%get3A_546, %get3A_547] {strides = array<i32>} : memref<64x128xi32, #tpu.memory_space<vmem>>, vector<1x16xi32>,
      %get3A_549 = vector.shape_cast %get3A_548 : vector<1x16xi32> to vector<16xi32>
      %sub3A_550 = vector.broadcast %mul3A_0 : i32 to vector<16xi32>
      %sub3A_551 = arith.subi %get3A_549, %sub3A_550 : vector<16xi32>
      %ge3A_552 = arith.constant 0 : i32
      %ge3A_553 = vector.broadcast %ge3A_552 : i32 to vector<16xi32>
      %ge3A_554 = arith.cmpi sge, %sub3A_551, %ge3A_553 : vector<16xi32>
      %lt3A_555 = arith.constant 1048576 : i32
      %lt3A_556 = vector.broadcast %lt3A_555 : i32 to vector<16xi32>
      %lt3A_557 = arith.cmpi slt, %sub3A_551, %lt3A_556 : vector<16xi32>
      %and3A_558 = arith.andi %ge3A_554, %lt3A_557 : vector<16xi1>
      %select_n3A_559 = arith.select %and3A_558, %sub3A_551, %add3A_47 : vector<16xi1>, vector<16xi32>
      %mul3A_560 = arith.constant 128 : i32
      %mul3A_561 = arith.muli %scan3A_441, %mul3A_560 : i32
      %add3A_562 = arith.constant 80 : i32
      %add3A_563 = arith.addi %mul3A_561, %add3A_562 : i32
      %swap3A_564 = arith.index_cast %add3A_563 : i32 to index
      %swap3A_565 = tpu.vector_load %arg13[%swap3A_564] {strides = array<i32>} : memref<8192xi32, #tpu.memory_space<vmem>>, vector<16xi32>,
      %swap3A_566 = vector.shape_cast %swap3A_565 : vector<16xi32> to vector<16xi32>
      %swap3A_567 = vector.shape_cast %select_n3A_559 : vector<16xi32> to vector<16xi32>
      tpu.vector_store %arg13[%swap3A_564], %swap3A_567 {strides = array<i32>} : memref<8192xi32, #tpu.memory_space<vmem>>, vector<16xi32>,
      %get3A_568 = arith.index_cast %scan3A_441 : i32 to index
      %get3A_569 = arith.constant 96 : index
      %get3A_570 = tpu.vector_load %arg11[%get3A_568, %get3A_569] {strides = array<i32>} : memref<64x128xi32, #tpu.memory_space<vmem>>, vector<1x16xi32>,
      %get3A_571 = vector.shape_cast %get3A_570 : vector<1x16xi32> to vector<16xi32>
      %sub3A_572 = vector.broadcast %mul3A_0 : i32 to vector<16xi32>
      %sub3A_573 = arith.subi %get3A_571, %sub3A_572 : vector<16xi32>
      %ge3A_574 = arith.constant 0 : i32
      %ge3A_575 = vector.broadcast %ge3A_574 : i32 to vector<16xi32>
      %ge3A_576 = arith.cmpi sge, %sub3A_573, %ge3A_575 : vector<16xi32>
      %lt3A_577 = arith.constant 1048576 : i32
      %lt3A_578 = vector.broadcast %lt3A_577 : i32 to vector<16xi32>
      %lt3A_579 = arith.cmpi slt, %sub3A_573, %lt3A_578 : vector<16xi32>
      %and3A_580 = arith.andi %ge3A_576, %lt3A_579 : vector<16xi1>
      %select_n3A_581 = arith.select %and3A_580, %sub3A_573, %add3A_55 : vector<16xi1>, vector<16xi32>
      %mul3A_582 = arith.constant 128 : i32
      %mul3A_583 = arith.muli %scan3A_441, %mul3A_582 : i32
      %add3A_584 = arith.constant 96 : i32
      %add3A_585 = arith.addi %mul3A_583, %add3A_584 : i32
      %swap3A_586 = arith.index_cast %add3A_585 : i32 to index
      %swap3A_587 = tpu.vector_load %arg13[%swap3A_586] {strides = array<i32>} : memref<8192xi32, #tpu.memory_space<vmem>>, vector<16xi32>,
      %swap3A_588 = vector.shape_cast %swap3A_587 : vector<16xi32> to vector<16xi32>
      %swap3A_589 = vector.shape_cast %select_n3A_581 : vector<16xi32> to vector<16xi32>
      tpu.vector_store %arg13[%swap3A_586], %swap3A_589 {strides = array<i32>} : memref<8192xi32, #tpu.memory_space<vmem>>, vector<16xi32>,
      %get3A_590 = arith.index_cast %scan3A_441 : i32 to index
      %get3A_591 = arith.constant 112 : index
      %get3A_592 = tpu.vector_load %arg11[%get3A_590, %get3A_591] {strides = array<i32>} : memref<64x128xi32, #tpu.memory_space<vmem>>, vector<1x16xi32>,
      %get3A_593 = vector.shape_cast %get3A_592 : vector<1x16xi32> to vector<16xi32>
      %sub3A_594 = vector.broadcast %mul3A_0 : i32 to vector<16xi32>
      %sub3A_595 = arith.subi %get3A_593, %sub3A_594 : vector<16xi32>
      %ge3A_596 = arith.constant 0 : i32
      %ge3A_597 = vector.broadcast %ge3A_596 : i32 to vector<16xi32>
      %ge3A_598 = arith.cmpi sge, %sub3A_595, %ge3A_597 : vector<16xi32>
      %lt3A_599 = arith.constant 1048576 : i32
      %lt3A_600 = vector.broadcast %lt3A_599 : i32 to vector<16xi32>
      %lt3A_601 = arith.cmpi slt, %sub3A_595, %lt3A_600 : vector<16xi32>
      %and3A_602 = arith.andi %ge3A_598, %lt3A_601 : vector<16xi1>
      %select_n3A_603 = arith.select %and3A_602, %sub3A_595, %add3A_63 : vector<16xi1>, vector<16xi32>
      %mul3A_604 = arith.constant 128 : i32
      %mul3A_605 = arith.muli %scan3A_441, %mul3A_604 : i32
      %add3A_606 = arith.constant 112 : i32
      %add3A_607 = arith.addi %mul3A_605, %add3A_606 : i32
      %swap3A_608 = arith.index_cast %add3A_607 : i32 to index
      %swap3A_609 = tpu.vector_load %arg13[%swap3A_608] {strides = array<i32>} : memref<8192xi32, #tpu.memory_space<vmem>>, vector<16xi32>,
      %swap3A_610 = vector.shape_cast %swap3A_609 : vector<16xi32> to vector<16xi32>
      %swap3A_611 = vector.shape_cast %select_n3A_603 : vector<16xi32> to vector<16xi32>
      tpu.vector_store %arg13[%swap3A_608], %swap3A_611 {strides = array<i32>} : memref<8192xi32, #tpu.memory_space<vmem>>, vector<16xi32>,
      %scan3A_612 = arith.constant 0 : i32
      scf.yield %scan3A_612 : i32
    }
    %scan3A_216 = arith.constant 64 : i32
    %dma_wait3A_217 = arith.constant 0 : i32
    %dma_wait3A_218 = tpu.memref_slice %arg16[%dma_wait3A_217] : memref<1049600xi32, #tpu.memory_space<vmem_shared>> -> memref<1049600xi32, #tpu.memory_space<vmem_shared>>
    tpu.wait_indirect_dma semaphore(%arg19 : memref<!tpu.dma_semaphore, #tpu.memory_space<semaphore_mem>>) src(%arg14 : memref<8192xi32, #tpu.memory_space<vmem>>) dst(%dma_wait3A_218 : memref<1049600xi32, #tpu.memory_space<vmem_shared>>)
    %dma_start3A_219 = arith.constant 0 : i32
    %dma_start3A_220 = tpu.memref_slice %arg16[%dma_start3A_219] : memref<1049600xi32, #tpu.memory_space<vmem_shared>> -> memref<1049600xi32, #tpu.memory_space<vmem_shared>>
    tpu.enqueue_indirect_dma source(%arg14 : memref<8192xi32, #tpu.memory_space<vmem>>) target(%dma_start3A_220 : memref<1049600xi32, #tpu.memory_space<vmem_shared>>) offsets(%arg13 : memref<8192xi32, #tpu.memory_space<vmem>>) semaphore(%arg20 : memref<!tpu.dma_semaphore, #tpu.memory_space<semaphore_mem>>)
    %dma_wait3A_221 = arith.constant 0 : i32
    %dma_wait3A_222 = tpu.memref_slice %arg2[%mul3A_205, %dma_wait3A_221] : memref<12288x128xi32, #tpu.memory_space<hbm>> -> memref<64x128xi32, #tpu.memory_space<hbm>>
    %dma_wait3A_223 = arith.constant 0 : i32
    %dma_wait3A_224 = tpu.memref_slice %arg2[%mul3A_205, %dma_wait3A_223] : memref<12288x128xi32, #tpu.memory_space<hbm>> -> memref<64x128xi32, #tpu.memory_space<hbm>>
    tpu.wait_dma2 semaphore(%arg17 : memref<!tpu.dma_semaphore, #tpu.memory_space<semaphore_mem>>) src(%dma_wait3A_224 : memref<64x128xi32, #tpu.memory_space<hbm>>) dst(%arg10 : memref<64x128xi32, #tpu.memory_space<vmem>>)
    %mul3A_225 = arith.constant 12 : i32
    %mul3A_226 = arith.muli %arg1, %mul3A_225 : i32
    %add3A_227 = arith.constant 7 : i32
    %add3A_228 = arith.addi %mul3A_226, %add3A_227 : i32
    %mul3A_229 = arith.constant 64 : i32
    %mul3A_230 = arith.muli %add3A_228, %mul3A_229 : i32
    %dma_start3A_231 = arith.constant 0 : i32
    %dma_start3A_232 = tpu.memref_slice %arg2[%mul3A_230, %dma_start3A_231] : memref<12288x128xi32, #tpu.memory_space<hbm>> -> memref<64x128xi32, #tpu.memory_space<hbm>>
    %dma_start3A_233 = arith.constant 0 : i32
    %dma_start3A_234 = tpu.memref_slice %arg2[%mul3A_230, %dma_start3A_233] : memref<12288x128xi32, #tpu.memory_space<hbm>> -> memref<64x128xi32, #tpu.memory_space<hbm>>
    tpu.enqueue_dma source(%dma_start3A_234 : memref<64x128xi32, #tpu.memory_space<hbm>>) target(%arg11 : memref<64x128xi32, #tpu.memory_space<vmem>>) target_semaphore(%arg18 : memref<!tpu.dma_semaphore, #tpu.memory_space<semaphore_mem>>)
    %scan3A_235 = arith.constant 0 : i32
    %scan3A_236 = arith.constant 0 : i32
    %scan3A_237 = arith.constant 64 : i32
    %scan3A_238 = arith.addi %scan3A_236, %scan3A_237 : i32
    %scan3A_239 = arith.constant 1 : i32
    %scan3A_240 = scf.for %scan3A_441 = %scan3A_236 to %scan3A_238 step %scan3A_239 iter_args(%scan3A_442 = %scan3A_235) -> (i32)  : i32 {
      %get3A = arith.index_cast %scan3A_441 : i32 to index
      %get3A_443 = arith.constant 0 : index
      %get3A_444 = tpu.vector_load %arg10[%get3A, %get3A_443] {strides = array<i32>} : memref<64x128xi32, #tpu.memory_space<vmem>>, vector<1x16xi32>,
      %get3A_445 = vector.shape_cast %get3A_444 : vector<1x16xi32> to vector<16xi32>
      %sub3A = vector.broadcast %mul3A_0 : i32 to vector<16xi32>
      %sub3A_446 = arith.subi %get3A_445, %sub3A : vector<16xi32>
      %ge3A = arith.constant 0 : i32
      %ge3A_447 = vector.broadcast %ge3A : i32 to vector<16xi32>
      %ge3A_448 = arith.cmpi sge, %sub3A_446, %ge3A_447 : vector<16xi32>
      %lt3A = arith.constant 1048576 : i32
      %lt3A_449 = vector.broadcast %lt3A : i32 to vector<16xi32>
      %lt3A_450 = arith.cmpi slt, %sub3A_446, %lt3A_449 : vector<16xi32>
      %and3A = arith.andi %ge3A_448, %lt3A_450 : vector<16xi1>
      %select_n3A = arith.select %and3A, %sub3A_446, %add3A_7 : vector<16xi1>, vector<16xi32>
      %mul3A_451 = arith.constant 128 : i32
      %mul3A_452 = arith.muli %scan3A_441, %mul3A_451 : i32
      %add3A_453 = arith.constant 0 : i32
      %add3A_454 = arith.addi %mul3A_452, %add3A_453 : i32
      %swap3A = arith.index_cast %add3A_454 : i32 to index
      %swap3A_455 = tpu.vector_load %arg12[%swap3A] {strides = array<i32>} : memref<8192xi32, #tpu.memory_space<vmem>>, vector<16xi32>,
      %swap3A_456 = vector.shape_cast %swap3A_455 : vector<16xi32> to vector<16xi32>
      %swap3A_457 = vector.shape_cast %select_n3A : vector<16xi32> to vector<16xi32>
      tpu.vector_store %arg12[%swap3A], %swap3A_457 {strides = array<i32>} : memref<8192xi32, #tpu.memory_space<vmem>>, vector<16xi32>,
      %get3A_458 = arith.index_cast %scan3A_441 : i32 to index
      %get3A_459 = arith.constant 16 : index
      %get3A_460 = tpu.vector_load %arg10[%get3A_458, %get3A_459] {strides = array<i32>} : memref<64x128xi32, #tpu.memory_space<vmem>>, vector<1x16xi32>,
      %get3A_461 = vector.shape_cast %get3A_460 : vector<1x16xi32> to vector<16xi32>
      %sub3A_462 = vector.broadcast %mul3A_0 : i32 to vector<16xi32>
      %sub3A_463 = arith.subi %get3A_461, %sub3A_462 : vector<16xi32>
      %ge3A_464 = arith.constant 0 : i32
      %ge3A_465 = vector.broadcast %ge3A_464 : i32 to vector<16xi32>
      %ge3A_466 = arith.cmpi sge, %sub3A_463, %ge3A_465 : vector<16xi32>
      %lt3A_467 = arith.constant 1048576 : i32
      %lt3A_468 = vector.broadcast %lt3A_467 : i32 to vector<16xi32>
      %lt3A_469 = arith.cmpi slt, %sub3A_463, %lt3A_468 : vector<16xi32>
      %and3A_470 = arith.andi %ge3A_466, %lt3A_469 : vector<16xi1>
      %select_n3A_471 = arith.select %and3A_470, %sub3A_463, %add3A_15 : vector<16xi1>, vector<16xi32>
      %mul3A_472 = arith.constant 128 : i32
      %mul3A_473 = arith.muli %scan3A_441, %mul3A_472 : i32
      %add3A_474 = arith.constant 16 : i32
      %add3A_475 = arith.addi %mul3A_473, %add3A_474 : i32
      %swap3A_476 = arith.index_cast %add3A_475 : i32 to index
      %swap3A_477 = tpu.vector_load %arg12[%swap3A_476] {strides = array<i32>} : memref<8192xi32, #tpu.memory_space<vmem>>, vector<16xi32>,
      %swap3A_478 = vector.shape_cast %swap3A_477 : vector<16xi32> to vector<16xi32>
      %swap3A_479 = vector.shape_cast %select_n3A_471 : vector<16xi32> to vector<16xi32>
      tpu.vector_store %arg12[%swap3A_476], %swap3A_479 {strides = array<i32>} : memref<8192xi32, #tpu.memory_space<vmem>>, vector<16xi32>,
      %get3A_480 = arith.index_cast %scan3A_441 : i32 to index
      %get3A_481 = arith.constant 32 : index
      %get3A_482 = tpu.vector_load %arg10[%get3A_480, %get3A_481] {strides = array<i32>} : memref<64x128xi32, #tpu.memory_space<vmem>>, vector<1x16xi32>,
      %get3A_483 = vector.shape_cast %get3A_482 : vector<1x16xi32> to vector<16xi32>
      %sub3A_484 = vector.broadcast %mul3A_0 : i32 to vector<16xi32>
      %sub3A_485 = arith.subi %get3A_483, %sub3A_484 : vector<16xi32>
      %ge3A_486 = arith.constant 0 : i32
      %ge3A_487 = vector.broadcast %ge3A_486 : i32 to vector<16xi32>
      %ge3A_488 = arith.cmpi sge, %sub3A_485, %ge3A_487 : vector<16xi32>
      %lt3A_489 = arith.constant 1048576 : i32
      %lt3A_490 = vector.broadcast %lt3A_489 : i32 to vector<16xi32>
      %lt3A_491 = arith.cmpi slt, %sub3A_485, %lt3A_490 : vector<16xi32>
      %and3A_492 = arith.andi %ge3A_488, %lt3A_491 : vector<16xi1>
      %select_n3A_493 = arith.select %and3A_492, %sub3A_485, %add3A_23 : vector<16xi1>, vector<16xi32>
      %mul3A_494 = arith.constant 128 : i32
      %mul3A_495 = arith.muli %scan3A_441, %mul3A_494 : i32
      %add3A_496 = arith.constant 32 : i32
      %add3A_497 = arith.addi %mul3A_495, %add3A_496 : i32
      %swap3A_498 = arith.index_cast %add3A_497 : i32 to index
      %swap3A_499 = tpu.vector_load %arg12[%swap3A_498] {strides = array<i32>} : memref<8192xi32, #tpu.memory_space<vmem>>, vector<16xi32>,
      %swap3A_500 = vector.shape_cast %swap3A_499 : vector<16xi32> to vector<16xi32>
      %swap3A_501 = vector.shape_cast %select_n3A_493 : vector<16xi32> to vector<16xi32>
      tpu.vector_store %arg12[%swap3A_498], %swap3A_501 {strides = array<i32>} : memref<8192xi32, #tpu.memory_space<vmem>>, vector<16xi32>,
      %get3A_502 = arith.index_cast %scan3A_441 : i32 to index
      %get3A_503 = arith.constant 48 : index
      %get3A_504 = tpu.vector_load %arg10[%get3A_502, %get3A_503] {strides = array<i32>} : memref<64x128xi32, #tpu.memory_space<vmem>>, vector<1x16xi32>,
      %get3A_505 = vector.shape_cast %get3A_504 : vector<1x16xi32> to vector<16xi32>
      %sub3A_506 = vector.broadcast %mul3A_0 : i32 to vector<16xi32>
      %sub3A_507 = arith.subi %get3A_505, %sub3A_506 : vector<16xi32>
      %ge3A_508 = arith.constant 0 : i32
      %ge3A_509 = vector.broadcast %ge3A_508 : i32 to vector<16xi32>
      %ge3A_510 = arith.cmpi sge, %sub3A_507, %ge3A_509 : vector<16xi32>
      %lt3A_511 = arith.constant 1048576 : i32
      %lt3A_512 = vector.broadcast %lt3A_511 : i32 to vector<16xi32>
      %lt3A_513 = arith.cmpi slt, %sub3A_507, %lt3A_512 : vector<16xi32>
      %and3A_514 = arith.andi %ge3A_510, %lt3A_513 : vector<16xi1>
      %select_n3A_515 = arith.select %and3A_514, %sub3A_507, %add3A_31 : vector<16xi1>, vector<16xi32>
      %mul3A_516 = arith.constant 128 : i32
      %mul3A_517 = arith.muli %scan3A_441, %mul3A_516 : i32
      %add3A_518 = arith.constant 48 : i32
      %add3A_519 = arith.addi %mul3A_517, %add3A_518 : i32
      %swap3A_520 = arith.index_cast %add3A_519 : i32 to index
      %swap3A_521 = tpu.vector_load %arg12[%swap3A_520] {strides = array<i32>} : memref<8192xi32, #tpu.memory_space<vmem>>, vector<16xi32>,
      %swap3A_522 = vector.shape_cast %swap3A_521 : vector<16xi32> to vector<16xi32>
      %swap3A_523 = vector.shape_cast %select_n3A_515 : vector<16xi32> to vector<16xi32>
      tpu.vector_store %arg12[%swap3A_520], %swap3A_523 {strides = array<i32>} : memref<8192xi32, #tpu.memory_space<vmem>>, vector<16xi32>,
      %get3A_524 = arith.index_cast %scan3A_441 : i32 to index
      %get3A_525 = arith.constant 64 : index
      %get3A_526 = tpu.vector_load %arg10[%get3A_524, %get3A_525] {strides = array<i32>} : memref<64x128xi32, #tpu.memory_space<vmem>>, vector<1x16xi32>,
      %get3A_527 = vector.shape_cast %get3A_526 : vector<1x16xi32> to vector<16xi32>
      %sub3A_528 = vector.broadcast %mul3A_0 : i32 to vector<16xi32>
      %sub3A_529 = arith.subi %get3A_527, %sub3A_528 : vector<16xi32>
      %ge3A_530 = arith.constant 0 : i32
      %ge3A_531 = vector.broadcast %ge3A_530 : i32 to vector<16xi32>
      %ge3A_532 = arith.cmpi sge, %sub3A_529, %ge3A_531 : vector<16xi32>
      %lt3A_533 = arith.constant 1048576 : i32
      %lt3A_534 = vector.broadcast %lt3A_533 : i32 to vector<16xi32>
      %lt3A_535 = arith.cmpi slt, %sub3A_529, %lt3A_534 : vector<16xi32>
      %and3A_536 = arith.andi %ge3A_532, %lt3A_535 : vector<16xi1>
      %select_n3A_537 = arith.select %and3A_536, %sub3A_529, %add3A_39 : vector<16xi1>, vector<16xi32>
      %mul3A_538 = arith.constant 128 : i32
      %mul3A_539 = arith.muli %scan3A_441, %mul3A_538 : i32
      %add3A_540 = arith.constant 64 : i32
      %add3A_541 = arith.addi %mul3A_539, %add3A_540 : i32
      %swap3A_542 = arith.index_cast %add3A_541 : i32 to index
      %swap3A_543 = tpu.vector_load %arg12[%swap3A_542] {strides = array<i32>} : memref<8192xi32, #tpu.memory_space<vmem>>, vector<16xi32>,
      %swap3A_544 = vector.shape_cast %swap3A_543 : vector<16xi32> to vector<16xi32>
      %swap3A_545 = vector.shape_cast %select_n3A_537 : vector<16xi32> to vector<16xi32>
      tpu.vector_store %arg12[%swap3A_542], %swap3A_545 {strides = array<i32>} : memref<8192xi32, #tpu.memory_space<vmem>>, vector<16xi32>,
      %get3A_546 = arith.index_cast %scan3A_441 : i32 to index
      %get3A_547 = arith.constant 80 : index
      %get3A_548 = tpu.vector_load %arg10[%get3A_546, %get3A_547] {strides = array<i32>} : memref<64x128xi32, #tpu.memory_space<vmem>>, vector<1x16xi32>,
      %get3A_549 = vector.shape_cast %get3A_548 : vector<1x16xi32> to vector<16xi32>
      %sub3A_550 = vector.broadcast %mul3A_0 : i32 to vector<16xi32>
      %sub3A_551 = arith.subi %get3A_549, %sub3A_550 : vector<16xi32>
      %ge3A_552 = arith.constant 0 : i32
      %ge3A_553 = vector.broadcast %ge3A_552 : i32 to vector<16xi32>
      %ge3A_554 = arith.cmpi sge, %sub3A_551, %ge3A_553 : vector<16xi32>
      %lt3A_555 = arith.constant 1048576 : i32
      %lt3A_556 = vector.broadcast %lt3A_555 : i32 to vector<16xi32>
      %lt3A_557 = arith.cmpi slt, %sub3A_551, %lt3A_556 : vector<16xi32>
      %and3A_558 = arith.andi %ge3A_554, %lt3A_557 : vector<16xi1>
      %select_n3A_559 = arith.select %and3A_558, %sub3A_551, %add3A_47 : vector<16xi1>, vector<16xi32>
      %mul3A_560 = arith.constant 128 : i32
      %mul3A_561 = arith.muli %scan3A_441, %mul3A_560 : i32
      %add3A_562 = arith.constant 80 : i32
      %add3A_563 = arith.addi %mul3A_561, %add3A_562 : i32
      %swap3A_564 = arith.index_cast %add3A_563 : i32 to index
      %swap3A_565 = tpu.vector_load %arg12[%swap3A_564] {strides = array<i32>} : memref<8192xi32, #tpu.memory_space<vmem>>, vector<16xi32>,
      %swap3A_566 = vector.shape_cast %swap3A_565 : vector<16xi32> to vector<16xi32>
      %swap3A_567 = vector.shape_cast %select_n3A_559 : vector<16xi32> to vector<16xi32>
      tpu.vector_store %arg12[%swap3A_564], %swap3A_567 {strides = array<i32>} : memref<8192xi32, #tpu.memory_space<vmem>>, vector<16xi32>,
      %get3A_568 = arith.index_cast %scan3A_441 : i32 to index
      %get3A_569 = arith.constant 96 : index
      %get3A_570 = tpu.vector_load %arg10[%get3A_568, %get3A_569] {strides = array<i32>} : memref<64x128xi32, #tpu.memory_space<vmem>>, vector<1x16xi32>,
      %get3A_571 = vector.shape_cast %get3A_570 : vector<1x16xi32> to vector<16xi32>
      %sub3A_572 = vector.broadcast %mul3A_0 : i32 to vector<16xi32>
      %sub3A_573 = arith.subi %get3A_571, %sub3A_572 : vector<16xi32>
      %ge3A_574 = arith.constant 0 : i32
      %ge3A_575 = vector.broadcast %ge3A_574 : i32 to vector<16xi32>
      %ge3A_576 = arith.cmpi sge, %sub3A_573, %ge3A_575 : vector<16xi32>
      %lt3A_577 = arith.constant 1048576 : i32
      %lt3A_578 = vector.broadcast %lt3A_577 : i32 to vector<16xi32>
      %lt3A_579 = arith.cmpi slt, %sub3A_573, %lt3A_578 : vector<16xi32>
      %and3A_580 = arith.andi %ge3A_576, %lt3A_579 : vector<16xi1>
      %select_n3A_581 = arith.select %and3A_580, %sub3A_573, %add3A_55 : vector<16xi1>, vector<16xi32>
      %mul3A_582 = arith.constant 128 : i32
      %mul3A_583 = arith.muli %scan3A_441, %mul3A_582 : i32
      %add3A_584 = arith.constant 96 : i32
      %add3A_585 = arith.addi %mul3A_583, %add3A_584 : i32
      %swap3A_586 = arith.index_cast %add3A_585 : i32 to index
      %swap3A_587 = tpu.vector_load %arg12[%swap3A_586] {strides = array<i32>} : memref<8192xi32, #tpu.memory_space<vmem>>, vector<16xi32>,
      %swap3A_588 = vector.shape_cast %swap3A_587 : vector<16xi32> to vector<16xi32>
      %swap3A_589 = vector.shape_cast %select_n3A_581 : vector<16xi32> to vector<16xi32>
      tpu.vector_store %arg12[%swap3A_586], %swap3A_589 {strides = array<i32>} : memref<8192xi32, #tpu.memory_space<vmem>>, vector<16xi32>,
      %get3A_590 = arith.index_cast %scan3A_441 : i32 to index
      %get3A_591 = arith.constant 112 : index
      %get3A_592 = tpu.vector_load %arg10[%get3A_590, %get3A_591] {strides = array<i32>} : memref<64x128xi32, #tpu.memory_space<vmem>>, vector<1x16xi32>,
      %get3A_593 = vector.shape_cast %get3A_592 : vector<1x16xi32> to vector<16xi32>
      %sub3A_594 = vector.broadcast %mul3A_0 : i32 to vector<16xi32>
      %sub3A_595 = arith.subi %get3A_593, %sub3A_594 : vector<16xi32>
      %ge3A_596 = arith.constant 0 : i32
      %ge3A_597 = vector.broadcast %ge3A_596 : i32 to vector<16xi32>
      %ge3A_598 = arith.cmpi sge, %sub3A_595, %ge3A_597 : vector<16xi32>
      %lt3A_599 = arith.constant 1048576 : i32
      %lt3A_600 = vector.broadcast %lt3A_599 : i32 to vector<16xi32>
      %lt3A_601 = arith.cmpi slt, %sub3A_595, %lt3A_600 : vector<16xi32>
      %and3A_602 = arith.andi %ge3A_598, %lt3A_601 : vector<16xi1>
      %select_n3A_603 = arith.select %and3A_602, %sub3A_595, %add3A_63 : vector<16xi1>, vector<16xi32>
      %mul3A_604 = arith.constant 128 : i32
      %mul3A_605 = arith.muli %scan3A_441, %mul3A_604 : i32
      %add3A_606 = arith.constant 112 : i32
      %add3A_607 = arith.addi %mul3A_605, %add3A_606 : i32
      %swap3A_608 = arith.index_cast %add3A_607 : i32 to index
      %swap3A_609 = tpu.vector_load %arg12[%swap3A_608] {strides = array<i32>} : memref<8192xi32, #tpu.memory_space<vmem>>, vector<16xi32>,
      %swap3A_610 = vector.shape_cast %swap3A_609 : vector<16xi32> to vector<16xi32>
      %swap3A_611 = vector.shape_cast %select_n3A_603 : vector<16xi32> to vector<16xi32>
      tpu.vector_store %arg12[%swap3A_608], %swap3A_611 {strides = array<i32>} : memref<8192xi32, #tpu.memory_space<vmem>>, vector<16xi32>,
      %scan3A_612 = arith.constant 0 : i32
      scf.yield %scan3A_612 : i32
    }
    %scan3A_241 = arith.constant 64 : i32
    %dma_wait3A_242 = arith.constant 0 : i32
    %dma_wait3A_243 = tpu.memref_slice %arg16[%dma_wait3A_242] : memref<1049600xi32, #tpu.memory_space<vmem_shared>> -> memref<1049600xi32, #tpu.memory_space<vmem_shared>>
    tpu.wait_indirect_dma semaphore(%arg20 : memref<!tpu.dma_semaphore, #tpu.memory_space<semaphore_mem>>) src(%arg14 : memref<8192xi32, #tpu.memory_space<vmem>>) dst(%dma_wait3A_243 : memref<1049600xi32, #tpu.memory_space<vmem_shared>>)
    %dma_start3A_244 = arith.constant 0 : i32
    %dma_start3A_245 = tpu.memref_slice %arg16[%dma_start3A_244] : memref<1049600xi32, #tpu.memory_space<vmem_shared>> -> memref<1049600xi32, #tpu.memory_space<vmem_shared>>
    tpu.enqueue_indirect_dma source(%arg14 : memref<8192xi32, #tpu.memory_space<vmem>>) target(%dma_start3A_245 : memref<1049600xi32, #tpu.memory_space<vmem_shared>>) offsets(%arg12 : memref<8192xi32, #tpu.memory_space<vmem>>) semaphore(%arg19 : memref<!tpu.dma_semaphore, #tpu.memory_space<semaphore_mem>>)
    %dma_wait3A_246 = arith.constant 0 : i32
    %dma_wait3A_247 = tpu.memref_slice %arg2[%mul3A_230, %dma_wait3A_246] : memref<12288x128xi32, #tpu.memory_space<hbm>> -> memref<64x128xi32, #tpu.memory_space<hbm>>
    %dma_wait3A_248 = arith.constant 0 : i32
    %dma_wait3A_249 = tpu.memref_slice %arg2[%mul3A_230, %dma_wait3A_248] : memref<12288x128xi32, #tpu.memory_space<hbm>> -> memref<64x128xi32, #tpu.memory_space<hbm>>
    tpu.wait_dma2 semaphore(%arg18 : memref<!tpu.dma_semaphore, #tpu.memory_space<semaphore_mem>>) src(%dma_wait3A_249 : memref<64x128xi32, #tpu.memory_space<hbm>>) dst(%arg11 : memref<64x128xi32, #tpu.memory_space<vmem>>)
    %mul3A_250 = arith.constant 12 : i32
    %mul3A_251 = arith.muli %arg1, %mul3A_250 : i32
    %add3A_252 = arith.constant 8 : i32
    %add3A_253 = arith.addi %mul3A_251, %add3A_252 : i32
    %mul3A_254 = arith.constant 64 : i32
    %mul3A_255 = arith.muli %add3A_253, %mul3A_254 : i32
    %dma_start3A_256 = arith.constant 0 : i32
    %dma_start3A_257 = tpu.memref_slice %arg2[%mul3A_255, %dma_start3A_256] : memref<12288x128xi32, #tpu.memory_space<hbm>> -> memref<64x128xi32, #tpu.memory_space<hbm>>
    %dma_start3A_258 = arith.constant 0 : i32
    %dma_start3A_259 = tpu.memref_slice %arg2[%mul3A_255, %dma_start3A_258] : memref<12288x128xi32, #tpu.memory_space<hbm>> -> memref<64x128xi32, #tpu.memory_space<hbm>>
    tpu.enqueue_dma source(%dma_start3A_259 : memref<64x128xi32, #tpu.memory_space<hbm>>) target(%arg10 : memref<64x128xi32, #tpu.memory_space<vmem>>) target_semaphore(%arg17 : memref<!tpu.dma_semaphore, #tpu.memory_space<semaphore_mem>>)
    %scan3A_260 = arith.constant 0 : i32
    %scan3A_261 = arith.constant 0 : i32
    %scan3A_262 = arith.constant 64 : i32
    %scan3A_263 = arith.addi %scan3A_261, %scan3A_262 : i32
    %scan3A_264 = arith.constant 1 : i32
    %scan3A_265 = scf.for %scan3A_441 = %scan3A_261 to %scan3A_263 step %scan3A_264 iter_args(%scan3A_442 = %scan3A_260) -> (i32)  : i32 {
      %get3A = arith.index_cast %scan3A_441 : i32 to index
      %get3A_443 = arith.constant 0 : index
      %get3A_444 = tpu.vector_load %arg11[%get3A, %get3A_443] {strides = array<i32>} : memref<64x128xi32, #tpu.memory_space<vmem>>, vector<1x16xi32>,
      %get3A_445 = vector.shape_cast %get3A_444 : vector<1x16xi32> to vector<16xi32>
      %sub3A = vector.broadcast %mul3A_0 : i32 to vector<16xi32>
      %sub3A_446 = arith.subi %get3A_445, %sub3A : vector<16xi32>
      %ge3A = arith.constant 0 : i32
      %ge3A_447 = vector.broadcast %ge3A : i32 to vector<16xi32>
      %ge3A_448 = arith.cmpi sge, %sub3A_446, %ge3A_447 : vector<16xi32>
      %lt3A = arith.constant 1048576 : i32
      %lt3A_449 = vector.broadcast %lt3A : i32 to vector<16xi32>
      %lt3A_450 = arith.cmpi slt, %sub3A_446, %lt3A_449 : vector<16xi32>
      %and3A = arith.andi %ge3A_448, %lt3A_450 : vector<16xi1>
      %select_n3A = arith.select %and3A, %sub3A_446, %add3A_7 : vector<16xi1>, vector<16xi32>
      %mul3A_451 = arith.constant 128 : i32
      %mul3A_452 = arith.muli %scan3A_441, %mul3A_451 : i32
      %add3A_453 = arith.constant 0 : i32
      %add3A_454 = arith.addi %mul3A_452, %add3A_453 : i32
      %swap3A = arith.index_cast %add3A_454 : i32 to index
      %swap3A_455 = tpu.vector_load %arg13[%swap3A] {strides = array<i32>} : memref<8192xi32, #tpu.memory_space<vmem>>, vector<16xi32>,
      %swap3A_456 = vector.shape_cast %swap3A_455 : vector<16xi32> to vector<16xi32>
      %swap3A_457 = vector.shape_cast %select_n3A : vector<16xi32> to vector<16xi32>
      tpu.vector_store %arg13[%swap3A], %swap3A_457 {strides = array<i32>} : memref<8192xi32, #tpu.memory_space<vmem>>, vector<16xi32>,
      %get3A_458 = arith.index_cast %scan3A_441 : i32 to index
      %get3A_459 = arith.constant 16 : index
      %get3A_460 = tpu.vector_load %arg11[%get3A_458, %get3A_459] {strides = array<i32>} : memref<64x128xi32, #tpu.memory_space<vmem>>, vector<1x16xi32>,
      %get3A_461 = vector.shape_cast %get3A_460 : vector<1x16xi32> to vector<16xi32>
      %sub3A_462 = vector.broadcast %mul3A_0 : i32 to vector<16xi32>
      %sub3A_463 = arith.subi %get3A_461, %sub3A_462 : vector<16xi32>
      %ge3A_464 = arith.constant 0 : i32
      %ge3A_465 = vector.broadcast %ge3A_464 : i32 to vector<16xi32>
      %ge3A_466 = arith.cmpi sge, %sub3A_463, %ge3A_465 : vector<16xi32>
      %lt3A_467 = arith.constant 1048576 : i32
      %lt3A_468 = vector.broadcast %lt3A_467 : i32 to vector<16xi32>
      %lt3A_469 = arith.cmpi slt, %sub3A_463, %lt3A_468 : vector<16xi32>
      %and3A_470 = arith.andi %ge3A_466, %lt3A_469 : vector<16xi1>
      %select_n3A_471 = arith.select %and3A_470, %sub3A_463, %add3A_15 : vector<16xi1>, vector<16xi32>
      %mul3A_472 = arith.constant 128 : i32
      %mul3A_473 = arith.muli %scan3A_441, %mul3A_472 : i32
      %add3A_474 = arith.constant 16 : i32
      %add3A_475 = arith.addi %mul3A_473, %add3A_474 : i32
      %swap3A_476 = arith.index_cast %add3A_475 : i32 to index
      %swap3A_477 = tpu.vector_load %arg13[%swap3A_476] {strides = array<i32>} : memref<8192xi32, #tpu.memory_space<vmem>>, vector<16xi32>,
      %swap3A_478 = vector.shape_cast %swap3A_477 : vector<16xi32> to vector<16xi32>
      %swap3A_479 = vector.shape_cast %select_n3A_471 : vector<16xi32> to vector<16xi32>
      tpu.vector_store %arg13[%swap3A_476], %swap3A_479 {strides = array<i32>} : memref<8192xi32, #tpu.memory_space<vmem>>, vector<16xi32>,
      %get3A_480 = arith.index_cast %scan3A_441 : i32 to index
      %get3A_481 = arith.constant 32 : index
      %get3A_482 = tpu.vector_load %arg11[%get3A_480, %get3A_481] {strides = array<i32>} : memref<64x128xi32, #tpu.memory_space<vmem>>, vector<1x16xi32>,
      %get3A_483 = vector.shape_cast %get3A_482 : vector<1x16xi32> to vector<16xi32>
      %sub3A_484 = vector.broadcast %mul3A_0 : i32 to vector<16xi32>
      %sub3A_485 = arith.subi %get3A_483, %sub3A_484 : vector<16xi32>
      %ge3A_486 = arith.constant 0 : i32
      %ge3A_487 = vector.broadcast %ge3A_486 : i32 to vector<16xi32>
      %ge3A_488 = arith.cmpi sge, %sub3A_485, %ge3A_487 : vector<16xi32>
      %lt3A_489 = arith.constant 1048576 : i32
      %lt3A_490 = vector.broadcast %lt3A_489 : i32 to vector<16xi32>
      %lt3A_491 = arith.cmpi slt, %sub3A_485, %lt3A_490 : vector<16xi32>
      %and3A_492 = arith.andi %ge3A_488, %lt3A_491 : vector<16xi1>
      %select_n3A_493 = arith.select %and3A_492, %sub3A_485, %add3A_23 : vector<16xi1>, vector<16xi32>
      %mul3A_494 = arith.constant 128 : i32
      %mul3A_495 = arith.muli %scan3A_441, %mul3A_494 : i32
      %add3A_496 = arith.constant 32 : i32
      %add3A_497 = arith.addi %mul3A_495, %add3A_496 : i32
      %swap3A_498 = arith.index_cast %add3A_497 : i32 to index
      %swap3A_499 = tpu.vector_load %arg13[%swap3A_498] {strides = array<i32>} : memref<8192xi32, #tpu.memory_space<vmem>>, vector<16xi32>,
      %swap3A_500 = vector.shape_cast %swap3A_499 : vector<16xi32> to vector<16xi32>
      %swap3A_501 = vector.shape_cast %select_n3A_493 : vector<16xi32> to vector<16xi32>
      tpu.vector_store %arg13[%swap3A_498], %swap3A_501 {strides = array<i32>} : memref<8192xi32, #tpu.memory_space<vmem>>, vector<16xi32>,
      %get3A_502 = arith.index_cast %scan3A_441 : i32 to index
      %get3A_503 = arith.constant 48 : index
      %get3A_504 = tpu.vector_load %arg11[%get3A_502, %get3A_503] {strides = array<i32>} : memref<64x128xi32, #tpu.memory_space<vmem>>, vector<1x16xi32>,
      %get3A_505 = vector.shape_cast %get3A_504 : vector<1x16xi32> to vector<16xi32>
      %sub3A_506 = vector.broadcast %mul3A_0 : i32 to vector<16xi32>
      %sub3A_507 = arith.subi %get3A_505, %sub3A_506 : vector<16xi32>
      %ge3A_508 = arith.constant 0 : i32
      %ge3A_509 = vector.broadcast %ge3A_508 : i32 to vector<16xi32>
      %ge3A_510 = arith.cmpi sge, %sub3A_507, %ge3A_509 : vector<16xi32>
      %lt3A_511 = arith.constant 1048576 : i32
      %lt3A_512 = vector.broadcast %lt3A_511 : i32 to vector<16xi32>
      %lt3A_513 = arith.cmpi slt, %sub3A_507, %lt3A_512 : vector<16xi32>
      %and3A_514 = arith.andi %ge3A_510, %lt3A_513 : vector<16xi1>
      %select_n3A_515 = arith.select %and3A_514, %sub3A_507, %add3A_31 : vector<16xi1>, vector<16xi32>
      %mul3A_516 = arith.constant 128 : i32
      %mul3A_517 = arith.muli %scan3A_441, %mul3A_516 : i32
      %add3A_518 = arith.constant 48 : i32
      %add3A_519 = arith.addi %mul3A_517, %add3A_518 : i32
      %swap3A_520 = arith.index_cast %add3A_519 : i32 to index
      %swap3A_521 = tpu.vector_load %arg13[%swap3A_520] {strides = array<i32>} : memref<8192xi32, #tpu.memory_space<vmem>>, vector<16xi32>,
      %swap3A_522 = vector.shape_cast %swap3A_521 : vector<16xi32> to vector<16xi32>
      %swap3A_523 = vector.shape_cast %select_n3A_515 : vector<16xi32> to vector<16xi32>
      tpu.vector_store %arg13[%swap3A_520], %swap3A_523 {strides = array<i32>} : memref<8192xi32, #tpu.memory_space<vmem>>, vector<16xi32>,
      %get3A_524 = arith.index_cast %scan3A_441 : i32 to index
      %get3A_525 = arith.constant 64 : index
      %get3A_526 = tpu.vector_load %arg11[%get3A_524, %get3A_525] {strides = array<i32>} : memref<64x128xi32, #tpu.memory_space<vmem>>, vector<1x16xi32>,
      %get3A_527 = vector.shape_cast %get3A_526 : vector<1x16xi32> to vector<16xi32>
      %sub3A_528 = vector.broadcast %mul3A_0 : i32 to vector<16xi32>
      %sub3A_529 = arith.subi %get3A_527, %sub3A_528 : vector<16xi32>
      %ge3A_530 = arith.constant 0 : i32
      %ge3A_531 = vector.broadcast %ge3A_530 : i32 to vector<16xi32>
      %ge3A_532 = arith.cmpi sge, %sub3A_529, %ge3A_531 : vector<16xi32>
      %lt3A_533 = arith.constant 1048576 : i32
      %lt3A_534 = vector.broadcast %lt3A_533 : i32 to vector<16xi32>
      %lt3A_535 = arith.cmpi slt, %sub3A_529, %lt3A_534 : vector<16xi32>
      %and3A_536 = arith.andi %ge3A_532, %lt3A_535 : vector<16xi1>
      %select_n3A_537 = arith.select %and3A_536, %sub3A_529, %add3A_39 : vector<16xi1>, vector<16xi32>
      %mul3A_538 = arith.constant 128 : i32
      %mul3A_539 = arith.muli %scan3A_441, %mul3A_538 : i32
      %add3A_540 = arith.constant 64 : i32
      %add3A_541 = arith.addi %mul3A_539, %add3A_540 : i32
      %swap3A_542 = arith.index_cast %add3A_541 : i32 to index
      %swap3A_543 = tpu.vector_load %arg13[%swap3A_542] {strides = array<i32>} : memref<8192xi32, #tpu.memory_space<vmem>>, vector<16xi32>,
      %swap3A_544 = vector.shape_cast %swap3A_543 : vector<16xi32> to vector<16xi32>
      %swap3A_545 = vector.shape_cast %select_n3A_537 : vector<16xi32> to vector<16xi32>
      tpu.vector_store %arg13[%swap3A_542], %swap3A_545 {strides = array<i32>} : memref<8192xi32, #tpu.memory_space<vmem>>, vector<16xi32>,
      %get3A_546 = arith.index_cast %scan3A_441 : i32 to index
      %get3A_547 = arith.constant 80 : index
      %get3A_548 = tpu.vector_load %arg11[%get3A_546, %get3A_547] {strides = array<i32>} : memref<64x128xi32, #tpu.memory_space<vmem>>, vector<1x16xi32>,
      %get3A_549 = vector.shape_cast %get3A_548 : vector<1x16xi32> to vector<16xi32>
      %sub3A_550 = vector.broadcast %mul3A_0 : i32 to vector<16xi32>
      %sub3A_551 = arith.subi %get3A_549, %sub3A_550 : vector<16xi32>
      %ge3A_552 = arith.constant 0 : i32
      %ge3A_553 = vector.broadcast %ge3A_552 : i32 to vector<16xi32>
      %ge3A_554 = arith.cmpi sge, %sub3A_551, %ge3A_553 : vector<16xi32>
      %lt3A_555 = arith.constant 1048576 : i32
      %lt3A_556 = vector.broadcast %lt3A_555 : i32 to vector<16xi32>
      %lt3A_557 = arith.cmpi slt, %sub3A_551, %lt3A_556 : vector<16xi32>
      %and3A_558 = arith.andi %ge3A_554, %lt3A_557 : vector<16xi1>
      %select_n3A_559 = arith.select %and3A_558, %sub3A_551, %add3A_47 : vector<16xi1>, vector<16xi32>
      %mul3A_560 = arith.constant 128 : i32
      %mul3A_561 = arith.muli %scan3A_441, %mul3A_560 : i32
      %add3A_562 = arith.constant 80 : i32
      %add3A_563 = arith.addi %mul3A_561, %add3A_562 : i32
      %swap3A_564 = arith.index_cast %add3A_563 : i32 to index
      %swap3A_565 = tpu.vector_load %arg13[%swap3A_564] {strides = array<i32>} : memref<8192xi32, #tpu.memory_space<vmem>>, vector<16xi32>,
      %swap3A_566 = vector.shape_cast %swap3A_565 : vector<16xi32> to vector<16xi32>
      %swap3A_567 = vector.shape_cast %select_n3A_559 : vector<16xi32> to vector<16xi32>
      tpu.vector_store %arg13[%swap3A_564], %swap3A_567 {strides = array<i32>} : memref<8192xi32, #tpu.memory_space<vmem>>, vector<16xi32>,
      %get3A_568 = arith.index_cast %scan3A_441 : i32 to index
      %get3A_569 = arith.constant 96 : index
      %get3A_570 = tpu.vector_load %arg11[%get3A_568, %get3A_569] {strides = array<i32>} : memref<64x128xi32, #tpu.memory_space<vmem>>, vector<1x16xi32>,
      %get3A_571 = vector.shape_cast %get3A_570 : vector<1x16xi32> to vector<16xi32>
      %sub3A_572 = vector.broadcast %mul3A_0 : i32 to vector<16xi32>
      %sub3A_573 = arith.subi %get3A_571, %sub3A_572 : vector<16xi32>
      %ge3A_574 = arith.constant 0 : i32
      %ge3A_575 = vector.broadcast %ge3A_574 : i32 to vector<16xi32>
      %ge3A_576 = arith.cmpi sge, %sub3A_573, %ge3A_575 : vector<16xi32>
      %lt3A_577 = arith.constant 1048576 : i32
      %lt3A_578 = vector.broadcast %lt3A_577 : i32 to vector<16xi32>
      %lt3A_579 = arith.cmpi slt, %sub3A_573, %lt3A_578 : vector<16xi32>
      %and3A_580 = arith.andi %ge3A_576, %lt3A_579 : vector<16xi1>
      %select_n3A_581 = arith.select %and3A_580, %sub3A_573, %add3A_55 : vector<16xi1>, vector<16xi32>
      %mul3A_582 = arith.constant 128 : i32
      %mul3A_583 = arith.muli %scan3A_441, %mul3A_582 : i32
      %add3A_584 = arith.constant 96 : i32
      %add3A_585 = arith.addi %mul3A_583, %add3A_584 : i32
      %swap3A_586 = arith.index_cast %add3A_585 : i32 to index
      %swap3A_587 = tpu.vector_load %arg13[%swap3A_586] {strides = array<i32>} : memref<8192xi32, #tpu.memory_space<vmem>>, vector<16xi32>,
      %swap3A_588 = vector.shape_cast %swap3A_587 : vector<16xi32> to vector<16xi32>
      %swap3A_589 = vector.shape_cast %select_n3A_581 : vector<16xi32> to vector<16xi32>
      tpu.vector_store %arg13[%swap3A_586], %swap3A_589 {strides = array<i32>} : memref<8192xi32, #tpu.memory_space<vmem>>, vector<16xi32>,
      %get3A_590 = arith.index_cast %scan3A_441 : i32 to index
      %get3A_591 = arith.constant 112 : index
      %get3A_592 = tpu.vector_load %arg11[%get3A_590, %get3A_591] {strides = array<i32>} : memref<64x128xi32, #tpu.memory_space<vmem>>, vector<1x16xi32>,
      %get3A_593 = vector.shape_cast %get3A_592 : vector<1x16xi32> to vector<16xi32>
      %sub3A_594 = vector.broadcast %mul3A_0 : i32 to vector<16xi32>
      %sub3A_595 = arith.subi %get3A_593, %sub3A_594 : vector<16xi32>
      %ge3A_596 = arith.constant 0 : i32
      %ge3A_597 = vector.broadcast %ge3A_596 : i32 to vector<16xi32>
      %ge3A_598 = arith.cmpi sge, %sub3A_595, %ge3A_597 : vector<16xi32>
      %lt3A_599 = arith.constant 1048576 : i32
      %lt3A_600 = vector.broadcast %lt3A_599 : i32 to vector<16xi32>
      %lt3A_601 = arith.cmpi slt, %sub3A_595, %lt3A_600 : vector<16xi32>
      %and3A_602 = arith.andi %ge3A_598, %lt3A_601 : vector<16xi1>
      %select_n3A_603 = arith.select %and3A_602, %sub3A_595, %add3A_63 : vector<16xi1>, vector<16xi32>
      %mul3A_604 = arith.constant 128 : i32
      %mul3A_605 = arith.muli %scan3A_441, %mul3A_604 : i32
      %add3A_606 = arith.constant 112 : i32
      %add3A_607 = arith.addi %mul3A_605, %add3A_606 : i32
      %swap3A_608 = arith.index_cast %add3A_607 : i32 to index
      %swap3A_609 = tpu.vector_load %arg13[%swap3A_608] {strides = array<i32>} : memref<8192xi32, #tpu.memory_space<vmem>>, vector<16xi32>,
      %swap3A_610 = vector.shape_cast %swap3A_609 : vector<16xi32> to vector<16xi32>
      %swap3A_611 = vector.shape_cast %select_n3A_603 : vector<16xi32> to vector<16xi32>
      tpu.vector_store %arg13[%swap3A_608], %swap3A_611 {strides = array<i32>} : memref<8192xi32, #tpu.memory_space<vmem>>, vector<16xi32>,
      %scan3A_612 = arith.constant 0 : i32
      scf.yield %scan3A_612 : i32
    }
    %scan3A_266 = arith.constant 64 : i32
    %dma_wait3A_267 = arith.constant 0 : i32
    %dma_wait3A_268 = tpu.memref_slice %arg16[%dma_wait3A_267] : memref<1049600xi32, #tpu.memory_space<vmem_shared>> -> memref<1049600xi32, #tpu.memory_space<vmem_shared>>
    tpu.wait_indirect_dma semaphore(%arg19 : memref<!tpu.dma_semaphore, #tpu.memory_space<semaphore_mem>>) src(%arg14 : memref<8192xi32, #tpu.memory_space<vmem>>) dst(%dma_wait3A_268 : memref<1049600xi32, #tpu.memory_space<vmem_shared>>)
    %dma_start3A_269 = arith.constant 0 : i32
    %dma_start3A_270 = tpu.memref_slice %arg16[%dma_start3A_269] : memref<1049600xi32, #tpu.memory_space<vmem_shared>> -> memref<1049600xi32, #tpu.memory_space<vmem_shared>>
    tpu.enqueue_indirect_dma source(%arg14 : memref<8192xi32, #tpu.memory_space<vmem>>) target(%dma_start3A_270 : memref<1049600xi32, #tpu.memory_space<vmem_shared>>) offsets(%arg13 : memref<8192xi32, #tpu.memory_space<vmem>>) semaphore(%arg20 : memref<!tpu.dma_semaphore, #tpu.memory_space<semaphore_mem>>)
    %dma_wait3A_271 = arith.constant 0 : i32
    %dma_wait3A_272 = tpu.memref_slice %arg2[%mul3A_255, %dma_wait3A_271] : memref<12288x128xi32, #tpu.memory_space<hbm>> -> memref<64x128xi32, #tpu.memory_space<hbm>>
    %dma_wait3A_273 = arith.constant 0 : i32
    %dma_wait3A_274 = tpu.memref_slice %arg2[%mul3A_255, %dma_wait3A_273] : memref<12288x128xi32, #tpu.memory_space<hbm>> -> memref<64x128xi32, #tpu.memory_space<hbm>>
    tpu.wait_dma2 semaphore(%arg17 : memref<!tpu.dma_semaphore, #tpu.memory_space<semaphore_mem>>) src(%dma_wait3A_274 : memref<64x128xi32, #tpu.memory_space<hbm>>) dst(%arg10 : memref<64x128xi32, #tpu.memory_space<vmem>>)
    %mul3A_275 = arith.constant 12 : i32
    %mul3A_276 = arith.muli %arg1, %mul3A_275 : i32
    %add3A_277 = arith.constant 9 : i32
    %add3A_278 = arith.addi %mul3A_276, %add3A_277 : i32
    %mul3A_279 = arith.constant 64 : i32
    %mul3A_280 = arith.muli %add3A_278, %mul3A_279 : i32
    %dma_start3A_281 = arith.constant 0 : i32
    %dma_start3A_282 = tpu.memref_slice %arg2[%mul3A_280, %dma_start3A_281] : memref<12288x128xi32, #tpu.memory_space<hbm>> -> memref<64x128xi32, #tpu.memory_space<hbm>>
    %dma_start3A_283 = arith.constant 0 : i32
    %dma_start3A_284 = tpu.memref_slice %arg2[%mul3A_280, %dma_start3A_283] : memref<12288x128xi32, #tpu.memory_space<hbm>> -> memref<64x128xi32, #tpu.memory_space<hbm>>
    tpu.enqueue_dma source(%dma_start3A_284 : memref<64x128xi32, #tpu.memory_space<hbm>>) target(%arg11 : memref<64x128xi32, #tpu.memory_space<vmem>>) target_semaphore(%arg18 : memref<!tpu.dma_semaphore, #tpu.memory_space<semaphore_mem>>)
    %scan3A_285 = arith.constant 0 : i32
    %scan3A_286 = arith.constant 0 : i32
    %scan3A_287 = arith.constant 64 : i32
    %scan3A_288 = arith.addi %scan3A_286, %scan3A_287 : i32
    %scan3A_289 = arith.constant 1 : i32
    %scan3A_290 = scf.for %scan3A_441 = %scan3A_286 to %scan3A_288 step %scan3A_289 iter_args(%scan3A_442 = %scan3A_285) -> (i32)  : i32 {
      %get3A = arith.index_cast %scan3A_441 : i32 to index
      %get3A_443 = arith.constant 0 : index
      %get3A_444 = tpu.vector_load %arg10[%get3A, %get3A_443] {strides = array<i32>} : memref<64x128xi32, #tpu.memory_space<vmem>>, vector<1x16xi32>,
      %get3A_445 = vector.shape_cast %get3A_444 : vector<1x16xi32> to vector<16xi32>
      %sub3A = vector.broadcast %mul3A_0 : i32 to vector<16xi32>
      %sub3A_446 = arith.subi %get3A_445, %sub3A : vector<16xi32>
      %ge3A = arith.constant 0 : i32
      %ge3A_447 = vector.broadcast %ge3A : i32 to vector<16xi32>
      %ge3A_448 = arith.cmpi sge, %sub3A_446, %ge3A_447 : vector<16xi32>
      %lt3A = arith.constant 1048576 : i32
      %lt3A_449 = vector.broadcast %lt3A : i32 to vector<16xi32>
      %lt3A_450 = arith.cmpi slt, %sub3A_446, %lt3A_449 : vector<16xi32>
      %and3A = arith.andi %ge3A_448, %lt3A_450 : vector<16xi1>
      %select_n3A = arith.select %and3A, %sub3A_446, %add3A_7 : vector<16xi1>, vector<16xi32>
      %mul3A_451 = arith.constant 128 : i32
      %mul3A_452 = arith.muli %scan3A_441, %mul3A_451 : i32
      %add3A_453 = arith.constant 0 : i32
      %add3A_454 = arith.addi %mul3A_452, %add3A_453 : i32
      %swap3A = arith.index_cast %add3A_454 : i32 to index
      %swap3A_455 = tpu.vector_load %arg12[%swap3A] {strides = array<i32>} : memref<8192xi32, #tpu.memory_space<vmem>>, vector<16xi32>,
      %swap3A_456 = vector.shape_cast %swap3A_455 : vector<16xi32> to vector<16xi32>
      %swap3A_457 = vector.shape_cast %select_n3A : vector<16xi32> to vector<16xi32>
      tpu.vector_store %arg12[%swap3A], %swap3A_457 {strides = array<i32>} : memref<8192xi32, #tpu.memory_space<vmem>>, vector<16xi32>,
      %get3A_458 = arith.index_cast %scan3A_441 : i32 to index
      %get3A_459 = arith.constant 16 : index
      %get3A_460 = tpu.vector_load %arg10[%get3A_458, %get3A_459] {strides = array<i32>} : memref<64x128xi32, #tpu.memory_space<vmem>>, vector<1x16xi32>,
      %get3A_461 = vector.shape_cast %get3A_460 : vector<1x16xi32> to vector<16xi32>
      %sub3A_462 = vector.broadcast %mul3A_0 : i32 to vector<16xi32>
      %sub3A_463 = arith.subi %get3A_461, %sub3A_462 : vector<16xi32>
      %ge3A_464 = arith.constant 0 : i32
      %ge3A_465 = vector.broadcast %ge3A_464 : i32 to vector<16xi32>
      %ge3A_466 = arith.cmpi sge, %sub3A_463, %ge3A_465 : vector<16xi32>
      %lt3A_467 = arith.constant 1048576 : i32
      %lt3A_468 = vector.broadcast %lt3A_467 : i32 to vector<16xi32>
      %lt3A_469 = arith.cmpi slt, %sub3A_463, %lt3A_468 : vector<16xi32>
      %and3A_470 = arith.andi %ge3A_466, %lt3A_469 : vector<16xi1>
      %select_n3A_471 = arith.select %and3A_470, %sub3A_463, %add3A_15 : vector<16xi1>, vector<16xi32>
      %mul3A_472 = arith.constant 128 : i32
      %mul3A_473 = arith.muli %scan3A_441, %mul3A_472 : i32
      %add3A_474 = arith.constant 16 : i32
      %add3A_475 = arith.addi %mul3A_473, %add3A_474 : i32
      %swap3A_476 = arith.index_cast %add3A_475 : i32 to index
      %swap3A_477 = tpu.vector_load %arg12[%swap3A_476] {strides = array<i32>} : memref<8192xi32, #tpu.memory_space<vmem>>, vector<16xi32>,
      %swap3A_478 = vector.shape_cast %swap3A_477 : vector<16xi32> to vector<16xi32>
      %swap3A_479 = vector.shape_cast %select_n3A_471 : vector<16xi32> to vector<16xi32>
      tpu.vector_store %arg12[%swap3A_476], %swap3A_479 {strides = array<i32>} : memref<8192xi32, #tpu.memory_space<vmem>>, vector<16xi32>,
      %get3A_480 = arith.index_cast %scan3A_441 : i32 to index
      %get3A_481 = arith.constant 32 : index
      %get3A_482 = tpu.vector_load %arg10[%get3A_480, %get3A_481] {strides = array<i32>} : memref<64x128xi32, #tpu.memory_space<vmem>>, vector<1x16xi32>,
      %get3A_483 = vector.shape_cast %get3A_482 : vector<1x16xi32> to vector<16xi32>
      %sub3A_484 = vector.broadcast %mul3A_0 : i32 to vector<16xi32>
      %sub3A_485 = arith.subi %get3A_483, %sub3A_484 : vector<16xi32>
      %ge3A_486 = arith.constant 0 : i32
      %ge3A_487 = vector.broadcast %ge3A_486 : i32 to vector<16xi32>
      %ge3A_488 = arith.cmpi sge, %sub3A_485, %ge3A_487 : vector<16xi32>
      %lt3A_489 = arith.constant 1048576 : i32
      %lt3A_490 = vector.broadcast %lt3A_489 : i32 to vector<16xi32>
      %lt3A_491 = arith.cmpi slt, %sub3A_485, %lt3A_490 : vector<16xi32>
      %and3A_492 = arith.andi %ge3A_488, %lt3A_491 : vector<16xi1>
      %select_n3A_493 = arith.select %and3A_492, %sub3A_485, %add3A_23 : vector<16xi1>, vector<16xi32>
      %mul3A_494 = arith.constant 128 : i32
      %mul3A_495 = arith.muli %scan3A_441, %mul3A_494 : i32
      %add3A_496 = arith.constant 32 : i32
      %add3A_497 = arith.addi %mul3A_495, %add3A_496 : i32
      %swap3A_498 = arith.index_cast %add3A_497 : i32 to index
      %swap3A_499 = tpu.vector_load %arg12[%swap3A_498] {strides = array<i32>} : memref<8192xi32, #tpu.memory_space<vmem>>, vector<16xi32>,
      %swap3A_500 = vector.shape_cast %swap3A_499 : vector<16xi32> to vector<16xi32>
      %swap3A_501 = vector.shape_cast %select_n3A_493 : vector<16xi32> to vector<16xi32>
      tpu.vector_store %arg12[%swap3A_498], %swap3A_501 {strides = array<i32>} : memref<8192xi32, #tpu.memory_space<vmem>>, vector<16xi32>,
      %get3A_502 = arith.index_cast %scan3A_441 : i32 to index
      %get3A_503 = arith.constant 48 : index
      %get3A_504 = tpu.vector_load %arg10[%get3A_502, %get3A_503] {strides = array<i32>} : memref<64x128xi32, #tpu.memory_space<vmem>>, vector<1x16xi32>,
      %get3A_505 = vector.shape_cast %get3A_504 : vector<1x16xi32> to vector<16xi32>
      %sub3A_506 = vector.broadcast %mul3A_0 : i32 to vector<16xi32>
      %sub3A_507 = arith.subi %get3A_505, %sub3A_506 : vector<16xi32>
      %ge3A_508 = arith.constant 0 : i32
      %ge3A_509 = vector.broadcast %ge3A_508 : i32 to vector<16xi32>
      %ge3A_510 = arith.cmpi sge, %sub3A_507, %ge3A_509 : vector<16xi32>
      %lt3A_511 = arith.constant 1048576 : i32
      %lt3A_512 = vector.broadcast %lt3A_511 : i32 to vector<16xi32>
      %lt3A_513 = arith.cmpi slt, %sub3A_507, %lt3A_512 : vector<16xi32>
      %and3A_514 = arith.andi %ge3A_510, %lt3A_513 : vector<16xi1>
      %select_n3A_515 = arith.select %and3A_514, %sub3A_507, %add3A_31 : vector<16xi1>, vector<16xi32>
      %mul3A_516 = arith.constant 128 : i32
      %mul3A_517 = arith.muli %scan3A_441, %mul3A_516 : i32
      %add3A_518 = arith.constant 48 : i32
      %add3A_519 = arith.addi %mul3A_517, %add3A_518 : i32
      %swap3A_520 = arith.index_cast %add3A_519 : i32 to index
      %swap3A_521 = tpu.vector_load %arg12[%swap3A_520] {strides = array<i32>} : memref<8192xi32, #tpu.memory_space<vmem>>, vector<16xi32>,
      %swap3A_522 = vector.shape_cast %swap3A_521 : vector<16xi32> to vector<16xi32>
      %swap3A_523 = vector.shape_cast %select_n3A_515 : vector<16xi32> to vector<16xi32>
      tpu.vector_store %arg12[%swap3A_520], %swap3A_523 {strides = array<i32>} : memref<8192xi32, #tpu.memory_space<vmem>>, vector<16xi32>,
      %get3A_524 = arith.index_cast %scan3A_441 : i32 to index
      %get3A_525 = arith.constant 64 : index
      %get3A_526 = tpu.vector_load %arg10[%get3A_524, %get3A_525] {strides = array<i32>} : memref<64x128xi32, #tpu.memory_space<vmem>>, vector<1x16xi32>,
      %get3A_527 = vector.shape_cast %get3A_526 : vector<1x16xi32> to vector<16xi32>
      %sub3A_528 = vector.broadcast %mul3A_0 : i32 to vector<16xi32>
      %sub3A_529 = arith.subi %get3A_527, %sub3A_528 : vector<16xi32>
      %ge3A_530 = arith.constant 0 : i32
      %ge3A_531 = vector.broadcast %ge3A_530 : i32 to vector<16xi32>
      %ge3A_532 = arith.cmpi sge, %sub3A_529, %ge3A_531 : vector<16xi32>
      %lt3A_533 = arith.constant 1048576 : i32
      %lt3A_534 = vector.broadcast %lt3A_533 : i32 to vector<16xi32>
      %lt3A_535 = arith.cmpi slt, %sub3A_529, %lt3A_534 : vector<16xi32>
      %and3A_536 = arith.andi %ge3A_532, %lt3A_535 : vector<16xi1>
      %select_n3A_537 = arith.select %and3A_536, %sub3A_529, %add3A_39 : vector<16xi1>, vector<16xi32>
      %mul3A_538 = arith.constant 128 : i32
      %mul3A_539 = arith.muli %scan3A_441, %mul3A_538 : i32
      %add3A_540 = arith.constant 64 : i32
      %add3A_541 = arith.addi %mul3A_539, %add3A_540 : i32
      %swap3A_542 = arith.index_cast %add3A_541 : i32 to index
      %swap3A_543 = tpu.vector_load %arg12[%swap3A_542] {strides = array<i32>} : memref<8192xi32, #tpu.memory_space<vmem>>, vector<16xi32>,
      %swap3A_544 = vector.shape_cast %swap3A_543 : vector<16xi32> to vector<16xi32>
      %swap3A_545 = vector.shape_cast %select_n3A_537 : vector<16xi32> to vector<16xi32>
      tpu.vector_store %arg12[%swap3A_542], %swap3A_545 {strides = array<i32>} : memref<8192xi32, #tpu.memory_space<vmem>>, vector<16xi32>,
      %get3A_546 = arith.index_cast %scan3A_441 : i32 to index
      %get3A_547 = arith.constant 80 : index
      %get3A_548 = tpu.vector_load %arg10[%get3A_546, %get3A_547] {strides = array<i32>} : memref<64x128xi32, #tpu.memory_space<vmem>>, vector<1x16xi32>,
      %get3A_549 = vector.shape_cast %get3A_548 : vector<1x16xi32> to vector<16xi32>
      %sub3A_550 = vector.broadcast %mul3A_0 : i32 to vector<16xi32>
      %sub3A_551 = arith.subi %get3A_549, %sub3A_550 : vector<16xi32>
      %ge3A_552 = arith.constant 0 : i32
      %ge3A_553 = vector.broadcast %ge3A_552 : i32 to vector<16xi32>
      %ge3A_554 = arith.cmpi sge, %sub3A_551, %ge3A_553 : vector<16xi32>
      %lt3A_555 = arith.constant 1048576 : i32
      %lt3A_556 = vector.broadcast %lt3A_555 : i32 to vector<16xi32>
      %lt3A_557 = arith.cmpi slt, %sub3A_551, %lt3A_556 : vector<16xi32>
      %and3A_558 = arith.andi %ge3A_554, %lt3A_557 : vector<16xi1>
      %select_n3A_559 = arith.select %and3A_558, %sub3A_551, %add3A_47 : vector<16xi1>, vector<16xi32>
      %mul3A_560 = arith.constant 128 : i32
      %mul3A_561 = arith.muli %scan3A_441, %mul3A_560 : i32
      %add3A_562 = arith.constant 80 : i32
      %add3A_563 = arith.addi %mul3A_561, %add3A_562 : i32
      %swap3A_564 = arith.index_cast %add3A_563 : i32 to index
      %swap3A_565 = tpu.vector_load %arg12[%swap3A_564] {strides = array<i32>} : memref<8192xi32, #tpu.memory_space<vmem>>, vector<16xi32>,
      %swap3A_566 = vector.shape_cast %swap3A_565 : vector<16xi32> to vector<16xi32>
      %swap3A_567 = vector.shape_cast %select_n3A_559 : vector<16xi32> to vector<16xi32>
      tpu.vector_store %arg12[%swap3A_564], %swap3A_567 {strides = array<i32>} : memref<8192xi32, #tpu.memory_space<vmem>>, vector<16xi32>,
      %get3A_568 = arith.index_cast %scan3A_441 : i32 to index
      %get3A_569 = arith.constant 96 : index
      %get3A_570 = tpu.vector_load %arg10[%get3A_568, %get3A_569] {strides = array<i32>} : memref<64x128xi32, #tpu.memory_space<vmem>>, vector<1x16xi32>,
      %get3A_571 = vector.shape_cast %get3A_570 : vector<1x16xi32> to vector<16xi32>
      %sub3A_572 = vector.broadcast %mul3A_0 : i32 to vector<16xi32>
      %sub3A_573 = arith.subi %get3A_571, %sub3A_572 : vector<16xi32>
      %ge3A_574 = arith.constant 0 : i32
      %ge3A_575 = vector.broadcast %ge3A_574 : i32 to vector<16xi32>
      %ge3A_576 = arith.cmpi sge, %sub3A_573, %ge3A_575 : vector<16xi32>
      %lt3A_577 = arith.constant 1048576 : i32
      %lt3A_578 = vector.broadcast %lt3A_577 : i32 to vector<16xi32>
      %lt3A_579 = arith.cmpi slt, %sub3A_573, %lt3A_578 : vector<16xi32>
      %and3A_580 = arith.andi %ge3A_576, %lt3A_579 : vector<16xi1>
      %select_n3A_581 = arith.select %and3A_580, %sub3A_573, %add3A_55 : vector<16xi1>, vector<16xi32>
      %mul3A_582 = arith.constant 128 : i32
      %mul3A_583 = arith.muli %scan3A_441, %mul3A_582 : i32
      %add3A_584 = arith.constant 96 : i32
      %add3A_585 = arith.addi %mul3A_583, %add3A_584 : i32
      %swap3A_586 = arith.index_cast %add3A_585 : i32 to index
      %swap3A_587 = tpu.vector_load %arg12[%swap3A_586] {strides = array<i32>} : memref<8192xi32, #tpu.memory_space<vmem>>, vector<16xi32>,
      %swap3A_588 = vector.shape_cast %swap3A_587 : vector<16xi32> to vector<16xi32>
      %swap3A_589 = vector.shape_cast %select_n3A_581 : vector<16xi32> to vector<16xi32>
      tpu.vector_store %arg12[%swap3A_586], %swap3A_589 {strides = array<i32>} : memref<8192xi32, #tpu.memory_space<vmem>>, vector<16xi32>,
      %get3A_590 = arith.index_cast %scan3A_441 : i32 to index
      %get3A_591 = arith.constant 112 : index
      %get3A_592 = tpu.vector_load %arg10[%get3A_590, %get3A_591] {strides = array<i32>} : memref<64x128xi32, #tpu.memory_space<vmem>>, vector<1x16xi32>,
      %get3A_593 = vector.shape_cast %get3A_592 : vector<1x16xi32> to vector<16xi32>
      %sub3A_594 = vector.broadcast %mul3A_0 : i32 to vector<16xi32>
      %sub3A_595 = arith.subi %get3A_593, %sub3A_594 : vector<16xi32>
      %ge3A_596 = arith.constant 0 : i32
      %ge3A_597 = vector.broadcast %ge3A_596 : i32 to vector<16xi32>
      %ge3A_598 = arith.cmpi sge, %sub3A_595, %ge3A_597 : vector<16xi32>
      %lt3A_599 = arith.constant 1048576 : i32
      %lt3A_600 = vector.broadcast %lt3A_599 : i32 to vector<16xi32>
      %lt3A_601 = arith.cmpi slt, %sub3A_595, %lt3A_600 : vector<16xi32>
      %and3A_602 = arith.andi %ge3A_598, %lt3A_601 : vector<16xi1>
      %select_n3A_603 = arith.select %and3A_602, %sub3A_595, %add3A_63 : vector<16xi1>, vector<16xi32>
      %mul3A_604 = arith.constant 128 : i32
      %mul3A_605 = arith.muli %scan3A_441, %mul3A_604 : i32
      %add3A_606 = arith.constant 112 : i32
      %add3A_607 = arith.addi %mul3A_605, %add3A_606 : i32
      %swap3A_608 = arith.index_cast %add3A_607 : i32 to index
      %swap3A_609 = tpu.vector_load %arg12[%swap3A_608] {strides = array<i32>} : memref<8192xi32, #tpu.memory_space<vmem>>, vector<16xi32>,
      %swap3A_610 = vector.shape_cast %swap3A_609 : vector<16xi32> to vector<16xi32>
      %swap3A_611 = vector.shape_cast %select_n3A_603 : vector<16xi32> to vector<16xi32>
      tpu.vector_store %arg12[%swap3A_608], %swap3A_611 {strides = array<i32>} : memref<8192xi32, #tpu.memory_space<vmem>>, vector<16xi32>,
      %scan3A_612 = arith.constant 0 : i32
      scf.yield %scan3A_612 : i32
    }
    %scan3A_291 = arith.constant 64 : i32
    %dma_wait3A_292 = arith.constant 0 : i32
    %dma_wait3A_293 = tpu.memref_slice %arg16[%dma_wait3A_292] : memref<1049600xi32, #tpu.memory_space<vmem_shared>> -> memref<1049600xi32, #tpu.memory_space<vmem_shared>>
    tpu.wait_indirect_dma semaphore(%arg20 : memref<!tpu.dma_semaphore, #tpu.memory_space<semaphore_mem>>) src(%arg14 : memref<8192xi32, #tpu.memory_space<vmem>>) dst(%dma_wait3A_293 : memref<1049600xi32, #tpu.memory_space<vmem_shared>>)
    %dma_start3A_294 = arith.constant 0 : i32
    %dma_start3A_295 = tpu.memref_slice %arg16[%dma_start3A_294] : memref<1049600xi32, #tpu.memory_space<vmem_shared>> -> memref<1049600xi32, #tpu.memory_space<vmem_shared>>
    tpu.enqueue_indirect_dma source(%arg14 : memref<8192xi32, #tpu.memory_space<vmem>>) target(%dma_start3A_295 : memref<1049600xi32, #tpu.memory_space<vmem_shared>>) offsets(%arg12 : memref<8192xi32, #tpu.memory_space<vmem>>) semaphore(%arg19 : memref<!tpu.dma_semaphore, #tpu.memory_space<semaphore_mem>>)
    %dma_wait3A_296 = arith.constant 0 : i32
    %dma_wait3A_297 = tpu.memref_slice %arg2[%mul3A_280, %dma_wait3A_296] : memref<12288x128xi32, #tpu.memory_space<hbm>> -> memref<64x128xi32, #tpu.memory_space<hbm>>
    %dma_wait3A_298 = arith.constant 0 : i32
    %dma_wait3A_299 = tpu.memref_slice %arg2[%mul3A_280, %dma_wait3A_298] : memref<12288x128xi32, #tpu.memory_space<hbm>> -> memref<64x128xi32, #tpu.memory_space<hbm>>
    tpu.wait_dma2 semaphore(%arg18 : memref<!tpu.dma_semaphore, #tpu.memory_space<semaphore_mem>>) src(%dma_wait3A_299 : memref<64x128xi32, #tpu.memory_space<hbm>>) dst(%arg11 : memref<64x128xi32, #tpu.memory_space<vmem>>)
    %mul3A_300 = arith.constant 12 : i32
    %mul3A_301 = arith.muli %arg1, %mul3A_300 : i32
    %add3A_302 = arith.constant 10 : i32
    %add3A_303 = arith.addi %mul3A_301, %add3A_302 : i32
    %mul3A_304 = arith.constant 64 : i32
    %mul3A_305 = arith.muli %add3A_303, %mul3A_304 : i32
    %dma_start3A_306 = arith.constant 0 : i32
    %dma_start3A_307 = tpu.memref_slice %arg2[%mul3A_305, %dma_start3A_306] : memref<12288x128xi32, #tpu.memory_space<hbm>> -> memref<64x128xi32, #tpu.memory_space<hbm>>
    %dma_start3A_308 = arith.constant 0 : i32
    %dma_start3A_309 = tpu.memref_slice %arg2[%mul3A_305, %dma_start3A_308] : memref<12288x128xi32, #tpu.memory_space<hbm>> -> memref<64x128xi32, #tpu.memory_space<hbm>>
    tpu.enqueue_dma source(%dma_start3A_309 : memref<64x128xi32, #tpu.memory_space<hbm>>) target(%arg10 : memref<64x128xi32, #tpu.memory_space<vmem>>) target_semaphore(%arg17 : memref<!tpu.dma_semaphore, #tpu.memory_space<semaphore_mem>>)
    %scan3A_310 = arith.constant 0 : i32
    %scan3A_311 = arith.constant 0 : i32
    %scan3A_312 = arith.constant 64 : i32
    %scan3A_313 = arith.addi %scan3A_311, %scan3A_312 : i32
    %scan3A_314 = arith.constant 1 : i32
    %scan3A_315 = scf.for %scan3A_441 = %scan3A_311 to %scan3A_313 step %scan3A_314 iter_args(%scan3A_442 = %scan3A_310) -> (i32)  : i32 {
      %get3A = arith.index_cast %scan3A_441 : i32 to index
      %get3A_443 = arith.constant 0 : index
      %get3A_444 = tpu.vector_load %arg11[%get3A, %get3A_443] {strides = array<i32>} : memref<64x128xi32, #tpu.memory_space<vmem>>, vector<1x16xi32>,
      %get3A_445 = vector.shape_cast %get3A_444 : vector<1x16xi32> to vector<16xi32>
      %sub3A = vector.broadcast %mul3A_0 : i32 to vector<16xi32>
      %sub3A_446 = arith.subi %get3A_445, %sub3A : vector<16xi32>
      %ge3A = arith.constant 0 : i32
      %ge3A_447 = vector.broadcast %ge3A : i32 to vector<16xi32>
      %ge3A_448 = arith.cmpi sge, %sub3A_446, %ge3A_447 : vector<16xi32>
      %lt3A = arith.constant 1048576 : i32
      %lt3A_449 = vector.broadcast %lt3A : i32 to vector<16xi32>
      %lt3A_450 = arith.cmpi slt, %sub3A_446, %lt3A_449 : vector<16xi32>
      %and3A = arith.andi %ge3A_448, %lt3A_450 : vector<16xi1>
      %select_n3A = arith.select %and3A, %sub3A_446, %add3A_7 : vector<16xi1>, vector<16xi32>
      %mul3A_451 = arith.constant 128 : i32
      %mul3A_452 = arith.muli %scan3A_441, %mul3A_451 : i32
      %add3A_453 = arith.constant 0 : i32
      %add3A_454 = arith.addi %mul3A_452, %add3A_453 : i32
      %swap3A = arith.index_cast %add3A_454 : i32 to index
      %swap3A_455 = tpu.vector_load %arg13[%swap3A] {strides = array<i32>} : memref<8192xi32, #tpu.memory_space<vmem>>, vector<16xi32>,
      %swap3A_456 = vector.shape_cast %swap3A_455 : vector<16xi32> to vector<16xi32>
      %swap3A_457 = vector.shape_cast %select_n3A : vector<16xi32> to vector<16xi32>
      tpu.vector_store %arg13[%swap3A], %swap3A_457 {strides = array<i32>} : memref<8192xi32, #tpu.memory_space<vmem>>, vector<16xi32>,
      %get3A_458 = arith.index_cast %scan3A_441 : i32 to index
      %get3A_459 = arith.constant 16 : index
      %get3A_460 = tpu.vector_load %arg11[%get3A_458, %get3A_459] {strides = array<i32>} : memref<64x128xi32, #tpu.memory_space<vmem>>, vector<1x16xi32>,
      %get3A_461 = vector.shape_cast %get3A_460 : vector<1x16xi32> to vector<16xi32>
      %sub3A_462 = vector.broadcast %mul3A_0 : i32 to vector<16xi32>
      %sub3A_463 = arith.subi %get3A_461, %sub3A_462 : vector<16xi32>
      %ge3A_464 = arith.constant 0 : i32
      %ge3A_465 = vector.broadcast %ge3A_464 : i32 to vector<16xi32>
      %ge3A_466 = arith.cmpi sge, %sub3A_463, %ge3A_465 : vector<16xi32>
      %lt3A_467 = arith.constant 1048576 : i32
      %lt3A_468 = vector.broadcast %lt3A_467 : i32 to vector<16xi32>
      %lt3A_469 = arith.cmpi slt, %sub3A_463, %lt3A_468 : vector<16xi32>
      %and3A_470 = arith.andi %ge3A_466, %lt3A_469 : vector<16xi1>
      %select_n3A_471 = arith.select %and3A_470, %sub3A_463, %add3A_15 : vector<16xi1>, vector<16xi32>
      %mul3A_472 = arith.constant 128 : i32
      %mul3A_473 = arith.muli %scan3A_441, %mul3A_472 : i32
      %add3A_474 = arith.constant 16 : i32
      %add3A_475 = arith.addi %mul3A_473, %add3A_474 : i32
      %swap3A_476 = arith.index_cast %add3A_475 : i32 to index
      %swap3A_477 = tpu.vector_load %arg13[%swap3A_476] {strides = array<i32>} : memref<8192xi32, #tpu.memory_space<vmem>>, vector<16xi32>,
      %swap3A_478 = vector.shape_cast %swap3A_477 : vector<16xi32> to vector<16xi32>
      %swap3A_479 = vector.shape_cast %select_n3A_471 : vector<16xi32> to vector<16xi32>
      tpu.vector_store %arg13[%swap3A_476], %swap3A_479 {strides = array<i32>} : memref<8192xi32, #tpu.memory_space<vmem>>, vector<16xi32>,
      %get3A_480 = arith.index_cast %scan3A_441 : i32 to index
      %get3A_481 = arith.constant 32 : index
      %get3A_482 = tpu.vector_load %arg11[%get3A_480, %get3A_481] {strides = array<i32>} : memref<64x128xi32, #tpu.memory_space<vmem>>, vector<1x16xi32>,
      %get3A_483 = vector.shape_cast %get3A_482 : vector<1x16xi32> to vector<16xi32>
      %sub3A_484 = vector.broadcast %mul3A_0 : i32 to vector<16xi32>
      %sub3A_485 = arith.subi %get3A_483, %sub3A_484 : vector<16xi32>
      %ge3A_486 = arith.constant 0 : i32
      %ge3A_487 = vector.broadcast %ge3A_486 : i32 to vector<16xi32>
      %ge3A_488 = arith.cmpi sge, %sub3A_485, %ge3A_487 : vector<16xi32>
      %lt3A_489 = arith.constant 1048576 : i32
      %lt3A_490 = vector.broadcast %lt3A_489 : i32 to vector<16xi32>
      %lt3A_491 = arith.cmpi slt, %sub3A_485, %lt3A_490 : vector<16xi32>
      %and3A_492 = arith.andi %ge3A_488, %lt3A_491 : vector<16xi1>
      %select_n3A_493 = arith.select %and3A_492, %sub3A_485, %add3A_23 : vector<16xi1>, vector<16xi32>
      %mul3A_494 = arith.constant 128 : i32
      %mul3A_495 = arith.muli %scan3A_441, %mul3A_494 : i32
      %add3A_496 = arith.constant 32 : i32
      %add3A_497 = arith.addi %mul3A_495, %add3A_496 : i32
      %swap3A_498 = arith.index_cast %add3A_497 : i32 to index
      %swap3A_499 = tpu.vector_load %arg13[%swap3A_498] {strides = array<i32>} : memref<8192xi32, #tpu.memory_space<vmem>>, vector<16xi32>,
      %swap3A_500 = vector.shape_cast %swap3A_499 : vector<16xi32> to vector<16xi32>
      %swap3A_501 = vector.shape_cast %select_n3A_493 : vector<16xi32> to vector<16xi32>
      tpu.vector_store %arg13[%swap3A_498], %swap3A_501 {strides = array<i32>} : memref<8192xi32, #tpu.memory_space<vmem>>, vector<16xi32>,
      %get3A_502 = arith.index_cast %scan3A_441 : i32 to index
      %get3A_503 = arith.constant 48 : index
      %get3A_504 = tpu.vector_load %arg11[%get3A_502, %get3A_503] {strides = array<i32>} : memref<64x128xi32, #tpu.memory_space<vmem>>, vector<1x16xi32>,
      %get3A_505 = vector.shape_cast %get3A_504 : vector<1x16xi32> to vector<16xi32>
      %sub3A_506 = vector.broadcast %mul3A_0 : i32 to vector<16xi32>
      %sub3A_507 = arith.subi %get3A_505, %sub3A_506 : vector<16xi32>
      %ge3A_508 = arith.constant 0 : i32
      %ge3A_509 = vector.broadcast %ge3A_508 : i32 to vector<16xi32>
      %ge3A_510 = arith.cmpi sge, %sub3A_507, %ge3A_509 : vector<16xi32>
      %lt3A_511 = arith.constant 1048576 : i32
      %lt3A_512 = vector.broadcast %lt3A_511 : i32 to vector<16xi32>
      %lt3A_513 = arith.cmpi slt, %sub3A_507, %lt3A_512 : vector<16xi32>
      %and3A_514 = arith.andi %ge3A_510, %lt3A_513 : vector<16xi1>
      %select_n3A_515 = arith.select %and3A_514, %sub3A_507, %add3A_31 : vector<16xi1>, vector<16xi32>
      %mul3A_516 = arith.constant 128 : i32
      %mul3A_517 = arith.muli %scan3A_441, %mul3A_516 : i32
      %add3A_518 = arith.constant 48 : i32
      %add3A_519 = arith.addi %mul3A_517, %add3A_518 : i32
      %swap3A_520 = arith.index_cast %add3A_519 : i32 to index
      %swap3A_521 = tpu.vector_load %arg13[%swap3A_520] {strides = array<i32>} : memref<8192xi32, #tpu.memory_space<vmem>>, vector<16xi32>,
      %swap3A_522 = vector.shape_cast %swap3A_521 : vector<16xi32> to vector<16xi32>
      %swap3A_523 = vector.shape_cast %select_n3A_515 : vector<16xi32> to vector<16xi32>
      tpu.vector_store %arg13[%swap3A_520], %swap3A_523 {strides = array<i32>} : memref<8192xi32, #tpu.memory_space<vmem>>, vector<16xi32>,
      %get3A_524 = arith.index_cast %scan3A_441 : i32 to index
      %get3A_525 = arith.constant 64 : index
      %get3A_526 = tpu.vector_load %arg11[%get3A_524, %get3A_525] {strides = array<i32>} : memref<64x128xi32, #tpu.memory_space<vmem>>, vector<1x16xi32>,
      %get3A_527 = vector.shape_cast %get3A_526 : vector<1x16xi32> to vector<16xi32>
      %sub3A_528 = vector.broadcast %mul3A_0 : i32 to vector<16xi32>
      %sub3A_529 = arith.subi %get3A_527, %sub3A_528 : vector<16xi32>
      %ge3A_530 = arith.constant 0 : i32
      %ge3A_531 = vector.broadcast %ge3A_530 : i32 to vector<16xi32>
      %ge3A_532 = arith.cmpi sge, %sub3A_529, %ge3A_531 : vector<16xi32>
      %lt3A_533 = arith.constant 1048576 : i32
      %lt3A_534 = vector.broadcast %lt3A_533 : i32 to vector<16xi32>
      %lt3A_535 = arith.cmpi slt, %sub3A_529, %lt3A_534 : vector<16xi32>
      %and3A_536 = arith.andi %ge3A_532, %lt3A_535 : vector<16xi1>
      %select_n3A_537 = arith.select %and3A_536, %sub3A_529, %add3A_39 : vector<16xi1>, vector<16xi32>
      %mul3A_538 = arith.constant 128 : i32
      %mul3A_539 = arith.muli %scan3A_441, %mul3A_538 : i32
      %add3A_540 = arith.constant 64 : i32
      %add3A_541 = arith.addi %mul3A_539, %add3A_540 : i32
      %swap3A_542 = arith.index_cast %add3A_541 : i32 to index
      %swap3A_543 = tpu.vector_load %arg13[%swap3A_542] {strides = array<i32>} : memref<8192xi32, #tpu.memory_space<vmem>>, vector<16xi32>,
      %swap3A_544 = vector.shape_cast %swap3A_543 : vector<16xi32> to vector<16xi32>
      %swap3A_545 = vector.shape_cast %select_n3A_537 : vector<16xi32> to vector<16xi32>
      tpu.vector_store %arg13[%swap3A_542], %swap3A_545 {strides = array<i32>} : memref<8192xi32, #tpu.memory_space<vmem>>, vector<16xi32>,
      %get3A_546 = arith.index_cast %scan3A_441 : i32 to index
      %get3A_547 = arith.constant 80 : index
      %get3A_548 = tpu.vector_load %arg11[%get3A_546, %get3A_547] {strides = array<i32>} : memref<64x128xi32, #tpu.memory_space<vmem>>, vector<1x16xi32>,
      %get3A_549 = vector.shape_cast %get3A_548 : vector<1x16xi32> to vector<16xi32>
      %sub3A_550 = vector.broadcast %mul3A_0 : i32 to vector<16xi32>
      %sub3A_551 = arith.subi %get3A_549, %sub3A_550 : vector<16xi32>
      %ge3A_552 = arith.constant 0 : i32
      %ge3A_553 = vector.broadcast %ge3A_552 : i32 to vector<16xi32>
      %ge3A_554 = arith.cmpi sge, %sub3A_551, %ge3A_553 : vector<16xi32>
      %lt3A_555 = arith.constant 1048576 : i32
      %lt3A_556 = vector.broadcast %lt3A_555 : i32 to vector<16xi32>
      %lt3A_557 = arith.cmpi slt, %sub3A_551, %lt3A_556 : vector<16xi32>
      %and3A_558 = arith.andi %ge3A_554, %lt3A_557 : vector<16xi1>
      %select_n3A_559 = arith.select %and3A_558, %sub3A_551, %add3A_47 : vector<16xi1>, vector<16xi32>
      %mul3A_560 = arith.constant 128 : i32
      %mul3A_561 = arith.muli %scan3A_441, %mul3A_560 : i32
      %add3A_562 = arith.constant 80 : i32
      %add3A_563 = arith.addi %mul3A_561, %add3A_562 : i32
      %swap3A_564 = arith.index_cast %add3A_563 : i32 to index
      %swap3A_565 = tpu.vector_load %arg13[%swap3A_564] {strides = array<i32>} : memref<8192xi32, #tpu.memory_space<vmem>>, vector<16xi32>,
      %swap3A_566 = vector.shape_cast %swap3A_565 : vector<16xi32> to vector<16xi32>
      %swap3A_567 = vector.shape_cast %select_n3A_559 : vector<16xi32> to vector<16xi32>
      tpu.vector_store %arg13[%swap3A_564], %swap3A_567 {strides = array<i32>} : memref<8192xi32, #tpu.memory_space<vmem>>, vector<16xi32>,
      %get3A_568 = arith.index_cast %scan3A_441 : i32 to index
      %get3A_569 = arith.constant 96 : index
      %get3A_570 = tpu.vector_load %arg11[%get3A_568, %get3A_569] {strides = array<i32>} : memref<64x128xi32, #tpu.memory_space<vmem>>, vector<1x16xi32>,
      %get3A_571 = vector.shape_cast %get3A_570 : vector<1x16xi32> to vector<16xi32>
      %sub3A_572 = vector.broadcast %mul3A_0 : i32 to vector<16xi32>
      %sub3A_573 = arith.subi %get3A_571, %sub3A_572 : vector<16xi32>
      %ge3A_574 = arith.constant 0 : i32
      %ge3A_575 = vector.broadcast %ge3A_574 : i32 to vector<16xi32>
      %ge3A_576 = arith.cmpi sge, %sub3A_573, %ge3A_575 : vector<16xi32>
      %lt3A_577 = arith.constant 1048576 : i32
      %lt3A_578 = vector.broadcast %lt3A_577 : i32 to vector<16xi32>
      %lt3A_579 = arith.cmpi slt, %sub3A_573, %lt3A_578 : vector<16xi32>
      %and3A_580 = arith.andi %ge3A_576, %lt3A_579 : vector<16xi1>
      %select_n3A_581 = arith.select %and3A_580, %sub3A_573, %add3A_55 : vector<16xi1>, vector<16xi32>
      %mul3A_582 = arith.constant 128 : i32
      %mul3A_583 = arith.muli %scan3A_441, %mul3A_582 : i32
      %add3A_584 = arith.constant 96 : i32
      %add3A_585 = arith.addi %mul3A_583, %add3A_584 : i32
      %swap3A_586 = arith.index_cast %add3A_585 : i32 to index
      %swap3A_587 = tpu.vector_load %arg13[%swap3A_586] {strides = array<i32>} : memref<8192xi32, #tpu.memory_space<vmem>>, vector<16xi32>,
      %swap3A_588 = vector.shape_cast %swap3A_587 : vector<16xi32> to vector<16xi32>
      %swap3A_589 = vector.shape_cast %select_n3A_581 : vector<16xi32> to vector<16xi32>
      tpu.vector_store %arg13[%swap3A_586], %swap3A_589 {strides = array<i32>} : memref<8192xi32, #tpu.memory_space<vmem>>, vector<16xi32>,
      %get3A_590 = arith.index_cast %scan3A_441 : i32 to index
      %get3A_591 = arith.constant 112 : index
      %get3A_592 = tpu.vector_load %arg11[%get3A_590, %get3A_591] {strides = array<i32>} : memref<64x128xi32, #tpu.memory_space<vmem>>, vector<1x16xi32>,
      %get3A_593 = vector.shape_cast %get3A_592 : vector<1x16xi32> to vector<16xi32>
      %sub3A_594 = vector.broadcast %mul3A_0 : i32 to vector<16xi32>
      %sub3A_595 = arith.subi %get3A_593, %sub3A_594 : vector<16xi32>
      %ge3A_596 = arith.constant 0 : i32
      %ge3A_597 = vector.broadcast %ge3A_596 : i32 to vector<16xi32>
      %ge3A_598 = arith.cmpi sge, %sub3A_595, %ge3A_597 : vector<16xi32>
      %lt3A_599 = arith.constant 1048576 : i32
      %lt3A_600 = vector.broadcast %lt3A_599 : i32 to vector<16xi32>
      %lt3A_601 = arith.cmpi slt, %sub3A_595, %lt3A_600 : vector<16xi32>
      %and3A_602 = arith.andi %ge3A_598, %lt3A_601 : vector<16xi1>
      %select_n3A_603 = arith.select %and3A_602, %sub3A_595, %add3A_63 : vector<16xi1>, vector<16xi32>
      %mul3A_604 = arith.constant 128 : i32
      %mul3A_605 = arith.muli %scan3A_441, %mul3A_604 : i32
      %add3A_606 = arith.constant 112 : i32
      %add3A_607 = arith.addi %mul3A_605, %add3A_606 : i32
      %swap3A_608 = arith.index_cast %add3A_607 : i32 to index
      %swap3A_609 = tpu.vector_load %arg13[%swap3A_608] {strides = array<i32>} : memref<8192xi32, #tpu.memory_space<vmem>>, vector<16xi32>,
      %swap3A_610 = vector.shape_cast %swap3A_609 : vector<16xi32> to vector<16xi32>
      %swap3A_611 = vector.shape_cast %select_n3A_603 : vector<16xi32> to vector<16xi32>
      tpu.vector_store %arg13[%swap3A_608], %swap3A_611 {strides = array<i32>} : memref<8192xi32, #tpu.memory_space<vmem>>, vector<16xi32>,
      %scan3A_612 = arith.constant 0 : i32
      scf.yield %scan3A_612 : i32
    }
    %scan3A_316 = arith.constant 64 : i32
    %dma_wait3A_317 = arith.constant 0 : i32
    %dma_wait3A_318 = tpu.memref_slice %arg16[%dma_wait3A_317] : memref<1049600xi32, #tpu.memory_space<vmem_shared>> -> memref<1049600xi32, #tpu.memory_space<vmem_shared>>
    tpu.wait_indirect_dma semaphore(%arg19 : memref<!tpu.dma_semaphore, #tpu.memory_space<semaphore_mem>>) src(%arg14 : memref<8192xi32, #tpu.memory_space<vmem>>) dst(%dma_wait3A_318 : memref<1049600xi32, #tpu.memory_space<vmem_shared>>)
    %dma_start3A_319 = arith.constant 0 : i32
    %dma_start3A_320 = tpu.memref_slice %arg16[%dma_start3A_319] : memref<1049600xi32, #tpu.memory_space<vmem_shared>> -> memref<1049600xi32, #tpu.memory_space<vmem_shared>>
    tpu.enqueue_indirect_dma source(%arg14 : memref<8192xi32, #tpu.memory_space<vmem>>) target(%dma_start3A_320 : memref<1049600xi32, #tpu.memory_space<vmem_shared>>) offsets(%arg13 : memref<8192xi32, #tpu.memory_space<vmem>>) semaphore(%arg20 : memref<!tpu.dma_semaphore, #tpu.memory_space<semaphore_mem>>)
    %dma_wait3A_321 = arith.constant 0 : i32
    %dma_wait3A_322 = tpu.memref_slice %arg2[%mul3A_305, %dma_wait3A_321] : memref<12288x128xi32, #tpu.memory_space<hbm>> -> memref<64x128xi32, #tpu.memory_space<hbm>>
    %dma_wait3A_323 = arith.constant 0 : i32
    %dma_wait3A_324 = tpu.memref_slice %arg2[%mul3A_305, %dma_wait3A_323] : memref<12288x128xi32, #tpu.memory_space<hbm>> -> memref<64x128xi32, #tpu.memory_space<hbm>>
    tpu.wait_dma2 semaphore(%arg17 : memref<!tpu.dma_semaphore, #tpu.memory_space<semaphore_mem>>) src(%dma_wait3A_324 : memref<64x128xi32, #tpu.memory_space<hbm>>) dst(%arg10 : memref<64x128xi32, #tpu.memory_space<vmem>>)
    %mul3A_325 = arith.constant 12 : i32
    %mul3A_326 = arith.muli %arg1, %mul3A_325 : i32
    %add3A_327 = arith.constant 11 : i32
    %add3A_328 = arith.addi %mul3A_326, %add3A_327 : i32
    %mul3A_329 = arith.constant 64 : i32
    %mul3A_330 = arith.muli %add3A_328, %mul3A_329 : i32
    %dma_start3A_331 = arith.constant 0 : i32
    %dma_start3A_332 = tpu.memref_slice %arg2[%mul3A_330, %dma_start3A_331] : memref<12288x128xi32, #tpu.memory_space<hbm>> -> memref<64x128xi32, #tpu.memory_space<hbm>>
    %dma_start3A_333 = arith.constant 0 : i32
    %dma_start3A_334 = tpu.memref_slice %arg2[%mul3A_330, %dma_start3A_333] : memref<12288x128xi32, #tpu.memory_space<hbm>> -> memref<64x128xi32, #tpu.memory_space<hbm>>
    tpu.enqueue_dma source(%dma_start3A_334 : memref<64x128xi32, #tpu.memory_space<hbm>>) target(%arg11 : memref<64x128xi32, #tpu.memory_space<vmem>>) target_semaphore(%arg18 : memref<!tpu.dma_semaphore, #tpu.memory_space<semaphore_mem>>)
    %scan3A_335 = arith.constant 0 : i32
    %scan3A_336 = arith.constant 0 : i32
    %scan3A_337 = arith.constant 64 : i32
    %scan3A_338 = arith.addi %scan3A_336, %scan3A_337 : i32
    %scan3A_339 = arith.constant 1 : i32
    %scan3A_340 = scf.for %scan3A_441 = %scan3A_336 to %scan3A_338 step %scan3A_339 iter_args(%scan3A_442 = %scan3A_335) -> (i32)  : i32 {
      %get3A = arith.index_cast %scan3A_441 : i32 to index
      %get3A_443 = arith.constant 0 : index
      %get3A_444 = tpu.vector_load %arg10[%get3A, %get3A_443] {strides = array<i32>} : memref<64x128xi32, #tpu.memory_space<vmem>>, vector<1x16xi32>,
      %get3A_445 = vector.shape_cast %get3A_444 : vector<1x16xi32> to vector<16xi32>
      %sub3A = vector.broadcast %mul3A_0 : i32 to vector<16xi32>
      %sub3A_446 = arith.subi %get3A_445, %sub3A : vector<16xi32>
      %ge3A = arith.constant 0 : i32
      %ge3A_447 = vector.broadcast %ge3A : i32 to vector<16xi32>
      %ge3A_448 = arith.cmpi sge, %sub3A_446, %ge3A_447 : vector<16xi32>
      %lt3A = arith.constant 1048576 : i32
      %lt3A_449 = vector.broadcast %lt3A : i32 to vector<16xi32>
      %lt3A_450 = arith.cmpi slt, %sub3A_446, %lt3A_449 : vector<16xi32>
      %and3A = arith.andi %ge3A_448, %lt3A_450 : vector<16xi1>
      %select_n3A = arith.select %and3A, %sub3A_446, %add3A_7 : vector<16xi1>, vector<16xi32>
      %mul3A_451 = arith.constant 128 : i32
      %mul3A_452 = arith.muli %scan3A_441, %mul3A_451 : i32
      %add3A_453 = arith.constant 0 : i32
      %add3A_454 = arith.addi %mul3A_452, %add3A_453 : i32
      %swap3A = arith.index_cast %add3A_454 : i32 to index
      %swap3A_455 = tpu.vector_load %arg12[%swap3A] {strides = array<i32>} : memref<8192xi32, #tpu.memory_space<vmem>>, vector<16xi32>,
      %swap3A_456 = vector.shape_cast %swap3A_455 : vector<16xi32> to vector<16xi32>
      %swap3A_457 = vector.shape_cast %select_n3A : vector<16xi32> to vector<16xi32>
      tpu.vector_store %arg12[%swap3A], %swap3A_457 {strides = array<i32>} : memref<8192xi32, #tpu.memory_space<vmem>>, vector<16xi32>,
      %get3A_458 = arith.index_cast %scan3A_441 : i32 to index
      %get3A_459 = arith.constant 16 : index
      %get3A_460 = tpu.vector_load %arg10[%get3A_458, %get3A_459] {strides = array<i32>} : memref<64x128xi32, #tpu.memory_space<vmem>>, vector<1x16xi32>,
      %get3A_461 = vector.shape_cast %get3A_460 : vector<1x16xi32> to vector<16xi32>
      %sub3A_462 = vector.broadcast %mul3A_0 : i32 to vector<16xi32>
      %sub3A_463 = arith.subi %get3A_461, %sub3A_462 : vector<16xi32>
      %ge3A_464 = arith.constant 0 : i32
      %ge3A_465 = vector.broadcast %ge3A_464 : i32 to vector<16xi32>
      %ge3A_466 = arith.cmpi sge, %sub3A_463, %ge3A_465 : vector<16xi32>
      %lt3A_467 = arith.constant 1048576 : i32
      %lt3A_468 = vector.broadcast %lt3A_467 : i32 to vector<16xi32>
      %lt3A_469 = arith.cmpi slt, %sub3A_463, %lt3A_468 : vector<16xi32>
      %and3A_470 = arith.andi %ge3A_466, %lt3A_469 : vector<16xi1>
      %select_n3A_471 = arith.select %and3A_470, %sub3A_463, %add3A_15 : vector<16xi1>, vector<16xi32>
      %mul3A_472 = arith.constant 128 : i32
      %mul3A_473 = arith.muli %scan3A_441, %mul3A_472 : i32
      %add3A_474 = arith.constant 16 : i32
      %add3A_475 = arith.addi %mul3A_473, %add3A_474 : i32
      %swap3A_476 = arith.index_cast %add3A_475 : i32 to index
      %swap3A_477 = tpu.vector_load %arg12[%swap3A_476] {strides = array<i32>} : memref<8192xi32, #tpu.memory_space<vmem>>, vector<16xi32>,
      %swap3A_478 = vector.shape_cast %swap3A_477 : vector<16xi32> to vector<16xi32>
      %swap3A_479 = vector.shape_cast %select_n3A_471 : vector<16xi32> to vector<16xi32>
      tpu.vector_store %arg12[%swap3A_476], %swap3A_479 {strides = array<i32>} : memref<8192xi32, #tpu.memory_space<vmem>>, vector<16xi32>,
      %get3A_480 = arith.index_cast %scan3A_441 : i32 to index
      %get3A_481 = arith.constant 32 : index
      %get3A_482 = tpu.vector_load %arg10[%get3A_480, %get3A_481] {strides = array<i32>} : memref<64x128xi32, #tpu.memory_space<vmem>>, vector<1x16xi32>,
      %get3A_483 = vector.shape_cast %get3A_482 : vector<1x16xi32> to vector<16xi32>
      %sub3A_484 = vector.broadcast %mul3A_0 : i32 to vector<16xi32>
      %sub3A_485 = arith.subi %get3A_483, %sub3A_484 : vector<16xi32>
      %ge3A_486 = arith.constant 0 : i32
      %ge3A_487 = vector.broadcast %ge3A_486 : i32 to vector<16xi32>
      %ge3A_488 = arith.cmpi sge, %sub3A_485, %ge3A_487 : vector<16xi32>
      %lt3A_489 = arith.constant 1048576 : i32
      %lt3A_490 = vector.broadcast %lt3A_489 : i32 to vector<16xi32>
      %lt3A_491 = arith.cmpi slt, %sub3A_485, %lt3A_490 : vector<16xi32>
      %and3A_492 = arith.andi %ge3A_488, %lt3A_491 : vector<16xi1>
      %select_n3A_493 = arith.select %and3A_492, %sub3A_485, %add3A_23 : vector<16xi1>, vector<16xi32>
      %mul3A_494 = arith.constant 128 : i32
      %mul3A_495 = arith.muli %scan3A_441, %mul3A_494 : i32
      %add3A_496 = arith.constant 32 : i32
      %add3A_497 = arith.addi %mul3A_495, %add3A_496 : i32
      %swap3A_498 = arith.index_cast %add3A_497 : i32 to index
      %swap3A_499 = tpu.vector_load %arg12[%swap3A_498] {strides = array<i32>} : memref<8192xi32, #tpu.memory_space<vmem>>, vector<16xi32>,
      %swap3A_500 = vector.shape_cast %swap3A_499 : vector<16xi32> to vector<16xi32>
      %swap3A_501 = vector.shape_cast %select_n3A_493 : vector<16xi32> to vector<16xi32>
      tpu.vector_store %arg12[%swap3A_498], %swap3A_501 {strides = array<i32>} : memref<8192xi32, #tpu.memory_space<vmem>>, vector<16xi32>,
      %get3A_502 = arith.index_cast %scan3A_441 : i32 to index
      %get3A_503 = arith.constant 48 : index
      %get3A_504 = tpu.vector_load %arg10[%get3A_502, %get3A_503] {strides = array<i32>} : memref<64x128xi32, #tpu.memory_space<vmem>>, vector<1x16xi32>,
      %get3A_505 = vector.shape_cast %get3A_504 : vector<1x16xi32> to vector<16xi32>
      %sub3A_506 = vector.broadcast %mul3A_0 : i32 to vector<16xi32>
      %sub3A_507 = arith.subi %get3A_505, %sub3A_506 : vector<16xi32>
      %ge3A_508 = arith.constant 0 : i32
      %ge3A_509 = vector.broadcast %ge3A_508 : i32 to vector<16xi32>
      %ge3A_510 = arith.cmpi sge, %sub3A_507, %ge3A_509 : vector<16xi32>
      %lt3A_511 = arith.constant 1048576 : i32
      %lt3A_512 = vector.broadcast %lt3A_511 : i32 to vector<16xi32>
      %lt3A_513 = arith.cmpi slt, %sub3A_507, %lt3A_512 : vector<16xi32>
      %and3A_514 = arith.andi %ge3A_510, %lt3A_513 : vector<16xi1>
      %select_n3A_515 = arith.select %and3A_514, %sub3A_507, %add3A_31 : vector<16xi1>, vector<16xi32>
      %mul3A_516 = arith.constant 128 : i32
      %mul3A_517 = arith.muli %scan3A_441, %mul3A_516 : i32
      %add3A_518 = arith.constant 48 : i32
      %add3A_519 = arith.addi %mul3A_517, %add3A_518 : i32
      %swap3A_520 = arith.index_cast %add3A_519 : i32 to index
      %swap3A_521 = tpu.vector_load %arg12[%swap3A_520] {strides = array<i32>} : memref<8192xi32, #tpu.memory_space<vmem>>, vector<16xi32>,
      %swap3A_522 = vector.shape_cast %swap3A_521 : vector<16xi32> to vector<16xi32>
      %swap3A_523 = vector.shape_cast %select_n3A_515 : vector<16xi32> to vector<16xi32>
      tpu.vector_store %arg12[%swap3A_520], %swap3A_523 {strides = array<i32>} : memref<8192xi32, #tpu.memory_space<vmem>>, vector<16xi32>,
      %get3A_524 = arith.index_cast %scan3A_441 : i32 to index
      %get3A_525 = arith.constant 64 : index
      %get3A_526 = tpu.vector_load %arg10[%get3A_524, %get3A_525] {strides = array<i32>} : memref<64x128xi32, #tpu.memory_space<vmem>>, vector<1x16xi32>,
      %get3A_527 = vector.shape_cast %get3A_526 : vector<1x16xi32> to vector<16xi32>
      %sub3A_528 = vector.broadcast %mul3A_0 : i32 to vector<16xi32>
      %sub3A_529 = arith.subi %get3A_527, %sub3A_528 : vector<16xi32>
      %ge3A_530 = arith.constant 0 : i32
      %ge3A_531 = vector.broadcast %ge3A_530 : i32 to vector<16xi32>
      %ge3A_532 = arith.cmpi sge, %sub3A_529, %ge3A_531 : vector<16xi32>
      %lt3A_533 = arith.constant 1048576 : i32
      %lt3A_534 = vector.broadcast %lt3A_533 : i32 to vector<16xi32>
      %lt3A_535 = arith.cmpi slt, %sub3A_529, %lt3A_534 : vector<16xi32>
      %and3A_536 = arith.andi %ge3A_532, %lt3A_535 : vector<16xi1>
      %select_n3A_537 = arith.select %and3A_536, %sub3A_529, %add3A_39 : vector<16xi1>, vector<16xi32>
      %mul3A_538 = arith.constant 128 : i32
      %mul3A_539 = arith.muli %scan3A_441, %mul3A_538 : i32
      %add3A_540 = arith.constant 64 : i32
      %add3A_541 = arith.addi %mul3A_539, %add3A_540 : i32
      %swap3A_542 = arith.index_cast %add3A_541 : i32 to index
      %swap3A_543 = tpu.vector_load %arg12[%swap3A_542] {strides = array<i32>} : memref<8192xi32, #tpu.memory_space<vmem>>, vector<16xi32>,
      %swap3A_544 = vector.shape_cast %swap3A_543 : vector<16xi32> to vector<16xi32>
      %swap3A_545 = vector.shape_cast %select_n3A_537 : vector<16xi32> to vector<16xi32>
      tpu.vector_store %arg12[%swap3A_542], %swap3A_545 {strides = array<i32>} : memref<8192xi32, #tpu.memory_space<vmem>>, vector<16xi32>,
      %get3A_546 = arith.index_cast %scan3A_441 : i32 to index
      %get3A_547 = arith.constant 80 : index
      %get3A_548 = tpu.vector_load %arg10[%get3A_546, %get3A_547] {strides = array<i32>} : memref<64x128xi32, #tpu.memory_space<vmem>>, vector<1x16xi32>,
      %get3A_549 = vector.shape_cast %get3A_548 : vector<1x16xi32> to vector<16xi32>
      %sub3A_550 = vector.broadcast %mul3A_0 : i32 to vector<16xi32>
      %sub3A_551 = arith.subi %get3A_549, %sub3A_550 : vector<16xi32>
      %ge3A_552 = arith.constant 0 : i32
      %ge3A_553 = vector.broadcast %ge3A_552 : i32 to vector<16xi32>
      %ge3A_554 = arith.cmpi sge, %sub3A_551, %ge3A_553 : vector<16xi32>
      %lt3A_555 = arith.constant 1048576 : i32
      %lt3A_556 = vector.broadcast %lt3A_555 : i32 to vector<16xi32>
      %lt3A_557 = arith.cmpi slt, %sub3A_551, %lt3A_556 : vector<16xi32>
      %and3A_558 = arith.andi %ge3A_554, %lt3A_557 : vector<16xi1>
      %select_n3A_559 = arith.select %and3A_558, %sub3A_551, %add3A_47 : vector<16xi1>, vector<16xi32>
      %mul3A_560 = arith.constant 128 : i32
      %mul3A_561 = arith.muli %scan3A_441, %mul3A_560 : i32
      %add3A_562 = arith.constant 80 : i32
      %add3A_563 = arith.addi %mul3A_561, %add3A_562 : i32
      %swap3A_564 = arith.index_cast %add3A_563 : i32 to index
      %swap3A_565 = tpu.vector_load %arg12[%swap3A_564] {strides = array<i32>} : memref<8192xi32, #tpu.memory_space<vmem>>, vector<16xi32>,
      %swap3A_566 = vector.shape_cast %swap3A_565 : vector<16xi32> to vector<16xi32>
      %swap3A_567 = vector.shape_cast %select_n3A_559 : vector<16xi32> to vector<16xi32>
      tpu.vector_store %arg12[%swap3A_564], %swap3A_567 {strides = array<i32>} : memref<8192xi32, #tpu.memory_space<vmem>>, vector<16xi32>,
      %get3A_568 = arith.index_cast %scan3A_441 : i32 to index
      %get3A_569 = arith.constant 96 : index
      %get3A_570 = tpu.vector_load %arg10[%get3A_568, %get3A_569] {strides = array<i32>} : memref<64x128xi32, #tpu.memory_space<vmem>>, vector<1x16xi32>,
      %get3A_571 = vector.shape_cast %get3A_570 : vector<1x16xi32> to vector<16xi32>
      %sub3A_572 = vector.broadcast %mul3A_0 : i32 to vector<16xi32>
      %sub3A_573 = arith.subi %get3A_571, %sub3A_572 : vector<16xi32>
      %ge3A_574 = arith.constant 0 : i32
      %ge3A_575 = vector.broadcast %ge3A_574 : i32 to vector<16xi32>
      %ge3A_576 = arith.cmpi sge, %sub3A_573, %ge3A_575 : vector<16xi32>
      %lt3A_577 = arith.constant 1048576 : i32
      %lt3A_578 = vector.broadcast %lt3A_577 : i32 to vector<16xi32>
      %lt3A_579 = arith.cmpi slt, %sub3A_573, %lt3A_578 : vector<16xi32>
      %and3A_580 = arith.andi %ge3A_576, %lt3A_579 : vector<16xi1>
      %select_n3A_581 = arith.select %and3A_580, %sub3A_573, %add3A_55 : vector<16xi1>, vector<16xi32>
      %mul3A_582 = arith.constant 128 : i32
      %mul3A_583 = arith.muli %scan3A_441, %mul3A_582 : i32
      %add3A_584 = arith.constant 96 : i32
      %add3A_585 = arith.addi %mul3A_583, %add3A_584 : i32
      %swap3A_586 = arith.index_cast %add3A_585 : i32 to index
      %swap3A_587 = tpu.vector_load %arg12[%swap3A_586] {strides = array<i32>} : memref<8192xi32, #tpu.memory_space<vmem>>, vector<16xi32>,
      %swap3A_588 = vector.shape_cast %swap3A_587 : vector<16xi32> to vector<16xi32>
      %swap3A_589 = vector.shape_cast %select_n3A_581 : vector<16xi32> to vector<16xi32>
      tpu.vector_store %arg12[%swap3A_586], %swap3A_589 {strides = array<i32>} : memref<8192xi32, #tpu.memory_space<vmem>>, vector<16xi32>,
      %get3A_590 = arith.index_cast %scan3A_441 : i32 to index
      %get3A_591 = arith.constant 112 : index
      %get3A_592 = tpu.vector_load %arg10[%get3A_590, %get3A_591] {strides = array<i32>} : memref<64x128xi32, #tpu.memory_space<vmem>>, vector<1x16xi32>,
      %get3A_593 = vector.shape_cast %get3A_592 : vector<1x16xi32> to vector<16xi32>
      %sub3A_594 = vector.broadcast %mul3A_0 : i32 to vector<16xi32>
      %sub3A_595 = arith.subi %get3A_593, %sub3A_594 : vector<16xi32>
      %ge3A_596 = arith.constant 0 : i32
      %ge3A_597 = vector.broadcast %ge3A_596 : i32 to vector<16xi32>
      %ge3A_598 = arith.cmpi sge, %sub3A_595, %ge3A_597 : vector<16xi32>
      %lt3A_599 = arith.constant 1048576 : i32
      %lt3A_600 = vector.broadcast %lt3A_599 : i32 to vector<16xi32>
      %lt3A_601 = arith.cmpi slt, %sub3A_595, %lt3A_600 : vector<16xi32>
      %and3A_602 = arith.andi %ge3A_598, %lt3A_601 : vector<16xi1>
      %select_n3A_603 = arith.select %and3A_602, %sub3A_595, %add3A_63 : vector<16xi1>, vector<16xi32>
      %mul3A_604 = arith.constant 128 : i32
      %mul3A_605 = arith.muli %scan3A_441, %mul3A_604 : i32
      %add3A_606 = arith.constant 112 : i32
      %add3A_607 = arith.addi %mul3A_605, %add3A_606 : i32
      %swap3A_608 = arith.index_cast %add3A_607 : i32 to index
      %swap3A_609 = tpu.vector_load %arg12[%swap3A_608] {strides = array<i32>} : memref<8192xi32, #tpu.memory_space<vmem>>, vector<16xi32>,
      %swap3A_610 = vector.shape_cast %swap3A_609 : vector<16xi32> to vector<16xi32>
      %swap3A_611 = vector.shape_cast %select_n3A_603 : vector<16xi32> to vector<16xi32>
      tpu.vector_store %arg12[%swap3A_608], %swap3A_611 {strides = array<i32>} : memref<8192xi32, #tpu.memory_space<vmem>>, vector<16xi32>,
      %scan3A_612 = arith.constant 0 : i32
      scf.yield %scan3A_612 : i32
    }
    %scan3A_341 = arith.constant 64 : i32
    %dma_wait3A_342 = arith.constant 0 : i32
    %dma_wait3A_343 = tpu.memref_slice %arg16[%dma_wait3A_342] : memref<1049600xi32, #tpu.memory_space<vmem_shared>> -> memref<1049600xi32, #tpu.memory_space<vmem_shared>>
    tpu.wait_indirect_dma semaphore(%arg20 : memref<!tpu.dma_semaphore, #tpu.memory_space<semaphore_mem>>) src(%arg14 : memref<8192xi32, #tpu.memory_space<vmem>>) dst(%dma_wait3A_343 : memref<1049600xi32, #tpu.memory_space<vmem_shared>>)
    %dma_start3A_344 = arith.constant 0 : i32
    %dma_start3A_345 = tpu.memref_slice %arg16[%dma_start3A_344] : memref<1049600xi32, #tpu.memory_space<vmem_shared>> -> memref<1049600xi32, #tpu.memory_space<vmem_shared>>
    tpu.enqueue_indirect_dma source(%arg14 : memref<8192xi32, #tpu.memory_space<vmem>>) target(%dma_start3A_345 : memref<1049600xi32, #tpu.memory_space<vmem_shared>>) offsets(%arg12 : memref<8192xi32, #tpu.memory_space<vmem>>) semaphore(%arg19 : memref<!tpu.dma_semaphore, #tpu.memory_space<semaphore_mem>>)
    %dma_wait3A_346 = arith.constant 0 : i32
    %dma_wait3A_347 = tpu.memref_slice %arg2[%mul3A_330, %dma_wait3A_346] : memref<12288x128xi32, #tpu.memory_space<hbm>> -> memref<64x128xi32, #tpu.memory_space<hbm>>
    %dma_wait3A_348 = arith.constant 0 : i32
    %dma_wait3A_349 = tpu.memref_slice %arg2[%mul3A_330, %dma_wait3A_348] : memref<12288x128xi32, #tpu.memory_space<hbm>> -> memref<64x128xi32, #tpu.memory_space<hbm>>
    tpu.wait_dma2 semaphore(%arg18 : memref<!tpu.dma_semaphore, #tpu.memory_space<semaphore_mem>>) src(%dma_wait3A_349 : memref<64x128xi32, #tpu.memory_space<hbm>>) dst(%arg11 : memref<64x128xi32, #tpu.memory_space<vmem>>)
    %scan3A_350 = arith.constant 0 : i32
    %scan3A_351 = arith.constant 0 : i32
    %scan3A_352 = arith.constant 64 : i32
    %scan3A_353 = arith.addi %scan3A_351, %scan3A_352 : i32
    %scan3A_354 = arith.constant 1 : i32
    %scan3A_355 = scf.for %scan3A_441 = %scan3A_351 to %scan3A_353 step %scan3A_354 iter_args(%scan3A_442 = %scan3A_350) -> (i32)  : i32 {
      %get3A = arith.index_cast %scan3A_441 : i32 to index
      %get3A_443 = arith.constant 0 : index
      %get3A_444 = tpu.vector_load %arg11[%get3A, %get3A_443] {strides = array<i32>} : memref<64x128xi32, #tpu.memory_space<vmem>>, vector<1x16xi32>,
      %get3A_445 = vector.shape_cast %get3A_444 : vector<1x16xi32> to vector<16xi32>
      %sub3A = vector.broadcast %mul3A_0 : i32 to vector<16xi32>
      %sub3A_446 = arith.subi %get3A_445, %sub3A : vector<16xi32>
      %ge3A = arith.constant 0 : i32
      %ge3A_447 = vector.broadcast %ge3A : i32 to vector<16xi32>
      %ge3A_448 = arith.cmpi sge, %sub3A_446, %ge3A_447 : vector<16xi32>
      %lt3A = arith.constant 1048576 : i32
      %lt3A_449 = vector.broadcast %lt3A : i32 to vector<16xi32>
      %lt3A_450 = arith.cmpi slt, %sub3A_446, %lt3A_449 : vector<16xi32>
      %and3A = arith.andi %ge3A_448, %lt3A_450 : vector<16xi1>
      %select_n3A = arith.select %and3A, %sub3A_446, %add3A_7 : vector<16xi1>, vector<16xi32>
      %mul3A_451 = arith.constant 128 : i32
      %mul3A_452 = arith.muli %scan3A_441, %mul3A_451 : i32
      %add3A_453 = arith.constant 0 : i32
      %add3A_454 = arith.addi %mul3A_452, %add3A_453 : i32
      %swap3A = arith.index_cast %add3A_454 : i32 to index
      %swap3A_455 = tpu.vector_load %arg13[%swap3A] {strides = array<i32>} : memref<8192xi32, #tpu.memory_space<vmem>>, vector<16xi32>,
      %swap3A_456 = vector.shape_cast %swap3A_455 : vector<16xi32> to vector<16xi32>
      %swap3A_457 = vector.shape_cast %select_n3A : vector<16xi32> to vector<16xi32>
      tpu.vector_store %arg13[%swap3A], %swap3A_457 {strides = array<i32>} : memref<8192xi32, #tpu.memory_space<vmem>>, vector<16xi32>,
      %get3A_458 = arith.index_cast %scan3A_441 : i32 to index
      %get3A_459 = arith.constant 16 : index
      %get3A_460 = tpu.vector_load %arg11[%get3A_458, %get3A_459] {strides = array<i32>} : memref<64x128xi32, #tpu.memory_space<vmem>>, vector<1x16xi32>,
      %get3A_461 = vector.shape_cast %get3A_460 : vector<1x16xi32> to vector<16xi32>
      %sub3A_462 = vector.broadcast %mul3A_0 : i32 to vector<16xi32>
      %sub3A_463 = arith.subi %get3A_461, %sub3A_462 : vector<16xi32>
      %ge3A_464 = arith.constant 0 : i32
      %ge3A_465 = vector.broadcast %ge3A_464 : i32 to vector<16xi32>
      %ge3A_466 = arith.cmpi sge, %sub3A_463, %ge3A_465 : vector<16xi32>
      %lt3A_467 = arith.constant 1048576 : i32
      %lt3A_468 = vector.broadcast %lt3A_467 : i32 to vector<16xi32>
      %lt3A_469 = arith.cmpi slt, %sub3A_463, %lt3A_468 : vector<16xi32>
      %and3A_470 = arith.andi %ge3A_466, %lt3A_469 : vector<16xi1>
      %select_n3A_471 = arith.select %and3A_470, %sub3A_463, %add3A_15 : vector<16xi1>, vector<16xi32>
      %mul3A_472 = arith.constant 128 : i32
      %mul3A_473 = arith.muli %scan3A_441, %mul3A_472 : i32
      %add3A_474 = arith.constant 16 : i32
      %add3A_475 = arith.addi %mul3A_473, %add3A_474 : i32
      %swap3A_476 = arith.index_cast %add3A_475 : i32 to index
      %swap3A_477 = tpu.vector_load %arg13[%swap3A_476] {strides = array<i32>} : memref<8192xi32, #tpu.memory_space<vmem>>, vector<16xi32>,
      %swap3A_478 = vector.shape_cast %swap3A_477 : vector<16xi32> to vector<16xi32>
      %swap3A_479 = vector.shape_cast %select_n3A_471 : vector<16xi32> to vector<16xi32>
      tpu.vector_store %arg13[%swap3A_476], %swap3A_479 {strides = array<i32>} : memref<8192xi32, #tpu.memory_space<vmem>>, vector<16xi32>,
      %get3A_480 = arith.index_cast %scan3A_441 : i32 to index
      %get3A_481 = arith.constant 32 : index
      %get3A_482 = tpu.vector_load %arg11[%get3A_480, %get3A_481] {strides = array<i32>} : memref<64x128xi32, #tpu.memory_space<vmem>>, vector<1x16xi32>,
      %get3A_483 = vector.shape_cast %get3A_482 : vector<1x16xi32> to vector<16xi32>
      %sub3A_484 = vector.broadcast %mul3A_0 : i32 to vector<16xi32>
      %sub3A_485 = arith.subi %get3A_483, %sub3A_484 : vector<16xi32>
      %ge3A_486 = arith.constant 0 : i32
      %ge3A_487 = vector.broadcast %ge3A_486 : i32 to vector<16xi32>
      %ge3A_488 = arith.cmpi sge, %sub3A_485, %ge3A_487 : vector<16xi32>
      %lt3A_489 = arith.constant 1048576 : i32
      %lt3A_490 = vector.broadcast %lt3A_489 : i32 to vector<16xi32>
      %lt3A_491 = arith.cmpi slt, %sub3A_485, %lt3A_490 : vector<16xi32>
      %and3A_492 = arith.andi %ge3A_488, %lt3A_491 : vector<16xi1>
      %select_n3A_493 = arith.select %and3A_492, %sub3A_485, %add3A_23 : vector<16xi1>, vector<16xi32>
      %mul3A_494 = arith.constant 128 : i32
      %mul3A_495 = arith.muli %scan3A_441, %mul3A_494 : i32
      %add3A_496 = arith.constant 32 : i32
      %add3A_497 = arith.addi %mul3A_495, %add3A_496 : i32
      %swap3A_498 = arith.index_cast %add3A_497 : i32 to index
      %swap3A_499 = tpu.vector_load %arg13[%swap3A_498] {strides = array<i32>} : memref<8192xi32, #tpu.memory_space<vmem>>, vector<16xi32>,
      %swap3A_500 = vector.shape_cast %swap3A_499 : vector<16xi32> to vector<16xi32>
      %swap3A_501 = vector.shape_cast %select_n3A_493 : vector<16xi32> to vector<16xi32>
      tpu.vector_store %arg13[%swap3A_498], %swap3A_501 {strides = array<i32>} : memref<8192xi32, #tpu.memory_space<vmem>>, vector<16xi32>,
      %get3A_502 = arith.index_cast %scan3A_441 : i32 to index
      %get3A_503 = arith.constant 48 : index
      %get3A_504 = tpu.vector_load %arg11[%get3A_502, %get3A_503] {strides = array<i32>} : memref<64x128xi32, #tpu.memory_space<vmem>>, vector<1x16xi32>,
      %get3A_505 = vector.shape_cast %get3A_504 : vector<1x16xi32> to vector<16xi32>
      %sub3A_506 = vector.broadcast %mul3A_0 : i32 to vector<16xi32>
      %sub3A_507 = arith.subi %get3A_505, %sub3A_506 : vector<16xi32>
      %ge3A_508 = arith.constant 0 : i32
      %ge3A_509 = vector.broadcast %ge3A_508 : i32 to vector<16xi32>
      %ge3A_510 = arith.cmpi sge, %sub3A_507, %ge3A_509 : vector<16xi32>
      %lt3A_511 = arith.constant 1048576 : i32
      %lt3A_512 = vector.broadcast %lt3A_511 : i32 to vector<16xi32>
      %lt3A_513 = arith.cmpi slt, %sub3A_507, %lt3A_512 : vector<16xi32>
      %and3A_514 = arith.andi %ge3A_510, %lt3A_513 : vector<16xi1>
      %select_n3A_515 = arith.select %and3A_514, %sub3A_507, %add3A_31 : vector<16xi1>, vector<16xi32>
      %mul3A_516 = arith.constant 128 : i32
      %mul3A_517 = arith.muli %scan3A_441, %mul3A_516 : i32
      %add3A_518 = arith.constant 48 : i32
      %add3A_519 = arith.addi %mul3A_517, %add3A_518 : i32
      %swap3A_520 = arith.index_cast %add3A_519 : i32 to index
      %swap3A_521 = tpu.vector_load %arg13[%swap3A_520] {strides = array<i32>} : memref<8192xi32, #tpu.memory_space<vmem>>, vector<16xi32>,
      %swap3A_522 = vector.shape_cast %swap3A_521 : vector<16xi32> to vector<16xi32>
      %swap3A_523 = vector.shape_cast %select_n3A_515 : vector<16xi32> to vector<16xi32>
      tpu.vector_store %arg13[%swap3A_520], %swap3A_523 {strides = array<i32>} : memref<8192xi32, #tpu.memory_space<vmem>>, vector<16xi32>,
      %get3A_524 = arith.index_cast %scan3A_441 : i32 to index
      %get3A_525 = arith.constant 64 : index
      %get3A_526 = tpu.vector_load %arg11[%get3A_524, %get3A_525] {strides = array<i32>} : memref<64x128xi32, #tpu.memory_space<vmem>>, vector<1x16xi32>,
      %get3A_527 = vector.shape_cast %get3A_526 : vector<1x16xi32> to vector<16xi32>
      %sub3A_528 = vector.broadcast %mul3A_0 : i32 to vector<16xi32>
      %sub3A_529 = arith.subi %get3A_527, %sub3A_528 : vector<16xi32>
      %ge3A_530 = arith.constant 0 : i32
      %ge3A_531 = vector.broadcast %ge3A_530 : i32 to vector<16xi32>
      %ge3A_532 = arith.cmpi sge, %sub3A_529, %ge3A_531 : vector<16xi32>
      %lt3A_533 = arith.constant 1048576 : i32
      %lt3A_534 = vector.broadcast %lt3A_533 : i32 to vector<16xi32>
      %lt3A_535 = arith.cmpi slt, %sub3A_529, %lt3A_534 : vector<16xi32>
      %and3A_536 = arith.andi %ge3A_532, %lt3A_535 : vector<16xi1>
      %select_n3A_537 = arith.select %and3A_536, %sub3A_529, %add3A_39 : vector<16xi1>, vector<16xi32>
      %mul3A_538 = arith.constant 128 : i32
      %mul3A_539 = arith.muli %scan3A_441, %mul3A_538 : i32
      %add3A_540 = arith.constant 64 : i32
      %add3A_541 = arith.addi %mul3A_539, %add3A_540 : i32
      %swap3A_542 = arith.index_cast %add3A_541 : i32 to index
      %swap3A_543 = tpu.vector_load %arg13[%swap3A_542] {strides = array<i32>} : memref<8192xi32, #tpu.memory_space<vmem>>, vector<16xi32>,
      %swap3A_544 = vector.shape_cast %swap3A_543 : vector<16xi32> to vector<16xi32>
      %swap3A_545 = vector.shape_cast %select_n3A_537 : vector<16xi32> to vector<16xi32>
      tpu.vector_store %arg13[%swap3A_542], %swap3A_545 {strides = array<i32>} : memref<8192xi32, #tpu.memory_space<vmem>>, vector<16xi32>,
      %get3A_546 = arith.index_cast %scan3A_441 : i32 to index
      %get3A_547 = arith.constant 80 : index
      %get3A_548 = tpu.vector_load %arg11[%get3A_546, %get3A_547] {strides = array<i32>} : memref<64x128xi32, #tpu.memory_space<vmem>>, vector<1x16xi32>,
      %get3A_549 = vector.shape_cast %get3A_548 : vector<1x16xi32> to vector<16xi32>
      %sub3A_550 = vector.broadcast %mul3A_0 : i32 to vector<16xi32>
      %sub3A_551 = arith.subi %get3A_549, %sub3A_550 : vector<16xi32>
      %ge3A_552 = arith.constant 0 : i32
      %ge3A_553 = vector.broadcast %ge3A_552 : i32 to vector<16xi32>
      %ge3A_554 = arith.cmpi sge, %sub3A_551, %ge3A_553 : vector<16xi32>
      %lt3A_555 = arith.constant 1048576 : i32
      %lt3A_556 = vector.broadcast %lt3A_555 : i32 to vector<16xi32>
      %lt3A_557 = arith.cmpi slt, %sub3A_551, %lt3A_556 : vector<16xi32>
      %and3A_558 = arith.andi %ge3A_554, %lt3A_557 : vector<16xi1>
      %select_n3A_559 = arith.select %and3A_558, %sub3A_551, %add3A_47 : vector<16xi1>, vector<16xi32>
      %mul3A_560 = arith.constant 128 : i32
      %mul3A_561 = arith.muli %scan3A_441, %mul3A_560 : i32
      %add3A_562 = arith.constant 80 : i32
      %add3A_563 = arith.addi %mul3A_561, %add3A_562 : i32
      %swap3A_564 = arith.index_cast %add3A_563 : i32 to index
      %swap3A_565 = tpu.vector_load %arg13[%swap3A_564] {strides = array<i32>} : memref<8192xi32, #tpu.memory_space<vmem>>, vector<16xi32>,
      %swap3A_566 = vector.shape_cast %swap3A_565 : vector<16xi32> to vector<16xi32>
      %swap3A_567 = vector.shape_cast %select_n3A_559 : vector<16xi32> to vector<16xi32>
      tpu.vector_store %arg13[%swap3A_564], %swap3A_567 {strides = array<i32>} : memref<8192xi32, #tpu.memory_space<vmem>>, vector<16xi32>,
      %get3A_568 = arith.index_cast %scan3A_441 : i32 to index
      %get3A_569 = arith.constant 96 : index
      %get3A_570 = tpu.vector_load %arg11[%get3A_568, %get3A_569] {strides = array<i32>} : memref<64x128xi32, #tpu.memory_space<vmem>>, vector<1x16xi32>,
      %get3A_571 = vector.shape_cast %get3A_570 : vector<1x16xi32> to vector<16xi32>
      %sub3A_572 = vector.broadcast %mul3A_0 : i32 to vector<16xi32>
      %sub3A_573 = arith.subi %get3A_571, %sub3A_572 : vector<16xi32>
      %ge3A_574 = arith.constant 0 : i32
      %ge3A_575 = vector.broadcast %ge3A_574 : i32 to vector<16xi32>
      %ge3A_576 = arith.cmpi sge, %sub3A_573, %ge3A_575 : vector<16xi32>
      %lt3A_577 = arith.constant 1048576 : i32
      %lt3A_578 = vector.broadcast %lt3A_577 : i32 to vector<16xi32>
      %lt3A_579 = arith.cmpi slt, %sub3A_573, %lt3A_578 : vector<16xi32>
      %and3A_580 = arith.andi %ge3A_576, %lt3A_579 : vector<16xi1>
      %select_n3A_581 = arith.select %and3A_580, %sub3A_573, %add3A_55 : vector<16xi1>, vector<16xi32>
      %mul3A_582 = arith.constant 128 : i32
      %mul3A_583 = arith.muli %scan3A_441, %mul3A_582 : i32
      %add3A_584 = arith.constant 96 : i32
      %add3A_585 = arith.addi %mul3A_583, %add3A_584 : i32
      %swap3A_586 = arith.index_cast %add3A_585 : i32 to index
      %swap3A_587 = tpu.vector_load %arg13[%swap3A_586] {strides = array<i32>} : memref<8192xi32, #tpu.memory_space<vmem>>, vector<16xi32>,
      %swap3A_588 = vector.shape_cast %swap3A_587 : vector<16xi32> to vector<16xi32>
      %swap3A_589 = vector.shape_cast %select_n3A_581 : vector<16xi32> to vector<16xi32>
      tpu.vector_store %arg13[%swap3A_586], %swap3A_589 {strides = array<i32>} : memref<8192xi32, #tpu.memory_space<vmem>>, vector<16xi32>,
      %get3A_590 = arith.index_cast %scan3A_441 : i32 to index
      %get3A_591 = arith.constant 112 : index
      %get3A_592 = tpu.vector_load %arg11[%get3A_590, %get3A_591] {strides = array<i32>} : memref<64x128xi32, #tpu.memory_space<vmem>>, vector<1x16xi32>,
      %get3A_593 = vector.shape_cast %get3A_592 : vector<1x16xi32> to vector<16xi32>
      %sub3A_594 = vector.broadcast %mul3A_0 : i32 to vector<16xi32>
      %sub3A_595 = arith.subi %get3A_593, %sub3A_594 : vector<16xi32>
      %ge3A_596 = arith.constant 0 : i32
      %ge3A_597 = vector.broadcast %ge3A_596 : i32 to vector<16xi32>
      %ge3A_598 = arith.cmpi sge, %sub3A_595, %ge3A_597 : vector<16xi32>
      %lt3A_599 = arith.constant 1048576 : i32
      %lt3A_600 = vector.broadcast %lt3A_599 : i32 to vector<16xi32>
      %lt3A_601 = arith.cmpi slt, %sub3A_595, %lt3A_600 : vector<16xi32>
      %and3A_602 = arith.andi %ge3A_598, %lt3A_601 : vector<16xi1>
      %select_n3A_603 = arith.select %and3A_602, %sub3A_595, %add3A_63 : vector<16xi1>, vector<16xi32>
      %mul3A_604 = arith.constant 128 : i32
      %mul3A_605 = arith.muli %scan3A_441, %mul3A_604 : i32
      %add3A_606 = arith.constant 112 : i32
      %add3A_607 = arith.addi %mul3A_605, %add3A_606 : i32
      %swap3A_608 = arith.index_cast %add3A_607 : i32 to index
      %swap3A_609 = tpu.vector_load %arg13[%swap3A_608] {strides = array<i32>} : memref<8192xi32, #tpu.memory_space<vmem>>, vector<16xi32>,
      %swap3A_610 = vector.shape_cast %swap3A_609 : vector<16xi32> to vector<16xi32>
      %swap3A_611 = vector.shape_cast %select_n3A_603 : vector<16xi32> to vector<16xi32>
      tpu.vector_store %arg13[%swap3A_608], %swap3A_611 {strides = array<i32>} : memref<8192xi32, #tpu.memory_space<vmem>>, vector<16xi32>,
      %scan3A_612 = arith.constant 0 : i32
      scf.yield %scan3A_612 : i32
    }
    %scan3A_356 = arith.constant 64 : i32
    %dma_wait3A_357 = arith.constant 0 : i32
    %dma_wait3A_358 = tpu.memref_slice %arg16[%dma_wait3A_357] : memref<1049600xi32, #tpu.memory_space<vmem_shared>> -> memref<1049600xi32, #tpu.memory_space<vmem_shared>>
    tpu.wait_indirect_dma semaphore(%arg19 : memref<!tpu.dma_semaphore, #tpu.memory_space<semaphore_mem>>) src(%arg14 : memref<8192xi32, #tpu.memory_space<vmem>>) dst(%dma_wait3A_358 : memref<1049600xi32, #tpu.memory_space<vmem_shared>>)
    %dma_start3A_359 = arith.constant 0 : i32
    %dma_start3A_360 = tpu.memref_slice %arg16[%dma_start3A_359] : memref<1049600xi32, #tpu.memory_space<vmem_shared>> -> memref<1049600xi32, #tpu.memory_space<vmem_shared>>
    tpu.enqueue_indirect_dma source(%arg14 : memref<8192xi32, #tpu.memory_space<vmem>>) target(%dma_start3A_360 : memref<1049600xi32, #tpu.memory_space<vmem_shared>>) offsets(%arg13 : memref<8192xi32, #tpu.memory_space<vmem>>) semaphore(%arg20 : memref<!tpu.dma_semaphore, #tpu.memory_space<semaphore_mem>>)
    %dma_wait3A_361 = arith.constant 0 : i32
    %dma_wait3A_362 = tpu.memref_slice %arg16[%dma_wait3A_361] : memref<1049600xi32, #tpu.memory_space<vmem_shared>> -> memref<1049600xi32, #tpu.memory_space<vmem_shared>>
    tpu.wait_indirect_dma semaphore(%arg20 : memref<!tpu.dma_semaphore, #tpu.memory_space<semaphore_mem>>) src(%arg14 : memref<8192xi32, #tpu.memory_space<vmem>>) dst(%dma_wait3A_362 : memref<1049600xi32, #tpu.memory_space<vmem_shared>>)
    %mul3A_363 = arith.constant 64 : i32
    %mul3A_364 = arith.muli %arg1, %mul3A_363 : i32
    %dma_start3A_365 = arith.constant 0 : i32
    %dma_start3A_366 = tpu.memref_slice %arg3[%mul3A_364, %dma_start3A_365] : memref<1024x128xi32, #tpu.memory_space<hbm>> -> memref<64x128xi32, #tpu.memory_space<hbm>>
    %dma_start3A_367 = arith.constant 0 : i32
    %dma_start3A_368 = tpu.memref_slice %arg3[%mul3A_364, %dma_start3A_367] : memref<1024x128xi32, #tpu.memory_space<hbm>> -> memref<64x128xi32, #tpu.memory_space<hbm>>
    tpu.enqueue_dma source(%dma_start3A_368 : memref<64x128xi32, #tpu.memory_space<hbm>>) target(%arg10 : memref<64x128xi32, #tpu.memory_space<vmem>>) target_semaphore(%arg17 : memref<!tpu.dma_semaphore, #tpu.memory_space<semaphore_mem>>)
    %dma_wait3A_369 = arith.constant 0 : i32
    %dma_wait3A_370 = tpu.memref_slice %arg3[%mul3A_364, %dma_wait3A_369] : memref<1024x128xi32, #tpu.memory_space<hbm>> -> memref<64x128xi32, #tpu.memory_space<hbm>>
    %dma_wait3A_371 = arith.constant 0 : i32
    %dma_wait3A_372 = tpu.memref_slice %arg3[%mul3A_364, %dma_wait3A_371] : memref<1024x128xi32, #tpu.memory_space<hbm>> -> memref<64x128xi32, #tpu.memory_space<hbm>>
    tpu.wait_dma2 semaphore(%arg17 : memref<!tpu.dma_semaphore, #tpu.memory_space<semaphore_mem>>) src(%dma_wait3A_372 : memref<64x128xi32, #tpu.memory_space<hbm>>) dst(%arg10 : memref<64x128xi32, #tpu.memory_space<vmem>>)
    %scan3A_373 = arith.constant 0 : i32
    %scan3A_374 = arith.constant 0 : i32
    %scan3A_375 = arith.constant 64 : i32
    %scan3A_376 = arith.addi %scan3A_374, %scan3A_375 : i32
    %scan3A_377 = arith.constant 1 : i32
    %scan3A_378 = scf.for %scan3A_441 = %scan3A_374 to %scan3A_376 step %scan3A_377 iter_args(%scan3A_442 = %scan3A_373) -> (i32)  : i32 {
      %get3A = arith.index_cast %scan3A_441 : i32 to index
      %get3A_443 = arith.constant 0 : index
      %get3A_444 = tpu.vector_load %arg10[%get3A, %get3A_443] {strides = array<i32>} : memref<64x128xi32, #tpu.memory_space<vmem>>, vector<1x16xi32>,
      %get3A_445 = vector.shape_cast %get3A_444 : vector<1x16xi32> to vector<16xi32>
      %sub3A = vector.broadcast %mul3A_0 : i32 to vector<16xi32>
      %sub3A_446 = arith.subi %get3A_445, %sub3A : vector<16xi32>
      %ge3A = arith.constant 0 : i32
      %ge3A_447 = vector.broadcast %ge3A : i32 to vector<16xi32>
      %ge3A_448 = arith.cmpi sge, %sub3A_446, %ge3A_447 : vector<16xi32>
      %lt3A = arith.constant 1048576 : i32
      %lt3A_449 = vector.broadcast %lt3A : i32 to vector<16xi32>
      %lt3A_450 = arith.cmpi slt, %sub3A_446, %lt3A_449 : vector<16xi32>
      %and3A = arith.andi %ge3A_448, %lt3A_450 : vector<16xi1>
      %select_n3A = arith.select %and3A, %sub3A_446, %add3A_7 : vector<16xi1>, vector<16xi32>
      %mul3A_451 = arith.constant 128 : i32
      %mul3A_452 = arith.muli %scan3A_441, %mul3A_451 : i32
      %add3A_453 = arith.constant 0 : i32
      %add3A_454 = arith.addi %mul3A_452, %add3A_453 : i32
      %swap3A = arith.index_cast %add3A_454 : i32 to index
      %swap3A_455 = tpu.vector_load %arg12[%swap3A] {strides = array<i32>} : memref<8192xi32, #tpu.memory_space<vmem>>, vector<16xi32>,
      %swap3A_456 = vector.shape_cast %swap3A_455 : vector<16xi32> to vector<16xi32>
      %swap3A_457 = vector.shape_cast %select_n3A : vector<16xi32> to vector<16xi32>
      tpu.vector_store %arg12[%swap3A], %swap3A_457 {strides = array<i32>} : memref<8192xi32, #tpu.memory_space<vmem>>, vector<16xi32>,
      %get3A_458 = arith.index_cast %scan3A_441 : i32 to index
      %get3A_459 = arith.constant 16 : index
      %get3A_460 = tpu.vector_load %arg10[%get3A_458, %get3A_459] {strides = array<i32>} : memref<64x128xi32, #tpu.memory_space<vmem>>, vector<1x16xi32>,
      %get3A_461 = vector.shape_cast %get3A_460 : vector<1x16xi32> to vector<16xi32>
      %sub3A_462 = vector.broadcast %mul3A_0 : i32 to vector<16xi32>
      %sub3A_463 = arith.subi %get3A_461, %sub3A_462 : vector<16xi32>
      %ge3A_464 = arith.constant 0 : i32
      %ge3A_465 = vector.broadcast %ge3A_464 : i32 to vector<16xi32>
      %ge3A_466 = arith.cmpi sge, %sub3A_463, %ge3A_465 : vector<16xi32>
      %lt3A_467 = arith.constant 1048576 : i32
      %lt3A_468 = vector.broadcast %lt3A_467 : i32 to vector<16xi32>
      %lt3A_469 = arith.cmpi slt, %sub3A_463, %lt3A_468 : vector<16xi32>
      %and3A_470 = arith.andi %ge3A_466, %lt3A_469 : vector<16xi1>
      %select_n3A_471 = arith.select %and3A_470, %sub3A_463, %add3A_15 : vector<16xi1>, vector<16xi32>
      %mul3A_472 = arith.constant 128 : i32
      %mul3A_473 = arith.muli %scan3A_441, %mul3A_472 : i32
      %add3A_474 = arith.constant 16 : i32
      %add3A_475 = arith.addi %mul3A_473, %add3A_474 : i32
      %swap3A_476 = arith.index_cast %add3A_475 : i32 to index
      %swap3A_477 = tpu.vector_load %arg12[%swap3A_476] {strides = array<i32>} : memref<8192xi32, #tpu.memory_space<vmem>>, vector<16xi32>,
      %swap3A_478 = vector.shape_cast %swap3A_477 : vector<16xi32> to vector<16xi32>
      %swap3A_479 = vector.shape_cast %select_n3A_471 : vector<16xi32> to vector<16xi32>
      tpu.vector_store %arg12[%swap3A_476], %swap3A_479 {strides = array<i32>} : memref<8192xi32, #tpu.memory_space<vmem>>, vector<16xi32>,
      %get3A_480 = arith.index_cast %scan3A_441 : i32 to index
      %get3A_481 = arith.constant 32 : index
      %get3A_482 = tpu.vector_load %arg10[%get3A_480, %get3A_481] {strides = array<i32>} : memref<64x128xi32, #tpu.memory_space<vmem>>, vector<1x16xi32>,
      %get3A_483 = vector.shape_cast %get3A_482 : vector<1x16xi32> to vector<16xi32>
      %sub3A_484 = vector.broadcast %mul3A_0 : i32 to vector<16xi32>
      %sub3A_485 = arith.subi %get3A_483, %sub3A_484 : vector<16xi32>
      %ge3A_486 = arith.constant 0 : i32
      %ge3A_487 = vector.broadcast %ge3A_486 : i32 to vector<16xi32>
      %ge3A_488 = arith.cmpi sge, %sub3A_485, %ge3A_487 : vector<16xi32>
      %lt3A_489 = arith.constant 1048576 : i32
      %lt3A_490 = vector.broadcast %lt3A_489 : i32 to vector<16xi32>
      %lt3A_491 = arith.cmpi slt, %sub3A_485, %lt3A_490 : vector<16xi32>
      %and3A_492 = arith.andi %ge3A_488, %lt3A_491 : vector<16xi1>
      %select_n3A_493 = arith.select %and3A_492, %sub3A_485, %add3A_23 : vector<16xi1>, vector<16xi32>
      %mul3A_494 = arith.constant 128 : i32
      %mul3A_495 = arith.muli %scan3A_441, %mul3A_494 : i32
      %add3A_496 = arith.constant 32 : i32
      %add3A_497 = arith.addi %mul3A_495, %add3A_496 : i32
      %swap3A_498 = arith.index_cast %add3A_497 : i32 to index
      %swap3A_499 = tpu.vector_load %arg12[%swap3A_498] {strides = array<i32>} : memref<8192xi32, #tpu.memory_space<vmem>>, vector<16xi32>,
      %swap3A_500 = vector.shape_cast %swap3A_499 : vector<16xi32> to vector<16xi32>
      %swap3A_501 = vector.shape_cast %select_n3A_493 : vector<16xi32> to vector<16xi32>
      tpu.vector_store %arg12[%swap3A_498], %swap3A_501 {strides = array<i32>} : memref<8192xi32, #tpu.memory_space<vmem>>, vector<16xi32>,
      %get3A_502 = arith.index_cast %scan3A_441 : i32 to index
      %get3A_503 = arith.constant 48 : index
      %get3A_504 = tpu.vector_load %arg10[%get3A_502, %get3A_503] {strides = array<i32>} : memref<64x128xi32, #tpu.memory_space<vmem>>, vector<1x16xi32>,
      %get3A_505 = vector.shape_cast %get3A_504 : vector<1x16xi32> to vector<16xi32>
      %sub3A_506 = vector.broadcast %mul3A_0 : i32 to vector<16xi32>
      %sub3A_507 = arith.subi %get3A_505, %sub3A_506 : vector<16xi32>
      %ge3A_508 = arith.constant 0 : i32
      %ge3A_509 = vector.broadcast %ge3A_508 : i32 to vector<16xi32>
      %ge3A_510 = arith.cmpi sge, %sub3A_507, %ge3A_509 : vector<16xi32>
      %lt3A_511 = arith.constant 1048576 : i32
      %lt3A_512 = vector.broadcast %lt3A_511 : i32 to vector<16xi32>
      %lt3A_513 = arith.cmpi slt, %sub3A_507, %lt3A_512 : vector<16xi32>
      %and3A_514 = arith.andi %ge3A_510, %lt3A_513 : vector<16xi1>
      %select_n3A_515 = arith.select %and3A_514, %sub3A_507, %add3A_31 : vector<16xi1>, vector<16xi32>
      %mul3A_516 = arith.constant 128 : i32
      %mul3A_517 = arith.muli %scan3A_441, %mul3A_516 : i32
      %add3A_518 = arith.constant 48 : i32
      %add3A_519 = arith.addi %mul3A_517, %add3A_518 : i32
      %swap3A_520 = arith.index_cast %add3A_519 : i32 to index
      %swap3A_521 = tpu.vector_load %arg12[%swap3A_520] {strides = array<i32>} : memref<8192xi32, #tpu.memory_space<vmem>>, vector<16xi32>,
      %swap3A_522 = vector.shape_cast %swap3A_521 : vector<16xi32> to vector<16xi32>
      %swap3A_523 = vector.shape_cast %select_n3A_515 : vector<16xi32> to vector<16xi32>
      tpu.vector_store %arg12[%swap3A_520], %swap3A_523 {strides = array<i32>} : memref<8192xi32, #tpu.memory_space<vmem>>, vector<16xi32>,
      %get3A_524 = arith.index_cast %scan3A_441 : i32 to index
      %get3A_525 = arith.constant 64 : index
      %get3A_526 = tpu.vector_load %arg10[%get3A_524, %get3A_525] {strides = array<i32>} : memref<64x128xi32, #tpu.memory_space<vmem>>, vector<1x16xi32>,
      %get3A_527 = vector.shape_cast %get3A_526 : vector<1x16xi32> to vector<16xi32>
      %sub3A_528 = vector.broadcast %mul3A_0 : i32 to vector<16xi32>
      %sub3A_529 = arith.subi %get3A_527, %sub3A_528 : vector<16xi32>
      %ge3A_530 = arith.constant 0 : i32
      %ge3A_531 = vector.broadcast %ge3A_530 : i32 to vector<16xi32>
      %ge3A_532 = arith.cmpi sge, %sub3A_529, %ge3A_531 : vector<16xi32>
      %lt3A_533 = arith.constant 1048576 : i32
      %lt3A_534 = vector.broadcast %lt3A_533 : i32 to vector<16xi32>
      %lt3A_535 = arith.cmpi slt, %sub3A_529, %lt3A_534 : vector<16xi32>
      %and3A_536 = arith.andi %ge3A_532, %lt3A_535 : vector<16xi1>
      %select_n3A_537 = arith.select %and3A_536, %sub3A_529, %add3A_39 : vector<16xi1>, vector<16xi32>
      %mul3A_538 = arith.constant 128 : i32
      %mul3A_539 = arith.muli %scan3A_441, %mul3A_538 : i32
      %add3A_540 = arith.constant 64 : i32
      %add3A_541 = arith.addi %mul3A_539, %add3A_540 : i32
      %swap3A_542 = arith.index_cast %add3A_541 : i32 to index
      %swap3A_543 = tpu.vector_load %arg12[%swap3A_542] {strides = array<i32>} : memref<8192xi32, #tpu.memory_space<vmem>>, vector<16xi32>,
      %swap3A_544 = vector.shape_cast %swap3A_543 : vector<16xi32> to vector<16xi32>
      %swap3A_545 = vector.shape_cast %select_n3A_537 : vector<16xi32> to vector<16xi32>
      tpu.vector_store %arg12[%swap3A_542], %swap3A_545 {strides = array<i32>} : memref<8192xi32, #tpu.memory_space<vmem>>, vector<16xi32>,
      %get3A_546 = arith.index_cast %scan3A_441 : i32 to index
      %get3A_547 = arith.constant 80 : index
      %get3A_548 = tpu.vector_load %arg10[%get3A_546, %get3A_547] {strides = array<i32>} : memref<64x128xi32, #tpu.memory_space<vmem>>, vector<1x16xi32>,
      %get3A_549 = vector.shape_cast %get3A_548 : vector<1x16xi32> to vector<16xi32>
      %sub3A_550 = vector.broadcast %mul3A_0 : i32 to vector<16xi32>
      %sub3A_551 = arith.subi %get3A_549, %sub3A_550 : vector<16xi32>
      %ge3A_552 = arith.constant 0 : i32
      %ge3A_553 = vector.broadcast %ge3A_552 : i32 to vector<16xi32>
      %ge3A_554 = arith.cmpi sge, %sub3A_551, %ge3A_553 : vector<16xi32>
      %lt3A_555 = arith.constant 1048576 : i32
      %lt3A_556 = vector.broadcast %lt3A_555 : i32 to vector<16xi32>
      %lt3A_557 = arith.cmpi slt, %sub3A_551, %lt3A_556 : vector<16xi32>
      %and3A_558 = arith.andi %ge3A_554, %lt3A_557 : vector<16xi1>
      %select_n3A_559 = arith.select %and3A_558, %sub3A_551, %add3A_47 : vector<16xi1>, vector<16xi32>
      %mul3A_560 = arith.constant 128 : i32
      %mul3A_561 = arith.muli %scan3A_441, %mul3A_560 : i32
      %add3A_562 = arith.constant 80 : i32
      %add3A_563 = arith.addi %mul3A_561, %add3A_562 : i32
      %swap3A_564 = arith.index_cast %add3A_563 : i32 to index
      %swap3A_565 = tpu.vector_load %arg12[%swap3A_564] {strides = array<i32>} : memref<8192xi32, #tpu.memory_space<vmem>>, vector<16xi32>,
      %swap3A_566 = vector.shape_cast %swap3A_565 : vector<16xi32> to vector<16xi32>
      %swap3A_567 = vector.shape_cast %select_n3A_559 : vector<16xi32> to vector<16xi32>
      tpu.vector_store %arg12[%swap3A_564], %swap3A_567 {strides = array<i32>} : memref<8192xi32, #tpu.memory_space<vmem>>, vector<16xi32>,
      %get3A_568 = arith.index_cast %scan3A_441 : i32 to index
      %get3A_569 = arith.constant 96 : index
      %get3A_570 = tpu.vector_load %arg10[%get3A_568, %get3A_569] {strides = array<i32>} : memref<64x128xi32, #tpu.memory_space<vmem>>, vector<1x16xi32>,
      %get3A_571 = vector.shape_cast %get3A_570 : vector<1x16xi32> to vector<16xi32>
      %sub3A_572 = vector.broadcast %mul3A_0 : i32 to vector<16xi32>
      %sub3A_573 = arith.subi %get3A_571, %sub3A_572 : vector<16xi32>
      %ge3A_574 = arith.constant 0 : i32
      %ge3A_575 = vector.broadcast %ge3A_574 : i32 to vector<16xi32>
      %ge3A_576 = arith.cmpi sge, %sub3A_573, %ge3A_575 : vector<16xi32>
      %lt3A_577 = arith.constant 1048576 : i32
      %lt3A_578 = vector.broadcast %lt3A_577 : i32 to vector<16xi32>
      %lt3A_579 = arith.cmpi slt, %sub3A_573, %lt3A_578 : vector<16xi32>
      %and3A_580 = arith.andi %ge3A_576, %lt3A_579 : vector<16xi1>
      %select_n3A_581 = arith.select %and3A_580, %sub3A_573, %add3A_55 : vector<16xi1>, vector<16xi32>
      %mul3A_582 = arith.constant 128 : i32
      %mul3A_583 = arith.muli %scan3A_441, %mul3A_582 : i32
      %add3A_584 = arith.constant 96 : i32
      %add3A_585 = arith.addi %mul3A_583, %add3A_584 : i32
      %swap3A_586 = arith.index_cast %add3A_585 : i32 to index
      %swap3A_587 = tpu.vector_load %arg12[%swap3A_586] {strides = array<i32>} : memref<8192xi32, #tpu.memory_space<vmem>>, vector<16xi32>,
      %swap3A_588 = vector.shape_cast %swap3A_587 : vector<16xi32> to vector<16xi32>
      %swap3A_589 = vector.shape_cast %select_n3A_581 : vector<16xi32> to vector<16xi32>
      tpu.vector_store %arg12[%swap3A_586], %swap3A_589 {strides = array<i32>} : memref<8192xi32, #tpu.memory_space<vmem>>, vector<16xi32>,
      %get3A_590 = arith.index_cast %scan3A_441 : i32 to index
      %get3A_591 = arith.constant 112 : index
      %get3A_592 = tpu.vector_load %arg10[%get3A_590, %get3A_591] {strides = array<i32>} : memref<64x128xi32, #tpu.memory_space<vmem>>, vector<1x16xi32>,
      %get3A_593 = vector.shape_cast %get3A_592 : vector<1x16xi32> to vector<16xi32>
      %sub3A_594 = vector.broadcast %mul3A_0 : i32 to vector<16xi32>
      %sub3A_595 = arith.subi %get3A_593, %sub3A_594 : vector<16xi32>
      %ge3A_596 = arith.constant 0 : i32
      %ge3A_597 = vector.broadcast %ge3A_596 : i32 to vector<16xi32>
      %ge3A_598 = arith.cmpi sge, %sub3A_595, %ge3A_597 : vector<16xi32>
      %lt3A_599 = arith.constant 1048576 : i32
      %lt3A_600 = vector.broadcast %lt3A_599 : i32 to vector<16xi32>
      %lt3A_601 = arith.cmpi slt, %sub3A_595, %lt3A_600 : vector<16xi32>
      %and3A_602 = arith.andi %ge3A_598, %lt3A_601 : vector<16xi1>
      %select_n3A_603 = arith.select %and3A_602, %sub3A_595, %add3A_63 : vector<16xi1>, vector<16xi32>
      %mul3A_604 = arith.constant 128 : i32
      %mul3A_605 = arith.muli %scan3A_441, %mul3A_604 : i32
      %add3A_606 = arith.constant 112 : i32
      %add3A_607 = arith.addi %mul3A_605, %add3A_606 : i32
      %swap3A_608 = arith.index_cast %add3A_607 : i32 to index
      %swap3A_609 = tpu.vector_load %arg12[%swap3A_608] {strides = array<i32>} : memref<8192xi32, #tpu.memory_space<vmem>>, vector<16xi32>,
      %swap3A_610 = vector.shape_cast %swap3A_609 : vector<16xi32> to vector<16xi32>
      %swap3A_611 = vector.shape_cast %select_n3A_603 : vector<16xi32> to vector<16xi32>
      tpu.vector_store %arg12[%swap3A_608], %swap3A_611 {strides = array<i32>} : memref<8192xi32, #tpu.memory_space<vmem>>, vector<16xi32>,
      %scan3A_612 = arith.constant 0 : i32
      scf.yield %scan3A_612 : i32
    }
    %scan3A_379 = arith.constant 64 : i32
    "tpu.region"() ({
      %run_scoped3A = tpu.sem_alloc : memref<!tpu.dma_semaphore, #tpu.memory_space<semaphore_mem>>
      %dma_start3A_441 = arith.constant 8192 : i32
      %dma_start3A_442 = tpu.memref_slice %arg8[%dma_start3A_441] : memref<40960xi32, #tpu.memory_space<hbm>> -> memref<8192xi32, #tpu.memory_space<hbm>>
      %dma_start3A_443 = arith.constant 8192 : i32
      %dma_start3A_444 = tpu.memref_slice %arg8[%dma_start3A_443] : memref<40960xi32, #tpu.memory_space<hbm>> -> memref<8192xi32, #tpu.memory_space<hbm>>
      tpu.enqueue_dma source(%dma_start3A_444 : memref<8192xi32, #tpu.memory_space<hbm>>) target(%arg14 : memref<8192xi32, #tpu.memory_space<vmem>>) target_semaphore(%run_scoped3A : memref<!tpu.dma_semaphore, #tpu.memory_space<semaphore_mem>>)
      %dma_wait3A_445 = arith.constant 8192 : i32
      %dma_wait3A_446 = tpu.memref_slice %arg8[%dma_wait3A_445] : memref<40960xi32, #tpu.memory_space<hbm>> -> memref<8192xi32, #tpu.memory_space<hbm>>
      %dma_wait3A_447 = arith.constant 8192 : i32
      %dma_wait3A_448 = tpu.memref_slice %arg8[%dma_wait3A_447] : memref<40960xi32, #tpu.memory_space<hbm>> -> memref<8192xi32, #tpu.memory_space<hbm>>
      tpu.wait_dma2 semaphore(%run_scoped3A : memref<!tpu.dma_semaphore, #tpu.memory_space<semaphore_mem>>) src(%dma_wait3A_448 : memref<8192xi32, #tpu.memory_space<hbm>>) dst(%arg14 : memref<8192xi32, #tpu.memory_space<vmem>>)
      tpu.yield
    }) : () -> ()
    %mul3A_380 = arith.constant 64 : i32
    %mul3A_381 = arith.muli %arg1, %mul3A_380 : i32
    %dma_start3A_382 = arith.constant 0 : i32
    %dma_start3A_383 = tpu.memref_slice %arg4[%mul3A_381, %dma_start3A_382] : memref<1024x128xi32, #tpu.memory_space<hbm>> -> memref<64x128xi32, #tpu.memory_space<hbm>>
    %dma_start3A_384 = arith.constant 0 : i32
    %dma_start3A_385 = tpu.memref_slice %arg4[%mul3A_381, %dma_start3A_384] : memref<1024x128xi32, #tpu.memory_space<hbm>> -> memref<64x128xi32, #tpu.memory_space<hbm>>
    tpu.enqueue_dma source(%dma_start3A_385 : memref<64x128xi32, #tpu.memory_space<hbm>>) target(%arg11 : memref<64x128xi32, #tpu.memory_space<vmem>>) target_semaphore(%arg18 : memref<!tpu.dma_semaphore, #tpu.memory_space<semaphore_mem>>)
    %dma_wait3A_386 = arith.constant 0 : i32
    %dma_wait3A_387 = tpu.memref_slice %arg4[%mul3A_381, %dma_wait3A_386] : memref<1024x128xi32, #tpu.memory_space<hbm>> -> memref<64x128xi32, #tpu.memory_space<hbm>>
    %dma_wait3A_388 = arith.constant 0 : i32
    %dma_wait3A_389 = tpu.memref_slice %arg4[%mul3A_381, %dma_wait3A_388] : memref<1024x128xi32, #tpu.memory_space<hbm>> -> memref<64x128xi32, #tpu.memory_space<hbm>>
    tpu.wait_dma2 semaphore(%arg18 : memref<!tpu.dma_semaphore, #tpu.memory_space<semaphore_mem>>) src(%dma_wait3A_389 : memref<64x128xi32, #tpu.memory_space<hbm>>) dst(%arg11 : memref<64x128xi32, #tpu.memory_space<vmem>>)
    %scan3A_390 = arith.constant 0 : i32
    %scan3A_391 = arith.constant 0 : i32
    %scan3A_392 = arith.constant 64 : i32
    %scan3A_393 = arith.addi %scan3A_391, %scan3A_392 : i32
    %scan3A_394 = arith.constant 1 : i32
    %scan3A_395 = scf.for %scan3A_441 = %scan3A_391 to %scan3A_393 step %scan3A_394 iter_args(%scan3A_442 = %scan3A_390) -> (i32)  : i32 {
      %get3A = arith.index_cast %scan3A_441 : i32 to index
      %get3A_443 = arith.constant 0 : index
      %get3A_444 = tpu.vector_load %arg11[%get3A, %get3A_443] {strides = array<i32>} : memref<64x128xi32, #tpu.memory_space<vmem>>, vector<1x16xi32>,
      %get3A_445 = vector.shape_cast %get3A_444 : vector<1x16xi32> to vector<16xi32>
      %sub3A = vector.broadcast %mul3A_0 : i32 to vector<16xi32>
      %sub3A_446 = arith.subi %get3A_445, %sub3A : vector<16xi32>
      %ge3A = arith.constant 0 : i32
      %ge3A_447 = vector.broadcast %ge3A : i32 to vector<16xi32>
      %ge3A_448 = arith.cmpi sge, %sub3A_446, %ge3A_447 : vector<16xi32>
      %lt3A = arith.constant 1048576 : i32
      %lt3A_449 = vector.broadcast %lt3A : i32 to vector<16xi32>
      %lt3A_450 = arith.cmpi slt, %sub3A_446, %lt3A_449 : vector<16xi32>
      %and3A = arith.andi %ge3A_448, %lt3A_450 : vector<16xi1>
      %select_n3A = arith.select %and3A, %sub3A_446, %add3A_7 : vector<16xi1>, vector<16xi32>
      %mul3A_451 = arith.constant 128 : i32
      %mul3A_452 = arith.muli %scan3A_441, %mul3A_451 : i32
      %add3A_453 = arith.constant 0 : i32
      %add3A_454 = arith.addi %mul3A_452, %add3A_453 : i32
      %swap3A = arith.index_cast %add3A_454 : i32 to index
      %swap3A_455 = tpu.vector_load %arg13[%swap3A] {strides = array<i32>} : memref<8192xi32, #tpu.memory_space<vmem>>, vector<16xi32>,
      %swap3A_456 = vector.shape_cast %swap3A_455 : vector<16xi32> to vector<16xi32>
      %swap3A_457 = vector.shape_cast %select_n3A : vector<16xi32> to vector<16xi32>
      tpu.vector_store %arg13[%swap3A], %swap3A_457 {strides = array<i32>} : memref<8192xi32, #tpu.memory_space<vmem>>, vector<16xi32>,
      %get3A_458 = arith.index_cast %scan3A_441 : i32 to index
      %get3A_459 = arith.constant 16 : index
      %get3A_460 = tpu.vector_load %arg11[%get3A_458, %get3A_459] {strides = array<i32>} : memref<64x128xi32, #tpu.memory_space<vmem>>, vector<1x16xi32>,
      %get3A_461 = vector.shape_cast %get3A_460 : vector<1x16xi32> to vector<16xi32>
      %sub3A_462 = vector.broadcast %mul3A_0 : i32 to vector<16xi32>
      %sub3A_463 = arith.subi %get3A_461, %sub3A_462 : vector<16xi32>
      %ge3A_464 = arith.constant 0 : i32
      %ge3A_465 = vector.broadcast %ge3A_464 : i32 to vector<16xi32>
      %ge3A_466 = arith.cmpi sge, %sub3A_463, %ge3A_465 : vector<16xi32>
      %lt3A_467 = arith.constant 1048576 : i32
      %lt3A_468 = vector.broadcast %lt3A_467 : i32 to vector<16xi32>
      %lt3A_469 = arith.cmpi slt, %sub3A_463, %lt3A_468 : vector<16xi32>
      %and3A_470 = arith.andi %ge3A_466, %lt3A_469 : vector<16xi1>
      %select_n3A_471 = arith.select %and3A_470, %sub3A_463, %add3A_15 : vector<16xi1>, vector<16xi32>
      %mul3A_472 = arith.constant 128 : i32
      %mul3A_473 = arith.muli %scan3A_441, %mul3A_472 : i32
      %add3A_474 = arith.constant 16 : i32
      %add3A_475 = arith.addi %mul3A_473, %add3A_474 : i32
      %swap3A_476 = arith.index_cast %add3A_475 : i32 to index
      %swap3A_477 = tpu.vector_load %arg13[%swap3A_476] {strides = array<i32>} : memref<8192xi32, #tpu.memory_space<vmem>>, vector<16xi32>,
      %swap3A_478 = vector.shape_cast %swap3A_477 : vector<16xi32> to vector<16xi32>
      %swap3A_479 = vector.shape_cast %select_n3A_471 : vector<16xi32> to vector<16xi32>
      tpu.vector_store %arg13[%swap3A_476], %swap3A_479 {strides = array<i32>} : memref<8192xi32, #tpu.memory_space<vmem>>, vector<16xi32>,
      %get3A_480 = arith.index_cast %scan3A_441 : i32 to index
      %get3A_481 = arith.constant 32 : index
      %get3A_482 = tpu.vector_load %arg11[%get3A_480, %get3A_481] {strides = array<i32>} : memref<64x128xi32, #tpu.memory_space<vmem>>, vector<1x16xi32>,
      %get3A_483 = vector.shape_cast %get3A_482 : vector<1x16xi32> to vector<16xi32>
      %sub3A_484 = vector.broadcast %mul3A_0 : i32 to vector<16xi32>
      %sub3A_485 = arith.subi %get3A_483, %sub3A_484 : vector<16xi32>
      %ge3A_486 = arith.constant 0 : i32
      %ge3A_487 = vector.broadcast %ge3A_486 : i32 to vector<16xi32>
      %ge3A_488 = arith.cmpi sge, %sub3A_485, %ge3A_487 : vector<16xi32>
      %lt3A_489 = arith.constant 1048576 : i32
      %lt3A_490 = vector.broadcast %lt3A_489 : i32 to vector<16xi32>
      %lt3A_491 = arith.cmpi slt, %sub3A_485, %lt3A_490 : vector<16xi32>
      %and3A_492 = arith.andi %ge3A_488, %lt3A_491 : vector<16xi1>
      %select_n3A_493 = arith.select %and3A_492, %sub3A_485, %add3A_23 : vector<16xi1>, vector<16xi32>
      %mul3A_494 = arith.constant 128 : i32
      %mul3A_495 = arith.muli %scan3A_441, %mul3A_494 : i32
      %add3A_496 = arith.constant 32 : i32
      %add3A_497 = arith.addi %mul3A_495, %add3A_496 : i32
      %swap3A_498 = arith.index_cast %add3A_497 : i32 to index
      %swap3A_499 = tpu.vector_load %arg13[%swap3A_498] {strides = array<i32>} : memref<8192xi32, #tpu.memory_space<vmem>>, vector<16xi32>,
      %swap3A_500 = vector.shape_cast %swap3A_499 : vector<16xi32> to vector<16xi32>
      %swap3A_501 = vector.shape_cast %select_n3A_493 : vector<16xi32> to vector<16xi32>
      tpu.vector_store %arg13[%swap3A_498], %swap3A_501 {strides = array<i32>} : memref<8192xi32, #tpu.memory_space<vmem>>, vector<16xi32>,
      %get3A_502 = arith.index_cast %scan3A_441 : i32 to index
      %get3A_503 = arith.constant 48 : index
      %get3A_504 = tpu.vector_load %arg11[%get3A_502, %get3A_503] {strides = array<i32>} : memref<64x128xi32, #tpu.memory_space<vmem>>, vector<1x16xi32>,
      %get3A_505 = vector.shape_cast %get3A_504 : vector<1x16xi32> to vector<16xi32>
      %sub3A_506 = vector.broadcast %mul3A_0 : i32 to vector<16xi32>
      %sub3A_507 = arith.subi %get3A_505, %sub3A_506 : vector<16xi32>
      %ge3A_508 = arith.constant 0 : i32
      %ge3A_509 = vector.broadcast %ge3A_508 : i32 to vector<16xi32>
      %ge3A_510 = arith.cmpi sge, %sub3A_507, %ge3A_509 : vector<16xi32>
      %lt3A_511 = arith.constant 1048576 : i32
      %lt3A_512 = vector.broadcast %lt3A_511 : i32 to vector<16xi32>
      %lt3A_513 = arith.cmpi slt, %sub3A_507, %lt3A_512 : vector<16xi32>
      %and3A_514 = arith.andi %ge3A_510, %lt3A_513 : vector<16xi1>
      %select_n3A_515 = arith.select %and3A_514, %sub3A_507, %add3A_31 : vector<16xi1>, vector<16xi32>
      %mul3A_516 = arith.constant 128 : i32
      %mul3A_517 = arith.muli %scan3A_441, %mul3A_516 : i32
      %add3A_518 = arith.constant 48 : i32
      %add3A_519 = arith.addi %mul3A_517, %add3A_518 : i32
      %swap3A_520 = arith.index_cast %add3A_519 : i32 to index
      %swap3A_521 = tpu.vector_load %arg13[%swap3A_520] {strides = array<i32>} : memref<8192xi32, #tpu.memory_space<vmem>>, vector<16xi32>,
      %swap3A_522 = vector.shape_cast %swap3A_521 : vector<16xi32> to vector<16xi32>
      %swap3A_523 = vector.shape_cast %select_n3A_515 : vector<16xi32> to vector<16xi32>
      tpu.vector_store %arg13[%swap3A_520], %swap3A_523 {strides = array<i32>} : memref<8192xi32, #tpu.memory_space<vmem>>, vector<16xi32>,
      %get3A_524 = arith.index_cast %scan3A_441 : i32 to index
      %get3A_525 = arith.constant 64 : index
      %get3A_526 = tpu.vector_load %arg11[%get3A_524, %get3A_525] {strides = array<i32>} : memref<64x128xi32, #tpu.memory_space<vmem>>, vector<1x16xi32>,
      %get3A_527 = vector.shape_cast %get3A_526 : vector<1x16xi32> to vector<16xi32>
      %sub3A_528 = vector.broadcast %mul3A_0 : i32 to vector<16xi32>
      %sub3A_529 = arith.subi %get3A_527, %sub3A_528 : vector<16xi32>
      %ge3A_530 = arith.constant 0 : i32
      %ge3A_531 = vector.broadcast %ge3A_530 : i32 to vector<16xi32>
      %ge3A_532 = arith.cmpi sge, %sub3A_529, %ge3A_531 : vector<16xi32>
      %lt3A_533 = arith.constant 1048576 : i32
      %lt3A_534 = vector.broadcast %lt3A_533 : i32 to vector<16xi32>
      %lt3A_535 = arith.cmpi slt, %sub3A_529, %lt3A_534 : vector<16xi32>
      %and3A_536 = arith.andi %ge3A_532, %lt3A_535 : vector<16xi1>
      %select_n3A_537 = arith.select %and3A_536, %sub3A_529, %add3A_39 : vector<16xi1>, vector<16xi32>
      %mul3A_538 = arith.constant 128 : i32
      %mul3A_539 = arith.muli %scan3A_441, %mul3A_538 : i32
      %add3A_540 = arith.constant 64 : i32
      %add3A_541 = arith.addi %mul3A_539, %add3A_540 : i32
      %swap3A_542 = arith.index_cast %add3A_541 : i32 to index
      %swap3A_543 = tpu.vector_load %arg13[%swap3A_542] {strides = array<i32>} : memref<8192xi32, #tpu.memory_space<vmem>>, vector<16xi32>,
      %swap3A_544 = vector.shape_cast %swap3A_543 : vector<16xi32> to vector<16xi32>
      %swap3A_545 = vector.shape_cast %select_n3A_537 : vector<16xi32> to vector<16xi32>
      tpu.vector_store %arg13[%swap3A_542], %swap3A_545 {strides = array<i32>} : memref<8192xi32, #tpu.memory_space<vmem>>, vector<16xi32>,
      %get3A_546 = arith.index_cast %scan3A_441 : i32 to index
      %get3A_547 = arith.constant 80 : index
      %get3A_548 = tpu.vector_load %arg11[%get3A_546, %get3A_547] {strides = array<i32>} : memref<64x128xi32, #tpu.memory_space<vmem>>, vector<1x16xi32>,
      %get3A_549 = vector.shape_cast %get3A_548 : vector<1x16xi32> to vector<16xi32>
      %sub3A_550 = vector.broadcast %mul3A_0 : i32 to vector<16xi32>
      %sub3A_551 = arith.subi %get3A_549, %sub3A_550 : vector<16xi32>
      %ge3A_552 = arith.constant 0 : i32
      %ge3A_553 = vector.broadcast %ge3A_552 : i32 to vector<16xi32>
      %ge3A_554 = arith.cmpi sge, %sub3A_551, %ge3A_553 : vector<16xi32>
      %lt3A_555 = arith.constant 1048576 : i32
      %lt3A_556 = vector.broadcast %lt3A_555 : i32 to vector<16xi32>
      %lt3A_557 = arith.cmpi slt, %sub3A_551, %lt3A_556 : vector<16xi32>
      %and3A_558 = arith.andi %ge3A_554, %lt3A_557 : vector<16xi1>
      %select_n3A_559 = arith.select %and3A_558, %sub3A_551, %add3A_47 : vector<16xi1>, vector<16xi32>
      %mul3A_560 = arith.constant 128 : i32
      %mul3A_561 = arith.muli %scan3A_441, %mul3A_560 : i32
      %add3A_562 = arith.constant 80 : i32
      %add3A_563 = arith.addi %mul3A_561, %add3A_562 : i32
      %swap3A_564 = arith.index_cast %add3A_563 : i32 to index
      %swap3A_565 = tpu.vector_load %arg13[%swap3A_564] {strides = array<i32>} : memref<8192xi32, #tpu.memory_space<vmem>>, vector<16xi32>,
      %swap3A_566 = vector.shape_cast %swap3A_565 : vector<16xi32> to vector<16xi32>
      %swap3A_567 = vector.shape_cast %select_n3A_559 : vector<16xi32> to vector<16xi32>
      tpu.vector_store %arg13[%swap3A_564], %swap3A_567 {strides = array<i32>} : memref<8192xi32, #tpu.memory_space<vmem>>, vector<16xi32>,
      %get3A_568 = arith.index_cast %scan3A_441 : i32 to index
      %get3A_569 = arith.constant 96 : index
      %get3A_570 = tpu.vector_load %arg11[%get3A_568, %get3A_569] {strides = array<i32>} : memref<64x128xi32, #tpu.memory_space<vmem>>, vector<1x16xi32>,
      %get3A_571 = vector.shape_cast %get3A_570 : vector<1x16xi32> to vector<16xi32>
      %sub3A_572 = vector.broadcast %mul3A_0 : i32 to vector<16xi32>
      %sub3A_573 = arith.subi %get3A_571, %sub3A_572 : vector<16xi32>
      %ge3A_574 = arith.constant 0 : i32
      %ge3A_575 = vector.broadcast %ge3A_574 : i32 to vector<16xi32>
      %ge3A_576 = arith.cmpi sge, %sub3A_573, %ge3A_575 : vector<16xi32>
      %lt3A_577 = arith.constant 1048576 : i32
      %lt3A_578 = vector.broadcast %lt3A_577 : i32 to vector<16xi32>
      %lt3A_579 = arith.cmpi slt, %sub3A_573, %lt3A_578 : vector<16xi32>
      %and3A_580 = arith.andi %ge3A_576, %lt3A_579 : vector<16xi1>
      %select_n3A_581 = arith.select %and3A_580, %sub3A_573, %add3A_55 : vector<16xi1>, vector<16xi32>
      %mul3A_582 = arith.constant 128 : i32
      %mul3A_583 = arith.muli %scan3A_441, %mul3A_582 : i32
      %add3A_584 = arith.constant 96 : i32
      %add3A_585 = arith.addi %mul3A_583, %add3A_584 : i32
      %swap3A_586 = arith.index_cast %add3A_585 : i32 to index
      %swap3A_587 = tpu.vector_load %arg13[%swap3A_586] {strides = array<i32>} : memref<8192xi32, #tpu.memory_space<vmem>>, vector<16xi32>,
      %swap3A_588 = vector.shape_cast %swap3A_587 : vector<16xi32> to vector<16xi32>
      %swap3A_589 = vector.shape_cast %select_n3A_581 : vector<16xi32> to vector<16xi32>
      tpu.vector_store %arg13[%swap3A_586], %swap3A_589 {strides = array<i32>} : memref<8192xi32, #tpu.memory_space<vmem>>, vector<16xi32>,
      %get3A_590 = arith.index_cast %scan3A_441 : i32 to index
      %get3A_591 = arith.constant 112 : index
      %get3A_592 = tpu.vector_load %arg11[%get3A_590, %get3A_591] {strides = array<i32>} : memref<64x128xi32, #tpu.memory_space<vmem>>, vector<1x16xi32>,
      %get3A_593 = vector.shape_cast %get3A_592 : vector<1x16xi32> to vector<16xi32>
      %sub3A_594 = vector.broadcast %mul3A_0 : i32 to vector<16xi32>
      %sub3A_595 = arith.subi %get3A_593, %sub3A_594 : vector<16xi32>
      %ge3A_596 = arith.constant 0 : i32
      %ge3A_597 = vector.broadcast %ge3A_596 : i32 to vector<16xi32>
      %ge3A_598 = arith.cmpi sge, %sub3A_595, %ge3A_597 : vector<16xi32>
      %lt3A_599 = arith.constant 1048576 : i32
      %lt3A_600 = vector.broadcast %lt3A_599 : i32 to vector<16xi32>
      %lt3A_601 = arith.cmpi slt, %sub3A_595, %lt3A_600 : vector<16xi32>
      %and3A_602 = arith.andi %ge3A_598, %lt3A_601 : vector<16xi1>
      %select_n3A_603 = arith.select %and3A_602, %sub3A_595, %add3A_63 : vector<16xi1>, vector<16xi32>
      %mul3A_604 = arith.constant 128 : i32
      %mul3A_605 = arith.muli %scan3A_441, %mul3A_604 : i32
      %add3A_606 = arith.constant 112 : i32
      %add3A_607 = arith.addi %mul3A_605, %add3A_606 : i32
      %swap3A_608 = arith.index_cast %add3A_607 : i32 to index
      %swap3A_609 = tpu.vector_load %arg13[%swap3A_608] {strides = array<i32>} : memref<8192xi32, #tpu.memory_space<vmem>>, vector<16xi32>,
      %swap3A_610 = vector.shape_cast %swap3A_609 : vector<16xi32> to vector<16xi32>
      %swap3A_611 = vector.shape_cast %select_n3A_603 : vector<16xi32> to vector<16xi32>
      tpu.vector_store %arg13[%swap3A_608], %swap3A_611 {strides = array<i32>} : memref<8192xi32, #tpu.memory_space<vmem>>, vector<16xi32>,
      %scan3A_612 = arith.constant 0 : i32
      scf.yield %scan3A_612 : i32
    }
    %scan3A_396 = arith.constant 64 : i32
    "tpu.region"() ({
      %run_scoped3A = tpu.sem_alloc : memref<!tpu.dma_semaphore, #tpu.memory_space<semaphore_mem>>
      %dma_start3A_441 = arith.constant 16384 : i32
      %dma_start3A_442 = tpu.memref_slice %arg8[%dma_start3A_441] : memref<40960xi32, #tpu.memory_space<hbm>> -> memref<8192xi32, #tpu.memory_space<hbm>>
      %dma_start3A_443 = arith.constant 16384 : i32
      %dma_start3A_444 = tpu.memref_slice %arg8[%dma_start3A_443] : memref<40960xi32, #tpu.memory_space<hbm>> -> memref<8192xi32, #tpu.memory_space<hbm>>
      tpu.enqueue_dma source(%dma_start3A_444 : memref<8192xi32, #tpu.memory_space<hbm>>) target(%arg15 : memref<8192xi32, #tpu.memory_space<vmem>>) target_semaphore(%run_scoped3A : memref<!tpu.dma_semaphore, #tpu.memory_space<semaphore_mem>>)
      %dma_wait3A_445 = arith.constant 16384 : i32
      %dma_wait3A_446 = tpu.memref_slice %arg8[%dma_wait3A_445] : memref<40960xi32, #tpu.memory_space<hbm>> -> memref<8192xi32, #tpu.memory_space<hbm>>
      %dma_wait3A_447 = arith.constant 16384 : i32
      %dma_wait3A_448 = tpu.memref_slice %arg8[%dma_wait3A_447] : memref<40960xi32, #tpu.memory_space<hbm>> -> memref<8192xi32, #tpu.memory_space<hbm>>
      tpu.wait_dma2 semaphore(%run_scoped3A : memref<!tpu.dma_semaphore, #tpu.memory_space<semaphore_mem>>) src(%dma_wait3A_448 : memref<8192xi32, #tpu.memory_space<hbm>>) dst(%arg15 : memref<8192xi32, #tpu.memory_space<vmem>>)
      tpu.yield
    }) : () -> ()
    %barrier3A_397 = arith.constant 0 : index
    tpu.barrier barrier_id(%barrier3A_397)
    "tpu.region"() ({
      %run_scoped3A = tpu.sem_alloc : memref<!tpu.dma_semaphore, #tpu.memory_space<semaphore_mem>>
      %dma_start3A_441 = arith.constant 0 : i32
      %dma_start3A_442 = tpu.memref_slice %arg16[%dma_start3A_441] : memref<1049600xi32, #tpu.memory_space<vmem_shared>> -> memref<1049600xi32, #tpu.memory_space<vmem_shared>>
      tpu.enqueue_indirect_dma source(%arg14 : memref<8192xi32, #tpu.memory_space<vmem>>) target(%dma_start3A_442 : memref<1049600xi32, #tpu.memory_space<vmem_shared>>) offsets(%arg12 : memref<8192xi32, #tpu.memory_space<vmem>>) semaphore(%run_scoped3A : memref<!tpu.dma_semaphore, #tpu.memory_space<semaphore_mem>>)
      %dma_wait3A_443 = arith.constant 0 : i32
      %dma_wait3A_444 = tpu.memref_slice %arg16[%dma_wait3A_443] : memref<1049600xi32, #tpu.memory_space<vmem_shared>> -> memref<1049600xi32, #tpu.memory_space<vmem_shared>>
      tpu.wait_indirect_dma semaphore(%run_scoped3A : memref<!tpu.dma_semaphore, #tpu.memory_space<semaphore_mem>>) src(%arg14 : memref<8192xi32, #tpu.memory_space<vmem>>) dst(%dma_wait3A_444 : memref<1049600xi32, #tpu.memory_space<vmem_shared>>)
      tpu.yield
    }) : () -> ()
    %barrier3A_398 = arith.constant 0 : index
    tpu.barrier barrier_id(%barrier3A_398)
    %mul3A_399 = arith.constant 64 : i32
    %mul3A_400 = arith.muli %arg1, %mul3A_399 : i32
    %dma_start3A_401 = arith.constant 0 : i32
    %dma_start3A_402 = tpu.memref_slice %arg5[%mul3A_400, %dma_start3A_401] : memref<1024x128xi32, #tpu.memory_space<hbm>> -> memref<64x128xi32, #tpu.memory_space<hbm>>
    %dma_start3A_403 = arith.constant 0 : i32
    %dma_start3A_404 = tpu.memref_slice %arg5[%mul3A_400, %dma_start3A_403] : memref<1024x128xi32, #tpu.memory_space<hbm>> -> memref<64x128xi32, #tpu.memory_space<hbm>>
    tpu.enqueue_dma source(%dma_start3A_404 : memref<64x128xi32, #tpu.memory_space<hbm>>) target(%arg10 : memref<64x128xi32, #tpu.memory_space<vmem>>) target_semaphore(%arg17 : memref<!tpu.dma_semaphore, #tpu.memory_space<semaphore_mem>>)
    %dma_wait3A_405 = arith.constant 0 : i32
    %dma_wait3A_406 = tpu.memref_slice %arg5[%mul3A_400, %dma_wait3A_405] : memref<1024x128xi32, #tpu.memory_space<hbm>> -> memref<64x128xi32, #tpu.memory_space<hbm>>
    %dma_wait3A_407 = arith.constant 0 : i32
    %dma_wait3A_408 = tpu.memref_slice %arg5[%mul3A_400, %dma_wait3A_407] : memref<1024x128xi32, #tpu.memory_space<hbm>> -> memref<64x128xi32, #tpu.memory_space<hbm>>
    tpu.wait_dma2 semaphore(%arg17 : memref<!tpu.dma_semaphore, #tpu.memory_space<semaphore_mem>>) src(%dma_wait3A_408 : memref<64x128xi32, #tpu.memory_space<hbm>>) dst(%arg10 : memref<64x128xi32, #tpu.memory_space<vmem>>)
    %scan3A_409 = arith.constant 0 : i32
    %scan3A_410 = arith.constant 0 : i32
    %scan3A_411 = arith.constant 64 : i32
    %scan3A_412 = arith.addi %scan3A_410, %scan3A_411 : i32
    %scan3A_413 = arith.constant 1 : i32
    %scan3A_414 = scf.for %scan3A_441 = %scan3A_410 to %scan3A_412 step %scan3A_413 iter_args(%scan3A_442 = %scan3A_409) -> (i32)  : i32 {
      %get3A = arith.index_cast %scan3A_441 : i32 to index
      %get3A_443 = arith.constant 0 : index
      %get3A_444 = tpu.vector_load %arg10[%get3A, %get3A_443] {strides = array<i32>} : memref<64x128xi32, #tpu.memory_space<vmem>>, vector<1x16xi32>,
      %get3A_445 = vector.shape_cast %get3A_444 : vector<1x16xi32> to vector<16xi32>
      %sub3A = vector.broadcast %mul3A_0 : i32 to vector<16xi32>
      %sub3A_446 = arith.subi %get3A_445, %sub3A : vector<16xi32>
      %ge3A = arith.constant 0 : i32
      %ge3A_447 = vector.broadcast %ge3A : i32 to vector<16xi32>
      %ge3A_448 = arith.cmpi sge, %sub3A_446, %ge3A_447 : vector<16xi32>
      %lt3A = arith.constant 1048576 : i32
      %lt3A_449 = vector.broadcast %lt3A : i32 to vector<16xi32>
      %lt3A_450 = arith.cmpi slt, %sub3A_446, %lt3A_449 : vector<16xi32>
      %and3A = arith.andi %ge3A_448, %lt3A_450 : vector<16xi1>
      %select_n3A = arith.select %and3A, %sub3A_446, %add3A_7 : vector<16xi1>, vector<16xi32>
      %mul3A_451 = arith.constant 128 : i32
      %mul3A_452 = arith.muli %scan3A_441, %mul3A_451 : i32
      %add3A_453 = arith.constant 0 : i32
      %add3A_454 = arith.addi %mul3A_452, %add3A_453 : i32
      %swap3A = arith.index_cast %add3A_454 : i32 to index
      %swap3A_455 = tpu.vector_load %arg12[%swap3A] {strides = array<i32>} : memref<8192xi32, #tpu.memory_space<vmem>>, vector<16xi32>,
      %swap3A_456 = vector.shape_cast %swap3A_455 : vector<16xi32> to vector<16xi32>
      %swap3A_457 = vector.shape_cast %select_n3A : vector<16xi32> to vector<16xi32>
      tpu.vector_store %arg12[%swap3A], %swap3A_457 {strides = array<i32>} : memref<8192xi32, #tpu.memory_space<vmem>>, vector<16xi32>,
      %get3A_458 = arith.index_cast %scan3A_441 : i32 to index
      %get3A_459 = arith.constant 16 : index
      %get3A_460 = tpu.vector_load %arg10[%get3A_458, %get3A_459] {strides = array<i32>} : memref<64x128xi32, #tpu.memory_space<vmem>>, vector<1x16xi32>,
      %get3A_461 = vector.shape_cast %get3A_460 : vector<1x16xi32> to vector<16xi32>
      %sub3A_462 = vector.broadcast %mul3A_0 : i32 to vector<16xi32>
      %sub3A_463 = arith.subi %get3A_461, %sub3A_462 : vector<16xi32>
      %ge3A_464 = arith.constant 0 : i32
      %ge3A_465 = vector.broadcast %ge3A_464 : i32 to vector<16xi32>
      %ge3A_466 = arith.cmpi sge, %sub3A_463, %ge3A_465 : vector<16xi32>
      %lt3A_467 = arith.constant 1048576 : i32
      %lt3A_468 = vector.broadcast %lt3A_467 : i32 to vector<16xi32>
      %lt3A_469 = arith.cmpi slt, %sub3A_463, %lt3A_468 : vector<16xi32>
      %and3A_470 = arith.andi %ge3A_466, %lt3A_469 : vector<16xi1>
      %select_n3A_471 = arith.select %and3A_470, %sub3A_463, %add3A_15 : vector<16xi1>, vector<16xi32>
      %mul3A_472 = arith.constant 128 : i32
      %mul3A_473 = arith.muli %scan3A_441, %mul3A_472 : i32
      %add3A_474 = arith.constant 16 : i32
      %add3A_475 = arith.addi %mul3A_473, %add3A_474 : i32
      %swap3A_476 = arith.index_cast %add3A_475 : i32 to index
      %swap3A_477 = tpu.vector_load %arg12[%swap3A_476] {strides = array<i32>} : memref<8192xi32, #tpu.memory_space<vmem>>, vector<16xi32>,
      %swap3A_478 = vector.shape_cast %swap3A_477 : vector<16xi32> to vector<16xi32>
      %swap3A_479 = vector.shape_cast %select_n3A_471 : vector<16xi32> to vector<16xi32>
      tpu.vector_store %arg12[%swap3A_476], %swap3A_479 {strides = array<i32>} : memref<8192xi32, #tpu.memory_space<vmem>>, vector<16xi32>,
      %get3A_480 = arith.index_cast %scan3A_441 : i32 to index
      %get3A_481 = arith.constant 32 : index
      %get3A_482 = tpu.vector_load %arg10[%get3A_480, %get3A_481] {strides = array<i32>} : memref<64x128xi32, #tpu.memory_space<vmem>>, vector<1x16xi32>,
      %get3A_483 = vector.shape_cast %get3A_482 : vector<1x16xi32> to vector<16xi32>
      %sub3A_484 = vector.broadcast %mul3A_0 : i32 to vector<16xi32>
      %sub3A_485 = arith.subi %get3A_483, %sub3A_484 : vector<16xi32>
      %ge3A_486 = arith.constant 0 : i32
      %ge3A_487 = vector.broadcast %ge3A_486 : i32 to vector<16xi32>
      %ge3A_488 = arith.cmpi sge, %sub3A_485, %ge3A_487 : vector<16xi32>
      %lt3A_489 = arith.constant 1048576 : i32
      %lt3A_490 = vector.broadcast %lt3A_489 : i32 to vector<16xi32>
      %lt3A_491 = arith.cmpi slt, %sub3A_485, %lt3A_490 : vector<16xi32>
      %and3A_492 = arith.andi %ge3A_488, %lt3A_491 : vector<16xi1>
      %select_n3A_493 = arith.select %and3A_492, %sub3A_485, %add3A_23 : vector<16xi1>, vector<16xi32>
      %mul3A_494 = arith.constant 128 : i32
      %mul3A_495 = arith.muli %scan3A_441, %mul3A_494 : i32
      %add3A_496 = arith.constant 32 : i32
      %add3A_497 = arith.addi %mul3A_495, %add3A_496 : i32
      %swap3A_498 = arith.index_cast %add3A_497 : i32 to index
      %swap3A_499 = tpu.vector_load %arg12[%swap3A_498] {strides = array<i32>} : memref<8192xi32, #tpu.memory_space<vmem>>, vector<16xi32>,
      %swap3A_500 = vector.shape_cast %swap3A_499 : vector<16xi32> to vector<16xi32>
      %swap3A_501 = vector.shape_cast %select_n3A_493 : vector<16xi32> to vector<16xi32>
      tpu.vector_store %arg12[%swap3A_498], %swap3A_501 {strides = array<i32>} : memref<8192xi32, #tpu.memory_space<vmem>>, vector<16xi32>,
      %get3A_502 = arith.index_cast %scan3A_441 : i32 to index
      %get3A_503 = arith.constant 48 : index
      %get3A_504 = tpu.vector_load %arg10[%get3A_502, %get3A_503] {strides = array<i32>} : memref<64x128xi32, #tpu.memory_space<vmem>>, vector<1x16xi32>,
      %get3A_505 = vector.shape_cast %get3A_504 : vector<1x16xi32> to vector<16xi32>
      %sub3A_506 = vector.broadcast %mul3A_0 : i32 to vector<16xi32>
      %sub3A_507 = arith.subi %get3A_505, %sub3A_506 : vector<16xi32>
      %ge3A_508 = arith.constant 0 : i32
      %ge3A_509 = vector.broadcast %ge3A_508 : i32 to vector<16xi32>
      %ge3A_510 = arith.cmpi sge, %sub3A_507, %ge3A_509 : vector<16xi32>
      %lt3A_511 = arith.constant 1048576 : i32
      %lt3A_512 = vector.broadcast %lt3A_511 : i32 to vector<16xi32>
      %lt3A_513 = arith.cmpi slt, %sub3A_507, %lt3A_512 : vector<16xi32>
      %and3A_514 = arith.andi %ge3A_510, %lt3A_513 : vector<16xi1>
      %select_n3A_515 = arith.select %and3A_514, %sub3A_507, %add3A_31 : vector<16xi1>, vector<16xi32>
      %mul3A_516 = arith.constant 128 : i32
      %mul3A_517 = arith.muli %scan3A_441, %mul3A_516 : i32
      %add3A_518 = arith.constant 48 : i32
      %add3A_519 = arith.addi %mul3A_517, %add3A_518 : i32
      %swap3A_520 = arith.index_cast %add3A_519 : i32 to index
      %swap3A_521 = tpu.vector_load %arg12[%swap3A_520] {strides = array<i32>} : memref<8192xi32, #tpu.memory_space<vmem>>, vector<16xi32>,
      %swap3A_522 = vector.shape_cast %swap3A_521 : vector<16xi32> to vector<16xi32>
      %swap3A_523 = vector.shape_cast %select_n3A_515 : vector<16xi32> to vector<16xi32>
      tpu.vector_store %arg12[%swap3A_520], %swap3A_523 {strides = array<i32>} : memref<8192xi32, #tpu.memory_space<vmem>>, vector<16xi32>,
      %get3A_524 = arith.index_cast %scan3A_441 : i32 to index
      %get3A_525 = arith.constant 64 : index
      %get3A_526 = tpu.vector_load %arg10[%get3A_524, %get3A_525] {strides = array<i32>} : memref<64x128xi32, #tpu.memory_space<vmem>>, vector<1x16xi32>,
      %get3A_527 = vector.shape_cast %get3A_526 : vector<1x16xi32> to vector<16xi32>
      %sub3A_528 = vector.broadcast %mul3A_0 : i32 to vector<16xi32>
      %sub3A_529 = arith.subi %get3A_527, %sub3A_528 : vector<16xi32>
      %ge3A_530 = arith.constant 0 : i32
      %ge3A_531 = vector.broadcast %ge3A_530 : i32 to vector<16xi32>
      %ge3A_532 = arith.cmpi sge, %sub3A_529, %ge3A_531 : vector<16xi32>
      %lt3A_533 = arith.constant 1048576 : i32
      %lt3A_534 = vector.broadcast %lt3A_533 : i32 to vector<16xi32>
      %lt3A_535 = arith.cmpi slt, %sub3A_529, %lt3A_534 : vector<16xi32>
      %and3A_536 = arith.andi %ge3A_532, %lt3A_535 : vector<16xi1>
      %select_n3A_537 = arith.select %and3A_536, %sub3A_529, %add3A_39 : vector<16xi1>, vector<16xi32>
      %mul3A_538 = arith.constant 128 : i32
      %mul3A_539 = arith.muli %scan3A_441, %mul3A_538 : i32
      %add3A_540 = arith.constant 64 : i32
      %add3A_541 = arith.addi %mul3A_539, %add3A_540 : i32
      %swap3A_542 = arith.index_cast %add3A_541 : i32 to index
      %swap3A_543 = tpu.vector_load %arg12[%swap3A_542] {strides = array<i32>} : memref<8192xi32, #tpu.memory_space<vmem>>, vector<16xi32>,
      %swap3A_544 = vector.shape_cast %swap3A_543 : vector<16xi32> to vector<16xi32>
      %swap3A_545 = vector.shape_cast %select_n3A_537 : vector<16xi32> to vector<16xi32>
      tpu.vector_store %arg12[%swap3A_542], %swap3A_545 {strides = array<i32>} : memref<8192xi32, #tpu.memory_space<vmem>>, vector<16xi32>,
      %get3A_546 = arith.index_cast %scan3A_441 : i32 to index
      %get3A_547 = arith.constant 80 : index
      %get3A_548 = tpu.vector_load %arg10[%get3A_546, %get3A_547] {strides = array<i32>} : memref<64x128xi32, #tpu.memory_space<vmem>>, vector<1x16xi32>,
      %get3A_549 = vector.shape_cast %get3A_548 : vector<1x16xi32> to vector<16xi32>
      %sub3A_550 = vector.broadcast %mul3A_0 : i32 to vector<16xi32>
      %sub3A_551 = arith.subi %get3A_549, %sub3A_550 : vector<16xi32>
      %ge3A_552 = arith.constant 0 : i32
      %ge3A_553 = vector.broadcast %ge3A_552 : i32 to vector<16xi32>
      %ge3A_554 = arith.cmpi sge, %sub3A_551, %ge3A_553 : vector<16xi32>
      %lt3A_555 = arith.constant 1048576 : i32
      %lt3A_556 = vector.broadcast %lt3A_555 : i32 to vector<16xi32>
      %lt3A_557 = arith.cmpi slt, %sub3A_551, %lt3A_556 : vector<16xi32>
      %and3A_558 = arith.andi %ge3A_554, %lt3A_557 : vector<16xi1>
      %select_n3A_559 = arith.select %and3A_558, %sub3A_551, %add3A_47 : vector<16xi1>, vector<16xi32>
      %mul3A_560 = arith.constant 128 : i32
      %mul3A_561 = arith.muli %scan3A_441, %mul3A_560 : i32
      %add3A_562 = arith.constant 80 : i32
      %add3A_563 = arith.addi %mul3A_561, %add3A_562 : i32
      %swap3A_564 = arith.index_cast %add3A_563 : i32 to index
      %swap3A_565 = tpu.vector_load %arg12[%swap3A_564] {strides = array<i32>} : memref<8192xi32, #tpu.memory_space<vmem>>, vector<16xi32>,
      %swap3A_566 = vector.shape_cast %swap3A_565 : vector<16xi32> to vector<16xi32>
      %swap3A_567 = vector.shape_cast %select_n3A_559 : vector<16xi32> to vector<16xi32>
      tpu.vector_store %arg12[%swap3A_564], %swap3A_567 {strides = array<i32>} : memref<8192xi32, #tpu.memory_space<vmem>>, vector<16xi32>,
      %get3A_568 = arith.index_cast %scan3A_441 : i32 to index
      %get3A_569 = arith.constant 96 : index
      %get3A_570 = tpu.vector_load %arg10[%get3A_568, %get3A_569] {strides = array<i32>} : memref<64x128xi32, #tpu.memory_space<vmem>>, vector<1x16xi32>,
      %get3A_571 = vector.shape_cast %get3A_570 : vector<1x16xi32> to vector<16xi32>
      %sub3A_572 = vector.broadcast %mul3A_0 : i32 to vector<16xi32>
      %sub3A_573 = arith.subi %get3A_571, %sub3A_572 : vector<16xi32>
      %ge3A_574 = arith.constant 0 : i32
      %ge3A_575 = vector.broadcast %ge3A_574 : i32 to vector<16xi32>
      %ge3A_576 = arith.cmpi sge, %sub3A_573, %ge3A_575 : vector<16xi32>
      %lt3A_577 = arith.constant 1048576 : i32
      %lt3A_578 = vector.broadcast %lt3A_577 : i32 to vector<16xi32>
      %lt3A_579 = arith.cmpi slt, %sub3A_573, %lt3A_578 : vector<16xi32>
      %and3A_580 = arith.andi %ge3A_576, %lt3A_579 : vector<16xi1>
      %select_n3A_581 = arith.select %and3A_580, %sub3A_573, %add3A_55 : vector<16xi1>, vector<16xi32>
      %mul3A_582 = arith.constant 128 : i32
      %mul3A_583 = arith.muli %scan3A_441, %mul3A_582 : i32
      %add3A_584 = arith.constant 96 : i32
      %add3A_585 = arith.addi %mul3A_583, %add3A_584 : i32
      %swap3A_586 = arith.index_cast %add3A_585 : i32 to index
      %swap3A_587 = tpu.vector_load %arg12[%swap3A_586] {strides = array<i32>} : memref<8192xi32, #tpu.memory_space<vmem>>, vector<16xi32>,
      %swap3A_588 = vector.shape_cast %swap3A_587 : vector<16xi32> to vector<16xi32>
      %swap3A_589 = vector.shape_cast %select_n3A_581 : vector<16xi32> to vector<16xi32>
      tpu.vector_store %arg12[%swap3A_586], %swap3A_589 {strides = array<i32>} : memref<8192xi32, #tpu.memory_space<vmem>>, vector<16xi32>,
      %get3A_590 = arith.index_cast %scan3A_441 : i32 to index
      %get3A_591 = arith.constant 112 : index
      %get3A_592 = tpu.vector_load %arg10[%get3A_590, %get3A_591] {strides = array<i32>} : memref<64x128xi32, #tpu.memory_space<vmem>>, vector<1x16xi32>,
      %get3A_593 = vector.shape_cast %get3A_592 : vector<1x16xi32> to vector<16xi32>
      %sub3A_594 = vector.broadcast %mul3A_0 : i32 to vector<16xi32>
      %sub3A_595 = arith.subi %get3A_593, %sub3A_594 : vector<16xi32>
      %ge3A_596 = arith.constant 0 : i32
      %ge3A_597 = vector.broadcast %ge3A_596 : i32 to vector<16xi32>
      %ge3A_598 = arith.cmpi sge, %sub3A_595, %ge3A_597 : vector<16xi32>
      %lt3A_599 = arith.constant 1048576 : i32
      %lt3A_600 = vector.broadcast %lt3A_599 : i32 to vector<16xi32>
      %lt3A_601 = arith.cmpi slt, %sub3A_595, %lt3A_600 : vector<16xi32>
      %and3A_602 = arith.andi %ge3A_598, %lt3A_601 : vector<16xi1>
      %select_n3A_603 = arith.select %and3A_602, %sub3A_595, %add3A_63 : vector<16xi1>, vector<16xi32>
      %mul3A_604 = arith.constant 128 : i32
      %mul3A_605 = arith.muli %scan3A_441, %mul3A_604 : i32
      %add3A_606 = arith.constant 112 : i32
      %add3A_607 = arith.addi %mul3A_605, %add3A_606 : i32
      %swap3A_608 = arith.index_cast %add3A_607 : i32 to index
      %swap3A_609 = tpu.vector_load %arg12[%swap3A_608] {strides = array<i32>} : memref<8192xi32, #tpu.memory_space<vmem>>, vector<16xi32>,
      %swap3A_610 = vector.shape_cast %swap3A_609 : vector<16xi32> to vector<16xi32>
      %swap3A_611 = vector.shape_cast %select_n3A_603 : vector<16xi32> to vector<16xi32>
      tpu.vector_store %arg12[%swap3A_608], %swap3A_611 {strides = array<i32>} : memref<8192xi32, #tpu.memory_space<vmem>>, vector<16xi32>,
      %scan3A_612 = arith.constant 0 : i32
      scf.yield %scan3A_612 : i32
    }
    %scan3A_415 = arith.constant 64 : i32
    "tpu.region"() ({
      %run_scoped3A = tpu.sem_alloc : memref<!tpu.dma_semaphore, #tpu.memory_space<semaphore_mem>>
      %dma_start3A_441 = arith.constant 24576 : i32
      %dma_start3A_442 = tpu.memref_slice %arg8[%dma_start3A_441] : memref<40960xi32, #tpu.memory_space<hbm>> -> memref<8192xi32, #tpu.memory_space<hbm>>
      %dma_start3A_443 = arith.constant 24576 : i32
      %dma_start3A_444 = tpu.memref_slice %arg8[%dma_start3A_443] : memref<40960xi32, #tpu.memory_space<hbm>> -> memref<8192xi32, #tpu.memory_space<hbm>>
      tpu.enqueue_dma source(%dma_start3A_444 : memref<8192xi32, #tpu.memory_space<hbm>>) target(%arg14 : memref<8192xi32, #tpu.memory_space<vmem>>) target_semaphore(%run_scoped3A : memref<!tpu.dma_semaphore, #tpu.memory_space<semaphore_mem>>)
      %dma_wait3A_445 = arith.constant 24576 : i32
      %dma_wait3A_446 = tpu.memref_slice %arg8[%dma_wait3A_445] : memref<40960xi32, #tpu.memory_space<hbm>> -> memref<8192xi32, #tpu.memory_space<hbm>>
      %dma_wait3A_447 = arith.constant 24576 : i32
      %dma_wait3A_448 = tpu.memref_slice %arg8[%dma_wait3A_447] : memref<40960xi32, #tpu.memory_space<hbm>> -> memref<8192xi32, #tpu.memory_space<hbm>>
      tpu.wait_dma2 semaphore(%run_scoped3A : memref<!tpu.dma_semaphore, #tpu.memory_space<semaphore_mem>>) src(%dma_wait3A_448 : memref<8192xi32, #tpu.memory_space<hbm>>) dst(%arg14 : memref<8192xi32, #tpu.memory_space<vmem>>)
      tpu.yield
    }) : () -> ()
    "tpu.region"() ({
      %run_scoped3A = tpu.sem_alloc : memref<!tpu.dma_semaphore, #tpu.memory_space<semaphore_mem>>
      %dma_start3A_441 = arith.constant 0 : i32
      %dma_start3A_442 = tpu.memref_slice %arg16[%dma_start3A_441] : memref<1049600xi32, #tpu.memory_space<vmem_shared>> -> memref<1049600xi32, #tpu.memory_space<vmem_shared>>
      tpu.enqueue_indirect_dma source(%arg15 : memref<8192xi32, #tpu.memory_space<vmem>>) target(%dma_start3A_442 : memref<1049600xi32, #tpu.memory_space<vmem_shared>>) offsets(%arg13 : memref<8192xi32, #tpu.memory_space<vmem>>) semaphore(%run_scoped3A : memref<!tpu.dma_semaphore, #tpu.memory_space<semaphore_mem>>)
      %dma_wait3A_443 = arith.constant 0 : i32
      %dma_wait3A_444 = tpu.memref_slice %arg16[%dma_wait3A_443] : memref<1049600xi32, #tpu.memory_space<vmem_shared>> -> memref<1049600xi32, #tpu.memory_space<vmem_shared>>
      tpu.wait_indirect_dma semaphore(%run_scoped3A : memref<!tpu.dma_semaphore, #tpu.memory_space<semaphore_mem>>) src(%arg15 : memref<8192xi32, #tpu.memory_space<vmem>>) dst(%dma_wait3A_444 : memref<1049600xi32, #tpu.memory_space<vmem_shared>>)
      tpu.yield
    }) : () -> ()
    %barrier3A_416 = arith.constant 0 : index
    tpu.barrier barrier_id(%barrier3A_416)
    %mul3A_417 = arith.constant 64 : i32
    %mul3A_418 = arith.muli %arg1, %mul3A_417 : i32
    %dma_start3A_419 = arith.constant 0 : i32
    %dma_start3A_420 = tpu.memref_slice %arg6[%mul3A_418, %dma_start3A_419] : memref<1024x128xi32, #tpu.memory_space<hbm>> -> memref<64x128xi32, #tpu.memory_space<hbm>>
    %dma_start3A_421 = arith.constant 0 : i32
    %dma_start3A_422 = tpu.memref_slice %arg6[%mul3A_418, %dma_start3A_421] : memref<1024x128xi32, #tpu.memory_space<hbm>> -> memref<64x128xi32, #tpu.memory_space<hbm>>
    tpu.enqueue_dma source(%dma_start3A_422 : memref<64x128xi32, #tpu.memory_space<hbm>>) target(%arg11 : memref<64x128xi32, #tpu.memory_space<vmem>>) target_semaphore(%arg18 : memref<!tpu.dma_semaphore, #tpu.memory_space<semaphore_mem>>)
    %dma_wait3A_423 = arith.constant 0 : i32
    %dma_wait3A_424 = tpu.memref_slice %arg6[%mul3A_418, %dma_wait3A_423] : memref<1024x128xi32, #tpu.memory_space<hbm>> -> memref<64x128xi32, #tpu.memory_space<hbm>>
    %dma_wait3A_425 = arith.constant 0 : i32
    %dma_wait3A_426 = tpu.memref_slice %arg6[%mul3A_418, %dma_wait3A_425] : memref<1024x128xi32, #tpu.memory_space<hbm>> -> memref<64x128xi32, #tpu.memory_space<hbm>>
    tpu.wait_dma2 semaphore(%arg18 : memref<!tpu.dma_semaphore, #tpu.memory_space<semaphore_mem>>) src(%dma_wait3A_426 : memref<64x128xi32, #tpu.memory_space<hbm>>) dst(%arg11 : memref<64x128xi32, #tpu.memory_space<vmem>>)
    %scan3A_427 = arith.constant 0 : i32
    %scan3A_428 = arith.constant 0 : i32
    %scan3A_429 = arith.constant 64 : i32
    %scan3A_430 = arith.addi %scan3A_428, %scan3A_429 : i32
    %scan3A_431 = arith.constant 1 : i32
    %scan3A_432 = scf.for %scan3A_441 = %scan3A_428 to %scan3A_430 step %scan3A_431 iter_args(%scan3A_442 = %scan3A_427) -> (i32)  : i32 {
      %get3A = arith.index_cast %scan3A_441 : i32 to index
      %get3A_443 = arith.constant 0 : index
      %get3A_444 = tpu.vector_load %arg11[%get3A, %get3A_443] {strides = array<i32>} : memref<64x128xi32, #tpu.memory_space<vmem>>, vector<1x16xi32>,
      %get3A_445 = vector.shape_cast %get3A_444 : vector<1x16xi32> to vector<16xi32>
      %sub3A = vector.broadcast %mul3A_0 : i32 to vector<16xi32>
      %sub3A_446 = arith.subi %get3A_445, %sub3A : vector<16xi32>
      %ge3A = arith.constant 0 : i32
      %ge3A_447 = vector.broadcast %ge3A : i32 to vector<16xi32>
      %ge3A_448 = arith.cmpi sge, %sub3A_446, %ge3A_447 : vector<16xi32>
      %lt3A = arith.constant 1048576 : i32
      %lt3A_449 = vector.broadcast %lt3A : i32 to vector<16xi32>
      %lt3A_450 = arith.cmpi slt, %sub3A_446, %lt3A_449 : vector<16xi32>
      %and3A = arith.andi %ge3A_448, %lt3A_450 : vector<16xi1>
      %select_n3A = arith.select %and3A, %sub3A_446, %add3A_7 : vector<16xi1>, vector<16xi32>
      %mul3A_451 = arith.constant 128 : i32
      %mul3A_452 = arith.muli %scan3A_441, %mul3A_451 : i32
      %add3A_453 = arith.constant 0 : i32
      %add3A_454 = arith.addi %mul3A_452, %add3A_453 : i32
      %swap3A = arith.index_cast %add3A_454 : i32 to index
      %swap3A_455 = tpu.vector_load %arg13[%swap3A] {strides = array<i32>} : memref<8192xi32, #tpu.memory_space<vmem>>, vector<16xi32>,
      %swap3A_456 = vector.shape_cast %swap3A_455 : vector<16xi32> to vector<16xi32>
      %swap3A_457 = vector.shape_cast %select_n3A : vector<16xi32> to vector<16xi32>
      tpu.vector_store %arg13[%swap3A], %swap3A_457 {strides = array<i32>} : memref<8192xi32, #tpu.memory_space<vmem>>, vector<16xi32>,
      %get3A_458 = arith.index_cast %scan3A_441 : i32 to index
      %get3A_459 = arith.constant 16 : index
      %get3A_460 = tpu.vector_load %arg11[%get3A_458, %get3A_459] {strides = array<i32>} : memref<64x128xi32, #tpu.memory_space<vmem>>, vector<1x16xi32>,
      %get3A_461 = vector.shape_cast %get3A_460 : vector<1x16xi32> to vector<16xi32>
      %sub3A_462 = vector.broadcast %mul3A_0 : i32 to vector<16xi32>
      %sub3A_463 = arith.subi %get3A_461, %sub3A_462 : vector<16xi32>
      %ge3A_464 = arith.constant 0 : i32
      %ge3A_465 = vector.broadcast %ge3A_464 : i32 to vector<16xi32>
      %ge3A_466 = arith.cmpi sge, %sub3A_463, %ge3A_465 : vector<16xi32>
      %lt3A_467 = arith.constant 1048576 : i32
      %lt3A_468 = vector.broadcast %lt3A_467 : i32 to vector<16xi32>
      %lt3A_469 = arith.cmpi slt, %sub3A_463, %lt3A_468 : vector<16xi32>
      %and3A_470 = arith.andi %ge3A_466, %lt3A_469 : vector<16xi1>
      %select_n3A_471 = arith.select %and3A_470, %sub3A_463, %add3A_15 : vector<16xi1>, vector<16xi32>
      %mul3A_472 = arith.constant 128 : i32
      %mul3A_473 = arith.muli %scan3A_441, %mul3A_472 : i32
      %add3A_474 = arith.constant 16 : i32
      %add3A_475 = arith.addi %mul3A_473, %add3A_474 : i32
      %swap3A_476 = arith.index_cast %add3A_475 : i32 to index
      %swap3A_477 = tpu.vector_load %arg13[%swap3A_476] {strides = array<i32>} : memref<8192xi32, #tpu.memory_space<vmem>>, vector<16xi32>,
      %swap3A_478 = vector.shape_cast %swap3A_477 : vector<16xi32> to vector<16xi32>
      %swap3A_479 = vector.shape_cast %select_n3A_471 : vector<16xi32> to vector<16xi32>
      tpu.vector_store %arg13[%swap3A_476], %swap3A_479 {strides = array<i32>} : memref<8192xi32, #tpu.memory_space<vmem>>, vector<16xi32>,
      %get3A_480 = arith.index_cast %scan3A_441 : i32 to index
      %get3A_481 = arith.constant 32 : index
      %get3A_482 = tpu.vector_load %arg11[%get3A_480, %get3A_481] {strides = array<i32>} : memref<64x128xi32, #tpu.memory_space<vmem>>, vector<1x16xi32>,
      %get3A_483 = vector.shape_cast %get3A_482 : vector<1x16xi32> to vector<16xi32>
      %sub3A_484 = vector.broadcast %mul3A_0 : i32 to vector<16xi32>
      %sub3A_485 = arith.subi %get3A_483, %sub3A_484 : vector<16xi32>
      %ge3A_486 = arith.constant 0 : i32
      %ge3A_487 = vector.broadcast %ge3A_486 : i32 to vector<16xi32>
      %ge3A_488 = arith.cmpi sge, %sub3A_485, %ge3A_487 : vector<16xi32>
      %lt3A_489 = arith.constant 1048576 : i32
      %lt3A_490 = vector.broadcast %lt3A_489 : i32 to vector<16xi32>
      %lt3A_491 = arith.cmpi slt, %sub3A_485, %lt3A_490 : vector<16xi32>
      %and3A_492 = arith.andi %ge3A_488, %lt3A_491 : vector<16xi1>
      %select_n3A_493 = arith.select %and3A_492, %sub3A_485, %add3A_23 : vector<16xi1>, vector<16xi32>
      %mul3A_494 = arith.constant 128 : i32
      %mul3A_495 = arith.muli %scan3A_441, %mul3A_494 : i32
      %add3A_496 = arith.constant 32 : i32
      %add3A_497 = arith.addi %mul3A_495, %add3A_496 : i32
      %swap3A_498 = arith.index_cast %add3A_497 : i32 to index
      %swap3A_499 = tpu.vector_load %arg13[%swap3A_498] {strides = array<i32>} : memref<8192xi32, #tpu.memory_space<vmem>>, vector<16xi32>,
      %swap3A_500 = vector.shape_cast %swap3A_499 : vector<16xi32> to vector<16xi32>
      %swap3A_501 = vector.shape_cast %select_n3A_493 : vector<16xi32> to vector<16xi32>
      tpu.vector_store %arg13[%swap3A_498], %swap3A_501 {strides = array<i32>} : memref<8192xi32, #tpu.memory_space<vmem>>, vector<16xi32>,
      %get3A_502 = arith.index_cast %scan3A_441 : i32 to index
      %get3A_503 = arith.constant 48 : index
      %get3A_504 = tpu.vector_load %arg11[%get3A_502, %get3A_503] {strides = array<i32>} : memref<64x128xi32, #tpu.memory_space<vmem>>, vector<1x16xi32>,
      %get3A_505 = vector.shape_cast %get3A_504 : vector<1x16xi32> to vector<16xi32>
      %sub3A_506 = vector.broadcast %mul3A_0 : i32 to vector<16xi32>
      %sub3A_507 = arith.subi %get3A_505, %sub3A_506 : vector<16xi32>
      %ge3A_508 = arith.constant 0 : i32
      %ge3A_509 = vector.broadcast %ge3A_508 : i32 to vector<16xi32>
      %ge3A_510 = arith.cmpi sge, %sub3A_507, %ge3A_509 : vector<16xi32>
      %lt3A_511 = arith.constant 1048576 : i32
      %lt3A_512 = vector.broadcast %lt3A_511 : i32 to vector<16xi32>
      %lt3A_513 = arith.cmpi slt, %sub3A_507, %lt3A_512 : vector<16xi32>
      %and3A_514 = arith.andi %ge3A_510, %lt3A_513 : vector<16xi1>
      %select_n3A_515 = arith.select %and3A_514, %sub3A_507, %add3A_31 : vector<16xi1>, vector<16xi32>
      %mul3A_516 = arith.constant 128 : i32
      %mul3A_517 = arith.muli %scan3A_441, %mul3A_516 : i32
      %add3A_518 = arith.constant 48 : i32
      %add3A_519 = arith.addi %mul3A_517, %add3A_518 : i32
      %swap3A_520 = arith.index_cast %add3A_519 : i32 to index
      %swap3A_521 = tpu.vector_load %arg13[%swap3A_520] {strides = array<i32>} : memref<8192xi32, #tpu.memory_space<vmem>>, vector<16xi32>,
      %swap3A_522 = vector.shape_cast %swap3A_521 : vector<16xi32> to vector<16xi32>
      %swap3A_523 = vector.shape_cast %select_n3A_515 : vector<16xi32> to vector<16xi32>
      tpu.vector_store %arg13[%swap3A_520], %swap3A_523 {strides = array<i32>} : memref<8192xi32, #tpu.memory_space<vmem>>, vector<16xi32>,
      %get3A_524 = arith.index_cast %scan3A_441 : i32 to index
      %get3A_525 = arith.constant 64 : index
      %get3A_526 = tpu.vector_load %arg11[%get3A_524, %get3A_525] {strides = array<i32>} : memref<64x128xi32, #tpu.memory_space<vmem>>, vector<1x16xi32>,
      %get3A_527 = vector.shape_cast %get3A_526 : vector<1x16xi32> to vector<16xi32>
      %sub3A_528 = vector.broadcast %mul3A_0 : i32 to vector<16xi32>
      %sub3A_529 = arith.subi %get3A_527, %sub3A_528 : vector<16xi32>
      %ge3A_530 = arith.constant 0 : i32
      %ge3A_531 = vector.broadcast %ge3A_530 : i32 to vector<16xi32>
      %ge3A_532 = arith.cmpi sge, %sub3A_529, %ge3A_531 : vector<16xi32>
      %lt3A_533 = arith.constant 1048576 : i32
      %lt3A_534 = vector.broadcast %lt3A_533 : i32 to vector<16xi32>
      %lt3A_535 = arith.cmpi slt, %sub3A_529, %lt3A_534 : vector<16xi32>
      %and3A_536 = arith.andi %ge3A_532, %lt3A_535 : vector<16xi1>
      %select_n3A_537 = arith.select %and3A_536, %sub3A_529, %add3A_39 : vector<16xi1>, vector<16xi32>
      %mul3A_538 = arith.constant 128 : i32
      %mul3A_539 = arith.muli %scan3A_441, %mul3A_538 : i32
      %add3A_540 = arith.constant 64 : i32
      %add3A_541 = arith.addi %mul3A_539, %add3A_540 : i32
      %swap3A_542 = arith.index_cast %add3A_541 : i32 to index
      %swap3A_543 = tpu.vector_load %arg13[%swap3A_542] {strides = array<i32>} : memref<8192xi32, #tpu.memory_space<vmem>>, vector<16xi32>,
      %swap3A_544 = vector.shape_cast %swap3A_543 : vector<16xi32> to vector<16xi32>
      %swap3A_545 = vector.shape_cast %select_n3A_537 : vector<16xi32> to vector<16xi32>
      tpu.vector_store %arg13[%swap3A_542], %swap3A_545 {strides = array<i32>} : memref<8192xi32, #tpu.memory_space<vmem>>, vector<16xi32>,
      %get3A_546 = arith.index_cast %scan3A_441 : i32 to index
      %get3A_547 = arith.constant 80 : index
      %get3A_548 = tpu.vector_load %arg11[%get3A_546, %get3A_547] {strides = array<i32>} : memref<64x128xi32, #tpu.memory_space<vmem>>, vector<1x16xi32>,
      %get3A_549 = vector.shape_cast %get3A_548 : vector<1x16xi32> to vector<16xi32>
      %sub3A_550 = vector.broadcast %mul3A_0 : i32 to vector<16xi32>
      %sub3A_551 = arith.subi %get3A_549, %sub3A_550 : vector<16xi32>
      %ge3A_552 = arith.constant 0 : i32
      %ge3A_553 = vector.broadcast %ge3A_552 : i32 to vector<16xi32>
      %ge3A_554 = arith.cmpi sge, %sub3A_551, %ge3A_553 : vector<16xi32>
      %lt3A_555 = arith.constant 1048576 : i32
      %lt3A_556 = vector.broadcast %lt3A_555 : i32 to vector<16xi32>
      %lt3A_557 = arith.cmpi slt, %sub3A_551, %lt3A_556 : vector<16xi32>
      %and3A_558 = arith.andi %ge3A_554, %lt3A_557 : vector<16xi1>
      %select_n3A_559 = arith.select %and3A_558, %sub3A_551, %add3A_47 : vector<16xi1>, vector<16xi32>
      %mul3A_560 = arith.constant 128 : i32
      %mul3A_561 = arith.muli %scan3A_441, %mul3A_560 : i32
      %add3A_562 = arith.constant 80 : i32
      %add3A_563 = arith.addi %mul3A_561, %add3A_562 : i32
      %swap3A_564 = arith.index_cast %add3A_563 : i32 to index
      %swap3A_565 = tpu.vector_load %arg13[%swap3A_564] {strides = array<i32>} : memref<8192xi32, #tpu.memory_space<vmem>>, vector<16xi32>,
      %swap3A_566 = vector.shape_cast %swap3A_565 : vector<16xi32> to vector<16xi32>
      %swap3A_567 = vector.shape_cast %select_n3A_559 : vector<16xi32> to vector<16xi32>
      tpu.vector_store %arg13[%swap3A_564], %swap3A_567 {strides = array<i32>} : memref<8192xi32, #tpu.memory_space<vmem>>, vector<16xi32>,
      %get3A_568 = arith.index_cast %scan3A_441 : i32 to index
      %get3A_569 = arith.constant 96 : index
      %get3A_570 = tpu.vector_load %arg11[%get3A_568, %get3A_569] {strides = array<i32>} : memref<64x128xi32, #tpu.memory_space<vmem>>, vector<1x16xi32>,
      %get3A_571 = vector.shape_cast %get3A_570 : vector<1x16xi32> to vector<16xi32>
      %sub3A_572 = vector.broadcast %mul3A_0 : i32 to vector<16xi32>
      %sub3A_573 = arith.subi %get3A_571, %sub3A_572 : vector<16xi32>
      %ge3A_574 = arith.constant 0 : i32
      %ge3A_575 = vector.broadcast %ge3A_574 : i32 to vector<16xi32>
      %ge3A_576 = arith.cmpi sge, %sub3A_573, %ge3A_575 : vector<16xi32>
      %lt3A_577 = arith.constant 1048576 : i32
      %lt3A_578 = vector.broadcast %lt3A_577 : i32 to vector<16xi32>
      %lt3A_579 = arith.cmpi slt, %sub3A_573, %lt3A_578 : vector<16xi32>
      %and3A_580 = arith.andi %ge3A_576, %lt3A_579 : vector<16xi1>
      %select_n3A_581 = arith.select %and3A_580, %sub3A_573, %add3A_55 : vector<16xi1>, vector<16xi32>
      %mul3A_582 = arith.constant 128 : i32
      %mul3A_583 = arith.muli %scan3A_441, %mul3A_582 : i32
      %add3A_584 = arith.constant 96 : i32
      %add3A_585 = arith.addi %mul3A_583, %add3A_584 : i32
      %swap3A_586 = arith.index_cast %add3A_585 : i32 to index
      %swap3A_587 = tpu.vector_load %arg13[%swap3A_586] {strides = array<i32>} : memref<8192xi32, #tpu.memory_space<vmem>>, vector<16xi32>,
      %swap3A_588 = vector.shape_cast %swap3A_587 : vector<16xi32> to vector<16xi32>
      %swap3A_589 = vector.shape_cast %select_n3A_581 : vector<16xi32> to vector<16xi32>
      tpu.vector_store %arg13[%swap3A_586], %swap3A_589 {strides = array<i32>} : memref<8192xi32, #tpu.memory_space<vmem>>, vector<16xi32>,
      %get3A_590 = arith.index_cast %scan3A_441 : i32 to index
      %get3A_591 = arith.constant 112 : index
      %get3A_592 = tpu.vector_load %arg11[%get3A_590, %get3A_591] {strides = array<i32>} : memref<64x128xi32, #tpu.memory_space<vmem>>, vector<1x16xi32>,
      %get3A_593 = vector.shape_cast %get3A_592 : vector<1x16xi32> to vector<16xi32>
      %sub3A_594 = vector.broadcast %mul3A_0 : i32 to vector<16xi32>
      %sub3A_595 = arith.subi %get3A_593, %sub3A_594 : vector<16xi32>
      %ge3A_596 = arith.constant 0 : i32
      %ge3A_597 = vector.broadcast %ge3A_596 : i32 to vector<16xi32>
      %ge3A_598 = arith.cmpi sge, %sub3A_595, %ge3A_597 : vector<16xi32>
      %lt3A_599 = arith.constant 1048576 : i32
      %lt3A_600 = vector.broadcast %lt3A_599 : i32 to vector<16xi32>
      %lt3A_601 = arith.cmpi slt, %sub3A_595, %lt3A_600 : vector<16xi32>
      %and3A_602 = arith.andi %ge3A_598, %lt3A_601 : vector<16xi1>
      %select_n3A_603 = arith.select %and3A_602, %sub3A_595, %add3A_63 : vector<16xi1>, vector<16xi32>
      %mul3A_604 = arith.constant 128 : i32
      %mul3A_605 = arith.muli %scan3A_441, %mul3A_604 : i32
      %add3A_606 = arith.constant 112 : i32
      %add3A_607 = arith.addi %mul3A_605, %add3A_606 : i32
      %swap3A_608 = arith.index_cast %add3A_607 : i32 to index
      %swap3A_609 = tpu.vector_load %arg13[%swap3A_608] {strides = array<i32>} : memref<8192xi32, #tpu.memory_space<vmem>>, vector<16xi32>,
      %swap3A_610 = vector.shape_cast %swap3A_609 : vector<16xi32> to vector<16xi32>
      %swap3A_611 = vector.shape_cast %select_n3A_603 : vector<16xi32> to vector<16xi32>
      tpu.vector_store %arg13[%swap3A_608], %swap3A_611 {strides = array<i32>} : memref<8192xi32, #tpu.memory_space<vmem>>, vector<16xi32>,
      %scan3A_612 = arith.constant 0 : i32
      scf.yield %scan3A_612 : i32
    }
    %scan3A_433 = arith.constant 64 : i32
    "tpu.region"() ({
      %run_scoped3A = tpu.sem_alloc : memref<!tpu.dma_semaphore, #tpu.memory_space<semaphore_mem>>
      %dma_start3A_441 = arith.constant 32768 : i32
      %dma_start3A_442 = tpu.memref_slice %arg8[%dma_start3A_441] : memref<40960xi32, #tpu.memory_space<hbm>> -> memref<8192xi32, #tpu.memory_space<hbm>>
      %dma_start3A_443 = arith.constant 32768 : i32
      %dma_start3A_444 = tpu.memref_slice %arg8[%dma_start3A_443] : memref<40960xi32, #tpu.memory_space<hbm>> -> memref<8192xi32, #tpu.memory_space<hbm>>
      tpu.enqueue_dma source(%dma_start3A_444 : memref<8192xi32, #tpu.memory_space<hbm>>) target(%arg15 : memref<8192xi32, #tpu.memory_space<vmem>>) target_semaphore(%run_scoped3A : memref<!tpu.dma_semaphore, #tpu.memory_space<semaphore_mem>>)
      %dma_wait3A_445 = arith.constant 32768 : i32
      %dma_wait3A_446 = tpu.memref_slice %arg8[%dma_wait3A_445] : memref<40960xi32, #tpu.memory_space<hbm>> -> memref<8192xi32, #tpu.memory_space<hbm>>
      %dma_wait3A_447 = arith.constant 32768 : i32
      %dma_wait3A_448 = tpu.memref_slice %arg8[%dma_wait3A_447] : memref<40960xi32, #tpu.memory_space<hbm>> -> memref<8192xi32, #tpu.memory_space<hbm>>
      tpu.wait_dma2 semaphore(%run_scoped3A : memref<!tpu.dma_semaphore, #tpu.memory_space<semaphore_mem>>) src(%dma_wait3A_448 : memref<8192xi32, #tpu.memory_space<hbm>>) dst(%arg15 : memref<8192xi32, #tpu.memory_space<vmem>>)
      tpu.yield
    }) : () -> ()
    "tpu.region"() ({
      %run_scoped3A = tpu.sem_alloc : memref<!tpu.dma_semaphore, #tpu.memory_space<semaphore_mem>>
      %dma_start3A_441 = arith.constant 0 : i32
      %dma_start3A_442 = tpu.memref_slice %arg16[%dma_start3A_441] : memref<1049600xi32, #tpu.memory_space<vmem_shared>> -> memref<1049600xi32, #tpu.memory_space<vmem_shared>>
      tpu.enqueue_indirect_dma source(%arg14 : memref<8192xi32, #tpu.memory_space<vmem>>) target(%dma_start3A_442 : memref<1049600xi32, #tpu.memory_space<vmem_shared>>) offsets(%arg12 : memref<8192xi32, #tpu.memory_space<vmem>>) semaphore(%run_scoped3A : memref<!tpu.dma_semaphore, #tpu.memory_space<semaphore_mem>>)
      %dma_wait3A_443 = arith.constant 0 : i32
      %dma_wait3A_444 = tpu.memref_slice %arg16[%dma_wait3A_443] : memref<1049600xi32, #tpu.memory_space<vmem_shared>> -> memref<1049600xi32, #tpu.memory_space<vmem_shared>>
      tpu.wait_indirect_dma semaphore(%run_scoped3A : memref<!tpu.dma_semaphore, #tpu.memory_space<semaphore_mem>>) src(%arg14 : memref<8192xi32, #tpu.memory_space<vmem>>) dst(%dma_wait3A_444 : memref<1049600xi32, #tpu.memory_space<vmem_shared>>)
      tpu.yield
    }) : () -> ()
    %barrier3A_434 = arith.constant 0 : index
    tpu.barrier barrier_id(%barrier3A_434)
    "tpu.region"() ({
      %run_scoped3A = tpu.sem_alloc : memref<!tpu.dma_semaphore, #tpu.memory_space<semaphore_mem>>
      %dma_start3A_441 = arith.constant 0 : i32
      %dma_start3A_442 = tpu.memref_slice %arg16[%dma_start3A_441] : memref<1049600xi32, #tpu.memory_space<vmem_shared>> -> memref<1049600xi32, #tpu.memory_space<vmem_shared>>
      tpu.enqueue_indirect_dma source(%arg15 : memref<8192xi32, #tpu.memory_space<vmem>>) target(%dma_start3A_442 : memref<1049600xi32, #tpu.memory_space<vmem_shared>>) offsets(%arg13 : memref<8192xi32, #tpu.memory_space<vmem>>) semaphore(%run_scoped3A : memref<!tpu.dma_semaphore, #tpu.memory_space<semaphore_mem>>)
      %dma_wait3A_443 = arith.constant 0 : i32
      %dma_wait3A_444 = tpu.memref_slice %arg16[%dma_wait3A_443] : memref<1049600xi32, #tpu.memory_space<vmem_shared>> -> memref<1049600xi32, #tpu.memory_space<vmem_shared>>
      tpu.wait_indirect_dma semaphore(%run_scoped3A : memref<!tpu.dma_semaphore, #tpu.memory_space<semaphore_mem>>) src(%arg15 : memref<8192xi32, #tpu.memory_space<vmem>>) dst(%dma_wait3A_444 : memref<1049600xi32, #tpu.memory_space<vmem_shared>>)
      tpu.yield
    }) : () -> ()
    %barrier3A_435 = arith.constant 0 : index
    tpu.barrier barrier_id(%barrier3A_435)
    %mul3A_436 = arith.constant 65536 : i32
    %mul3A_437 = arith.muli %arg1, %mul3A_436 : i32
    %mul3A_438 = arith.constant 65536 : i32
    %mul3A_439 = arith.muli %arg1, %mul3A_438 : i32
    %add3A_440 = arith.addi %mul3A_0, %mul3A_439 : i32
    "tpu.region"() ({
      %run_scoped3A = tpu.sem_alloc : memref<!tpu.dma_semaphore, #tpu.memory_space<semaphore_mem>>
      %dma_start3A_441 = tpu.memref_slice %arg9[%add3A_440] : memref<2097152xi32, #tpu.memory_space<hbm>> -> memref<65536xi32, #tpu.memory_space<hbm>>
      %dma_start3A_442 = tpu.memref_slice %arg16[%mul3A_437] : memref<1049600xi32, #tpu.memory_space<vmem_shared>> -> memref<65536xi32, #tpu.memory_space<vmem_shared>>
      tpu.enqueue_dma source(%dma_start3A_442 : memref<65536xi32, #tpu.memory_space<vmem_shared>>) target(%dma_start3A_441 : memref<65536xi32, #tpu.memory_space<hbm>>) target_semaphore(%run_scoped3A : memref<!tpu.dma_semaphore, #tpu.memory_space<semaphore_mem>>)
      %dma_wait3A_443 = tpu.memref_slice %arg9[%add3A_440] : memref<2097152xi32, #tpu.memory_space<hbm>> -> memref<65536xi32, #tpu.memory_space<hbm>>
      %dma_wait3A_444 = tpu.memref_slice %arg16[%mul3A_437] : memref<1049600xi32, #tpu.memory_space<vmem_shared>> -> memref<65536xi32, #tpu.memory_space<vmem_shared>>
      tpu.wait_dma2 semaphore(%run_scoped3A : memref<!tpu.dma_semaphore, #tpu.memory_space<semaphore_mem>>) src(%dma_wait3A_444 : memref<65536xi32, #tpu.memory_space<vmem_shared>>) dst(%dma_wait3A_443 : memref<65536xi32, #tpu.memory_space<hbm>>)
      tpu.yield
    }) : () -> ()
    return
  }
}

module attributes {stable_mosaic.version = 14 : i64} {
  func.func @_expand_body(%arg0: i32, %arg1: memref<512x128xi32, #tpu.memory_space<vmem>>, %arg2: memref<16x8xf32, #tpu.memory_space<vmem>>, %arg3: memref<16x512x128xf32, #tpu.memory_space<vmem>>) attributes {dimension_semantics = [#tpu.dimension_semantics<arbitrary>], iteration_bounds = array<i64: 32>, scalar_prefetch = 0 : i64, scratch_operands = 0 : i64, tpu.core_type = #tpu.core_type<tc>, window_params = [{transform_indices = @transform_0, window_bounds = array<i64: 512, 128>}, {pipeline_mode = #tpu.pipeline_mode<synchronous>, transform_indices = @transform_1, window_bounds = array<i64: 16, 8>}, {transform_indices = @transform_2, window_bounds = array<i64: 16, 512, 128>}]} {
    %get3A = arith.constant 0 : index
    %get3A_0 = arith.constant 0 : index
    %get3A_1 = vector.load %arg1[%get3A, %get3A_0] : memref<512x128xi32, #tpu.memory_space<vmem>>, vector<512x128xi32>
    %reshape3A = vector.shape_cast %get3A_1 : vector<512x128xi32> to vector<1x512x128xi32>
    %broadcast_in_dim3A = vector.shape_cast %reshape3A : vector<1x512x128xi32> to vector<1x512x128xi32>
    %broadcast_in_dim3A_2 = vector.broadcast %broadcast_in_dim3A : vector<1x512x128xi32> to vector<16x512x128xi32>
    %get3A_3 = arith.constant 0 : index
    %get3A_4 = arith.constant 5 : index
    %get3A_5 = vector.load %arg2[%get3A_3, %get3A_4] : memref<16x8xf32, #tpu.memory_space<vmem>>, vector<16x1xf32>
    %get3A_6 = vector.shape_cast %get3A_5 : vector<16x1xf32> to vector<16xf32>
    %reshape3A_7 = vector.shape_cast %get3A_6 : vector<16xf32> to vector<16x1x1xf32>
    %broadcast_in_dim3A_8 = vector.shape_cast %reshape3A_7 : vector<16x1x1xf32> to vector<16x1x1xf32>
    %broadcast_in_dim3A_9 = vector.broadcast %broadcast_in_dim3A_8 : vector<16x1x1xf32> to vector<16x512x128xf32>
    %eq3A = arith.constant 4 : i32
    %eq3A_10 = vector.broadcast %eq3A : i32 to vector<16x512x128xi32>
    %eq3A_11 = arith.cmpi eq, %broadcast_in_dim3A_2, %eq3A_10 : vector<16x512x128xi32>
    %get3A_12 = arith.constant 0 : index
    %get3A_13 = arith.constant 4 : index
    %get3A_14 = vector.load %arg2[%get3A_12, %get3A_13] : memref<16x8xf32, #tpu.memory_space<vmem>>, vector<16x1xf32>
    %get3A_15 = vector.shape_cast %get3A_14 : vector<16x1xf32> to vector<16xf32>
    %reshape3A_16 = vector.shape_cast %get3A_15 : vector<16xf32> to vector<16x1x1xf32>
    %broadcast_in_dim3A_17 = vector.shape_cast %reshape3A_16 : vector<16x1x1xf32> to vector<16x1x1xf32>
    %broadcast_in_dim3A_18 = vector.broadcast %broadcast_in_dim3A_17 : vector<16x1x1xf32> to vector<16x512x128xf32>
    %select_n3A = arith.select %eq3A_11, %broadcast_in_dim3A_18, %broadcast_in_dim3A_9 : vector<16x512x128xi1>, vector<16x512x128xf32>
    %eq3A_19 = arith.constant 3 : i32
    %eq3A_20 = vector.broadcast %eq3A_19 : i32 to vector<16x512x128xi32>
    %eq3A_21 = arith.cmpi eq, %broadcast_in_dim3A_2, %eq3A_20 : vector<16x512x128xi32>
    %get3A_22 = arith.constant 0 : index
    %get3A_23 = arith.constant 3 : index
    %get3A_24 = vector.load %arg2[%get3A_22, %get3A_23] : memref<16x8xf32, #tpu.memory_space<vmem>>, vector<16x1xf32>
    %get3A_25 = vector.shape_cast %get3A_24 : vector<16x1xf32> to vector<16xf32>
    %reshape3A_26 = vector.shape_cast %get3A_25 : vector<16xf32> to vector<16x1x1xf32>
    %broadcast_in_dim3A_27 = vector.shape_cast %reshape3A_26 : vector<16x1x1xf32> to vector<16x1x1xf32>
    %broadcast_in_dim3A_28 = vector.broadcast %broadcast_in_dim3A_27 : vector<16x1x1xf32> to vector<16x512x128xf32>
    %select_n3A_29 = arith.select %eq3A_21, %broadcast_in_dim3A_28, %select_n3A : vector<16x512x128xi1>, vector<16x512x128xf32>
    %eq3A_30 = arith.constant 2 : i32
    %eq3A_31 = vector.broadcast %eq3A_30 : i32 to vector<16x512x128xi32>
    %eq3A_32 = arith.cmpi eq, %broadcast_in_dim3A_2, %eq3A_31 : vector<16x512x128xi32>
    %get3A_33 = arith.constant 0 : index
    %get3A_34 = arith.constant 2 : index
    %get3A_35 = vector.load %arg2[%get3A_33, %get3A_34] : memref<16x8xf32, #tpu.memory_space<vmem>>, vector<16x1xf32>
    %get3A_36 = vector.shape_cast %get3A_35 : vector<16x1xf32> to vector<16xf32>
    %reshape3A_37 = vector.shape_cast %get3A_36 : vector<16xf32> to vector<16x1x1xf32>
    %broadcast_in_dim3A_38 = vector.shape_cast %reshape3A_37 : vector<16x1x1xf32> to vector<16x1x1xf32>
    %broadcast_in_dim3A_39 = vector.broadcast %broadcast_in_dim3A_38 : vector<16x1x1xf32> to vector<16x512x128xf32>
    %select_n3A_40 = arith.select %eq3A_32, %broadcast_in_dim3A_39, %select_n3A_29 : vector<16x512x128xi1>, vector<16x512x128xf32>
    %eq3A_41 = arith.constant 1 : i32
    %eq3A_42 = vector.broadcast %eq3A_41 : i32 to vector<16x512x128xi32>
    %eq3A_43 = arith.cmpi eq, %broadcast_in_dim3A_2, %eq3A_42 : vector<16x512x128xi32>
    %get3A_44 = arith.constant 0 : index
    %get3A_45 = arith.constant 1 : index
    %get3A_46 = vector.load %arg2[%get3A_44, %get3A_45] : memref<16x8xf32, #tpu.memory_space<vmem>>, vector<16x1xf32>
    %get3A_47 = vector.shape_cast %get3A_46 : vector<16x1xf32> to vector<16xf32>
    %reshape3A_48 = vector.shape_cast %get3A_47 : vector<16xf32> to vector<16x1x1xf32>
    %broadcast_in_dim3A_49 = vector.shape_cast %reshape3A_48 : vector<16x1x1xf32> to vector<16x1x1xf32>
    %broadcast_in_dim3A_50 = vector.broadcast %broadcast_in_dim3A_49 : vector<16x1x1xf32> to vector<16x512x128xf32>
    %select_n3A_51 = arith.select %eq3A_43, %broadcast_in_dim3A_50, %select_n3A_40 : vector<16x512x128xi1>, vector<16x512x128xf32>
    %eq3A_52 = arith.constant 0 : i32
    %eq3A_53 = vector.broadcast %eq3A_52 : i32 to vector<16x512x128xi32>
    %eq3A_54 = arith.cmpi eq, %broadcast_in_dim3A_2, %eq3A_53 : vector<16x512x128xi32>
    %get3A_55 = arith.constant 0 : index
    %get3A_56 = arith.constant 0 : index
    %get3A_57 = vector.load %arg2[%get3A_55, %get3A_56] : memref<16x8xf32, #tpu.memory_space<vmem>>, vector<16x1xf32>
    %get3A_58 = vector.shape_cast %get3A_57 : vector<16x1xf32> to vector<16xf32>
    %reshape3A_59 = vector.shape_cast %get3A_58 : vector<16xf32> to vector<16x1x1xf32>
    %broadcast_in_dim3A_60 = vector.shape_cast %reshape3A_59 : vector<16x1x1xf32> to vector<16x1x1xf32>
    %broadcast_in_dim3A_61 = vector.broadcast %broadcast_in_dim3A_60 : vector<16x1x1xf32> to vector<16x512x128xf32>
    %select_n3A_62 = arith.select %eq3A_54, %broadcast_in_dim3A_61, %select_n3A_51 : vector<16x512x128xi1>, vector<16x512x128xf32>
    %swap3A = arith.constant 0 : index
    %swap3A_63 = arith.constant 0 : index
    %swap3A_64 = arith.constant 0 : index
    %swap3A_65 = vector.load %arg3[%swap3A, %swap3A_63, %swap3A_64] : memref<16x512x128xf32, #tpu.memory_space<vmem>>, vector<16x512x128xf32>
    tpu.vector_store %arg3[%swap3A, %swap3A_63, %swap3A_64], %select_n3A_62 {strides = array<i32>} : memref<16x512x128xf32, #tpu.memory_space<vmem>>, vector<16x512x128xf32>,
    return
  }
  func.func @transform_0(%arg0: i32) -> (i32, i32) {
    %c0_i32 = arith.constant 0 : i32
    %c0_i32_0 = arith.constant 0 : i32
    return %arg0, %c0_i32 : i32, i32
  }
  func.func @transform_1(%arg0: i32) -> (i32, i32) {
    %c0_i32 = arith.constant 0 : i32
    %c0_i32_0 = arith.constant 0 : i32
    %c0_i32_1 = arith.constant 0 : i32
    return %c0_i32, %c0_i32_0 : i32, i32
  }
  func.func @transform_2(%arg0: i32) -> (i32, i32, i32) {
    %c0_i32 = arith.constant 0 : i32
    %c0_i32_0 = arith.constant 0 : i32
    %c0_i32_1 = arith.constant 0 : i32
    return %c0_i32, %arg0, %c0_i32_0 : i32, i32, i32
  }
}

</mosaic_0001>

<sc_bundles>
// kernel: kernel.4.cloned.1.call-start
scs
__scs_entry_jumppad:
0x0: {  	(pc) =	sbr.rel $0x88, $3  }
0x1: {  	(tag) =	ssettag $0x0;
	lr =	simm.s32 $0x1  }
0x2: {  	[smem:$0x3F9B] =	sst lr;
	_ =	strace $0xD0000000  }
0x3: {  	_ = 	snop  }
0x4: {  	_ = 	snop  }
0x5: {  	_ = 	snop  }
0x6: {  	_ = 	snop  }
0x7: {  	_ = 	snop  }
__scs_overlays_trampoline_lowered:
0x8: {  	[smem:$0x3FAA] =	sst s0  }
0x9: {  	[smem:$0x3FAB] =	sst s1  }
0xa: {  	[smem:$0x3FAC] =	sst s2  }
0xb: {  	[smem:$0x3FAD] =	sst s3  }
0xc: {  	[smem:$0x3FAE] =	sst s4  }
0xd: {  	[smem:$0x3FAF] =	sst s5  }
0xe: {  	[smem:$0x3FB0] =	sst s6  }
0xf: {  	[smem:$0x3FB1] =	sst s7  }
0x10: {  	[smem:$0x3FB2] =	sst s8  }
0x11: {  	[smem:$0x3FB3] =	sst s9;
	s0 =	simm.s32 @!p0 $0x0  }
0x12: {  	s1 =	sld [smem:$0x3F99];
	s0 =	simm.s32 @p0 $0x1  }
0x13: {  	[smem:$0x3FB4] =	sst s0;
	s0 =	simm.s32 @!p1 $0x0  }
0x14: {  	s2 =	sld [smem:$0x3F98];
	s0 =	simm.s32 @p1 $0x1  }
0x15: {  	[smem:$0x3FB5] =	sst s0;
	s0 =	simm.s32 @!p2 $0x0  }
0x16: {  	s3 =	sld [smem:$0x3FDB];
	s0 =	simm.s32 @p2 $0x1  }
0x17: {  	s4 =	simm.s32 $0x1BF5;
	[smem:$0x3FB7] =	sst s0  }
0x18: {  	s0 =	sld [smem:$0x3F9A];
	_ =	swait.ge [sflag:s4], $0x0  }
0x19: {  	s7 =	sld [smem:$0x3F9B]  }
0x1a: {  	s8 =	sadd.s32 $0xFFFFE003, lr  }
0x1b: {  	s9 =	sadd.s32 $0xFFFFFEF7, lr;
	s5 =	simm.s32 $0xFFFFFFFF;
	p2 =	slt.u32 s8, $0xFFFFF086  }
0x1c: {  	p1 =	slt.u32 s9, $0xF7A;
	s5 =	simm.s32 @!p2 $0x0  }
0x1d: {  	s5 =	simm.s32 @p1 $0x1;
	p0 =	seq.s32 s7, s2  }
0x1e: {  	s7 =	smul.u32 @!p0 $0xF7A, s2;
	p2 =	seq.s32 @!p0 s5, $0x0  }
0x1f: {  	s9 =	smul.u32 $0xF7A, s1;
	s8 =	simm.s32 @!p0 $0x1BF5;
	p2 =	por !p2, p0  }
0x20: {  	[sflag:s8] =	ssyncset.s32 @!p0 $0xFFFFF086;
	s6 =	sadd.s32 @!p0 s3, s7;
	s7 =	simm.s32 @!p0 $0x108  }
0x21: {  	s3 =	sadd.s32 s3, s9;
	s6 =	sadd.s32 @!p0 $0x88, s6;
	s7 =	simm.s32 @p2 $0x1082  }
0x22: {  	[simem:s7], [sflag:s8] =	dma.local @!p0 [hbm:s6], $0xF7A  }
0x23: {  	s9 =	sor.u32 $0xD0000000, s2;
	s6 =	simm.s32 $0x108;
	_ =	swait.ge @!p0 [sflag:s8], $0x0  }
0x24: {  	s3 =	sadd.s32 $0x88, s3;
	s6 =	simm.s32 @!p1 $0x1082;
	[sflag:s4] =	ssyncset.s32 $0xFFFFF086  }
0x25: {  	[simem:s6], [sflag:s4] =	dma.local [hbm:s3], $0xF7A  }
0x26: {  	[smem:$0x3F9B] =	sst s1;
	(tag) =	ssettag s2;
	_ =	strace s9  }
0x27: {  	s1 =	sld [smem:$0x3FAB]  }
0x28: {  	s2 =	sld [smem:$0x3FAC]  }
0x29: {  	s4 =	sld [smem:$0x3FAE]  }
0x2a: {  	p0 =	seq.s32 s5, $0x0;
	s5 =	sld [smem:$0x3FAF]  }
0x2b: {  	s6 =	sld [smem:$0x3FB0]  }
0x2c: {  	s7 =	sld [smem:$0x3FB1]  }
0x2d: {  	s3 =	simm.s32 $0x108;
	s8 =	sld [smem:$0x3FB2]  }
0x2e: {  	s3 =	simm.s32 @!p0 $0x1082;
	s9 =	sld [smem:$0x3FB3]  }
0x2f: {  	lr =	sadd.s32 s0, s3;
	s0 =	sld [smem:$0x3FAA]  }
0x30: {  	s3 =	sld [smem:$0x3FAD]  }
0x31: {  	[smem:$0x3FB6] =	sst s10  }
0x32: {  	s10 =	sld [smem:$0x3FB4];
	_ =	sdelay $0x3  }
0x33: {  	p0 =	seq.s32 s10, $0x1;
	s10 =	sld [smem:$0x3FB6];
	_ =	sdelay $0x3  }
0x34: {  	[smem:$0x3FB6] =	sst s10  }
0x35: {  	s10 =	sld [smem:$0x3FB5];
	_ =	sdelay $0x3  }
0x36: {  	p1 =	seq.s32 s10, $0x1;
	s10 =	sld [smem:$0x3FB6];
	_ =	sdelay $0x3  }
0x37: {  	[smem:$0x3FB6] =	sst s10  }
0x38: {  	s10 =	sld [smem:$0x3FB7]  }
0x39: {  	_ = 	snop;
	(pc) =	sbr.ind lr, $3  }
0x3a: {  	_ = 	snop  }
0x3b: {  	_ = 	snop  }
0x3c: {  	p2 =	seq.s32 s10, $0x1;
	s10 =	sld [smem:$0x3FB6]  }
0x3d: {  	_ =	shalt  }
0x3e: {  	_ =	shalt  }
0x3f: {  	_ =	shalt  }
0x40: {  	_ =	shalt  }
0x41: {  	_ =	shalt  }
0x42: {  	_ =	shalt  }
0x43: {  	_ =	shalt  }
0x44: {  	_ =	shalt  }
0x45: {  	_ =	shalt  }
0x46: {  	_ =	shalt  }
0x47: {  	_ =	shalt  }
0x48: {  	_ =	shalt  }
0x49: {  	_ =	shalt  }
0x4a: {  	_ =	shalt  }
0x4b: {  	_ =	shalt  }
0x4c: {  	_ =	shalt  }
0x4d: {  	_ =	shalt  }
0x4e: {  	_ =	shalt  }
0x4f: {  	_ =	shalt  }
0x50: {  	_ =	shalt  }
0x51: {  	_ =	shalt  }
0x52: {  	_ =	shalt  }
0x53: {  	_ =	shalt  }
0x54: {  	_ =	shalt  }
0x55: {  	_ =	shalt  }
0x56: {  	_ =	shalt  }
0x57: {  	_ =	shalt  }
0x58: {  	_ =	shalt  }
0x59: {  	_ =	shalt  }
0x5a: {  	_ =	shalt  }
0x5b: {  	_ =	shalt  }
0x5c: {  	_ =	shalt  }
0x5d: {  	_ =	shalt  }
0x5e: {  	_ =	shalt  }
0x5f: {  	_ =	shalt  }
0x60: {  	_ =	shalt  }
0x61: {  	_ =	shalt  }
0x62: {  	_ =	shalt  }
0x63: {  	_ =	shalt  }
0x64: {  	_ =	shalt  }
0x65: {  	_ =	shalt  }
0x66: {  	_ =	shalt  }
0x67: {  	_ =	shalt  }
0x68: {  	_ =	shalt  }
0x69: {  	_ =	shalt  }
0x6a: {  	_ =	shalt  }
0x6b: {  	_ =	shalt  }
0x6c: {  	_ =	shalt  }
0x6d: {  	_ =	shalt  }
0x6e: {  	_ =	shalt  }
0x6f: {  	_ =	shalt  }
0x70: {  	_ =	shalt  }
0x71: {  	_ =	shalt  }
0x72: {  	_ =	shalt  }
0x73: {  	_ =	shalt  }
0x74: {  	_ =	shalt  }
0x75: {  	_ =	shalt  }
0x76: {  	_ =	shalt  }
0x77: {  	_ =	shalt  }
0x78: {  	_ =	shalt  }
0x79: {  	_ =	shalt  }
0x7a: {  	_ =	shalt  }
0x7b: {  	_ =	shalt  }
0x7c: {  	_ =	shalt  }
0x7d: {  	_ =	shalt  }
0x7e: {  	_ =	shalt  }
0x7f: {  	_ =	shalt  }
0x80: {  	_ =	shalt  }
0x81: {  	_ =	shalt  }
0x82: {  	_ =	shalt  }
0x83: {  	_ =	shalt  }
0x84: {  	_ =	shalt  }
0x85: {  	_ =	shalt  }
0x86: {  	_ =	shalt  }
0x87: {  	_ =	shalt  }
.Lfunc_end0:
.L_simem_size_0:
called_computation_lowered:
.L_overlay_start_0:
0x88: {  	s2 =	sld [smem:$0x3FD9]  }
0x89: {  	s3 =	sld [smem:$0x3FFE];
	_ =	sdelay $0x1  }
0x8a: {  	s1 =	srdreg.scid  }
0x8b: {  	s0 =	sand.u32 $0x1, s1  }
0x8c: {  	s17 =	sshll.u32 s0, $0xA;
	s2 =	sadd.s32 s3, s2  }
0x8d: {  	s2 =	sadd.s32 s2, s17  }
0x8e: {  	[smem:$0x3FC2] =	sst s2  }
0x8f: {  	_ = 	snop  }
0x90: {  	s2 =	sld [smem:$0x3FD0];
	(tm) =	ssettm $0x1  }
0x91: {  	s18 =	sld [smem:$0x3FFB];
	_ =	sdelay $0x3  }
0x92: {  	_ =	strace s18  }
0x93: {  	s3 =	sld [smem:$0x3FFC];
	_ =	sdelay $0x3  }
0x94: {  	_ =	strace s3  }
0x95: {  	s3 =	sld [smem:$0x3FFD];
	_ =	sdelay $0x3  }
0x96: {  	_ =	strace s3  }
0x97: {  	_ =	strace $0x8FFFFFFF  }
0x98: {  	s19 =	sld [smem:$0x3FDB];
	_ =	sdelay $0x1  }
0x99: {  	s4 =	simm.s32 $_scs_section_size  }
0x9a: {  	s5 =	simm.s32 $_size__tile_overlayer_lowered;
	s6 =	simm.s32 $_tile_overlayer_lowered  }
0x9b: {  	s22 =	simm.s32 $0x1BFF;
	s21 =	sshll.u32 s6, $0x1;
	s3 =	sadd.s32 s4, s19  }
0x9c: {  	s7 =	simm.s32 $0x0;
	s20 =	sshll.u32 s5, $0x1;
	s5 =	sadd.s32 s21, s3  }
0x9d: {  	[timem:s7], [sflag:s22] =	dma.local [hbm:s5], s20  }
0x9e: {  	_ =	swait.ge [sflag:s22], s20  }
0x9f: {  	s4 =	ssub.s32 $0x0, s20;
	[sflag:s22] =	ssyncset.done $0x0  }
0xa0: {  	[sflag:s22] =	ssyncadd.s32 s4;
	_ =	sdelay $0x1  }
0xa1: {  	s23 =	simm.s32 $0x1B8B  }
0xa2: {  	_ =	swait.ge [sflag:s23], $0x1  }
0xa3: {  	[sflag:s23] =	ssyncset.done $0x0  }
0xa4: {  	s25 =	simm.s32 $0x1B8E;
	s24 =	sld [smem:$0x3FFE];
	[sflag:s23] =	ssyncadd.s32 $0xFFFFFFFF  }
0xa5: {  	s26 =	simm.s32 $execute0_lowered;
	[smem:$0x3FD2] =	sst s25  }
0xa6: {  	s5 =	sshll.u32 s26, $0x1;
	_ =	strace $0x80000046;
	[dreg:$0x1] =	wrdreg $0xFFFFFFFF  }
0xa7: {  	s28 =	simm.s32 $_size_execute0_lowered;
	s3 =	sadd.s32 s3, s5;
	[dreg:$0x0] =	wrdreg $0x0  }
0xa8: {  	s5 =	sshll.u32 s28, $0x1;
	[dreg:$0x2] =	wrdreg s3  }
0xa9: {  	[dreg:$0x3] =	wrdreg s5  }
0xaa: {  	[dreg:$0x4] =	wrdreg $0xC0  }
0xab: {  	_ =	task [dreg:s7], $0x5FFFF  }
0xac: {  	[dreg:$0x1] =	wrdreg $0xFFFFFFFF  }
0xad: {  	[dreg:$0x0] =	wrdreg $0x60  }
0xae: {  	[dreg:$0x2] =	wrdreg s24  }
0xaf: {  	[dreg:$0x3] =	wrdreg s2  }
0xb0: {  	[dreg:$0x4] =	wrdreg $0xC0000  }
0xb1: {  	[dreg:$0x5] =	wrdreg $0x9  }
0xb2: {  	_ =	task.clear_ibuf [dreg:s7], $0x6FFFF;
	_ =	strace $0x90000046  }
0xb3: {  	s29 =	simm.s32 $0x9;
	_ =	strace $0x80000048  }
0xb4: {  	_ =	swait.ge [sflag:s29], $0x1  }
0xb5: {  	[sflag:s29] =	ssyncadd.s32 $0xFFFFFFFF  }
0xb6: {  	_ =	strace $0x90000048  }
0xb7: {  	_ =	sfence  }
0xb8: {  	s30 =	sld [smem:$0x0];
	_ =	sdelay $0x2  }
0xb9: {  	s31 =	sshll.u32 s1, $0xD;
	s1 =	sshrl.u32 s1, $0x2  }
0xba: {  	s3 =	sand.u32 $0x4000, s31;
	s1 =	sadd.s32 s1, s30  }
0xbb: {  	s0 =	sor.u32 s3, s0;
	s1 =	sshll.u32 s1, $0x11  }
0xbc: {  	s0 =	sor.u32 s1, s0  }
0xbd: {  	s0 =	sadd.s32 $0x8F2B, s0  }
0xbe: {  	[sflag:s0] =	ssyncadd.remote.s32 $0x1  }
0xbf: {  	_ =	sfence.sel $0xFFFF  }
0xc0: {  	[dreg:$0x0] =	wrdreg $0xFFFFFFFF;
	(pc) =	sbr.abs _section_cstart, $3  }
0xc1: {  	[dreg:$0x1] =	wrdreg $0xFFFFFFFF  }
0xc2: {  	_ =	task.clear_ibuf [dreg:s7], $0x2FFFF;
	_ =	strace $0x9FFFFFFF  }
0xc3: {  	(tm) =	ssettm $0x7FFFFFFF  }
tec
execute0_lowered:
.L_overlay_start_1:
0x0: {  	(tag) =	ssettag $0x1  }
0x1: {  	s0 =	rddreg [dreg:$0x0]  }
0x2: {  	s1 =	rddreg [dreg:$0x1]  }
0x3: {  	s2 =	rddreg [dreg:$0x2];
	s3 =	simm.s32 $0x0;
	s12 =	stileid.u32  }
0x4: {  	s4 =	srdreg.scid;
	s31 =	simm.s32 $0x8000;
	[smem:$0x7FF] =	sst s3  }
0x5: {  	s5 =	sshll.u32 s12, $0xA;
	s4 =	sand.u32 $0x1, s4;
	s8 =	sadd.s32 $0x1200, s0  }
0x6: {  	s7 =	sadd.s32 $0x42600, s0;
	s9 =	smul.u32 $0x18000, s12;
	s10 =	sadd.s32 $0x41200, s0  }
0x7: {  	s16 =	smul.u32 $0x3000, s12;
	s18 =	sshll.u32 s12, $0x10;
	_ =	strace $0x80000047  }
0x8: {  	s5 =	sadd.s32 s5, s0;
	s6 =	ssub.s32 $0x2, s4;
	[dreg:$0x4] =	wrdreg s7  }
0x9: {  	[dreg:$0x5] =	wrdreg s10;
	s11 =	sshll.u32 s4, $0x14;
	s19 =	sadd.s32 s18, s2  }
0xa: {  	s15 =	sshrl.u32 s6, $0x1;
	s17 =	sshrl.u32 s9, $0x3;
	s7 =	sadd.s32 s8, s16  }
0xb: {  	[dreg:$0x6] =	wrdreg s19;
	s13 =	sadd.s32 $0x35200, s5;
	s19 =	sadd.s32 $0x31200, s5  }
0xc: {  	s9 =	simm.s32 $0x3;
	s10 =	ssub.s32 s6, s15;
	s6 =	sshll.u32 s12, $0x6  }
0xd: {  	s4 =	sadd.s32 s8, s17;
	s12 =	sor.u32 s18, s11;
	[dreg:$0xf] =	wrdreg s13  }
0xe: {  	s15 =	sadd.s32 $0x41600, s0;
	s28 =	sadd.s32 $0x400, s7;
	s29 =	sadd.s32 $0x800, s7  }
0xf: {  	s30 =	sadd.s32 $0xC00, s7;
	s20 =	sadd.s32 $0x1000, s4;
	[dreg:$0x10] =	wrdreg s15  }
0x10: {  	s8 =	simm.s32 $0x2;
	s21 =	sadd.s32 $0x1400, s4;
	[dreg:$0x7] =	wrdreg s20  }
0x11: {  	v4 =	vmov s11;
	s11 =	simm.s32 $0x4;
	s22 =	sadd.s32 $0x1800, s4;
	[dreg:$0x8] =	wrdreg s21  }
0x12: {  	s23 =	sadd.s32 $0x1C00, s4;
	s24 =	sadd.s32 $0x2000, s4;
	[dreg:$0x9] =	wrdreg s22  }
0x13: {  	s25 =	sadd.s32 $0x2400, s4;
	s26 =	sadd.s32 $0x2800, s4;
	[dreg:$0xa] =	wrdreg s23  }
0x14: {  	s4 =	sadd.s32 $0x2C00, s4;
	s14 =	sshrl.u32 s12, $0x3;
	[dreg:$0xb] =	wrdreg s24  }
0x15: {  	s16 =	sor.u32 $0x100000, s6;
	s17 =	sor.u32 $0x100010, s6;
	[dreg:$0xc] =	wrdreg s25  }
0x16: {  	s18 =	sor.u32 $0x100020, s6;
	s13 =	sor.u32 $0x100030, s6;
	[dreg:$0xd] =	wrdreg s26  }
0x17: {  	s12 =	simm.s32 $0xA000;
	[dreg:$0xe] =	wrdreg s4;
	s20 =	sadd.s32 s1, s14  }
0x18: {  	s21 =	sadd.s32 $0x3D200, s5;
	s22 =	sadd.s32 $0x39200, s5;
	s23 =	sadd.s32 $0x41A00, s0  }
0x19: {  	v3 =	vlaneseq.u32;
	s24 =	sadd.s32 $0x41E00, s0;
	s25 =	sadd.s32 $0x42200, s0;
	s26 =	smax.u32 s10, $0x1  }
0x1a: {  	s0 =	simm.s32 $0x5;
	s1 =	simm.s32 $0x1;
	s4 =	simm.s32 $0x2000;
	v0 =	vor.u32 s16, v3  }
0x1b: {  	s5 =	simm.s32 $0x4000;
	v1 =	vor.u32 s17, v3;
	s10 =	simm.s32 $0x6000;
	v2 =	vor.u32 s18, v3;
	v3 =	vor.u32 s13, v3;
	s13 =	simm.s32 $0x0  }
.LBB2_1:
0x1c: {  	[tilespmem:s3], [sflag:$0x1] =	stream.linear.gather [hbm4b:s7+s3], $0x2000, $0x38;
	[tilespmem:$0x1C040] =	vst v63  }
0x1d: {  	s14 =	rddreg [dreg:$0x5]  }
0x1e: {  	[tilespmem:s31], [sflag:$0x5] =	stream.linear.gather [hbm4b:s14+s3], $0x2000, $0x38;
	[tilespmem:$0x1C040] =	vst v63  }
0x1f: {  	_ =	swait.ge [sflag:s0], $0x2000  }
0x20: {  	s14 =	sor.u32 $0x1C05, s6;
	[sflag:s0] =	ssyncset.done $0x0;
	s15 =	rddreg [dreg:$0x6]  }
0x21: {  	s16 =	rddreg [dreg:$0x4];
	[sflag:s0] =	ssyncadd.s32 $0xFFFFE000;
	s15 =	sshrl.u32 s15, $0x3  }
0x22: {  	[spmem:s15], [sflag:s14] =	dma.local [hbm:s16], $0x2000  }
0x23: {  	_ =	swait.ge [sflag:s0], $0x2000  }
0x24: {  	[sflag:s0] =	ssyncset.done $0x0  }
0x25: {  	[sflag:s0] =	ssyncadd.s32 $0xFFFFE000  }
0x26: {  	[bflag:$0x0] =	sbarrier.arrive $0xFFFF  }
0x27: {  	_ =	swait.ge [sflag:s1], $0x2000  }
0x28: {  	[sflag:s1] =	ssyncset.done $0x0  }
0x29: {  	s17 =	simm.s32 $0x0;
	[sflag:s1] =	ssyncadd.s32 $0xFFFFE000  }
0x2a: {  	[tilespmem:s4], [sflag:$0x2] =	stream.linear.gather [hbm4b:s28+s3], $0x2000, $0x38;
	[tilespmem:$0x1C040] =	vst v63  }
0x2b: {  	v5 =	vld [tilespmem:s17+$0x70]  }
0x2c: {  	v7 =	vld [tilespmem:s17+$0x0]  }
0x2d: {  	v11 =	vld [tilespmem:s17+$0x10]  }
0x2e: {  	v9 =	vld [tilespmem:s17+$0x20]  }
0x2f: {  	v8 =	vld [tilespmem:s17+$0x30]  }
0x30: {  	v6 =	vld [tilespmem:s17+$0x40];
	v12 =	vsub.s32 v5, v4  }
0x31: {  	v10 =	vsub.s32 v7, v4;
	v5 =	vld [tilespmem:s17+$0x50];
	vm1 =	vlt.u32 v12, $0x100000  }
0x32: {  	s18 =	simm.s32 $0x400;
	s16 =	simm.s32 $0x80;
	v11 =	vsub.s32 v11, v4;
	v7 =	vld [tilespmem:s17+$0x60];
	vm0 =	vlt.u32 v10, $0x100000;
	v12 =	vsel vm1, v12, v3  }
.LBB2_2:
0x33: {  	p0 =	sne.s32 s18, $0x7E00;
	v13 =	vld [tilespmem:s16+$0x70];
	v10 =	vsel vm0, v10, v0;
	vm0 =	vlt.u32 v11, $0x100000;
	v9 =	vsub.s32 v9, v4;
	[tilespmem:s17+$0x4070] =	vst v12  }
0x34: {  	v12 =	vld [tilespmem:s16+$0x0];
	[tilespmem:s17+$0x4000] =	vst v10;
	v10 =	vsel vm0, v11, v1;
	vm0 =	vlt.u32 v9, $0x100000;
	v8 =	vsub.s32 v8, v4  }
0x35: {  	v11 =	vld [tilespmem:s16+$0x10];
	[tilespmem:s17+$0x4010] =	vst v10;
	v10 =	vsel vm0, v9, v2;
	vm0 =	vlt.u32 v8, $0x100000;
	v6 =	vsub.s32 v6, v4  }
.Ltmp0:
0x36: {  	v9 =	vld [tilespmem:s16+$0x20];
	[tilespmem:s17+$0x4020] =	vst v10;
	v10 =	vsel vm0, v8, v3;
	vm0 =	vlt.u32 v6, $0x100000;
	v5 =	vsub.s32 v5, v4;
	(pc) =	sbr.rel @p0 .LBB2_2-.Ltmp0, $4  }
0x37: {  	v8 =	vld [tilespmem:s16+$0x30];
	[tilespmem:s17+$0x4030] =	vst v10;
	v10 =	vsel vm0, v6, v0;
	vm0 =	vlt.u32 v5, $0x100000;
	v7 =	vsub.s32 v7, v4  }
0x38: {  	v6 =	vld [tilespmem:s16+$0x40];
	v13 =	vsub.s32 v13, v4;
	[tilespmem:s17+$0x4040] =	vst v10;
	v14 =	vsel vm0, v5, v1;
	vm0 =	vlt.u32 v7, $0x100000  }
0x39: {  	v10 =	vsub.s32 v12, v4;
	v5 =	vld [tilespmem:s16+$0x50];
	vm1 =	vlt.u32 v13, $0x100000;
	[tilespmem:s17+$0x4050] =	vst v14;
	v14 =	vsel vm0, v7, v2  }
0x3a: {  	vm0 =	vlt.u32 v10, $0x100000;
	v11 =	vsub.s32 v11, v4;
	v7 =	vld [tilespmem:s16+$0x60];
	v12 =	vsel vm1, v13, v3;
	[tilespmem:s17+$0x4060] =	vst v14;
	s17 =	smov.u32 s16;
	s16 =	sshra.s32 s18, $0x2;
	s18 =	sadd.s32 $0x200, s18  }
0x3b: {  	v13 =	vld [tilespmem:s16+$0x70];
	[tilespmem:s17+$0x4070] =	vst v12;
	v10 =	vsel vm0, v10, v0;
	vm0 =	vlt.u32 v11, $0x100000;
	v9 =	vsub.s32 v9, v4  }
0x3c: {  	v12 =	vld [tilespmem:s16+$0x0];
	[tilespmem:s17+$0x4000] =	vst v10;
	v10 =	vsel vm0, v11, v1;
	vm0 =	vlt.u32 v9, $0x100000;
	v8 =	vsub.s32 v8, v4  }
0x3d: {  	v11 =	vld [tilespmem:s16+$0x10];
	[tilespmem:s17+$0x4010] =	vst v10;
	v9 =	vsel vm0, v9, v2;
	vm0 =	vlt.u32 v8, $0x100000;
	v6 =	vsub.s32 v6, v4  }
0x3e: {  	v10 =	vld [tilespmem:s16+$0x20];
	[tilespmem:s17+$0x4020] =	vst v9;
	v8 =	vsel vm0, v8, v3;
	vm0 =	vlt.u32 v6, $0x100000  }
0x3f: {  	v5 =	vsub.s32 v5, v4;
	v9 =	vld [tilespmem:s16+$0x30];
	[tilespmem:s17+$0x4030] =	vst v8;
	v6 =	vsel vm0, v6, v0  }
0x40: {  	vm0 =	vlt.u32 v5, $0x100000;
	v8 =	vld [tilespmem:s16+$0x40];
	[tilespmem:s17+$0x4040] =	vst v6;
	v6 =	vsub.s32 v7, v4  }
0x41: {  	v5 =	vsel vm0, v5, v1;
	v13 =	vsub.s32 v13, v4;
	vm0 =	vlt.u32 v6, $0x100000  }
0x42: {  	v7 =	vld [tilespmem:s16+$0x50];
	[tilespmem:s17+$0x4050] =	vst v5;
	v5 =	vsub.s32 v12, v4;
	vm1 =	vlt.u32 v13, $0x100000;
	v6 =	vsel vm0, v6, v2  }
0x43: {  	v12 =	vld [tilespmem:s16+$0x60];
	vm0 =	vlt.u32 v5, $0x100000;
	v11 =	vsub.s32 v11, v4;
	v13 =	vsel vm1, v13, v3;
	[tilespmem:s17+$0x4060] =	vst v6  }
0x44: {  	v5 =	vsel vm0, v5, v0;
	vm0 =	vlt.u32 v11, $0x100000;
	v6 =	vsub.s32 v10, v4;
	[tilespmem:s16+$0x4070] =	vst v13  }
0x45: {  	[tilespmem:s16+$0x4000] =	vst v5;
	v5 =	vsel vm0, v11, v1;
	vm0 =	vlt.u32 v6, $0x100000;
	v9 =	vsub.s32 v9, v4  }
0x46: {  	[tilespmem:s16+$0x4010] =	vst v5;
	v5 =	vsel vm0, v6, v2;
	vm0 =	vlt.u32 v9, $0x100000;
	v6 =	vsub.s32 v8, v4  }
0x47: {  	[tilespmem:s16+$0x4020] =	vst v5;
	v5 =	vsel vm0, v9, v3;
	vm0 =	vlt.u32 v6, $0x100000;
	v7 =	vsub.s32 v7, v4  }
0x48: {  	[tilespmem:s16+$0x4030] =	vst v5;
	v5 =	vsel vm0, v6, v0;
	vm0 =	vlt.u32 v7, $0x100000;
	v6 =	vsub.s32 v12, v4  }
0x49: {  	[tilespmem:s16+$0x4040] =	vst v5;
	v5 =	vsel vm0, v7, v1;
	vm0 =	vlt.u32 v6, $0x100000  }
0x4a: {  	[tilespmem:s16+$0x4050] =	vst v5;
	v5 =	vsel vm0, v6, v2  }
0x4b: {  	[tilespmem:s16+$0x4060] =	vst v5  }
0x4c: {  	[spmem:s2] =	stream.indirect.scatter [tilespmem:s31], [sflag:$0x3], $0x1, s5, s4, $0xb8;
	[tilespmem:$0x1C040] =	vst v63  }
0x4d: {  	_ =	swait.ge [sflag:s8], $0x2000  }
0x4e: {  	[sflag:s8] =	ssyncset.done $0x0  }
0x4f: {  	s18 =	simm.s32 $0x0;
	s17 =	simm.s32 $0x0;
	[sflag:s8] =	ssyncadd.s32 $0xFFFFE000  }
0x50: {  	[tilespmem:s18], [sflag:$0x1] =	stream.linear.gather [hbm4b:s29+s18], $0x2000, $0x38;
	[tilespmem:$0x1C040] =	vst v63  }
0x51: {  	v5 =	vld [tilespmem:s17+$0x2070]  }
0x52: {  	v7 =	vld [tilespmem:s17+$0x2000]  }
0x53: {  	v11 =	vld [tilespmem:s17+$0x2010]  }
0x54: {  	v9 =	vld [tilespmem:s17+$0x2020]  }
0x55: {  	v8 =	vld [tilespmem:s17+$0x2030]  }
0x56: {  	v6 =	vld [tilespmem:s17+$0x2040];
	v12 =	vsub.s32 v5, v4  }
0x57: {  	v10 =	vsub.s32 v7, v4;
	v5 =	vld [tilespmem:s17+$0x2050];
	vm1 =	vlt.u32 v12, $0x100000  }
0x58: {  	s16 =	simm.s32 $0x80;
	s18 =	simm.s32 $0x400;
	v11 =	vsub.s32 v11, v4;
	v7 =	vld [tilespmem:s17+$0x2060];
	vm0 =	vlt.u32 v10, $0x100000;
	v12 =	vsel vm1, v12, v3  }
.LBB2_4:
0x59: {  	p0 =	sne.s32 s18, $0x7E00;
	v13 =	vld [tilespmem:s16+$0x2070];
	v10 =	vsel vm0, v10, v0;
	vm0 =	vlt.u32 v11, $0x100000;
	v9 =	vsub.s32 v9, v4;
	[tilespmem:s17+$0x6070] =	vst v12  }
0x5a: {  	v12 =	vld [tilespmem:s16+$0x2000];
	[tilespmem:s17+$0x6000] =	vst v10;
	v10 =	vsel vm0, v11, v1;
	vm0 =	vlt.u32 v9, $0x100000;
	v8 =	vsub.s32 v8, v4  }
0x5b: {  	v11 =	vld [tilespmem:s16+$0x2010];
	[tilespmem:s17+$0x6010] =	vst v10;
	v10 =	vsel vm0, v9, v2;
	vm0 =	vlt.u32 v8, $0x100000;
	v6 =	vsub.s32 v6, v4  }
.Ltmp1:
0x5c: {  	v9 =	vld [tilespmem:s16+$0x2020];
	[tilespmem:s17+$0x6020] =	vst v10;
	v10 =	vsel vm0, v8, v3;
	vm0 =	vlt.u32 v6, $0x100000;
	v5 =	vsub.s32 v5, v4;
	(pc) =	sbr.rel @p0 .LBB2_4-.Ltmp1, $4  }
0x5d: {  	v8 =	vld [tilespmem:s16+$0x2030];
	[tilespmem:s17+$0x6030] =	vst v10;
	v10 =	vsel vm0, v6, v0;
	vm0 =	vlt.u32 v5, $0x100000;
	v7 =	vsub.s32 v7, v4  }
0x5e: {  	v6 =	vld [tilespmem:s16+$0x2040];
	v13 =	vsub.s32 v13, v4;
	[tilespmem:s17+$0x6040] =	vst v10;
	v14 =	vsel vm0, v5, v1;
	vm0 =	vlt.u32 v7, $0x100000  }
0x5f: {  	v10 =	vsub.s32 v12, v4;
	v5 =	vld [tilespmem:s16+$0x2050];
	vm1 =	vlt.u32 v13, $0x100000;
	[tilespmem:s17+$0x6050] =	vst v14;
	v14 =	vsel vm0, v7, v2  }
0x60: {  	vm0 =	vlt.u32 v10, $0x100000;
	v11 =	vsub.s32 v11, v4;
	v7 =	vld [tilespmem:s16+$0x2060];
	v12 =	vsel vm1, v13, v3;
	[tilespmem:s17+$0x6060] =	vst v14;
	s17 =	smov.u32 s16;
	s16 =	sshra.s32 s18, $0x2;
	s18 =	sadd.s32 $0x200, s18  }
0x61: {  	v13 =	vld [tilespmem:s16+$0x2070];
	[tilespmem:s17+$0x6070] =	vst v12;
	v10 =	vsel vm0, v10, v0;
	vm0 =	vlt.u32 v11, $0x100000;
	v9 =	vsub.s32 v9, v4  }
0x62: {  	v12 =	vld [tilespmem:s16+$0x2000];
	[tilespmem:s17+$0x6000] =	vst v10;
	v10 =	vsel vm0, v11, v1;
	vm0 =	vlt.u32 v9, $0x100000;
	v8 =	vsub.s32 v8, v4  }
0x63: {  	v11 =	vld [tilespmem:s16+$0x2010];
	[tilespmem:s17+$0x6010] =	vst v10;
	v9 =	vsel vm0, v9, v2;
	vm0 =	vlt.u32 v8, $0x100000;
	v6 =	vsub.s32 v6, v4  }
0x64: {  	v10 =	vld [tilespmem:s16+$0x2020];
	[tilespmem:s17+$0x6020] =	vst v9;
	v8 =	vsel vm0, v8, v3;
	vm0 =	vlt.u32 v6, $0x100000  }
0x65: {  	v5 =	vsub.s32 v5, v4;
	v9 =	vld [tilespmem:s16+$0x2030];
	[tilespmem:s17+$0x6030] =	vst v8;
	v6 =	vsel vm0, v6, v0  }
0x66: {  	vm0 =	vlt.u32 v5, $0x100000;
	v8 =	vld [tilespmem:s16+$0x2040];
	[tilespmem:s17+$0x6040] =	vst v6;
	v6 =	vsub.s32 v7, v4  }
0x67: {  	v5 =	vsel vm0, v5, v1;
	v13 =	vsub.s32 v13, v4;
	vm0 =	vlt.u32 v6, $0x100000  }
0x68: {  	v7 =	vld [tilespmem:s16+$0x2050];
	[tilespmem:s17+$0x6050] =	vst v5;
	v5 =	vsub.s32 v12, v4;
	vm1 =	vlt.u32 v13, $0x100000;
	v6 =	vsel vm0, v6, v2  }
0x69: {  	v12 =	vld [tilespmem:s16+$0x2060];
	vm0 =	vlt.u32 v5, $0x100000;
	v11 =	vsub.s32 v11, v4;
	v13 =	vsel vm1, v13, v3;
	[tilespmem:s17+$0x6060] =	vst v6  }
0x6a: {  	v5 =	vsel vm0, v5, v0;
	vm0 =	vlt.u32 v11, $0x100000;
	v6 =	vsub.s32 v10, v4;
	[tilespmem:s16+$0x6070] =	vst v13  }
0x6b: {  	[tilespmem:s16+$0x6000] =	vst v5;
	v5 =	vsel vm0, v11, v1;
	vm0 =	vlt.u32 v6, $0x100000;
	v9 =	vsub.s32 v9, v4  }
0x6c: {  	[tilespmem:s16+$0x6010] =	vst v5;
	v5 =	vsel vm0, v6, v2;
	vm0 =	vlt.u32 v9, $0x100000;
	v6 =	vsub.s32 v8, v4  }
0x6d: {  	[tilespmem:s16+$0x6020] =	vst v5;
	v5 =	vsel vm0, v9, v3;
	vm0 =	vlt.u32 v6, $0x100000;
	v7 =	vsub.s32 v7, v4  }
0x6e: {  	[tilespmem:s16+$0x6030] =	vst v5;
	v5 =	vsel vm0, v6, v0;
	vm0 =	vlt.u32 v7, $0x100000;
	v6 =	vsub.s32 v12, v4  }
0x6f: {  	[tilespmem:s16+$0x6040] =	vst v5;
	v5 =	vsel vm0, v7, v1;
	vm0 =	vlt.u32 v6, $0x100000  }
0x70: {  	[tilespmem:s16+$0x6050] =	vst v5;
	v5 =	vsel vm0, v6, v2  }
0x71: {  	[tilespmem:s16+$0x6060] =	vst v5  }
0x72: {  	_ =	swait.ge [sflag:s9], $0x2000  }
0x73: {  	[sflag:s9] =	ssyncset.done $0x0  }
0x74: {  	[sflag:s9] =	ssyncadd.s32 $0xFFFFE000  }
0x75: {  	[spmem:s2] =	stream.indirect.scatter [tilespmem:s31], [sflag:$0x4], $0x1, s10, s4, $0xb8;
	[tilespmem:$0x1C040] =	vst v63  }
0x76: {  	_ =	swait.ge [sflag:s1], $0x2000  }
0x77: {  	[sflag:s1] =	ssyncset.done $0x0  }
0x78: {  	s18 =	simm.s32 $0x0;
	s17 =	simm.s32 $0x0;
	[sflag:s1] =	ssyncadd.s32 $0xFFFFE000  }
0x79: {  	[tilespmem:s4], [sflag:$0x2] =	stream.linear.gather [hbm4b:s30+s18], $0x2000, $0x38;
	[tilespmem:$0x1C040] =	vst v63  }
0x7a: {  	v5 =	vld [tilespmem:s17+$0x70]  }
0x7b: {  	v7 =	vld [tilespmem:s17+$0x0]  }
0x7c: {  	v11 =	vld [tilespmem:s17+$0x10]  }
0x7d: {  	v9 =	vld [tilespmem:s17+$0x20]  }
0x7e: {  	v8 =	vld [tilespmem:s17+$0x30]  }
0x7f: {  	v6 =	vld [tilespmem:s17+$0x40];
	v12 =	vsub.s32 v5, v4  }
0x80: {  	v10 =	vsub.s32 v7, v4;
	v5 =	vld [tilespmem:s17+$0x50];
	vm1 =	vlt.u32 v12, $0x100000  }
0x81: {  	s16 =	simm.s32 $0x80;
	s18 =	simm.s32 $0x400;
	v11 =	vsub.s32 v11, v4;
	v7 =	vld [tilespmem:s17+$0x60];
	vm0 =	vlt.u32 v10, $0x100000;
	v12 =	vsel vm1, v12, v3  }
.LBB2_6:
0x82: {  	p0 =	sne.s32 s18, $0x7E00;
	v13 =	vld [tilespmem:s16+$0x70];
	v10 =	vsel vm0, v10, v0;
	vm0 =	vlt.u32 v11, $0x100000;
	v9 =	vsub.s32 v9, v4;
	[tilespmem:s17+$0x4070] =	vst v12  }
0x83: {  	v12 =	vld [tilespmem:s16+$0x0];
	[tilespmem:s17+$0x4000] =	vst v10;
	v10 =	vsel vm0, v11, v1;
	vm0 =	vlt.u32 v9, $0x100000;
	v8 =	vsub.s32 v8, v4  }
0x84: {  	v11 =	vld [tilespmem:s16+$0x10];
	[tilespmem:s17+$0x4010] =	vst v10;
	v10 =	vsel vm0, v9, v2;
	vm0 =	vlt.u32 v8, $0x100000;
	v6 =	vsub.s32 v6, v4  }
.Ltmp2:
0x85: {  	v9 =	vld [tilespmem:s16+$0x20];
	[tilespmem:s17+$0x4020] =	vst v10;
	v10 =	vsel vm0, v8, v3;
	vm0 =	vlt.u32 v6, $0x100000;
	v5 =	vsub.s32 v5, v4;
	(pc) =	sbr.rel @p0 .LBB2_6-.Ltmp2, $4  }
0x86: {  	v8 =	vld [tilespmem:s16+$0x30];
	[tilespmem:s17+$0x4030] =	vst v10;
	v10 =	vsel vm0, v6, v0;
	vm0 =	vlt.u32 v5, $0x100000;
	v7 =	vsub.s32 v7, v4  }
0x87: {  	v6 =	vld [tilespmem:s16+$0x40];
	v13 =	vsub.s32 v13, v4;
	[tilespmem:s17+$0x4040] =	vst v10;
	v14 =	vsel vm0, v5, v1;
	vm0 =	vlt.u32 v7, $0x100000  }
0x88: {  	v10 =	vsub.s32 v12, v4;
	v5 =	vld [tilespmem:s16+$0x50];
	vm1 =	vlt.u32 v13, $0x100000;
	[tilespmem:s17+$0x4050] =	vst v14;
	v14 =	vsel vm0, v7, v2  }
0x89: {  	vm0 =	vlt.u32 v10, $0x100000;
	v11 =	vsub.s32 v11, v4;
	v7 =	vld [tilespmem:s16+$0x60];
	v12 =	vsel vm1, v13, v3;
	[tilespmem:s17+$0x4060] =	vst v14;
	s17 =	smov.u32 s16;
	s16 =	sshra.s32 s18, $0x2;
	s18 =	sadd.s32 $0x200, s18  }
0x8a: {  	v13 =	vld [tilespmem:s16+$0x70];
	[tilespmem:s17+$0x4070] =	vst v12;
	v10 =	vsel vm0, v10, v0;
	vm0 =	vlt.u32 v11, $0x100000;
	v9 =	vsub.s32 v9, v4  }
0x8b: {  	v12 =	vld [tilespmem:s16+$0x0];
	[tilespmem:s17+$0x4000] =	vst v10;
	v10 =	vsel vm0, v11, v1;
	vm0 =	vlt.u32 v9, $0x100000;
	v8 =	vsub.s32 v8, v4  }
0x8c: {  	v11 =	vld [tilespmem:s16+$0x10];
	[tilespmem:s17+$0x4010] =	vst v10;
	v9 =	vsel vm0, v9, v2;
	vm0 =	vlt.u32 v8, $0x100000;
	v6 =	vsub.s32 v6, v4  }
0x8d: {  	v10 =	vld [tilespmem:s16+$0x20];
	[tilespmem:s17+$0x4020] =	vst v9;
	v8 =	vsel vm0, v8, v3;
	vm0 =	vlt.u32 v6, $0x100000  }
0x8e: {  	v5 =	vsub.s32 v5, v4;
	v9 =	vld [tilespmem:s16+$0x30];
	[tilespmem:s17+$0x4030] =	vst v8;
	v6 =	vsel vm0, v6, v0  }
0x8f: {  	vm0 =	vlt.u32 v5, $0x100000;
	v8 =	vld [tilespmem:s16+$0x40];
	[tilespmem:s17+$0x4040] =	vst v6;
	v6 =	vsub.s32 v7, v4  }
0x90: {  	v5 =	vsel vm0, v5, v1;
	v13 =	vsub.s32 v13, v4;
	vm0 =	vlt.u32 v6, $0x100000  }
0x91: {  	v7 =	vld [tilespmem:s16+$0x50];
	[tilespmem:s17+$0x4050] =	vst v5;
	v5 =	vsub.s32 v12, v4;
	vm1 =	vlt.u32 v13, $0x100000;
	v6 =	vsel vm0, v6, v2  }
0x92: {  	v12 =	vld [tilespmem:s16+$0x60];
	vm0 =	vlt.u32 v5, $0x100000;
	v11 =	vsub.s32 v11, v4;
	v13 =	vsel vm1, v13, v3;
	[tilespmem:s17+$0x4060] =	vst v6  }
0x93: {  	v5 =	vsel vm0, v5, v0;
	vm0 =	vlt.u32 v11, $0x100000;
	v6 =	vsub.s32 v10, v4;
	[tilespmem:s16+$0x4070] =	vst v13  }
0x94: {  	[tilespmem:s16+$0x4000] =	vst v5;
	v5 =	vsel vm0, v11, v1;
	vm0 =	vlt.u32 v6, $0x100000;
	v9 =	vsub.s32 v9, v4  }
0x95: {  	[tilespmem:s16+$0x4010] =	vst v5;
	v5 =	vsel vm0, v6, v2;
	vm0 =	vlt.u32 v9, $0x100000;
	v6 =	vsub.s32 v8, v4  }
0x96: {  	[tilespmem:s16+$0x4020] =	vst v5;
	v5 =	vsel vm0, v9, v3;
	vm0 =	vlt.u32 v6, $0x100000;
	v7 =	vsub.s32 v7, v4  }
0x97: {  	[tilespmem:s16+$0x4030] =	vst v5;
	v5 =	vsel vm0, v6, v0;
	vm0 =	vlt.u32 v7, $0x100000;
	v6 =	vsub.s32 v12, v4  }
0x98: {  	[tilespmem:s16+$0x4040] =	vst v5;
	v5 =	vsel vm0, v7, v1;
	vm0 =	vlt.u32 v6, $0x100000  }
0x99: {  	[tilespmem:s16+$0x4050] =	vst v5;
	v5 =	vsel vm0, v6, v2  }
0x9a: {  	[tilespmem:s16+$0x4060] =	vst v5  }
0x9b: {  	_ =	swait.ge [sflag:s11], $0x2000  }
0x9c: {  	[sflag:s11] =	ssyncset.done $0x0  }
0x9d: {  	[sflag:s11] =	ssyncadd.s32 $0xFFFFE000  }
0x9e: {  	[spmem:s2] =	stream.indirect.scatter [tilespmem:s31], [sflag:$0x3], $0x1, s5, s4, $0xb8;
	[tilespmem:$0x1C040] =	vst v63  }
0x9f: {  	_ =	swait.ge [sflag:s8], $0x2000  }
0xa0: {  	[sflag:s8] =	ssyncset.done $0x0  }
0xa1: {  	s17 =	simm.s32 $0x0;
	s18 =	rddreg [dreg:$0x7];
	[sflag:s8] =	ssyncadd.s32 $0xFFFFE000  }
0xa2: {  	[tilespmem:s17], [sflag:$0x1] =	stream.linear.gather [hbm4b:s18+s17], $0x2000, $0x38;
	[tilespmem:$0x1C040] =	vst v63  }
0xa3: {  	s17 =	simm.s32 $0x0  }
0xa4: {  	v5 =	vld [tilespmem:s17+$0x2070]  }
0xa5: {  	v7 =	vld [tilespmem:s17+$0x2000]  }
0xa6: {  	v11 =	vld [tilespmem:s17+$0x2010]  }
0xa7: {  	v9 =	vld [tilespmem:s17+$0x2020]  }
0xa8: {  	v8 =	vld [tilespmem:s17+$0x2030]  }
0xa9: {  	v6 =	vld [tilespmem:s17+$0x2040];
	v12 =	vsub.s32 v5, v4  }
0xaa: {  	v10 =	vsub.s32 v7, v4;
	v5 =	vld [tilespmem:s17+$0x2050];
	vm1 =	vlt.u32 v12, $0x100000  }
0xab: {  	s16 =	simm.s32 $0x80;
	s18 =	simm.s32 $0x400;
	v11 =	vsub.s32 v11, v4;
	v7 =	vld [tilespmem:s17+$0x2060];
	vm0 =	vlt.u32 v10, $0x100000;
	v12 =	vsel vm1, v12, v3  }
.LBB2_8:
0xac: {  	p0 =	sne.s32 s18, $0x7E00;
	v13 =	vld [tilespmem:s16+$0x2070];
	v10 =	vsel vm0, v10, v0;
	vm0 =	vlt.u32 v11, $0x100000;
	v9 =	vsub.s32 v9, v4;
	[tilespmem:s17+$0x6070] =	vst v12  }
0xad: {  	v12 =	vld [tilespmem:s16+$0x2000];
	[tilespmem:s17+$0x6000] =	vst v10;
	v10 =	vsel vm0, v11, v1;
	vm0 =	vlt.u32 v9, $0x100000;
	v8 =	vsub.s32 v8, v4  }
0xae: {  	v11 =	vld [tilespmem:s16+$0x2010];
	[tilespmem:s17+$0x6010] =	vst v10;
	v10 =	vsel vm0, v9, v2;
	vm0 =	vlt.u32 v8, $0x100000;
	v6 =	vsub.s32 v6, v4  }
.Ltmp3:
0xaf: {  	v9 =	vld [tilespmem:s16+$0x2020];
	[tilespmem:s17+$0x6020] =	vst v10;
	v10 =	vsel vm0, v8, v3;
	vm0 =	vlt.u32 v6, $0x100000;
	v5 =	vsub.s32 v5, v4;
	(pc) =	sbr.rel @p0 .LBB2_8-.Ltmp3, $4  }
0xb0: {  	v8 =	vld [tilespmem:s16+$0x2030];
	[tilespmem:s17+$0x6030] =	vst v10;
	v10 =	vsel vm0, v6, v0;
	vm0 =	vlt.u32 v5, $0x100000;
	v7 =	vsub.s32 v7, v4  }
0xb1: {  	v6 =	vld [tilespmem:s16+$0x2040];
	v13 =	vsub.s32 v13, v4;
	[tilespmem:s17+$0x6040] =	vst v10;
	v14 =	vsel vm0, v5, v1;
	vm0 =	vlt.u32 v7, $0x100000  }
0xb2: {  	v10 =	vsub.s32 v12, v4;
	v5 =	vld [tilespmem:s16+$0x2050];
	vm1 =	vlt.u32 v13, $0x100000;
	[tilespmem:s17+$0x6050] =	vst v14;
	v14 =	vsel vm0, v7, v2  }
0xb3: {  	vm0 =	vlt.u32 v10, $0x100000;
	v11 =	vsub.s32 v11, v4;
	v7 =	vld [tilespmem:s16+$0x2060];
	v12 =	vsel vm1, v13, v3;
	[tilespmem:s17+$0x6060] =	vst v14;
	s17 =	smov.u32 s16;
	s16 =	sshra.s32 s18, $0x2;
	s18 =	sadd.s32 $0x200, s18  }
0xb4: {  	v13 =	vld [tilespmem:s16+$0x2070];
	[tilespmem:s17+$0x6070] =	vst v12;
	v10 =	vsel vm0, v10, v0;
	vm0 =	vlt.u32 v11, $0x100000;
	v9 =	vsub.s32 v9, v4  }
0xb5: {  	v12 =	vld [tilespmem:s16+$0x2000];
	[tilespmem:s17+$0x6000] =	vst v10;
	v10 =	vsel vm0, v11, v1;
	vm0 =	vlt.u32 v9, $0x100000;
	v8 =	vsub.s32 v8, v4  }
0xb6: {  	v11 =	vld [tilespmem:s16+$0x2010];
	[tilespmem:s17+$0x6010] =	vst v10;
	v9 =	vsel vm0, v9, v2;
	vm0 =	vlt.u32 v8, $0x100000;
	v6 =	vsub.s32 v6, v4  }
0xb7: {  	v10 =	vld [tilespmem:s16+$0x2020];
	[tilespmem:s17+$0x6020] =	vst v9;
	v8 =	vsel vm0, v8, v3;
	vm0 =	vlt.u32 v6, $0x100000  }
0xb8: {  	v5 =	vsub.s32 v5, v4;
	v9 =	vld [tilespmem:s16+$0x2030];
	[tilespmem:s17+$0x6030] =	vst v8;
	v6 =	vsel vm0, v6, v0  }
0xb9: {  	vm0 =	vlt.u32 v5, $0x100000;
	v8 =	vld [tilespmem:s16+$0x2040];
	[tilespmem:s17+$0x6040] =	vst v6;
	v6 =	vsub.s32 v7, v4  }
0xba: {  	v5 =	vsel vm0, v5, v1;
	v13 =	vsub.s32 v13, v4;
	vm0 =	vlt.u32 v6, $0x100000  }
0xbb: {  	v7 =	vld [tilespmem:s16+$0x2050];
	[tilespmem:s17+$0x6050] =	vst v5;
	v5 =	vsub.s32 v12, v4;
	vm1 =	vlt.u32 v13, $0x100000;
	v6 =	vsel vm0, v6, v2  }
0xbc: {  	v12 =	vld [tilespmem:s16+$0x2060];
	vm0 =	vlt.u32 v5, $0x100000;
	v11 =	vsub.s32 v11, v4;
	v13 =	vsel vm1, v13, v3;
	[tilespmem:s17+$0x6060] =	vst v6  }
0xbd: {  	v5 =	vsel vm0, v5, v0;
	vm0 =	vlt.u32 v11, $0x100000;
	v6 =	vsub.s32 v10, v4;
	[tilespmem:s16+$0x6070] =	vst v13  }
0xbe: {  	[tilespmem:s16+$0x6000] =	vst v5;
	v5 =	vsel vm0, v11, v1;
	vm0 =	vlt.u32 v6, $0x100000;
	v9 =	vsub.s32 v9, v4  }
0xbf: {  	[tilespmem:s16+$0x6010] =	vst v5;
	v5 =	vsel vm0, v6, v2;
	vm0 =	vlt.u32 v9, $0x100000;
	v6 =	vsub.s32 v8, v4  }
0xc0: {  	[tilespmem:s16+$0x6020] =	vst v5;
	v5 =	vsel vm0, v9, v3;
	vm0 =	vlt.u32 v6, $0x100000;
	v7 =	vsub.s32 v7, v4  }
0xc1: {  	[tilespmem:s16+$0x6030] =	vst v5;
	v5 =	vsel vm0, v6, v0;
	vm0 =	vlt.u32 v7, $0x100000;
	v6 =	vsub.s32 v12, v4  }
0xc2: {  	[tilespmem:s16+$0x6040] =	vst v5;
	v5 =	vsel vm0, v7, v1;
	vm0 =	vlt.u32 v6, $0x100000  }
0xc3: {  	[tilespmem:s16+$0x6050] =	vst v5;
	v5 =	vsel vm0, v6, v2  }
0xc4: {  	[tilespmem:s16+$0x6060] =	vst v5  }
0xc5: {  	_ =	swait.ge [sflag:s9], $0x2000  }
0xc6: {  	[sflag:s9] =	ssyncset.done $0x0  }
0xc7: {  	[sflag:s9] =	ssyncadd.s32 $0xFFFFE000  }
0xc8: {  	[spmem:s2] =	stream.indirect.scatter [tilespmem:s31], [sflag:$0x4], $0x1, s10, s4, $0xb8;
	[tilespmem:$0x1C040] =	vst v63  }
0xc9: {  	_ =	swait.ge [sflag:s1], $0x2000  }
0xca: {  	[sflag:s1] =	ssyncset.done $0x0  }
0xcb: {  	s17 =	simm.s32 $0x0;
	s18 =	rddreg [dreg:$0x8];
	[sflag:s1] =	ssyncadd.s32 $0xFFFFE000  }
0xcc: {  	[tilespmem:s4], [sflag:$0x2] =	stream.linear.gather [hbm4b:s18+s17], $0x2000, $0x38;
	[tilespmem:$0x1C040] =	vst v63  }
0xcd: {  	s17 =	simm.s32 $0x0  }
0xce: {  	v5 =	vld [tilespmem:s17+$0x70]  }
0xcf: {  	v7 =	vld [tilespmem:s17+$0x0]  }
0xd0: {  	v11 =	vld [tilespmem:s17+$0x10]  }
0xd1: {  	v9 =	vld [tilespmem:s17+$0x20]  }
0xd2: {  	v8 =	vld [tilespmem:s17+$0x30]  }
0xd3: {  	v6 =	vld [tilespmem:s17+$0x40];
	v12 =	vsub.s32 v5, v4  }
0xd4: {  	v10 =	vsub.s32 v7, v4;
	v5 =	vld [tilespmem:s17+$0x50];
	vm1 =	vlt.u32 v12, $0x100000  }
0xd5: {  	s16 =	simm.s32 $0x80;
	s18 =	simm.s32 $0x400;
	v11 =	vsub.s32 v11, v4;
	v7 =	vld [tilespmem:s17+$0x60];
	vm0 =	vlt.u32 v10, $0x100000;
	v12 =	vsel vm1, v12, v3  }
.LBB2_10:
0xd6: {  	p0 =	sne.s32 s18, $0x7E00;
	v13 =	vld [tilespmem:s16+$0x70];
	v10 =	vsel vm0, v10, v0;
	vm0 =	vlt.u32 v11, $0x100000;
	v9 =	vsub.s32 v9, v4;
	[tilespmem:s17+$0x4070] =	vst v12  }
0xd7: {  	v12 =	vld [tilespmem:s16+$0x0];
	[tilespmem:s17+$0x4000] =	vst v10;
	v10 =	vsel vm0, v11, v1;
	vm0 =	vlt.u32 v9, $0x100000;
	v8 =	vsub.s32 v8, v4  }
0xd8: {  	v11 =	vld [tilespmem:s16+$0x10];
	[tilespmem:s17+$0x4010] =	vst v10;
	v10 =	vsel vm0, v9, v2;
	vm0 =	vlt.u32 v8, $0x100000;
	v6 =	vsub.s32 v6, v4  }
.Ltmp4:
0xd9: {  	v9 =	vld [tilespmem:s16+$0x20];
	[tilespmem:s17+$0x4020] =	vst v10;
	v10 =	vsel vm0, v8, v3;
	vm0 =	vlt.u32 v6, $0x100000;
	v5 =	vsub.s32 v5, v4;
	(pc) =	sbr.rel @p0 .LBB2_10-.Ltmp4, $4  }
0xda: {  	v8 =	vld [tilespmem:s16+$0x30];
	[tilespmem:s17+$0x4030] =	vst v10;
	v10 =	vsel vm0, v6, v0;
	vm0 =	vlt.u32 v5, $0x100000;
	v7 =	vsub.s32 v7, v4  }
0xdb: {  	v6 =	vld [tilespmem:s16+$0x40];
	v13 =	vsub.s32 v13, v4;
	[tilespmem:s17+$0x4040] =	vst v10;
	v14 =	vsel vm0, v5, v1;
	vm0 =	vlt.u32 v7, $0x100000  }
0xdc: {  	v10 =	vsub.s32 v12, v4;
	v5 =	vld [tilespmem:s16+$0x50];
	vm1 =	vlt.u32 v13, $0x100000;
	[tilespmem:s17+$0x4050] =	vst v14;
	v14 =	vsel vm0, v7, v2  }
0xdd: {  	vm0 =	vlt.u32 v10, $0x100000;
	v11 =	vsub.s32 v11, v4;
	v7 =	vld [tilespmem:s16+$0x60];
	v12 =	vsel vm1, v13, v3;
	[tilespmem:s17+$0x4060] =	vst v14;
	s17 =	smov.u32 s16;
	s16 =	sshra.s32 s18, $0x2;
	s18 =	sadd.s32 $0x200, s18  }
0xde: {  	v13 =	vld [tilespmem:s16+$0x70];
	[tilespmem:s17+$0x4070] =	vst v12;
	v10 =	vsel vm0, v10, v0;
	vm0 =	vlt.u32 v11, $0x100000;
	v9 =	vsub.s32 v9, v4  }
0xdf: {  	v12 =	vld [tilespmem:s16+$0x0];
	[tilespmem:s17+$0x4000] =	vst v10;
	v10 =	vsel vm0, v11, v1;
	vm0 =	vlt.u32 v9, $0x100000;
	v8 =	vsub.s32 v8, v4  }
0xe0: {  	v11 =	vld [tilespmem:s16+$0x10];
	[tilespmem:s17+$0x4010] =	vst v10;
	v9 =	vsel vm0, v9, v2;
	vm0 =	vlt.u32 v8, $0x100000;
	v6 =	vsub.s32 v6, v4  }
0xe1: {  	v10 =	vld [tilespmem:s16+$0x20];
	[tilespmem:s17+$0x4020] =	vst v9;
	v8 =	vsel vm0, v8, v3;
	vm0 =	vlt.u32 v6, $0x100000  }
0xe2: {  	v5 =	vsub.s32 v5, v4;
	v9 =	vld [tilespmem:s16+$0x30];
	[tilespmem:s17+$0x4030] =	vst v8;
	v6 =	vsel vm0, v6, v0  }
0xe3: {  	vm0 =	vlt.u32 v5, $0x100000;
	v8 =	vld [tilespmem:s16+$0x40];
	[tilespmem:s17+$0x4040] =	vst v6;
	v6 =	vsub.s32 v7, v4  }
0xe4: {  	v5 =	vsel vm0, v5, v1;
	v13 =	vsub.s32 v13, v4;
	vm0 =	vlt.u32 v6, $0x100000  }
0xe5: {  	v7 =	vld [tilespmem:s16+$0x50];
	[tilespmem:s17+$0x4050] =	vst v5;
	v5 =	vsub.s32 v12, v4;
	vm1 =	vlt.u32 v13, $0x100000;
	v6 =	vsel vm0, v6, v2  }
0xe6: {  	v12 =	vld [tilespmem:s16+$0x60];
	vm0 =	vlt.u32 v5, $0x100000;
	v11 =	vsub.s32 v11, v4;
	v13 =	vsel vm1, v13, v3;
	[tilespmem:s17+$0x4060] =	vst v6  }
0xe7: {  	v5 =	vsel vm0, v5, v0;
	vm0 =	vlt.u32 v11, $0x100000;
	v6 =	vsub.s32 v10, v4;
	[tilespmem:s16+$0x4070] =	vst v13  }
0xe8: {  	[tilespmem:s16+$0x4000] =	vst v5;
	v5 =	vsel vm0, v11, v1;
	vm0 =	vlt.u32 v6, $0x100000;
	v9 =	vsub.s32 v9, v4  }
0xe9: {  	[tilespmem:s16+$0x4010] =	vst v5;
	v5 =	vsel vm0, v6, v2;
	vm0 =	vlt.u32 v9, $0x100000;
	v6 =	vsub.s32 v8, v4  }
0xea: {  	[tilespmem:s16+$0x4020] =	vst v5;
	v5 =	vsel vm0, v9, v3;
	vm0 =	vlt.u32 v6, $0x100000;
	v7 =	vsub.s32 v7, v4  }
0xeb: {  	[tilespmem:s16+$0x4030] =	vst v5;
	v5 =	vsel vm0, v6, v0;
	vm0 =	vlt.u32 v7, $0x100000;
	v6 =	vsub.s32 v12, v4  }
0xec: {  	[tilespmem:s16+$0x4040] =	vst v5;
	v5 =	vsel vm0, v7, v1;
	vm0 =	vlt.u32 v6, $0x100000  }
0xed: {  	[tilespmem:s16+$0x4050] =	vst v5;
	v5 =	vsel vm0, v6, v2  }
0xee: {  	[tilespmem:s16+$0x4060] =	vst v5  }
0xef: {  	_ =	swait.ge [sflag:s11], $0x2000  }
0xf0: {  	[sflag:s11] =	ssyncset.done $0x0  }
0xf1: {  	[sflag:s11] =	ssyncadd.s32 $0xFFFFE000  }
0xf2: {  	[spmem:s2] =	stream.indirect.scatter [tilespmem:s31], [sflag:$0x3], $0x1, s5, s4, $0xb8;
	[tilespmem:$0x1C040] =	vst v63  }
0xf3: {  	_ =	swait.ge [sflag:s8], $0x2000  }
0xf4: {  	[sflag:s8] =	ssyncset.done $0x0  }
0xf5: {  	s17 =	simm.s32 $0x0;
	s18 =	rddreg [dreg:$0x9];
	[sflag:s8] =	ssyncadd.s32 $0xFFFFE000  }
0xf6: {  	[tilespmem:s17], [sflag:$0x1] =	stream.linear.gather [hbm4b:s18+s17], $0x2000, $0x38;
	[tilespmem:$0x1C040] =	vst v63  }
0xf7: {  	s17 =	simm.s32 $0x0  }
0xf8: {  	v5 =	vld [tilespmem:s17+$0x2070]  }
0xf9: {  	v7 =	vld [tilespmem:s17+$0x2000]  }
0xfa: {  	v11 =	vld [tilespmem:s17+$0x2010]  }
0xfb: {  	v9 =	vld [tilespmem:s17+$0x2020]  }
0xfc: {  	v8 =	vld [tilespmem:s17+$0x2030]  }
0xfd: {  	v6 =	vld [tilespmem:s17+$0x2040];
	v12 =	vsub.s32 v5, v4  }
0xfe: {  	v10 =	vsub.s32 v7, v4;
	v5 =	vld [tilespmem:s17+$0x2050];
	vm1 =	vlt.u32 v12, $0x100000  }
0xff: {  	s16 =	simm.s32 $0x80;
	s18 =	simm.s32 $0x400;
	v11 =	vsub.s32 v11, v4;
	v7 =	vld [tilespmem:s17+$0x2060];
	vm0 =	vlt.u32 v10, $0x100000;
	v12 =	vsel vm1, v12, v3  }
.LBB2_12:
0x100: {  	p0 =	sne.s32 s18, $0x7E00;
	v13 =	vld [tilespmem:s16+$0x2070];
	v10 =	vsel vm0, v10, v0;
	vm0 =	vlt.u32 v11, $0x100000;
	v9 =	vsub.s32 v9, v4;
	[tilespmem:s17+$0x6070] =	vst v12  }
0x101: {  	v12 =	vld [tilespmem:s16+$0x2000];
	[tilespmem:s17+$0x6000] =	vst v10;
	v10 =	vsel vm0, v11, v1;
	vm0 =	vlt.u32 v9, $0x100000;
	v8 =	vsub.s32 v8, v4  }
0x102: {  	v11 =	vld [tilespmem:s16+$0x2010];
	[tilespmem:s17+$0x6010] =	vst v10;
	v10 =	vsel vm0, v9, v2;
	vm0 =	vlt.u32 v8, $0x100000;
	v6 =	vsub.s32 v6, v4  }
.Ltmp5:
0x103: {  	v9 =	vld [tilespmem:s16+$0x2020];
	[tilespmem:s17+$0x6020] =	vst v10;
	v10 =	vsel vm0, v8, v3;
	vm0 =	vlt.u32 v6, $0x100000;
	v5 =	vsub.s32 v5, v4;
	(pc) =	sbr.rel @p0 .LBB2_12-.Ltmp5, $4  }
0x104: {  	v8 =	vld [tilespmem:s16+$0x2030];
	[tilespmem:s17+$0x6030] =	vst v10;
	v10 =	vsel vm0, v6, v0;
	vm0 =	vlt.u32 v5, $0x100000;
	v7 =	vsub.s32 v7, v4  }
0x105: {  	v6 =	vld [tilespmem:s16+$0x2040];
	v13 =	vsub.s32 v13, v4;
	[tilespmem:s17+$0x6040] =	vst v10;
	v14 =	vsel vm0, v5, v1;
	vm0 =	vlt.u32 v7, $0x100000  }
0x106: {  	v10 =	vsub.s32 v12, v4;
	v5 =	vld [tilespmem:s16+$0x2050];
	vm1 =	vlt.u32 v13, $0x100000;
	[tilespmem:s17+$0x6050] =	vst v14;
	v14 =	vsel vm0, v7, v2  }
0x107: {  	vm0 =	vlt.u32 v10, $0x100000;
	v11 =	vsub.s32 v11, v4;
	v7 =	vld [tilespmem:s16+$0x2060];
	v12 =	vsel vm1, v13, v3;
	[tilespmem:s17+$0x6060] =	vst v14;
	s17 =	smov.u32 s16;
	s16 =	sshra.s32 s18, $0x2;
	s18 =	sadd.s32 $0x200, s18  }
0x108: {  	v13 =	vld [tilespmem:s16+$0x2070];
	[tilespmem:s17+$0x6070] =	vst v12;
	v10 =	vsel vm0, v10, v0;
	vm0 =	vlt.u32 v11, $0x100000;
	v9 =	vsub.s32 v9, v4  }
0x109: {  	v12 =	vld [tilespmem:s16+$0x2000];
	[tilespmem:s17+$0x6000] =	vst v10;
	v10 =	vsel vm0, v11, v1;
	vm0 =	vlt.u32 v9, $0x100000;
	v8 =	vsub.s32 v8, v4  }
0x10a: {  	v11 =	vld [tilespmem:s16+$0x2010];
	[tilespmem:s17+$0x6010] =	vst v10;
	v9 =	vsel vm0, v9, v2;
	vm0 =	vlt.u32 v8, $0x100000;
	v6 =	vsub.s32 v6, v4  }
0x10b: {  	v10 =	vld [tilespmem:s16+$0x2020];
	[tilespmem:s17+$0x6020] =	vst v9;
	v8 =	vsel vm0, v8, v3;
	vm0 =	vlt.u32 v6, $0x100000  }
0x10c: {  	v5 =	vsub.s32 v5, v4;
	v9 =	vld [tilespmem:s16+$0x2030];
	[tilespmem:s17+$0x6030] =	vst v8;
	v6 =	vsel vm0, v6, v0  }
0x10d: {  	vm0 =	vlt.u32 v5, $0x100000;
	v8 =	vld [tilespmem:s16+$0x2040];
	[tilespmem:s17+$0x6040] =	vst v6;
	v6 =	vsub.s32 v7, v4  }
0x10e: {  	v5 =	vsel vm0, v5, v1;
	v13 =	vsub.s32 v13, v4;
	vm0 =	vlt.u32 v6, $0x100000  }
0x10f: {  	v7 =	vld [tilespmem:s16+$0x2050];
	[tilespmem:s17+$0x6050] =	vst v5;
	v5 =	vsub.s32 v12, v4;
	vm1 =	vlt.u32 v13, $0x100000;
	v6 =	vsel vm0, v6, v2  }
0x110: {  	v12 =	vld [tilespmem:s16+$0x2060];
	vm0 =	vlt.u32 v5, $0x100000;
	v11 =	vsub.s32 v11, v4;
	v13 =	vsel vm1, v13, v3;
	[tilespmem:s17+$0x6060] =	vst v6  }
0x111: {  	v5 =	vsel vm0, v5, v0;
	vm0 =	vlt.u32 v11, $0x100000;
	v6 =	vsub.s32 v10, v4;
	[tilespmem:s16+$0x6070] =	vst v13  }
0x112: {  	[tilespmem:s16+$0x6000] =	vst v5;
	v5 =	vsel vm0, v11, v1;
	vm0 =	vlt.u32 v6, $0x100000;
	v9 =	vsub.s32 v9, v4  }
0x113: {  	[tilespmem:s16+$0x6010] =	vst v5;
	v5 =	vsel vm0, v6, v2;
	vm0 =	vlt.u32 v9, $0x100000;
	v6 =	vsub.s32 v8, v4  }
0x114: {  	[tilespmem:s16+$0x6020] =	vst v5;
	v5 =	vsel vm0, v9, v3;
	vm0 =	vlt.u32 v6, $0x100000;
	v7 =	vsub.s32 v7, v4  }
0x115: {  	[tilespmem:s16+$0x6030] =	vst v5;
	v5 =	vsel vm0, v6, v0;
	vm0 =	vlt.u32 v7, $0x100000;
	v6 =	vsub.s32 v12, v4  }
0x116: {  	[tilespmem:s16+$0x6040] =	vst v5;
	v5 =	vsel vm0, v7, v1;
	vm0 =	vlt.u32 v6, $0x100000  }
0x117: {  	[tilespmem:s16+$0x6050] =	vst v5;
	v5 =	vsel vm0, v6, v2  }
0x118: {  	[tilespmem:s16+$0x6060] =	vst v5  }
0x119: {  	_ =	swait.ge [sflag:s9], $0x2000  }
0x11a: {  	[sflag:s9] =	ssyncset.done $0x0  }
0x11b: {  	[sflag:s9] =	ssyncadd.s32 $0xFFFFE000  }
0x11c: {  	[spmem:s2] =	stream.indirect.scatter [tilespmem:s31], [sflag:$0x4], $0x1, s10, s4, $0xb8;
	[tilespmem:$0x1C040] =	vst v63  }
0x11d: {  	_ =	swait.ge [sflag:s1], $0x2000  }
0x11e: {  	[sflag:s1] =	ssyncset.done $0x0  }
0x11f: {  	s17 =	simm.s32 $0x0;
	s18 =	rddreg [dreg:$0xa];
	[sflag:s1] =	ssyncadd.s32 $0xFFFFE000  }
0x120: {  	[tilespmem:s4], [sflag:$0x2] =	stream.linear.gather [hbm4b:s18+s17], $0x2000, $0x38;
	[tilespmem:$0x1C040] =	vst v63  }
0x121: {  	s17 =	simm.s32 $0x0  }
0x122: {  	v5 =	vld [tilespmem:s17+$0x70]  }
0x123: {  	v7 =	vld [tilespmem:s17+$0x0]  }
0x124: {  	v11 =	vld [tilespmem:s17+$0x10]  }
0x125: {  	v9 =	vld [tilespmem:s17+$0x20]  }
0x126: {  	v8 =	vld [tilespmem:s17+$0x30]  }
0x127: {  	v6 =	vld [tilespmem:s17+$0x40];
	v12 =	vsub.s32 v5, v4  }
0x128: {  	v10 =	vsub.s32 v7, v4;
	v5 =	vld [tilespmem:s17+$0x50];
	vm1 =	vlt.u32 v12, $0x100000  }
0x129: {  	s16 =	simm.s32 $0x80;
	s18 =	simm.s32 $0x400;
	v11 =	vsub.s32 v11, v4;
	v7 =	vld [tilespmem:s17+$0x60];
	vm0 =	vlt.u32 v10, $0x100000;
	v12 =	vsel vm1, v12, v3  }
.LBB2_14:
0x12a: {  	p0 =	sne.s32 s18, $0x7E00;
	v13 =	vld [tilespmem:s16+$0x70];
	v10 =	vsel vm0, v10, v0;
	vm0 =	vlt.u32 v11, $0x100000;
	v9 =	vsub.s32 v9, v4;
	[tilespmem:s17+$0x4070] =	vst v12  }
0x12b: {  	v12 =	vld [tilespmem:s16+$0x0];
	[tilespmem:s17+$0x4000] =	vst v10;
	v10 =	vsel vm0, v11, v1;
	vm0 =	vlt.u32 v9, $0x100000;
	v8 =	vsub.s32 v8, v4  }
0x12c: {  	v11 =	vld [tilespmem:s16+$0x10];
	[tilespmem:s17+$0x4010] =	vst v10;
	v10 =	vsel vm0, v9, v2;
	vm0 =	vlt.u32 v8, $0x100000;
	v6 =	vsub.s32 v6, v4  }
.Ltmp6:
0x12d: {  	v9 =	vld [tilespmem:s16+$0x20];
	[tilespmem:s17+$0x4020] =	vst v10;
	v10 =	vsel vm0, v8, v3;
	vm0 =	vlt.u32 v6, $0x100000;
	v5 =	vsub.s32 v5, v4;
	(pc) =	sbr.rel @p0 .LBB2_14-.Ltmp6, $4  }
0x12e: {  	v8 =	vld [tilespmem:s16+$0x30];
	[tilespmem:s17+$0x4030] =	vst v10;
	v10 =	vsel vm0, v6, v0;
	vm0 =	vlt.u32 v5, $0x100000;
	v7 =	vsub.s32 v7, v4  }
0x12f: {  	v6 =	vld [tilespmem:s16+$0x40];
	v13 =	vsub.s32 v13, v4;
	[tilespmem:s17+$0x4040] =	vst v10;
	v14 =	vsel vm0, v5, v1;
	vm0 =	vlt.u32 v7, $0x100000  }
0x130: {  	v10 =	vsub.s32 v12, v4;
	v5 =	vld [tilespmem:s16+$0x50];
	vm1 =	vlt.u32 v13, $0x100000;
	[tilespmem:s17+$0x4050] =	vst v14;
	v14 =	vsel vm0, v7, v2  }
0x131: {  	vm0 =	vlt.u32 v10, $0x100000;
	v11 =	vsub.s32 v11, v4;
	v7 =	vld [tilespmem:s16+$0x60];
	v12 =	vsel vm1, v13, v3;
	[tilespmem:s17+$0x4060] =	vst v14;
	s17 =	smov.u32 s16;
	s16 =	sshra.s32 s18, $0x2;
	s18 =	sadd.s32 $0x200, s18  }
0x132: {  	v13 =	vld [tilespmem:s16+$0x70];
	[tilespmem:s17+$0x4070] =	vst v12;
	v10 =	vsel vm0, v10, v0;
	vm0 =	vlt.u32 v11, $0x100000;
	v9 =	vsub.s32 v9, v4  }
0x133: {  	v12 =	vld [tilespmem:s16+$0x0];
	[tilespmem:s17+$0x4000] =	vst v10;
	v10 =	vsel vm0, v11, v1;
	vm0 =	vlt.u32 v9, $0x100000;
	v8 =	vsub.s32 v8, v4  }
0x134: {  	v11 =	vld [tilespmem:s16+$0x10];
	[tilespmem:s17+$0x4010] =	vst v10;
	v9 =	vsel vm0, v9, v2;
	vm0 =	vlt.u32 v8, $0x100000;
	v6 =	vsub.s32 v6, v4  }
0x135: {  	v10 =	vld [tilespmem:s16+$0x20];
	[tilespmem:s17+$0x4020] =	vst v9;
	v8 =	vsel vm0, v8, v3;
	vm0 =	vlt.u32 v6, $0x100000  }
0x136: {  	v5 =	vsub.s32 v5, v4;
	v9 =	vld [tilespmem:s16+$0x30];
	[tilespmem:s17+$0x4030] =	vst v8;
	v6 =	vsel vm0, v6, v0  }
0x137: {  	vm0 =	vlt.u32 v5, $0x100000;
	v8 =	vld [tilespmem:s16+$0x40];
	[tilespmem:s17+$0x4040] =	vst v6;
	v6 =	vsub.s32 v7, v4  }
0x138: {  	v5 =	vsel vm0, v5, v1;
	v13 =	vsub.s32 v13, v4;
	vm0 =	vlt.u32 v6, $0x100000  }
0x139: {  	v7 =	vld [tilespmem:s16+$0x50];
	[tilespmem:s17+$0x4050] =	vst v5;
	v5 =	vsub.s32 v12, v4;
	vm1 =	vlt.u32 v13, $0x100000;
	v6 =	vsel vm0, v6, v2  }
0x13a: {  	v12 =	vld [tilespmem:s16+$0x60];
	vm0 =	vlt.u32 v5, $0x100000;
	v11 =	vsub.s32 v11, v4;
	v13 =	vsel vm1, v13, v3;
	[tilespmem:s17+$0x4060] =	vst v6  }
0x13b: {  	v5 =	vsel vm0, v5, v0;
	vm0 =	vlt.u32 v11, $0x100000;
	v6 =	vsub.s32 v10, v4;
	[tilespmem:s16+$0x4070] =	vst v13  }
0x13c: {  	[tilespmem:s16+$0x4000] =	vst v5;
	v5 =	vsel vm0, v11, v1;
	vm0 =	vlt.u32 v6, $0x100000;
	v9 =	vsub.s32 v9, v4  }
0x13d: {  	[tilespmem:s16+$0x4010] =	vst v5;
	v5 =	vsel vm0, v6, v2;
	vm0 =	vlt.u32 v9, $0x100000;
	v6 =	vsub.s32 v8, v4  }
0x13e: {  	[tilespmem:s16+$0x4020] =	vst v5;
	v5 =	vsel vm0, v9, v3;
	vm0 =	vlt.u32 v6, $0x100000;
	v7 =	vsub.s32 v7, v4  }
0x13f: {  	[tilespmem:s16+$0x4030] =	vst v5;
	v5 =	vsel vm0, v6, v0;
	vm0 =	vlt.u32 v7, $0x100000;
	v6 =	vsub.s32 v12, v4  }
0x140: {  	[tilespmem:s16+$0x4040] =	vst v5;
	v5 =	vsel vm0, v7, v1;
	vm0 =	vlt.u32 v6, $0x100000  }
0x141: {  	[tilespmem:s16+$0x4050] =	vst v5;
	v5 =	vsel vm0, v6, v2  }
0x142: {  	[tilespmem:s16+$0x4060] =	vst v5  }
0x143: {  	_ =	swait.ge [sflag:s11], $0x2000  }
0x144: {  	[sflag:s11] =	ssyncset.done $0x0  }
0x145: {  	[sflag:s11] =	ssyncadd.s32 $0xFFFFE000  }
0x146: {  	[spmem:s2] =	stream.indirect.scatter [tilespmem:s31], [sflag:$0x3], $0x1, s5, s4, $0xb8;
	[tilespmem:$0x1C040] =	vst v63  }
0x147: {  	_ =	swait.ge [sflag:s8], $0x2000  }
0x148: {  	[sflag:s8] =	ssyncset.done $0x0  }
0x149: {  	s17 =	simm.s32 $0x0;
	s18 =	rddreg [dreg:$0xb];
	[sflag:s8] =	ssyncadd.s32 $0xFFFFE000  }
0x14a: {  	[tilespmem:s17], [sflag:$0x1] =	stream.linear.gather [hbm4b:s18+s17], $0x2000, $0x38;
	[tilespmem:$0x1C040] =	vst v63  }
0x14b: {  	s17 =	simm.s32 $0x0  }
0x14c: {  	v5 =	vld [tilespmem:s17+$0x2070]  }
0x14d: {  	v7 =	vld [tilespmem:s17+$0x2000]  }
0x14e: {  	v11 =	vld [tilespmem:s17+$0x2010]  }
0x14f: {  	v9 =	vld [tilespmem:s17+$0x2020]  }
0x150: {  	v8 =	vld [tilespmem:s17+$0x2030]  }
0x151: {  	v6 =	vld [tilespmem:s17+$0x2040];
	v12 =	vsub.s32 v5, v4  }
0x152: {  	v10 =	vsub.s32 v7, v4;
	v5 =	vld [tilespmem:s17+$0x2050];
	vm1 =	vlt.u32 v12, $0x100000  }
0x153: {  	s16 =	simm.s32 $0x80;
	s18 =	simm.s32 $0x400;
	v11 =	vsub.s32 v11, v4;
	v7 =	vld [tilespmem:s17+$0x2060];
	vm0 =	vlt.u32 v10, $0x100000;
	v12 =	vsel vm1, v12, v3  }
.LBB2_16:
0x154: {  	p0 =	sne.s32 s18, $0x7E00;
	v13 =	vld [tilespmem:s16+$0x2070];
	v10 =	vsel vm0, v10, v0;
	vm0 =	vlt.u32 v11, $0x100000;
	v9 =	vsub.s32 v9, v4;
	[tilespmem:s17+$0x6070] =	vst v12  }
0x155: {  	v12 =	vld [tilespmem:s16+$0x2000];
	[tilespmem:s17+$0x6000] =	vst v10;
	v10 =	vsel vm0, v11, v1;
	vm0 =	vlt.u32 v9, $0x100000;
	v8 =	vsub.s32 v8, v4  }
0x156: {  	v11 =	vld [tilespmem:s16+$0x2010];
	[tilespmem:s17+$0x6010] =	vst v10;
	v10 =	vsel vm0, v9, v2;
	vm0 =	vlt.u32 v8, $0x100000;
	v6 =	vsub.s32 v6, v4  }
.Ltmp7:
0x157: {  	v9 =	vld [tilespmem:s16+$0x2020];
	[tilespmem:s17+$0x6020] =	vst v10;
	v10 =	vsel vm0, v8, v3;
	vm0 =	vlt.u32 v6, $0x100000;
	v5 =	vsub.s32 v5, v4;
	(pc) =	sbr.rel @p0 .LBB2_16-.Ltmp7, $4  }
0x158: {  	v8 =	vld [tilespmem:s16+$0x2030];
	[tilespmem:s17+$0x6030] =	vst v10;
	v10 =	vsel vm0, v6, v0;
	vm0 =	vlt.u32 v5, $0x100000;
	v7 =	vsub.s32 v7, v4  }
0x159: {  	v6 =	vld [tilespmem:s16+$0x2040];
	v13 =	vsub.s32 v13, v4;
	[tilespmem:s17+$0x6040] =	vst v10;
	v14 =	vsel vm0, v5, v1;
	vm0 =	vlt.u32 v7, $0x100000  }
0x15a: {  	v10 =	vsub.s32 v12, v4;
	v5 =	vld [tilespmem:s16+$0x2050];
	vm1 =	vlt.u32 v13, $0x100000;
	[tilespmem:s17+$0x6050] =	vst v14;
	v14 =	vsel vm0, v7, v2  }
0x15b: {  	vm0 =	vlt.u32 v10, $0x100000;
	v11 =	vsub.s32 v11, v4;
	v7 =	vld [tilespmem:s16+$0x2060];
	v12 =	vsel vm1, v13, v3;
	[tilespmem:s17+$0x6060] =	vst v14;
	s17 =	smov.u32 s16;
	s16 =	sshra.s32 s18, $0x2;
	s18 =	sadd.s32 $0x200, s18  }
0x15c: {  	v13 =	vld [tilespmem:s16+$0x2070];
	[tilespmem:s17+$0x6070] =	vst v12;
	v10 =	vsel vm0, v10, v0;
	vm0 =	vlt.u32 v11, $0x100000;
	v9 =	vsub.s32 v9, v4  }
0x15d: {  	v12 =	vld [tilespmem:s16+$0x2000];
	[tilespmem:s17+$0x6000] =	vst v10;
	v10 =	vsel vm0, v11, v1;
	vm0 =	vlt.u32 v9, $0x100000;
	v8 =	vsub.s32 v8, v4  }
0x15e: {  	v11 =	vld [tilespmem:s16+$0x2010];
	[tilespmem:s17+$0x6010] =	vst v10;
	v9 =	vsel vm0, v9, v2;
	vm0 =	vlt.u32 v8, $0x100000;
	v6 =	vsub.s32 v6, v4  }
0x15f: {  	v10 =	vld [tilespmem:s16+$0x2020];
	[tilespmem:s17+$0x6020] =	vst v9;
	v8 =	vsel vm0, v8, v3;
	vm0 =	vlt.u32 v6, $0x100000  }
0x160: {  	v5 =	vsub.s32 v5, v4;
	v9 =	vld [tilespmem:s16+$0x2030];
	[tilespmem:s17+$0x6030] =	vst v8;
	v6 =	vsel vm0, v6, v0  }
0x161: {  	vm0 =	vlt.u32 v5, $0x100000;
	v8 =	vld [tilespmem:s16+$0x2040];
	[tilespmem:s17+$0x6040] =	vst v6;
	v6 =	vsub.s32 v7, v4  }
0x162: {  	v5 =	vsel vm0, v5, v1;
	v13 =	vsub.s32 v13, v4;
	vm0 =	vlt.u32 v6, $0x100000  }
0x163: {  	v7 =	vld [tilespmem:s16+$0x2050];
	[tilespmem:s17+$0x6050] =	vst v5;
	v5 =	vsub.s32 v12, v4;
	vm1 =	vlt.u32 v13, $0x100000;
	v6 =	vsel vm0, v6, v2  }
0x164: {  	v12 =	vld [tilespmem:s16+$0x2060];
	vm0 =	vlt.u32 v5, $0x100000;
	v11 =	vsub.s32 v11, v4;
	v13 =	vsel vm1, v13, v3;
	[tilespmem:s17+$0x6060] =	vst v6  }
0x165: {  	v5 =	vsel vm0, v5, v0;
	vm0 =	vlt.u32 v11, $0x100000;
	v6 =	vsub.s32 v10, v4;
	[tilespmem:s16+$0x6070] =	vst v13  }
0x166: {  	[tilespmem:s16+$0x6000] =	vst v5;
	v5 =	vsel vm0, v11, v1;
	vm0 =	vlt.u32 v6, $0x100000;
	v9 =	vsub.s32 v9, v4  }
0x167: {  	[tilespmem:s16+$0x6010] =	vst v5;
	v5 =	vsel vm0, v6, v2;
	vm0 =	vlt.u32 v9, $0x100000;
	v6 =	vsub.s32 v8, v4  }
0x168: {  	[tilespmem:s16+$0x6020] =	vst v5;
	v5 =	vsel vm0, v9, v3;
	vm0 =	vlt.u32 v6, $0x100000;
	v7 =	vsub.s32 v7, v4  }
0x169: {  	[tilespmem:s16+$0x6030] =	vst v5;
	v5 =	vsel vm0, v6, v0;
	vm0 =	vlt.u32 v7, $0x100000;
	v6 =	vsub.s32 v12, v4  }
0x16a: {  	[tilespmem:s16+$0x6040] =	vst v5;
	v5 =	vsel vm0, v7, v1;
	vm0 =	vlt.u32 v6, $0x100000  }
0x16b: {  	[tilespmem:s16+$0x6050] =	vst v5;
	v5 =	vsel vm0, v6, v2  }
0x16c: {  	[tilespmem:s16+$0x6060] =	vst v5  }
0x16d: {  	_ =	swait.ge [sflag:s9], $0x2000  }
0x16e: {  	[sflag:s9] =	ssyncset.done $0x0  }
0x16f: {  	[sflag:s9] =	ssyncadd.s32 $0xFFFFE000  }
0x170: {  	[spmem:s2] =	stream.indirect.scatter [tilespmem:s31], [sflag:$0x4], $0x1, s10, s4, $0xb8;
	[tilespmem:$0x1C040] =	vst v63  }
0x171: {  	_ =	swait.ge [sflag:s1], $0x2000  }
0x172: {  	[sflag:s1] =	ssyncset.done $0x0  }
0x173: {  	s17 =	simm.s32 $0x0;
	s18 =	rddreg [dreg:$0xc];
	[sflag:s1] =	ssyncadd.s32 $0xFFFFE000  }
0x174: {  	[tilespmem:s4], [sflag:$0x2] =	stream.linear.gather [hbm4b:s18+s17], $0x2000, $0x38;
	[tilespmem:$0x1C040] =	vst v63  }
0x175: {  	s17 =	simm.s32 $0x0  }
0x176: {  	v5 =	vld [tilespmem:s17+$0x70]  }
0x177: {  	v7 =	vld [tilespmem:s17+$0x0]  }
0x178: {  	v11 =	vld [tilespmem:s17+$0x10]  }
0x179: {  	v9 =	vld [tilespmem:s17+$0x20]  }
0x17a: {  	v8 =	vld [tilespmem:s17+$0x30]  }
0x17b: {  	v6 =	vld [tilespmem:s17+$0x40];
	v12 =	vsub.s32 v5, v4  }
0x17c: {  	v10 =	vsub.s32 v7, v4;
	v5 =	vld [tilespmem:s17+$0x50];
	vm1 =	vlt.u32 v12, $0x100000  }
0x17d: {  	s16 =	simm.s32 $0x80;
	s18 =	simm.s32 $0x400;
	v11 =	vsub.s32 v11, v4;
	v7 =	vld [tilespmem:s17+$0x60];
	vm0 =	vlt.u32 v10, $0x100000;
	v12 =	vsel vm1, v12, v3  }
.LBB2_18:
0x17e: {  	p0 =	sne.s32 s18, $0x7E00;
	v13 =	vld [tilespmem:s16+$0x70];
	v10 =	vsel vm0, v10, v0;
	vm0 =	vlt.u32 v11, $0x100000;
	v9 =	vsub.s32 v9, v4;
	[tilespmem:s17+$0x4070] =	vst v12  }
0x17f: {  	v12 =	vld [tilespmem:s16+$0x0];
	[tilespmem:s17+$0x4000] =	vst v10;
	v10 =	vsel vm0, v11, v1;
	vm0 =	vlt.u32 v9, $0x100000;
	v8 =	vsub.s32 v8, v4  }
0x180: {  	v11 =	vld [tilespmem:s16+$0x10];
	[tilespmem:s17+$0x4010] =	vst v10;
	v10 =	vsel vm0, v9, v2;
	vm0 =	vlt.u32 v8, $0x100000;
	v6 =	vsub.s32 v6, v4  }
.Ltmp8:
0x181: {  	v9 =	vld [tilespmem:s16+$0x20];
	[tilespmem:s17+$0x4020] =	vst v10;
	v10 =	vsel vm0, v8, v3;
	vm0 =	vlt.u32 v6, $0x100000;
	v5 =	vsub.s32 v5, v4;
	(pc) =	sbr.rel @p0 .LBB2_18-.Ltmp8, $4  }
0x182: {  	v8 =	vld [tilespmem:s16+$0x30];
	[tilespmem:s17+$0x4030] =	vst v10;
	v10 =	vsel vm0, v6, v0;
	vm0 =	vlt.u32 v5, $0x100000;
	v7 =	vsub.s32 v7, v4  }
0x183: {  	v6 =	vld [tilespmem:s16+$0x40];
	v13 =	vsub.s32 v13, v4;
	[tilespmem:s17+$0x4040] =	vst v10;
	v14 =	vsel vm0, v5, v1;
	vm0 =	vlt.u32 v7, $0x100000  }
0x184: {  	v10 =	vsub.s32 v12, v4;
	v5 =	vld [tilespmem:s16+$0x50];
	vm1 =	vlt.u32 v13, $0x100000;
	[tilespmem:s17+$0x4050] =	vst v14;
	v14 =	vsel vm0, v7, v2  }
0x185: {  	vm0 =	vlt.u32 v10, $0x100000;
	v11 =	vsub.s32 v11, v4;
	v7 =	vld [tilespmem:s16+$0x60];
	v12 =	vsel vm1, v13, v3;
	[tilespmem:s17+$0x4060] =	vst v14;
	s17 =	smov.u32 s16;
	s16 =	sshra.s32 s18, $0x2;
	s18 =	sadd.s32 $0x200, s18  }
0x186: {  	v13 =	vld [tilespmem:s16+$0x70];
	[tilespmem:s17+$0x4070] =	vst v12;
	v10 =	vsel vm0, v10, v0;
	vm0 =	vlt.u32 v11, $0x100000;
	v9 =	vsub.s32 v9, v4  }
0x187: {  	v12 =	vld [tilespmem:s16+$0x0];
	[tilespmem:s17+$0x4000] =	vst v10;
	v10 =	vsel vm0, v11, v1;
	vm0 =	vlt.u32 v9, $0x100000;
	v8 =	vsub.s32 v8, v4  }
0x188: {  	v11 =	vld [tilespmem:s16+$0x10];
	[tilespmem:s17+$0x4010] =	vst v10;
	v9 =	vsel vm0, v9, v2;
	vm0 =	vlt.u32 v8, $0x100000;
	v6 =	vsub.s32 v6, v4  }
0x189: {  	v10 =	vld [tilespmem:s16+$0x20];
	[tilespmem:s17+$0x4020] =	vst v9;
	v8 =	vsel vm0, v8, v3;
	vm0 =	vlt.u32 v6, $0x100000  }
0x18a: {  	v5 =	vsub.s32 v5, v4;
	v9 =	vld [tilespmem:s16+$0x30];
	[tilespmem:s17+$0x4030] =	vst v8;
	v6 =	vsel vm0, v6, v0  }
0x18b: {  	vm0 =	vlt.u32 v5, $0x100000;
	v8 =	vld [tilespmem:s16+$0x40];
	[tilespmem:s17+$0x4040] =	vst v6;
	v6 =	vsub.s32 v7, v4  }
0x18c: {  	v5 =	vsel vm0, v5, v1;
	v13 =	vsub.s32 v13, v4;
	vm0 =	vlt.u32 v6, $0x100000  }
0x18d: {  	v7 =	vld [tilespmem:s16+$0x50];
	[tilespmem:s17+$0x4050] =	vst v5;
	v5 =	vsub.s32 v12, v4;
	vm1 =	vlt.u32 v13, $0x100000;
	v6 =	vsel vm0, v6, v2  }
0x18e: {  	v12 =	vld [tilespmem:s16+$0x60];
	vm0 =	vlt.u32 v5, $0x100000;
	v11 =	vsub.s32 v11, v4;
	v13 =	vsel vm1, v13, v3;
	[tilespmem:s17+$0x4060] =	vst v6  }
0x18f: {  	v5 =	vsel vm0, v5, v0;
	vm0 =	vlt.u32 v11, $0x100000;
	v6 =	vsub.s32 v10, v4;
	[tilespmem:s16+$0x4070] =	vst v13  }
0x190: {  	[tilespmem:s16+$0x4000] =	vst v5;
	v5 =	vsel vm0, v11, v1;
	vm0 =	vlt.u32 v6, $0x100000;
	v9 =	vsub.s32 v9, v4  }
0x191: {  	[tilespmem:s16+$0x4010] =	vst v5;
	v5 =	vsel vm0, v6, v2;
	vm0 =	vlt.u32 v9, $0x100000;
	v6 =	vsub.s32 v8, v4  }
0x192: {  	[tilespmem:s16+$0x4020] =	vst v5;
	v5 =	vsel vm0, v9, v3;
	vm0 =	vlt.u32 v6, $0x100000;
	v7 =	vsub.s32 v7, v4  }
0x193: {  	[tilespmem:s16+$0x4030] =	vst v5;
	v5 =	vsel vm0, v6, v0;
	vm0 =	vlt.u32 v7, $0x100000;
	v6 =	vsub.s32 v12, v4  }
0x194: {  	[tilespmem:s16+$0x4040] =	vst v5;
	v5 =	vsel vm0, v7, v1;
	vm0 =	vlt.u32 v6, $0x100000  }
0x195: {  	[tilespmem:s16+$0x4050] =	vst v5;
	v5 =	vsel vm0, v6, v2  }
0x196: {  	[tilespmem:s16+$0x4060] =	vst v5  }
0x197: {  	_ =	swait.ge [sflag:s11], $0x2000  }
0x198: {  	[sflag:s11] =	ssyncset.done $0x0  }
0x199: {  	[sflag:s11] =	ssyncadd.s32 $0xFFFFE000  }
0x19a: {  	[spmem:s2] =	stream.indirect.scatter [tilespmem:s31], [sflag:$0x3], $0x1, s5, s4, $0xb8;
	[tilespmem:$0x1C040] =	vst v63  }
0x19b: {  	_ =	swait.ge [sflag:s8], $0x2000  }
0x19c: {  	[sflag:s8] =	ssyncset.done $0x0  }
0x19d: {  	s17 =	simm.s32 $0x0;
	s18 =	rddreg [dreg:$0xd];
	[sflag:s8] =	ssyncadd.s32 $0xFFFFE000  }
0x19e: {  	[tilespmem:s17], [sflag:$0x1] =	stream.linear.gather [hbm4b:s18+s17], $0x2000, $0x38;
	[tilespmem:$0x1C040] =	vst v63  }
0x19f: {  	s17 =	simm.s32 $0x0  }
0x1a0: {  	v5 =	vld [tilespmem:s17+$0x2070]  }
0x1a1: {  	v7 =	vld [tilespmem:s17+$0x2000]  }
0x1a2: {  	v11 =	vld [tilespmem:s17+$0x2010]  }
0x1a3: {  	v9 =	vld [tilespmem:s17+$0x2020]  }
0x1a4: {  	v8 =	vld [tilespmem:s17+$0x2030]  }
0x1a5: {  	v6 =	vld [tilespmem:s17+$0x2040];
	v12 =	vsub.s32 v5, v4  }
0x1a6: {  	v10 =	vsub.s32 v7, v4;
	v5 =	vld [tilespmem:s17+$0x2050];
	vm1 =	vlt.u32 v12, $0x100000  }
0x1a7: {  	s16 =	simm.s32 $0x80;
	s18 =	simm.s32 $0x400;
	v11 =	vsub.s32 v11, v4;
	v7 =	vld [tilespmem:s17+$0x2060];
	vm0 =	vlt.u32 v10, $0x100000;
	v12 =	vsel vm1, v12, v3  }
.LBB2_20:
0x1a8: {  	p0 =	sne.s32 s18, $0x7E00;
	v13 =	vld [tilespmem:s16+$0x2070];
	v10 =	vsel vm0, v10, v0;
	vm0 =	vlt.u32 v11, $0x100000;
	v9 =	vsub.s32 v9, v4;
	[tilespmem:s17+$0x6070] =	vst v12  }
0x1a9: {  	v12 =	vld [tilespmem:s16+$0x2000];
	[tilespmem:s17+$0x6000] =	vst v10;
	v10 =	vsel vm0, v11, v1;
	vm0 =	vlt.u32 v9, $0x100000;
	v8 =	vsub.s32 v8, v4  }
0x1aa: {  	v11 =	vld [tilespmem:s16+$0x2010];
	[tilespmem:s17+$0x6010] =	vst v10;
	v10 =	vsel vm0, v9, v2;
	vm0 =	vlt.u32 v8, $0x100000;
	v6 =	vsub.s32 v6, v4  }
.Ltmp9:
0x1ab: {  	v9 =	vld [tilespmem:s16+$0x2020];
	[tilespmem:s17+$0x6020] =	vst v10;
	v10 =	vsel vm0, v8, v3;
	vm0 =	vlt.u32 v6, $0x100000;
	v5 =	vsub.s32 v5, v4;
	(pc) =	sbr.rel @p0 .LBB2_20-.Ltmp9, $4  }
0x1ac: {  	v8 =	vld [tilespmem:s16+$0x2030];
	[tilespmem:s17+$0x6030] =	vst v10;
	v10 =	vsel vm0, v6, v0;
	vm0 =	vlt.u32 v5, $0x100000;
	v7 =	vsub.s32 v7, v4  }
0x1ad: {  	v6 =	vld [tilespmem:s16+$0x2040];
	v13 =	vsub.s32 v13, v4;
	[tilespmem:s17+$0x6040] =	vst v10;
	v14 =	vsel vm0, v5, v1;
	vm0 =	vlt.u32 v7, $0x100000  }
0x1ae: {  	v10 =	vsub.s32 v12, v4;
	v5 =	vld [tilespmem:s16+$0x2050];
	vm1 =	vlt.u32 v13, $0x100000;
	[tilespmem:s17+$0x6050] =	vst v14;
	v14 =	vsel vm0, v7, v2  }
0x1af: {  	vm0 =	vlt.u32 v10, $0x100000;
	v11 =	vsub.s32 v11, v4;
	v7 =	vld [tilespmem:s16+$0x2060];
	v12 =	vsel vm1, v13, v3;
	[tilespmem:s17+$0x6060] =	vst v14;
	s17 =	smov.u32 s16;
	s16 =	sshra.s32 s18, $0x2;
	s18 =	sadd.s32 $0x200, s18  }
0x1b0: {  	v13 =	vld [tilespmem:s16+$0x2070];
	[tilespmem:s17+$0x6070] =	vst v12;
	v10 =	vsel vm0, v10, v0;
	vm0 =	vlt.u32 v11, $0x100000;
	v9 =	vsub.s32 v9, v4  }
0x1b1: {  	v12 =	vld [tilespmem:s16+$0x2000];
	[tilespmem:s17+$0x6000] =	vst v10;
	v10 =	vsel vm0, v11, v1;
	vm0 =	vlt.u32 v9, $0x100000;
	v8 =	vsub.s32 v8, v4  }
0x1b2: {  	v11 =	vld [tilespmem:s16+$0x2010];
	[tilespmem:s17+$0x6010] =	vst v10;
	v9 =	vsel vm0, v9, v2;
	vm0 =	vlt.u32 v8, $0x100000;
	v6 =	vsub.s32 v6, v4  }
0x1b3: {  	v10 =	vld [tilespmem:s16+$0x2020];
	[tilespmem:s17+$0x6020] =	vst v9;
	v8 =	vsel vm0, v8, v3;
	vm0 =	vlt.u32 v6, $0x100000  }
0x1b4: {  	v5 =	vsub.s32 v5, v4;
	v9 =	vld [tilespmem:s16+$0x2030];
	[tilespmem:s17+$0x6030] =	vst v8;
	v6 =	vsel vm0, v6, v0  }
0x1b5: {  	vm0 =	vlt.u32 v5, $0x100000;
	v8 =	vld [tilespmem:s16+$0x2040];
	[tilespmem:s17+$0x6040] =	vst v6;
	v6 =	vsub.s32 v7, v4  }
0x1b6: {  	v5 =	vsel vm0, v5, v1;
	v13 =	vsub.s32 v13, v4;
	vm0 =	vlt.u32 v6, $0x100000  }
0x1b7: {  	v7 =	vld [tilespmem:s16+$0x2050];
	[tilespmem:s17+$0x6050] =	vst v5;
	v5 =	vsub.s32 v12, v4;
	vm1 =	vlt.u32 v13, $0x100000;
	v6 =	vsel vm0, v6, v2  }
0x1b8: {  	v12 =	vld [tilespmem:s16+$0x2060];
	vm0 =	vlt.u32 v5, $0x100000;
	v11 =	vsub.s32 v11, v4;
	v13 =	vsel vm1, v13, v3;
	[tilespmem:s17+$0x6060] =	vst v6  }
0x1b9: {  	v5 =	vsel vm0, v5, v0;
	vm0 =	vlt.u32 v11, $0x100000;
	v6 =	vsub.s32 v10, v4;
	[tilespmem:s16+$0x6070] =	vst v13  }
0x1ba: {  	[tilespmem:s16+$0x6000] =	vst v5;
	v5 =	vsel vm0, v11, v1;
	vm0 =	vlt.u32 v6, $0x100000;
	v9 =	vsub.s32 v9, v4  }
0x1bb: {  	[tilespmem:s16+$0x6010] =	vst v5;
	v5 =	vsel vm0, v6, v2;
	vm0 =	vlt.u32 v9, $0x100000;
	v6 =	vsub.s32 v8, v4  }
0x1bc: {  	[tilespmem:s16+$0x6020] =	vst v5;
	v5 =	vsel vm0, v9, v3;
	vm0 =	vlt.u32 v6, $0x100000;
	v7 =	vsub.s32 v7, v4  }
0x1bd: {  	[tilespmem:s16+$0x6030] =	vst v5;
	v5 =	vsel vm0, v6, v0;
	vm0 =	vlt.u32 v7, $0x100000;
	v6 =	vsub.s32 v12, v4  }
0x1be: {  	[tilespmem:s16+$0x6040] =	vst v5;
	v5 =	vsel vm0, v7, v1;
	vm0 =	vlt.u32 v6, $0x100000  }
0x1bf: {  	[tilespmem:s16+$0x6050] =	vst v5;
	v5 =	vsel vm0, v6, v2  }
0x1c0: {  	[tilespmem:s16+$0x6060] =	vst v5  }
0x1c1: {  	_ =	swait.ge [sflag:s9], $0x2000  }
0x1c2: {  	[sflag:s9] =	ssyncset.done $0x0  }
0x1c3: {  	[sflag:s9] =	ssyncadd.s32 $0xFFFFE000  }
0x1c4: {  	[spmem:s2] =	stream.indirect.scatter [tilespmem:s31], [sflag:$0x4], $0x1, s10, s4, $0xb8;
	[tilespmem:$0x1C040] =	vst v63  }
0x1c5: {  	_ =	swait.ge [sflag:s1], $0x2000  }
0x1c6: {  	[sflag:s1] =	ssyncset.done $0x0  }
0x1c7: {  	s17 =	simm.s32 $0x0;
	s18 =	rddreg [dreg:$0xe];
	[sflag:s1] =	ssyncadd.s32 $0xFFFFE000  }
0x1c8: {  	[tilespmem:s4], [sflag:$0x2] =	stream.linear.gather [hbm4b:s18+s17], $0x2000, $0x38;
	[tilespmem:$0x1C040] =	vst v63  }
0x1c9: {  	s17 =	simm.s32 $0x0  }
0x1ca: {  	v5 =	vld [tilespmem:s17+$0x70]  }
0x1cb: {  	v7 =	vld [tilespmem:s17+$0x0]  }
0x1cc: {  	v11 =	vld [tilespmem:s17+$0x10]  }
0x1cd: {  	v9 =	vld [tilespmem:s17+$0x20]  }
0x1ce: {  	v8 =	vld [tilespmem:s17+$0x30]  }
0x1cf: {  	v6 =	vld [tilespmem:s17+$0x40];
	v12 =	vsub.s32 v5, v4  }
0x1d0: {  	v10 =	vsub.s32 v7, v4;
	v5 =	vld [tilespmem:s17+$0x50];
	vm1 =	vlt.u32 v12, $0x100000  }
0x1d1: {  	s16 =	simm.s32 $0x80;
	s18 =	simm.s32 $0x400;
	v11 =	vsub.s32 v11, v4;
	v7 =	vld [tilespmem:s17+$0x60];
	vm0 =	vlt.u32 v10, $0x100000;
	v12 =	vsel vm1, v12, v3  }
.LBB2_22:
0x1d2: {  	p0 =	sne.s32 s18, $0x7E00;
	v13 =	vld [tilespmem:s16+$0x70];
	v10 =	vsel vm0, v10, v0;
	vm0 =	vlt.u32 v11, $0x100000;
	v9 =	vsub.s32 v9, v4;
	[tilespmem:s17+$0x4070] =	vst v12  }
0x1d3: {  	v12 =	vld [tilespmem:s16+$0x0];
	[tilespmem:s17+$0x4000] =	vst v10;
	v10 =	vsel vm0, v11, v1;
	vm0 =	vlt.u32 v9, $0x100000;
	v8 =	vsub.s32 v8, v4  }
0x1d4: {  	v11 =	vld [tilespmem:s16+$0x10];
	[tilespmem:s17+$0x4010] =	vst v10;
	v10 =	vsel vm0, v9, v2;
	vm0 =	vlt.u32 v8, $0x100000;
	v6 =	vsub.s32 v6, v4  }
.Ltmp10:
0x1d5: {  	v9 =	vld [tilespmem:s16+$0x20];
	[tilespmem:s17+$0x4020] =	vst v10;
	v10 =	vsel vm0, v8, v3;
	vm0 =	vlt.u32 v6, $0x100000;
	v5 =	vsub.s32 v5, v4;
	(pc) =	sbr.rel @p0 .LBB2_22-.Ltmp10, $4  }
0x1d6: {  	v8 =	vld [tilespmem:s16+$0x30];
	[tilespmem:s17+$0x4030] =	vst v10;
	v10 =	vsel vm0, v6, v0;
	vm0 =	vlt.u32 v5, $0x100000;
	v7 =	vsub.s32 v7, v4  }
0x1d7: {  	v6 =	vld [tilespmem:s16+$0x40];
	v13 =	vsub.s32 v13, v4;
	[tilespmem:s17+$0x4040] =	vst v10;
	v14 =	vsel vm0, v5, v1;
	vm0 =	vlt.u32 v7, $0x100000  }
0x1d8: {  	v10 =	vsub.s32 v12, v4;
	v5 =	vld [tilespmem:s16+$0x50];
	vm1 =	vlt.u32 v13, $0x100000;
	[tilespmem:s17+$0x4050] =	vst v14;
	v14 =	vsel vm0, v7, v2  }
0x1d9: {  	vm0 =	vlt.u32 v10, $0x100000;
	v11 =	vsub.s32 v11, v4;
	v7 =	vld [tilespmem:s16+$0x60];
	v12 =	vsel vm1, v13, v3;
	[tilespmem:s17+$0x4060] =	vst v14;
	s17 =	smov.u32 s16;
	s16 =	sshra.s32 s18, $0x2;
	s18 =	sadd.s32 $0x200, s18  }
0x1da: {  	v13 =	vld [tilespmem:s16+$0x70];
	[tilespmem:s17+$0x4070] =	vst v12;
	v10 =	vsel vm0, v10, v0;
	vm0 =	vlt.u32 v11, $0x100000;
	v9 =	vsub.s32 v9, v4  }
0x1db: {  	v12 =	vld [tilespmem:s16+$0x0];
	[tilespmem:s17+$0x4000] =	vst v10;
	v10 =	vsel vm0, v11, v1;
	vm0 =	vlt.u32 v9, $0x100000;
	v8 =	vsub.s32 v8, v4  }
0x1dc: {  	v11 =	vld [tilespmem:s16+$0x10];
	[tilespmem:s17+$0x4010] =	vst v10;
	v9 =	vsel vm0, v9, v2;
	vm0 =	vlt.u32 v8, $0x100000;
	v6 =	vsub.s32 v6, v4  }
0x1dd: {  	v10 =	vld [tilespmem:s16+$0x20];
	[tilespmem:s17+$0x4020] =	vst v9;
	v8 =	vsel vm0, v8, v3;
	vm0 =	vlt.u32 v6, $0x100000  }
0x1de: {  	v5 =	vsub.s32 v5, v4;
	v9 =	vld [tilespmem:s16+$0x30];
	[tilespmem:s17+$0x4030] =	vst v8;
	v6 =	vsel vm0, v6, v0  }
0x1df: {  	vm0 =	vlt.u32 v5, $0x100000;
	v8 =	vld [tilespmem:s16+$0x40];
	[tilespmem:s17+$0x4040] =	vst v6;
	v6 =	vsub.s32 v7, v4  }
0x1e0: {  	v5 =	vsel vm0, v5, v1;
	v13 =	vsub.s32 v13, v4;
	vm0 =	vlt.u32 v6, $0x100000  }
0x1e1: {  	v7 =	vld [tilespmem:s16+$0x50];
	[tilespmem:s17+$0x4050] =	vst v5;
	v5 =	vsub.s32 v12, v4;
	vm1 =	vlt.u32 v13, $0x100000;
	v6 =	vsel vm0, v6, v2  }
0x1e2: {  	v12 =	vld [tilespmem:s16+$0x60];
	vm0 =	vlt.u32 v5, $0x100000;
	v11 =	vsub.s32 v11, v4;
	v13 =	vsel vm1, v13, v3;
	[tilespmem:s17+$0x4060] =	vst v6  }
0x1e3: {  	v5 =	vsel vm0, v5, v0;
	vm0 =	vlt.u32 v11, $0x100000;
	v6 =	vsub.s32 v10, v4;
	[tilespmem:s16+$0x4070] =	vst v13  }
0x1e4: {  	[tilespmem:s16+$0x4000] =	vst v5;
	v5 =	vsel vm0, v11, v1;
	vm0 =	vlt.u32 v6, $0x100000;
	v9 =	vsub.s32 v9, v4  }
0x1e5: {  	[tilespmem:s16+$0x4010] =	vst v5;
	v5 =	vsel vm0, v6, v2;
	vm0 =	vlt.u32 v9, $0x100000;
	v6 =	vsub.s32 v8, v4  }
0x1e6: {  	[tilespmem:s16+$0x4020] =	vst v5;
	v5 =	vsel vm0, v9, v3;
	vm0 =	vlt.u32 v6, $0x100000;
	v7 =	vsub.s32 v7, v4  }
0x1e7: {  	[tilespmem:s16+$0x4030] =	vst v5;
	v5 =	vsel vm0, v6, v0;
	vm0 =	vlt.u32 v7, $0x100000;
	v6 =	vsub.s32 v12, v4  }
0x1e8: {  	[tilespmem:s16+$0x4040] =	vst v5;
	v5 =	vsel vm0, v7, v1;
	vm0 =	vlt.u32 v6, $0x100000  }
0x1e9: {  	[tilespmem:s16+$0x4050] =	vst v5;
	v5 =	vsel vm0, v6, v2  }
0x1ea: {  	[tilespmem:s16+$0x4060] =	vst v5  }
0x1eb: {  	_ =	swait.ge [sflag:s11], $0x2000  }
0x1ec: {  	[sflag:s11] =	ssyncset.done $0x0  }
0x1ed: {  	[sflag:s11] =	ssyncadd.s32 $0xFFFFE000  }
0x1ee: {  	[spmem:s2] =	stream.indirect.scatter [tilespmem:s31], [sflag:$0x3], $0x1, s5, s4, $0xb8;
	[tilespmem:$0x1C040] =	vst v63  }
0x1ef: {  	_ =	swait.ge [sflag:s8], $0x2000  }
0x1f0: {  	[sflag:s8] =	ssyncset.done $0x0  }
0x1f1: {  	s17 =	simm.s32 $0x0;
	[sflag:s8] =	ssyncadd.s32 $0xFFFFE000  }
0x1f2: {  	v5 =	vld [tilespmem:s17+$0x2070]  }
0x1f3: {  	v7 =	vld [tilespmem:s17+$0x2000]  }
0x1f4: {  	v11 =	vld [tilespmem:s17+$0x2010]  }
0x1f5: {  	v9 =	vld [tilespmem:s17+$0x2020]  }
0x1f6: {  	v8 =	vld [tilespmem:s17+$0x2030]  }
0x1f7: {  	v6 =	vld [tilespmem:s17+$0x2040];
	v12 =	vsub.s32 v5, v4  }
0x1f8: {  	v10 =	vsub.s32 v7, v4;
	v5 =	vld [tilespmem:s17+$0x2050];
	vm1 =	vlt.u32 v12, $0x100000  }
0x1f9: {  	s18 =	simm.s32 $0x400;
	s16 =	simm.s32 $0x80;
	v11 =	vsub.s32 v11, v4;
	v7 =	vld [tilespmem:s17+$0x2060];
	vm0 =	vlt.u32 v10, $0x100000;
	v12 =	vsel vm1, v12, v3  }
.LBB2_24:
0x1fa: {  	p0 =	sne.s32 s18, $0x7E00;
	v13 =	vld [tilespmem:s16+$0x2070];
	v10 =	vsel vm0, v10, v0;
	vm0 =	vlt.u32 v11, $0x100000;
	v9 =	vsub.s32 v9, v4;
	[tilespmem:s17+$0x6070] =	vst v12  }
0x1fb: {  	v12 =	vld [tilespmem:s16+$0x2000];
	[tilespmem:s17+$0x6000] =	vst v10;
	v10 =	vsel vm0, v11, v1;
	vm0 =	vlt.u32 v9, $0x100000;
	v8 =	vsub.s32 v8, v4  }
0x1fc: {  	v11 =	vld [tilespmem:s16+$0x2010];
	[tilespmem:s17+$0x6010] =	vst v10;
	v10 =	vsel vm0, v9, v2;
	vm0 =	vlt.u32 v8, $0x100000;
	v6 =	vsub.s32 v6, v4  }
.Ltmp11:
0x1fd: {  	v9 =	vld [tilespmem:s16+$0x2020];
	[tilespmem:s17+$0x6020] =	vst v10;
	v10 =	vsel vm0, v8, v3;
	vm0 =	vlt.u32 v6, $0x100000;
	v5 =	vsub.s32 v5, v4;
	(pc) =	sbr.rel @p0 .LBB2_24-.Ltmp11, $4  }
0x1fe: {  	v8 =	vld [tilespmem:s16+$0x2030];
	[tilespmem:s17+$0x6030] =	vst v10;
	v10 =	vsel vm0, v6, v0;
	vm0 =	vlt.u32 v5, $0x100000;
	v7 =	vsub.s32 v7, v4  }
0x1ff: {  	v6 =	vld [tilespmem:s16+$0x2040];
	v13 =	vsub.s32 v13, v4;
	[tilespmem:s17+$0x6040] =	vst v10;
	v14 =	vsel vm0, v5, v1;
	vm0 =	vlt.u32 v7, $0x100000  }
0x200: {  	v10 =	vsub.s32 v12, v4;
	v5 =	vld [tilespmem:s16+$0x2050];
	vm1 =	vlt.u32 v13, $0x100000;
	[tilespmem:s17+$0x6050] =	vst v14;
	v14 =	vsel vm0, v7, v2  }
0x201: {  	vm0 =	vlt.u32 v10, $0x100000;
	v11 =	vsub.s32 v11, v4;
	v7 =	vld [tilespmem:s16+$0x2060];
	v12 =	vsel vm1, v13, v3;
	[tilespmem:s17+$0x6060] =	vst v14;
	s17 =	smov.u32 s16;
	s16 =	sshra.s32 s18, $0x2;
	s18 =	sadd.s32 $0x200, s18  }
0x202: {  	v13 =	vld [tilespmem:s16+$0x2070];
	[tilespmem:s17+$0x6070] =	vst v12;
	v10 =	vsel vm0, v10, v0;
	vm0 =	vlt.u32 v11, $0x100000;
	v9 =	vsub.s32 v9, v4  }
0x203: {  	v12 =	vld [tilespmem:s16+$0x2000];
	[tilespmem:s17+$0x6000] =	vst v10;
	v10 =	vsel vm0, v11, v1;
	vm0 =	vlt.u32 v9, $0x100000;
	v8 =	vsub.s32 v8, v4  }
0x204: {  	v11 =	vld [tilespmem:s16+$0x2010];
	[tilespmem:s17+$0x6010] =	vst v10;
	v9 =	vsel vm0, v9, v2;
	vm0 =	vlt.u32 v8, $0x100000;
	v6 =	vsub.s32 v6, v4  }
0x205: {  	v10 =	vld [tilespmem:s16+$0x2020];
	[tilespmem:s17+$0x6020] =	vst v9;
	v8 =	vsel vm0, v8, v3;
	vm0 =	vlt.u32 v6, $0x100000  }
0x206: {  	v5 =	vsub.s32 v5, v4;
	v9 =	vld [tilespmem:s16+$0x2030];
	[tilespmem:s17+$0x6030] =	vst v8;
	v6 =	vsel vm0, v6, v0  }
0x207: {  	vm0 =	vlt.u32 v5, $0x100000;
	v8 =	vld [tilespmem:s16+$0x2040];
	[tilespmem:s17+$0x6040] =	vst v6;
	v6 =	vsub.s32 v7, v4  }
0x208: {  	v5 =	vsel vm0, v5, v1;
	v13 =	vsub.s32 v13, v4;
	vm0 =	vlt.u32 v6, $0x100000  }
0x209: {  	v7 =	vld [tilespmem:s16+$0x2050];
	[tilespmem:s17+$0x6050] =	vst v5;
	v5 =	vsub.s32 v12, v4;
	vm1 =	vlt.u32 v13, $0x100000;
	v6 =	vsel vm0, v6, v2  }
0x20a: {  	v12 =	vld [tilespmem:s16+$0x2060];
	vm0 =	vlt.u32 v5, $0x100000;
	v11 =	vsub.s32 v11, v4;
	v13 =	vsel vm1, v13, v3;
	[tilespmem:s17+$0x6060] =	vst v6  }
0x20b: {  	v5 =	vsel vm0, v5, v0;
	vm0 =	vlt.u32 v11, $0x100000;
	v6 =	vsub.s32 v10, v4;
	[tilespmem:s16+$0x6070] =	vst v13  }
0x20c: {  	[tilespmem:s16+$0x6000] =	vst v5;
	v5 =	vsel vm0, v11, v1;
	vm0 =	vlt.u32 v6, $0x100000;
	v9 =	vsub.s32 v9, v4  }
0x20d: {  	[tilespmem:s16+$0x6010] =	vst v5;
	v5 =	vsel vm0, v6, v2;
	vm0 =	vlt.u32 v9, $0x100000;
	v6 =	vsub.s32 v8, v4  }
0x20e: {  	[tilespmem:s16+$0x6020] =	vst v5;
	v5 =	vsel vm0, v9, v3;
	vm0 =	vlt.u32 v6, $0x100000;
	v7 =	vsub.s32 v7, v4  }
0x20f: {  	[tilespmem:s16+$0x6030] =	vst v5;
	v5 =	vsel vm0, v6, v0;
	vm0 =	vlt.u32 v7, $0x100000;
	v6 =	vsub.s32 v12, v4  }
0x210: {  	[tilespmem:s16+$0x6040] =	vst v5;
	v5 =	vsel vm0, v7, v1;
	vm0 =	vlt.u32 v6, $0x100000  }
0x211: {  	[tilespmem:s16+$0x6050] =	vst v5;
	v5 =	vsel vm0, v6, v2  }
0x212: {  	[tilespmem:s16+$0x6060] =	vst v5  }
0x213: {  	_ =	swait.ge [sflag:s9], $0x2000  }
0x214: {  	[sflag:s9] =	ssyncset.done $0x0  }
0x215: {  	[sflag:s9] =	ssyncadd.s32 $0xFFFFE000  }
0x216: {  	[spmem:s2] =	stream.indirect.scatter [tilespmem:s31], [sflag:$0x4], $0x1, s10, s4, $0xb8;
	[tilespmem:$0x1C040] =	vst v63  }
0x217: {  	_ =	swait.ge [sflag:s11], $0x2000  }
0x218: {  	[sflag:s11] =	ssyncset.done $0x0  }
0x219: {  	s17 =	simm.s32 $0x0;
	s18 =	rddreg [dreg:$0xf];
	[sflag:s11] =	ssyncadd.s32 $0xFFFFE000  }
0x21a: {  	[tilespmem:s17], [sflag:$0x1] =	stream.linear.gather [hbm4b:s18+s17], $0x2000, $0x38;
	[tilespmem:$0x1C040] =	vst v63  }
0x21b: {  	_ =	swait.ge [sflag:s1], $0x2000  }
0x21c: {  	[sflag:s1] =	ssyncset.done $0x0  }
0x21d: {  	s17 =	simm.s32 $0x0;
	[sflag:s1] =	ssyncadd.s32 $0xFFFFE000  }
0x21e: {  	v5 =	vld [tilespmem:s17+$0x70]  }
0x21f: {  	v7 =	vld [tilespmem:s17+$0x0]  }
0x220: {  	v11 =	vld [tilespmem:s17+$0x10]  }
0x221: {  	v9 =	vld [tilespmem:s17+$0x20]  }
0x222: {  	v8 =	vld [tilespmem:s17+$0x30]  }
0x223: {  	v6 =	vld [tilespmem:s17+$0x40];
	v12 =	vsub.s32 v5, v4  }
0x224: {  	v10 =	vsub.s32 v7, v4;
	v5 =	vld [tilespmem:s17+$0x50];
	vm1 =	vlt.u32 v12, $0x100000  }
0x225: {  	s16 =	simm.s32 $0x80;
	s18 =	simm.s32 $0x400;
	v11 =	vsub.s32 v11, v4;
	v7 =	vld [tilespmem:s17+$0x60];
	vm0 =	vlt.u32 v10, $0x100000;
	v12 =	vsel vm1, v12, v3  }
.LBB2_26:
0x226: {  	p0 =	sne.s32 s18, $0x7E00;
	v13 =	vld [tilespmem:s16+$0x70];
	v10 =	vsel vm0, v10, v0;
	vm0 =	vlt.u32 v11, $0x100000;
	v9 =	vsub.s32 v9, v4;
	[tilespmem:s17+$0x4070] =	vst v12  }
0x227: {  	v12 =	vld [tilespmem:s16+$0x0];
	[tilespmem:s17+$0x4000] =	vst v10;
	v10 =	vsel vm0, v11, v1;
	vm0 =	vlt.u32 v9, $0x100000;
	v8 =	vsub.s32 v8, v4  }
0x228: {  	v11 =	vld [tilespmem:s16+$0x10];
	[tilespmem:s17+$0x4010] =	vst v10;
	v10 =	vsel vm0, v9, v2;
	vm0 =	vlt.u32 v8, $0x100000;
	v6 =	vsub.s32 v6, v4  }
.Ltmp12:
0x229: {  	v9 =	vld [tilespmem:s16+$0x20];
	[tilespmem:s17+$0x4020] =	vst v10;
	v10 =	vsel vm0, v8, v3;
	vm0 =	vlt.u32 v6, $0x100000;
	v5 =	vsub.s32 v5, v4;
	(pc) =	sbr.rel @p0 .LBB2_26-.Ltmp12, $4  }
0x22a: {  	v8 =	vld [tilespmem:s16+$0x30];
	[tilespmem:s17+$0x4030] =	vst v10;
	v10 =	vsel vm0, v6, v0;
	vm0 =	vlt.u32 v5, $0x100000;
	v7 =	vsub.s32 v7, v4  }
0x22b: {  	v6 =	vld [tilespmem:s16+$0x40];
	v13 =	vsub.s32 v13, v4;
	[tilespmem:s17+$0x4040] =	vst v10;
	v14 =	vsel vm0, v5, v1;
	vm0 =	vlt.u32 v7, $0x100000  }
0x22c: {  	v10 =	vsub.s32 v12, v4;
	v5 =	vld [tilespmem:s16+$0x50];
	vm1 =	vlt.u32 v13, $0x100000;
	[tilespmem:s17+$0x4050] =	vst v14;
	v14 =	vsel vm0, v7, v2  }
0x22d: {  	vm0 =	vlt.u32 v10, $0x100000;
	v11 =	vsub.s32 v11, v4;
	v7 =	vld [tilespmem:s16+$0x60];
	v12 =	vsel vm1, v13, v3;
	[tilespmem:s17+$0x4060] =	vst v14;
	s17 =	smov.u32 s16;
	s16 =	sshra.s32 s18, $0x2;
	s18 =	sadd.s32 $0x200, s18  }
0x22e: {  	v13 =	vld [tilespmem:s16+$0x70];
	[tilespmem:s17+$0x4070] =	vst v12;
	v10 =	vsel vm0, v10, v0;
	vm0 =	vlt.u32 v11, $0x100000;
	v9 =	vsub.s32 v9, v4  }
0x22f: {  	v12 =	vld [tilespmem:s16+$0x0];
	[tilespmem:s17+$0x4000] =	vst v10;
	v10 =	vsel vm0, v11, v1;
	vm0 =	vlt.u32 v9, $0x100000;
	v8 =	vsub.s32 v8, v4  }
0x230: {  	v11 =	vld [tilespmem:s16+$0x10];
	[tilespmem:s17+$0x4010] =	vst v10;
	v9 =	vsel vm0, v9, v2;
	vm0 =	vlt.u32 v8, $0x100000;
	v6 =	vsub.s32 v6, v4  }
0x231: {  	v10 =	vld [tilespmem:s16+$0x20];
	[tilespmem:s17+$0x4020] =	vst v9;
	v8 =	vsel vm0, v8, v3;
	vm0 =	vlt.u32 v6, $0x100000  }
0x232: {  	v5 =	vsub.s32 v5, v4;
	v9 =	vld [tilespmem:s16+$0x30];
	[tilespmem:s17+$0x4030] =	vst v8;
	v6 =	vsel vm0, v6, v0  }
0x233: {  	vm0 =	vlt.u32 v5, $0x100000;
	v8 =	vld [tilespmem:s16+$0x40];
	[tilespmem:s17+$0x4040] =	vst v6;
	v6 =	vsub.s32 v7, v4  }
0x234: {  	v5 =	vsel vm0, v5, v1;
	v13 =	vsub.s32 v13, v4;
	vm0 =	vlt.u32 v6, $0x100000  }
0x235: {  	v7 =	vld [tilespmem:s16+$0x50];
	[tilespmem:s17+$0x4050] =	vst v5;
	v5 =	vsub.s32 v12, v4;
	vm1 =	vlt.u32 v13, $0x100000;
	v6 =	vsel vm0, v6, v2  }
0x236: {  	v12 =	vld [tilespmem:s16+$0x60];
	vm0 =	vlt.u32 v5, $0x100000;
	v11 =	vsub.s32 v11, v4;
	v13 =	vsel vm1, v13, v3;
	[tilespmem:s17+$0x4060] =	vst v6  }
0x237: {  	v5 =	vsel vm0, v5, v0;
	vm0 =	vlt.u32 v11, $0x100000;
	v6 =	vsub.s32 v10, v4;
	[tilespmem:s16+$0x4070] =	vst v13  }
0x238: {  	[tilespmem:s16+$0x4000] =	vst v5;
	v5 =	vsel vm0, v11, v1;
	vm0 =	vlt.u32 v6, $0x100000;
	v9 =	vsub.s32 v9, v4  }
0x239: {  	[tilespmem:s16+$0x4010] =	vst v5;
	v5 =	vsel vm0, v6, v2;
	vm0 =	vlt.u32 v9, $0x100000;
	v6 =	vsub.s32 v8, v4  }
0x23a: {  	[tilespmem:s16+$0x4020] =	vst v5;
	v5 =	vsel vm0, v9, v3;
	vm0 =	vlt.u32 v6, $0x100000;
	v7 =	vsub.s32 v7, v4  }
0x23b: {  	[tilespmem:s16+$0x4030] =	vst v5;
	v5 =	vsel vm0, v6, v0;
	vm0 =	vlt.u32 v7, $0x100000;
	v6 =	vsub.s32 v12, v4  }
0x23c: {  	[tilespmem:s16+$0x4040] =	vst v5;
	v5 =	vsel vm0, v7, v1;
	vm0 =	vlt.u32 v6, $0x100000  }
0x23d: {  	[tilespmem:s16+$0x4050] =	vst v5;
	v5 =	vsel vm0, v6, v2  }
0x23e: {  	s18 =	rddreg [dreg:$0x10];
	[tilespmem:s16+$0x4060] =	vst v5;
	s16 =	simm.s32 $0x0  }
0x23f: {  	[tilespmem:s31], [sflag:$0x5] =	stream.linear.gather [hbm4b:s18+s16], $0x2000, $0x38;
	[tilespmem:$0x1C040] =	vst v63  }
0x240: {  	_ =	swait.ge [sflag:s0], $0x2000  }
0x241: {  	[sflag:s0] =	ssyncset.done $0x0  }
0x242: {  	[sflag:s0] =	ssyncadd.s32 $0xFFFFE000  }
0x243: {  	[tilespmem:s4], [sflag:$0x2] =	stream.linear.gather [hbm4b:s19+s16], $0x2000, $0x38;
	[tilespmem:$0x1C040] =	vst v63  }
0x244: {  	_ =	swait.ge [sflag:s8], $0x2000  }
0x245: {  	[sflag:s8] =	ssyncset.done $0x0  }
0x246: {  	s17 =	simm.s32 $0x0;
	[sflag:s8] =	ssyncadd.s32 $0xFFFFE000  }
0x247: {  	v5 =	vld [tilespmem:s17+$0x2070]  }
0x248: {  	v7 =	vld [tilespmem:s17+$0x2000]  }
0x249: {  	v11 =	vld [tilespmem:s17+$0x2010]  }
0x24a: {  	v9 =	vld [tilespmem:s17+$0x2020]  }
0x24b: {  	v8 =	vld [tilespmem:s17+$0x2030]  }
0x24c: {  	v6 =	vld [tilespmem:s17+$0x2040];
	v12 =	vsub.s32 v5, v4  }
0x24d: {  	v10 =	vsub.s32 v7, v4;
	v5 =	vld [tilespmem:s17+$0x2050];
	vm1 =	vlt.u32 v12, $0x100000  }
0x24e: {  	s18 =	simm.s32 $0x400;
	s16 =	simm.s32 $0x80;
	v11 =	vsub.s32 v11, v4;
	v7 =	vld [tilespmem:s17+$0x2060];
	vm0 =	vlt.u32 v10, $0x100000;
	v12 =	vsel vm1, v12, v3  }
.LBB2_28:
0x24f: {  	p0 =	sne.s32 s18, $0x7E00;
	v13 =	vld [tilespmem:s16+$0x2070];
	v10 =	vsel vm0, v10, v0;
	vm0 =	vlt.u32 v11, $0x100000;
	v9 =	vsub.s32 v9, v4;
	[tilespmem:s17+$0x6070] =	vst v12  }
0x250: {  	v12 =	vld [tilespmem:s16+$0x2000];
	[tilespmem:s17+$0x6000] =	vst v10;
	v10 =	vsel vm0, v11, v1;
	vm0 =	vlt.u32 v9, $0x100000;
	v8 =	vsub.s32 v8, v4  }
0x251: {  	v11 =	vld [tilespmem:s16+$0x2010];
	[tilespmem:s17+$0x6010] =	vst v10;
	v10 =	vsel vm0, v9, v2;
	vm0 =	vlt.u32 v8, $0x100000;
	v6 =	vsub.s32 v6, v4  }
.Ltmp13:
0x252: {  	v9 =	vld [tilespmem:s16+$0x2020];
	[tilespmem:s17+$0x6020] =	vst v10;
	v10 =	vsel vm0, v8, v3;
	vm0 =	vlt.u32 v6, $0x100000;
	v5 =	vsub.s32 v5, v4;
	(pc) =	sbr.rel @p0 .LBB2_28-.Ltmp13, $4  }
0x253: {  	v8 =	vld [tilespmem:s16+$0x2030];
	[tilespmem:s17+$0x6030] =	vst v10;
	v10 =	vsel vm0, v6, v0;
	vm0 =	vlt.u32 v5, $0x100000;
	v7 =	vsub.s32 v7, v4  }
0x254: {  	v6 =	vld [tilespmem:s16+$0x2040];
	v13 =	vsub.s32 v13, v4;
	[tilespmem:s17+$0x6040] =	vst v10;
	v14 =	vsel vm0, v5, v1;
	vm0 =	vlt.u32 v7, $0x100000  }
0x255: {  	v10 =	vsub.s32 v12, v4;
	v5 =	vld [tilespmem:s16+$0x2050];
	vm1 =	vlt.u32 v13, $0x100000;
	[tilespmem:s17+$0x6050] =	vst v14;
	v14 =	vsel vm0, v7, v2  }
0x256: {  	vm0 =	vlt.u32 v10, $0x100000;
	v11 =	vsub.s32 v11, v4;
	v7 =	vld [tilespmem:s16+$0x2060];
	v12 =	vsel vm1, v13, v3;
	[tilespmem:s17+$0x6060] =	vst v14;
	s17 =	smov.u32 s16;
	s16 =	sshra.s32 s18, $0x2;
	s18 =	sadd.s32 $0x200, s18  }
0x257: {  	v13 =	vld [tilespmem:s16+$0x2070];
	[tilespmem:s17+$0x6070] =	vst v12;
	v10 =	vsel vm0, v10, v0;
	vm0 =	vlt.u32 v11, $0x100000;
	v9 =	vsub.s32 v9, v4  }
0x258: {  	v12 =	vld [tilespmem:s16+$0x2000];
	[tilespmem:s17+$0x6000] =	vst v10;
	v10 =	vsel vm0, v11, v1;
	vm0 =	vlt.u32 v9, $0x100000;
	v8 =	vsub.s32 v8, v4  }
0x259: {  	v11 =	vld [tilespmem:s16+$0x2010];
	[tilespmem:s17+$0x6010] =	vst v10;
	v9 =	vsel vm0, v9, v2;
	vm0 =	vlt.u32 v8, $0x100000;
	v6 =	vsub.s32 v6, v4  }
0x25a: {  	v10 =	vld [tilespmem:s16+$0x2020];
	[tilespmem:s17+$0x6020] =	vst v9;
	v8 =	vsel vm0, v8, v3;
	vm0 =	vlt.u32 v6, $0x100000  }
0x25b: {  	v5 =	vsub.s32 v5, v4;
	v9 =	vld [tilespmem:s16+$0x2030];
	[tilespmem:s17+$0x6030] =	vst v8;
	v6 =	vsel vm0, v6, v0  }
0x25c: {  	vm0 =	vlt.u32 v5, $0x100000;
	v8 =	vld [tilespmem:s16+$0x2040];
	[tilespmem:s17+$0x6040] =	vst v6;
	v6 =	vsub.s32 v7, v4  }
0x25d: {  	v5 =	vsel vm0, v5, v1;
	v13 =	vsub.s32 v13, v4;
	vm0 =	vlt.u32 v6, $0x100000  }
0x25e: {  	v7 =	vld [tilespmem:s16+$0x2050];
	[tilespmem:s17+$0x6050] =	vst v5;
	v5 =	vsub.s32 v12, v4;
	vm1 =	vlt.u32 v13, $0x100000;
	v6 =	vsel vm0, v6, v2  }
0x25f: {  	v12 =	vld [tilespmem:s16+$0x2060];
	vm0 =	vlt.u32 v5, $0x100000;
	v11 =	vsub.s32 v11, v4;
	v13 =	vsel vm1, v13, v3;
	[tilespmem:s17+$0x6060] =	vst v6  }
0x260: {  	v5 =	vsel vm0, v5, v0;
	vm0 =	vlt.u32 v11, $0x100000;
	v6 =	vsub.s32 v10, v4;
	[tilespmem:s16+$0x6070] =	vst v13  }
0x261: {  	[tilespmem:s16+$0x6000] =	vst v5;
	v5 =	vsel vm0, v11, v1;
	vm0 =	vlt.u32 v6, $0x100000;
	v9 =	vsub.s32 v9, v4  }
0x262: {  	[tilespmem:s16+$0x6010] =	vst v5;
	v5 =	vsel vm0, v6, v2;
	vm0 =	vlt.u32 v9, $0x100000;
	v6 =	vsub.s32 v8, v4  }
0x263: {  	[tilespmem:s16+$0x6020] =	vst v5;
	v5 =	vsel vm0, v9, v3;
	vm0 =	vlt.u32 v6, $0x100000;
	v7 =	vsub.s32 v7, v4  }
0x264: {  	[tilespmem:s16+$0x6030] =	vst v5;
	v5 =	vsel vm0, v6, v0;
	vm0 =	vlt.u32 v7, $0x100000;
	v6 =	vsub.s32 v12, v4  }
0x265: {  	[tilespmem:s16+$0x6040] =	vst v5;
	v5 =	vsel vm0, v7, v1;
	vm0 =	vlt.u32 v6, $0x100000  }
0x266: {  	[tilespmem:s16+$0x6050] =	vst v5;
	v5 =	vsel vm0, v6, v2  }
0x267: {  	s18 =	simm.s32 $0x0;
	[tilespmem:s16+$0x6060] =	vst v5  }
0x268: {  	[tilespmem:s12], [sflag:$0x5] =	stream.linear.gather [hbm4b:s23+s18], $0x2000, $0x38;
	[tilespmem:$0x1C040] =	vst v63  }
0x269: {  	_ =	swait.ge [sflag:s0], $0x2000  }
0x26a: {  	[sflag:s0] =	ssyncset.done $0x0  }
0x26b: {  	[sflag:s0] =	ssyncadd.s32 $0xFFFFE000  }
0x26c: {  	[bflag:$0x0] =	sbarrier.arrive $0xFFFF  }
0x26d: {  	[spmem:s2] =	stream.indirect.scatter [tilespmem:s31], [sflag:$0x5], $0x1, s5, s4, $0xb8;
	[tilespmem:$0x1C040] =	vst v63  }
0x26e: {  	_ =	swait.ge [sflag:s0], $0x2000  }
0x26f: {  	[sflag:s0] =	ssyncset.done $0x0  }
0x270: {  	[sflag:s0] =	ssyncadd.s32 $0xFFFFE000  }
0x271: {  	[bflag:$0x0] =	sbarrier.arrive $0xFFFF  }
0x272: {  	[tilespmem:s18], [sflag:$0x1] =	stream.linear.gather [hbm4b:s21+s18], $0x2000, $0x38;
	[tilespmem:$0x1C040] =	vst v63  }
0x273: {  	_ =	swait.ge [sflag:s1], $0x2000  }
0x274: {  	[sflag:s1] =	ssyncset.done $0x0  }
0x275: {  	s17 =	simm.s32 $0x0;
	[sflag:s1] =	ssyncadd.s32 $0xFFFFE000  }
0x276: {  	v5 =	vld [tilespmem:s17+$0x70]  }
0x277: {  	v7 =	vld [tilespmem:s17+$0x0]  }
0x278: {  	v11 =	vld [tilespmem:s17+$0x10]  }
0x279: {  	v9 =	vld [tilespmem:s17+$0x20]  }
0x27a: {  	v8 =	vld [tilespmem:s17+$0x30]  }
0x27b: {  	v6 =	vld [tilespmem:s17+$0x40];
	v12 =	vsub.s32 v5, v4  }
0x27c: {  	v10 =	vsub.s32 v7, v4;
	v5 =	vld [tilespmem:s17+$0x50];
	vm1 =	vlt.u32 v12, $0x100000  }
0x27d: {  	s16 =	simm.s32 $0x80;
	s18 =	simm.s32 $0x400;
	v11 =	vsub.s32 v11, v4;
	v7 =	vld [tilespmem:s17+$0x60];
	vm0 =	vlt.u32 v10, $0x100000;
	v12 =	vsel vm1, v12, v3  }
.LBB2_30:
0x27e: {  	p0 =	sne.s32 s18, $0x7E00;
	v13 =	vld [tilespmem:s16+$0x70];
	v10 =	vsel vm0, v10, v0;
	vm0 =	vlt.u32 v11, $0x100000;
	v9 =	vsub.s32 v9, v4;
	[tilespmem:s17+$0x4070] =	vst v12  }
0x27f: {  	v12 =	vld [tilespmem:s16+$0x0];
	[tilespmem:s17+$0x4000] =	vst v10;
	v10 =	vsel vm0, v11, v1;
	vm0 =	vlt.u32 v9, $0x100000;
	v8 =	vsub.s32 v8, v4  }
0x280: {  	v11 =	vld [tilespmem:s16+$0x10];
	[tilespmem:s17+$0x4010] =	vst v10;
	v10 =	vsel vm0, v9, v2;
	vm0 =	vlt.u32 v8, $0x100000;
	v6 =	vsub.s32 v6, v4  }
.Ltmp14:
0x281: {  	v9 =	vld [tilespmem:s16+$0x20];
	[tilespmem:s17+$0x4020] =	vst v10;
	v10 =	vsel vm0, v8, v3;
	vm0 =	vlt.u32 v6, $0x100000;
	v5 =	vsub.s32 v5, v4;
	(pc) =	sbr.rel @p0 .LBB2_30-.Ltmp14, $4  }
0x282: {  	v8 =	vld [tilespmem:s16+$0x30];
	[tilespmem:s17+$0x4030] =	vst v10;
	v10 =	vsel vm0, v6, v0;
	vm0 =	vlt.u32 v5, $0x100000;
	v7 =	vsub.s32 v7, v4  }
0x283: {  	v6 =	vld [tilespmem:s16+$0x40];
	v13 =	vsub.s32 v13, v4;
	[tilespmem:s17+$0x4040] =	vst v10;
	v14 =	vsel vm0, v5, v1;
	vm0 =	vlt.u32 v7, $0x100000  }
0x284: {  	v10 =	vsub.s32 v12, v4;
	v5 =	vld [tilespmem:s16+$0x50];
	vm1 =	vlt.u32 v13, $0x100000;
	[tilespmem:s17+$0x4050] =	vst v14;
	v14 =	vsel vm0, v7, v2  }
0x285: {  	vm0 =	vlt.u32 v10, $0x100000;
	v11 =	vsub.s32 v11, v4;
	v7 =	vld [tilespmem:s16+$0x60];
	v12 =	vsel vm1, v13, v3;
	[tilespmem:s17+$0x4060] =	vst v14;
	s17 =	smov.u32 s16;
	s16 =	sshra.s32 s18, $0x2;
	s18 =	sadd.s32 $0x200, s18  }
0x286: {  	v13 =	vld [tilespmem:s16+$0x70];
	[tilespmem:s17+$0x4070] =	vst v12;
	v10 =	vsel vm0, v10, v0;
	vm0 =	vlt.u32 v11, $0x100000;
	v9 =	vsub.s32 v9, v4  }
0x287: {  	v12 =	vld [tilespmem:s16+$0x0];
	[tilespmem:s17+$0x4000] =	vst v10;
	v10 =	vsel vm0, v11, v1;
	vm0 =	vlt.u32 v9, $0x100000;
	v8 =	vsub.s32 v8, v4  }
0x288: {  	v11 =	vld [tilespmem:s16+$0x10];
	[tilespmem:s17+$0x4010] =	vst v10;
	v9 =	vsel vm0, v9, v2;
	vm0 =	vlt.u32 v8, $0x100000;
	v6 =	vsub.s32 v6, v4  }
0x289: {  	v10 =	vld [tilespmem:s16+$0x20];
	[tilespmem:s17+$0x4020] =	vst v9;
	v8 =	vsel vm0, v8, v3;
	vm0 =	vlt.u32 v6, $0x100000  }
0x28a: {  	v5 =	vsub.s32 v5, v4;
	v9 =	vld [tilespmem:s16+$0x30];
	[tilespmem:s17+$0x4030] =	vst v8;
	v6 =	vsel vm0, v6, v0  }
0x28b: {  	vm0 =	vlt.u32 v5, $0x100000;
	v8 =	vld [tilespmem:s16+$0x40];
	[tilespmem:s17+$0x4040] =	vst v6;
	v6 =	vsub.s32 v7, v4  }
0x28c: {  	v5 =	vsel vm0, v5, v1;
	v13 =	vsub.s32 v13, v4;
	vm0 =	vlt.u32 v6, $0x100000  }
0x28d: {  	v7 =	vld [tilespmem:s16+$0x50];
	[tilespmem:s17+$0x4050] =	vst v5;
	v5 =	vsub.s32 v12, v4;
	vm1 =	vlt.u32 v13, $0x100000;
	v6 =	vsel vm0, v6, v2  }
0x28e: {  	v12 =	vld [tilespmem:s16+$0x60];
	vm0 =	vlt.u32 v5, $0x100000;
	v11 =	vsub.s32 v11, v4;
	v13 =	vsel vm1, v13, v3;
	[tilespmem:s17+$0x4060] =	vst v6  }
0x28f: {  	v5 =	vsel vm0, v5, v0;
	vm0 =	vlt.u32 v11, $0x100000;
	v6 =	vsub.s32 v10, v4;
	[tilespmem:s16+$0x4070] =	vst v13  }
0x290: {  	[tilespmem:s16+$0x4000] =	vst v5;
	v5 =	vsel vm0, v11, v1;
	vm0 =	vlt.u32 v6, $0x100000;
	v9 =	vsub.s32 v9, v4  }
0x291: {  	[tilespmem:s16+$0x4010] =	vst v5;
	v5 =	vsel vm0, v6, v2;
	vm0 =	vlt.u32 v9, $0x100000;
	v6 =	vsub.s32 v8, v4  }
0x292: {  	[tilespmem:s16+$0x4020] =	vst v5;
	v5 =	vsel vm0, v9, v3;
	vm0 =	vlt.u32 v6, $0x100000;
	v7 =	vsub.s32 v7, v4  }
0x293: {  	[tilespmem:s16+$0x4030] =	vst v5;
	v5 =	vsel vm0, v6, v0;
	vm0 =	vlt.u32 v7, $0x100000;
	v6 =	vsub.s32 v12, v4  }
0x294: {  	[tilespmem:s16+$0x4040] =	vst v5;
	v5 =	vsel vm0, v7, v1;
	vm0 =	vlt.u32 v6, $0x100000  }
0x295: {  	[tilespmem:s16+$0x4050] =	vst v5;
	v5 =	vsel vm0, v6, v2  }
0x296: {  	s18 =	simm.s32 $0x0;
	[tilespmem:s16+$0x4060] =	vst v5  }
0x297: {  	[tilespmem:s31], [sflag:$0x5] =	stream.linear.gather [hbm4b:s24+s18], $0x2000, $0x38;
	[tilespmem:$0x1C040] =	vst v63  }
0x298: {  	_ =	swait.ge [sflag:s0], $0x2000  }
0x299: {  	[sflag:s0] =	ssyncset.done $0x0  }
0x29a: {  	[sflag:s0] =	ssyncadd.s32 $0xFFFFE000  }
0x29b: {  	[spmem:s2] =	stream.indirect.scatter [tilespmem:s12], [sflag:$0x5], $0x1, s10, s4, $0xb8;
	[tilespmem:$0x1C040] =	vst v63  }
0x29c: {  	_ =	swait.ge [sflag:s0], $0x2000  }
0x29d: {  	[sflag:s0] =	ssyncset.done $0x0  }
0x29e: {  	[sflag:s0] =	ssyncadd.s32 $0xFFFFE000  }
0x29f: {  	[bflag:$0x0] =	sbarrier.arrive $0xFFFF  }
0x2a0: {  	[tilespmem:s4], [sflag:$0x2] =	stream.linear.gather [hbm4b:s22+s18], $0x2000, $0x38;
	[tilespmem:$0x1C040] =	vst v63  }
0x2a1: {  	_ =	swait.ge [sflag:s8], $0x2000  }
0x2a2: {  	[sflag:s8] =	ssyncset.done $0x0  }
0x2a3: {  	s17 =	simm.s32 $0x0;
	[sflag:s8] =	ssyncadd.s32 $0xFFFFE000  }
0x2a4: {  	v5 =	vld [tilespmem:s17+$0x2070]  }
0x2a5: {  	v7 =	vld [tilespmem:s17+$0x2000]  }
0x2a6: {  	v11 =	vld [tilespmem:s17+$0x2010]  }
0x2a7: {  	v9 =	vld [tilespmem:s17+$0x2020]  }
0x2a8: {  	v8 =	vld [tilespmem:s17+$0x2030]  }
0x2a9: {  	v6 =	vld [tilespmem:s17+$0x2040];
	v12 =	vsub.s32 v5, v4  }
0x2aa: {  	v10 =	vsub.s32 v7, v4;
	v5 =	vld [tilespmem:s17+$0x2050];
	vm1 =	vlt.u32 v12, $0x100000  }
0x2ab: {  	s16 =	simm.s32 $0x80;
	s18 =	simm.s32 $0x400;
	v11 =	vsub.s32 v11, v4;
	v7 =	vld [tilespmem:s17+$0x2060];
	vm0 =	vlt.u32 v10, $0x100000;
	v12 =	vsel vm1, v12, v3  }
.LBB2_32:
0x2ac: {  	p0 =	sne.s32 s18, $0x7E00;
	v13 =	vld [tilespmem:s16+$0x2070];
	v10 =	vsel vm0, v10, v0;
	vm0 =	vlt.u32 v11, $0x100000;
	v9 =	vsub.s32 v9, v4;
	[tilespmem:s17+$0x6070] =	vst v12  }
0x2ad: {  	v12 =	vld [tilespmem:s16+$0x2000];
	[tilespmem:s17+$0x6000] =	vst v10;
	v10 =	vsel vm0, v11, v1;
	vm0 =	vlt.u32 v9, $0x100000;
	v8 =	vsub.s32 v8, v4  }
0x2ae: {  	v11 =	vld [tilespmem:s16+$0x2010];
	[tilespmem:s17+$0x6010] =	vst v10;
	v10 =	vsel vm0, v9, v2;
	vm0 =	vlt.u32 v8, $0x100000;
	v6 =	vsub.s32 v6, v4  }
.Ltmp15:
0x2af: {  	v9 =	vld [tilespmem:s16+$0x2020];
	[tilespmem:s17+$0x6020] =	vst v10;
	v10 =	vsel vm0, v8, v3;
	vm0 =	vlt.u32 v6, $0x100000;
	v5 =	vsub.s32 v5, v4;
	(pc) =	sbr.rel @p0 .LBB2_32-.Ltmp15, $4  }
0x2b0: {  	v8 =	vld [tilespmem:s16+$0x2030];
	[tilespmem:s17+$0x6030] =	vst v10;
	v10 =	vsel vm0, v6, v0;
	vm0 =	vlt.u32 v5, $0x100000;
	v7 =	vsub.s32 v7, v4  }
0x2b1: {  	v6 =	vld [tilespmem:s16+$0x2040];
	v13 =	vsub.s32 v13, v4;
	[tilespmem:s17+$0x6040] =	vst v10;
	v14 =	vsel vm0, v5, v1;
	vm0 =	vlt.u32 v7, $0x100000  }
0x2b2: {  	v10 =	vsub.s32 v12, v4;
	v5 =	vld [tilespmem:s16+$0x2050];
	vm1 =	vlt.u32 v13, $0x100000;
	[tilespmem:s17+$0x6050] =	vst v14;
	v14 =	vsel vm0, v7, v2  }
0x2b3: {  	vm0 =	vlt.u32 v10, $0x100000;
	v11 =	vsub.s32 v11, v4;
	v7 =	vld [tilespmem:s16+$0x2060];
	v12 =	vsel vm1, v13, v3;
	[tilespmem:s17+$0x6060] =	vst v14;
	s17 =	smov.u32 s16;
	s16 =	sshra.s32 s18, $0x2;
	s18 =	sadd.s32 $0x200, s18  }
0x2b4: {  	v13 =	vld [tilespmem:s16+$0x2070];
	[tilespmem:s17+$0x6070] =	vst v12;
	v10 =	vsel vm0, v10, v0;
	vm15 =	vlt.u32 v11, $0x100000;
	v9 =	vsub.s32 v9, v4  }
0x2b5: {  	v12 =	vld [tilespmem:s16+$0x2000];
	[tilespmem:s17+$0x6000] =	vst v10;
	v61 =	vsel vm15, v11, v1;
	vm4 =	vlt.u32 v9, $0x100000;
	v8 =	vsub.s32 v8, v4  }
0x2b6: {  	v62 =	vld [tilespmem:s16+$0x2010];
	[tilespmem:s17+$0x6010] =	vst v61;
	v9 =	vsel vm4, v9, v2;
	vm5 =	vlt.u32 v8, $0x100000;
	v6 =	vsub.s32 v6, v4  }
0x2b7: {  	v10 =	vld [tilespmem:s16+$0x2020];
	[tilespmem:s17+$0x6020] =	vst v9;
	v8 =	vsel vm5, v8, v3;
	vm6 =	vlt.u32 v6, $0x100000  }
0x2b8: {  	v5 =	vsub.s32 v5, v4;
	v9 =	vld [tilespmem:s16+$0x2030];
	[tilespmem:s17+$0x6030] =	vst v8;
	v6 =	vsel vm6, v6, v0  }
0x2b9: {  	vm7 =	vlt.u32 v5, $0x100000;
	v8 =	vld [tilespmem:s16+$0x2040];
	[tilespmem:s17+$0x6040] =	vst v6;
	v6 =	vsub.s32 v7, v4  }
0x2ba: {  	v5 =	vsel vm7, v5, v1;
	v13 =	vsub.s32 v13, v4;
	vm8 =	vlt.u32 v6, $0x100000  }
0x2bb: {  	v7 =	vld [tilespmem:s16+$0x2050];
	[tilespmem:s17+$0x6050] =	vst v5;
	v5 =	vsub.s32 v12, v4;
	vm1 =	vlt.u32 v13, $0x100000;
	v6 =	vsel vm8, v6, v2  }
0x2bc: {  	v63 =	vld [tilespmem:s16+$0x2060];
	vm9 =	vlt.u32 v5, $0x100000;
	v11 =	vsub.s32 v62, v4;
	v13 =	vsel vm1, v13, v3;
	[tilespmem:s17+$0x6060] =	vst v6  }
0x2bd: {  	v5 =	vsel vm9, v5, v0;
	vm10 =	vlt.u32 v11, $0x100000;
	v6 =	vsub.s32 v10, v4;
	[tilespmem:s16+$0x6070] =	vst v13  }
0x2be: {  	[tilespmem:s16+$0x6000] =	vst v5;
	v5 =	vsel vm10, v11, v1;
	vm11 =	vlt.u32 v6, $0x100000;
	v9 =	vsub.s32 v9, v4  }
0x2bf: {  	[tilespmem:s16+$0x6010] =	vst v5;
	v5 =	vsel vm11, v6, v2;
	vm12 =	vlt.u32 v9, $0x100000;
	v6 =	vsub.s32 v8, v4  }
0x2c0: {  	[tilespmem:s16+$0x6020] =	vst v5;
	v5 =	vsel vm12, v9, v3;
	vm13 =	vlt.u32 v6, $0x100000;
	v7 =	vsub.s32 v7, v4  }
0x2c1: {  	[tilespmem:s16+$0x6030] =	vst v5;
	v5 =	vsel vm13, v6, v0;
	vm14 =	vlt.u32 v7, $0x100000;
	v6 =	vsub.s32 v63, v4  }
0x2c2: {  	[tilespmem:s16+$0x6040] =	vst v5;
	v5 =	vsel vm14, v7, v1;
	vm15 =	vlt.u32 v6, $0x100000  }
0x2c3: {  	[tilespmem:s16+$0x6050] =	vst v5;
	v5 =	vsel vm15, v6, v2  }
0x2c4: {  	[tilespmem:s16+$0x6060] =	vst v5  }
0x2c5: {  	[tilespmem:s12], [sflag:$0x5] =	stream.linear.gather [hbm4b:s25+s3], $0x2000, $0x38;
	[tilespmem:$0x1C040] =	vst v63  }
0x2c6: {  	_ =	swait.ge [sflag:s0], $0x2000  }
0x2c7: {  	[sflag:s0] =	ssyncset.done $0x0  }
0x2c8: {  	[sflag:s0] =	ssyncadd.s32 $0xFFFFE000  }
0x2c9: {  	[spmem:s2] =	stream.indirect.scatter [tilespmem:s31], [sflag:$0x5], $0x1, s5, s4, $0xb8;
	[tilespmem:$0x1C040] =	vst v63  }
0x2ca: {  	_ =	swait.ge [sflag:s0], $0x2000  }
0x2cb: {  	[sflag:s0] =	ssyncset.done $0x0  }
0x2cc: {  	[sflag:s0] =	ssyncadd.s32 $0xFFFFE000  }
0x2cd: {  	[bflag:$0x0] =	sbarrier.arrive $0xFFFF  }
0x2ce: {  	[spmem:s2] =	stream.indirect.scatter [tilespmem:s12], [sflag:$0x5], $0x1, s10, s4, $0xb8;
	[tilespmem:$0x1C040] =	vst v63  }
0x2cf: {  	_ =	swait.ge [sflag:s0], $0x2000  }
0x2d0: {  	s13 =	sadd.s32 $0x1, s13;
	[sflag:s0] =	ssyncset.done $0x0  }
0x2d1: {  	p0 =	sne.s32 s13, s26;
	[sflag:s0] =	ssyncadd.s32 $0xFFFFE000  }
.Ltmp16:
0x2d2: {  	[bflag:$0x0] =	sbarrier.arrive $0xFFFF;
	(pc) =	sbr.rel @p0 .LBB2_1-.Ltmp16, $4  }
0x2d3: {  	[hbm:s20], [sflag:s14] =	dma.local [spmem:s15], $0x2000  }
0x2d4: {  	_ =	swait.ge [sflag:s0], $0x2000  }
0x2d5: {  	[sflag:s0] =	ssyncset.done $0x0  }
0x2d6: {  	[sflag:s0] =	ssyncadd.s32 $0xFFFFE000  }
0x2d7: {  	_ =	sfence.sel $0x180000  }
0x2d8: {  	[bflag:$0x0] =	sbarrier.arrive $0xFFFF  }
0x2d9: {  	_ =	strace $0x90000047  }
0x2da: {  	s0 =	stileid.u32;
	[bflag:$0x2] =	sbarrier.arrive $0xFFFF  }
0x2db: {  	p0 =	sne.s32 s0, $0x0;
	s0 =	rddreg [dreg:$0x3]  }
0x2dc: {  	s0 =	sadd.s32 @!p0 $0x100000, s0  }
0x2dd: {  	[sflag:s0] =	ssyncadd.tile.s32 @!p0 $0x1;
	_ =	shalt  }
.Lfunc_end2:
_tile_overlayer_lowered:
.L_overlay_start_2:
0x2de: {  	(tag) =	ssettag $0x2  }
0x2df: {  	s0 =	rddreg [dreg:$0x0];
	s2 =	stileid.u32  }
0x2e0: {  	s1 =	rddreg [dreg:$0x1];
	p0 =	sne.s32 s2, $0x0  }
0x2e1: {  	s3 =	rddreg [dreg:$0x2];
	[bflag:$0x3] =	sbarrier.arrive $0xFFFF;
	s2 =	simm.s32 @!p0 $0x1C05  }
0x2e2: {  	[timem:s3], [sflag:s2] =	dma.local @!p0 [hbm:s0], s1  }
0x2e3: {  	s0 =	simm.s32 @!p0 $0x5  }
0x2e4: {  	_ =	swait.ge @!p0 [sflag:s0], s1  }
0x2e5: {  	s1 =	ssub.s32 @!p0 $0x0, s1;
	[sflag:s0] =	ssyncset.done @!p0 $0x0  }
0x2e6: {  	[sflag:s0] =	ssyncadd.s32 @!p0 s1  }
0x2e7: {  	[bflag:$0x3] =	sbarrier.arrive $0xFFFF  }
0x2e8: {  	_ =	shalt  }

</sc_bundles>
